<compile_context>
chip_gen: v7x
topology: tpu7x:2x2x1
jax: 0.10.2.dev20260603
libtpu: 0.0.44.dev20260713+nightly
codegen_flags: <defaults>
</compile_context>

<pallas_src>
import jax
import jax.numpy as jnp
from jax import lax
from jax.experimental import pallas as pl
from jax.experimental.pallas import tpu as pltpu
from jax.experimental.pallas import tpu_sc as plsc

F32 = jnp.float32

_N = 10000
_E = 320000
_D = 128
_DH = 64
_NC = 2
_NS = 16
_L = 16
_EPT = _E // _NS
_CH = 80
_NCHUNK = _EPT // _CH
_RPT = _N // _NS
_ZR = 125
_CW = 16
_NSS = 2
_RB = 1000

_mesh = plsc.VectorSubcoreMesh(
    core_axis_name="c", subcore_axis_name="s", num_cores=_NC, num_subcores=_NS
)


def _make_agg_body(with_counts, _NBUF):
    def _agg_body(x2_hbm, edges_hbm, *rest):
        if with_counts:
            (agg_out, cnt_out, src_v, dst_v, rows_v, zrow_v,
             cnt_t, agg_sh, *sems) = rest
        else:
            (agg_out, src_v, dst_v, rows_v, zrow_v,
             agg_sh, *sems) = rest
        gsem = tuple(sems[:_NBUF])
        ssem = tuple(sems[_NBUF:_NBUF + _NSS])
        cid = lax.axis_index("c")
        sid = lax.axis_index("s")

        def zero_zrow(r, carry):
            for c in range(_DH // _L):
                zrow_v[r, pl.ds(c * _L, _L)] = jnp.zeros((_L,), F32)
            return carry

        lax.fori_loop(0, _ZR, zero_zrow, 0)

        for k in range(_RPT // _ZR):
            pltpu.sync_copy(zrow_v,
                            agg_sh.at[pl.ds(sid * _RPT + k * _ZR, _ZR)])

        if with_counts:
            def zero_cnt(r, carry):
                cnt_t[pl.ds(r * _L, _L)] = jnp.zeros((_L,), F32)
                return carry

            lax.fori_loop(0, _N // _L, zero_cnt, 0)

        pltpu.sync_copy(edges_hbm.at[0, sid], src_v)
        pltpu.sync_copy(edges_hbm.at[1, sid], dst_v)

        def adjust(i, carry):
            r = i // (_CH // _L)
            c = i % (_CH // _L)
            src_v[r, pl.ds(c * _L, _L)] = (
                src_v[r, pl.ds(c * _L, _L)] * 2 + cid
            )
            return carry

        lax.fori_loop(0, _NCHUNK * (_CH // _L), adjust, 0)

        plsc.subcore_barrier()

        def issue_gather(j, b):
            pltpu.async_copy(x2_hbm.at[src_v.at[j]], rows_v.at[b], gsem[b])

        def wait_gather(b):
            pltpu.make_async_copy(
                x2_hbm.at[src_v.at[0]], rows_v.at[b], gsem[b]).wait()

        def issue_scatter(j, b, k):
            pltpu.async_copy(rows_v.at[b], agg_sh.at[dst_v.at[j]],
                             ssem[k], add=True)

        def wait_scatter(k):
            pltpu.make_async_copy(
                rows_v.at[0], agg_sh.at[dst_v.at[0]], ssem[k]).wait()

        _ones16 = jnp.full((_L,), 1.0, F32)

        def count_chunk(j):
            for c in range(_CH // _L):
                idx = dst_v[j, pl.ds(c * _L, _L)]
                plsc.addupdate_scatter(cnt_t, [idx], _ones16)

        for b in range(_NBUF - 2):
            issue_gather(b, b)
        for k in range(_NSS):
            pltpu.async_copy(zrow_v.at[pl.ds(0, _CH)],
                             agg_sh.at[dst_v.at[0]], ssem[k], add=True)

        def step(j6, carry):
            for u in range(_NBUF):
                j = _NBUF * j6 + u
                wait_gather(u)
                wait_scatter(u % _NSS)
                issue_scatter(j, u, u % _NSS)
                if with_counts:
                    @pl.when(cid == 0)
                    def _():
                        count_chunk(j)
                issue_gather(j + _NBUF - 2, (u + _NBUF - 2) % _NBUF)
            return carry

        _MAIN = _NCHUNK - (_NBUF - 2)
        lax.fori_loop(0, _MAIN // _NBUF, step, 0)

        for u in range(_NBUF - 2):
            j = _MAIN + u
            b = j % _NBUF
            wait_gather(b)
            wait_scatter(j % _NSS)
            issue_scatter(j, b, j % _NSS)
            if with_counts:
                @pl.when(cid == 0)
                def _():
                    count_chunk(j)
        for k in range(_NSS):
            wait_scatter((_NCHUNK - _NSS + k) % _NSS)

        plsc.subcore_barrier()

        row0 = sid * _RPT
        pltpu.sync_copy(agg_sh.at[pl.ds(row0, _RPT)],
                        agg_out.at[pl.ds(cid * _N + row0, _RPT)])

        if with_counts:
            @pl.when(cid == 0)
            def _():
                for k in range(_N // _RB):
                    pltpu.sync_copy(cnt_t.at[pl.ds(k * _RB, _RB)],
                                    cnt_out.at[k, sid])

    return _agg_body


def _make_agg_kernel(with_counts, _NBUF):
    out_type = [jax.ShapeDtypeStruct((_NC * _N, _DH), F32)]
    scratch = [
        pltpu.VMEM((_NCHUNK, _CH), jnp.int32),
        pltpu.VMEM((_NCHUNK, _CH), jnp.int32),
        pltpu.VMEM((_NBUF, _CH, _DH), F32),
    ]
    if with_counts:
        out_type.append(jax.ShapeDtypeStruct((_N // _RB, _NS, _RB), F32))
    scratch.append(pltpu.VMEM((_ZR, _DH), F32))
    if with_counts:
        scratch.append(pltpu.VMEM((_N,), F32))
    scratch.append(pltpu.VMEM_SHARED((_N, _DH), F32))
    scratch += [pltpu.SemaphoreType.DMA] * (_NBUF + _NSS)
    return pl.kernel(
        _make_agg_body(with_counts, _NBUF),
        out_type=tuple(out_type) if with_counts else out_type[0],
        mesh=_mesh,
        compiler_params=pltpu.CompilerParams(use_tc_tiling_on_sc=False,
                                            needs_layout_passes=False),
        scratch_types=scratch,
    )


_sc_agg_cnt = _make_agg_kernel(True, 6)
_sc_agg = _make_agg_kernel(False, 6)


def _dotT(a, w):
    return lax.dot_general(a, w, (((1,), (1,)), ((), ())),
                           preferred_element_type=F32)


def _dense1_body(agglo_ref, agghi_ref, cnt_ref, x_ref,
                 wl_ref, wr_ref, b_ref, out_ref):
    cnt = jnp.sum(cnt_ref[0], axis=0)[:, None]
    rinv = 1.0 / jnp.maximum(cnt, 1.0)
    wl = wl_ref[...]
    h = _dotT(agglo_ref[...] * rinv, wl[:, :_DH])
    h = h + _dotT(agghi_ref[...] * rinv, wl[:, _DH:])
    h = h + _dotT(x_ref[...], wr_ref[...])
    h = h + b_ref[...]
    out_ref[...] = jnp.maximum(h, 0.0)


def _dense2_body(agglo_ref, agghi_ref, cnt_ref, x_ref,
                 wl_ref, wr_ref, b_ref, out_ref):
    cnt = jnp.sum(cnt_ref[0], axis=0)[:, None]
    rinv = 1.0 / jnp.maximum(cnt, 1.0)
    wl = wl_ref[...]
    h = _dotT(agglo_ref[...] * rinv, wl[:, :_DH])
    h = h + _dotT(agghi_ref[...] * rinv, wl[:, _DH:])
    h = h + _dotT(x_ref[...], wr_ref[...])
    logits = h + b_ref[...]
    m = jnp.max(logits, axis=1, keepdims=True)
    lse = jnp.log(jnp.sum(jnp.exp(logits - m), axis=1, keepdims=True)) + m
    out_ref[...] = logits - lse


def _dense_call(body, dout):
    row = lambda i: (i, 0)
    hi = lambda i: (_N // _RB + i, 0)
    fix = lambda i: (0, 0)
    return pl.pallas_call(
        body,
        grid=(_N // _RB,),
        in_specs=[
            pl.BlockSpec((_RB, _DH), row),
            pl.BlockSpec((_RB, _DH), hi),
            pl.BlockSpec((1, _NS, _RB), lambda i: (i, 0, 0)),
            pl.BlockSpec((_RB, _D), row),
            pl.BlockSpec((dout, _D), fix),
            pl.BlockSpec((dout, _D), fix),
            pl.BlockSpec((1, dout), fix),
        ],
        out_specs=pl.BlockSpec((_RB, dout), row),
        out_shape=jax.ShapeDtypeStruct((_N, dout), F32),
    )


def kernel(x, edge_index, W1_l, b1_l, W1_r, W2_l, b2_l, W2_r):
    edges = edge_index.reshape(2, _NS, _NCHUNK, _CH)

    agg1, cnt = _sc_agg_cnt(x.reshape(_NC * _N, _DH), edges)

    h1 = _dense_call(_dense1_body, _D)(
        agg1, agg1, cnt, x, W1_l, W1_r, b1_l.reshape(1, _D))

    agg2 = _sc_agg(h1.reshape(_NC * _N, _DH), edges)

    return _dense_call(_dense2_body, 40)(
        agg2, agg2, cnt, h1, W2_l, W2_r, b2_l.reshape(1, 40))

# --- scband reference (transcript-rebuilt; emitter-appended) ---
"""Pipeline reference for scband-graph-sage-48009144434901 (READ-ONLY COPY).

The authoritative reference and input builder live on the scoring server;
editing this copy changes nothing except your own understanding.
"""

import jax, jax.numpy as jnp
import numpy as np

N = 10000
E = 320000
D_IN = 128
D_HID = 128
D_OUT = 40


def setup_inputs(seed: int = 0) -> dict:
    key = jax.random.key(seed)
    ks = jax.random.split(key, 8)
    x = jax.random.normal(ks[0], (N, D_IN), dtype=jnp.float32)
    edge_index = jax.random.randint(ks[1], (2, E), 0, N, dtype=jnp.int32)
    s1 = 1.0 / np.sqrt(D_IN)
    s2 = 1.0 / np.sqrt(D_HID)
    W1_l = jax.random.uniform(ks[2], (D_HID, D_IN), jnp.float32, -s1, s1)
    b1_l = jax.random.uniform(ks[3], (D_HID,), jnp.float32, -s1, s1)
    W1_r = jax.random.uniform(ks[4], (D_HID, D_IN), jnp.float32, -s1, s1)
    W2_l = jax.random.uniform(ks[5], (D_OUT, D_HID), jnp.float32, -s2, s2)
    b2_l = jax.random.uniform(ks[6], (D_OUT,), jnp.float32, -s2, s2)
    W2_r = jax.random.uniform(ks[7], (D_OUT, D_HID), jnp.float32, -s2, s2)
    return {"x": x, "edge_index": edge_index, "W1_l": W1_l, "b1_l": b1_l,
            "W1_r": W1_r, "W2_l": W2_l, "b2_l": b2_l, "W2_r": W2_r}


def _sage_conv(x, edge_index, W_l, b_l, W_r):
    # PyG SAGEConv (aggr='mean'): out = lin_l(mean_j x_j) + lin_r(x)
    src = edge_index[0]
    dst = edge_index[1]
    msg = jnp.take(x, src, axis=0)                              # gather
    agg_sum = jax.ops.segment_sum(msg, dst, num_segments=N)     # scatter-add
    cnt = jax.ops.segment_sum(jnp.ones((msg.shape[0],), jnp.float32), dst, num_segments=N)
    agg = agg_sum / jnp.clip(cnt, 1.0, None)[:, None]           # mean aggregation
    return agg @ W_l.T + b_l + x @ W_r.T


def reference(x, edge_index, W1_l, b1_l, W1_r, W2_l, b2_l, W2_r):
    h = _sage_conv(x, edge_index, W1_l, b1_l, W1_r)
    h = jax.nn.relu(h)
    # dropout is identity in eval mode
    h = _sage_conv(h, edge_index, W2_l, b2_l, W2_r)
    return jax.nn.log_softmax(h, axis=1)

if __name__ == "__main__":
    import jax
    _d = setup_inputs()
    print(jax.jit(kernel)(*tuple(_d.values())))

</pallas_src>

<mosaic_0001>
#map = affine_map<(d0, d1) -> (0, 0)>
#map1 = affine_map<(d0, d1) -> (0, 0, 0, 0)>
module attributes {stable_mosaic.version = 14 : i64} {
  func.func @_agg_body(%arg0: i32, %arg1: i32, %arg2: memref<20000x64xf32, #tpu.memory_space<hbm>>, %arg3: memref<2x16x250x80xi32, #tpu.memory_space<hbm>>, %arg4: memref<20000x64xf32, #tpu.memory_space<hbm>>, %arg5: memref<250x80xi32, #tpu.memory_space<vmem>>, %arg6: memref<250x80xi32, #tpu.memory_space<vmem>>, %arg7: memref<6x80x64xf32, #tpu.memory_space<vmem>>, %arg8: memref<125x64xf32, #tpu.memory_space<vmem>>, %arg9: memref<10000x64xf32, #tpu.memory_space<vmem_shared>>, %arg10: memref<!tpu.dma_semaphore, #tpu.memory_space<semaphore_mem>>, %arg11: memref<!tpu.dma_semaphore, #tpu.memory_space<semaphore_mem>>, %arg12: memref<!tpu.dma_semaphore, #tpu.memory_space<semaphore_mem>>, %arg13: memref<!tpu.dma_semaphore, #tpu.memory_space<semaphore_mem>>, %arg14: memref<!tpu.dma_semaphore, #tpu.memory_space<semaphore_mem>>, %arg15: memref<!tpu.dma_semaphore, #tpu.memory_space<semaphore_mem>>, %arg16: memref<!tpu.dma_semaphore, #tpu.memory_space<semaphore_mem>>, %arg17: memref<!tpu.dma_semaphore, #tpu.memory_space<semaphore_mem>>) attributes {dimension_semantics = [#tpu.dimension_semantics<core_parallel>, #tpu.dimension_semantics<subcore_parallel>], iteration_bounds = array<i64: 2, 16>, scalar_prefetch = 0 : i64, scratch_operands = 13 : i64, tpu.core_type = #tpu.core_type<sc_vector_subcore>, window_params = [{transform_indices = #map}, {transform_indices = #map1}, {transform_indices = #map}]} {
    %scan3A = arith.constant 0 : i32
    %scan3A_0 = arith.constant 0 : i32
    %scan3A_1 = arith.constant 125 : i32
    %scan3A_2 = arith.addi %scan3A_0, %scan3A_1 : i32
    %scan3A_3 = arith.constant 1 : i32
    scf.for %scan3A_277 = %scan3A_0 to %scan3A_2 step %scan3A_3  : i32 {
      %broadcast_in_dim3A_278 = arith.constant 0.000000e+00 : f32
      %broadcast_in_dim3A_279 = vector.broadcast %broadcast_in_dim3A_278 : f32 to vector<16xf32>
      %swap3A = arith.index_cast %scan3A_277 : i32 to index
      %swap3A_280 = arith.constant 0 : index
      %swap3A_281 = tpu.vector_load %arg8[%swap3A, %swap3A_280] {strides = array<i32>} : memref<125x64xf32, #tpu.memory_space<vmem>>, vector<16xf32>,
      tpu.vector_store %arg8[%swap3A, %swap3A_280], %broadcast_in_dim3A_279 {strides = array<i32>} : memref<125x64xf32, #tpu.memory_space<vmem>>, vector<16xf32>,
      %broadcast_in_dim3A_282 = arith.constant 0.000000e+00 : f32
      %broadcast_in_dim3A_283 = vector.broadcast %broadcast_in_dim3A_282 : f32 to vector<16xf32>
      %swap3A_284 = arith.index_cast %scan3A_277 : i32 to index
      %swap3A_285 = arith.constant 16 : index
      %swap3A_286 = tpu.vector_load %arg8[%swap3A_284, %swap3A_285] {strides = array<i32>} : memref<125x64xf32, #tpu.memory_space<vmem>>, vector<16xf32>,
      tpu.vector_store %arg8[%swap3A_284, %swap3A_285], %broadcast_in_dim3A_283 {strides = array<i32>} : memref<125x64xf32, #tpu.memory_space<vmem>>, vector<16xf32>,
      %broadcast_in_dim3A_287 = arith.constant 0.000000e+00 : f32
      %broadcast_in_dim3A_288 = vector.broadcast %broadcast_in_dim3A_287 : f32 to vector<16xf32>
      %swap3A_289 = arith.index_cast %scan3A_277 : i32 to index
      %swap3A_290 = arith.constant 32 : index
      %swap3A_291 = tpu.vector_load %arg8[%swap3A_289, %swap3A_290] {strides = array<i32>} : memref<125x64xf32, #tpu.memory_space<vmem>>, vector<16xf32>,
      tpu.vector_store %arg8[%swap3A_289, %swap3A_290], %broadcast_in_dim3A_288 {strides = array<i32>} : memref<125x64xf32, #tpu.memory_space<vmem>>, vector<16xf32>,
      %broadcast_in_dim3A_292 = arith.constant 0.000000e+00 : f32
      %broadcast_in_dim3A_293 = vector.broadcast %broadcast_in_dim3A_292 : f32 to vector<16xf32>
      %swap3A_294 = arith.index_cast %scan3A_277 : i32 to index
      %swap3A_295 = arith.constant 48 : index
      %swap3A_296 = tpu.vector_load %arg8[%swap3A_294, %swap3A_295] {strides = array<i32>} : memref<125x64xf32, #tpu.memory_space<vmem>>, vector<16xf32>,
      tpu.vector_store %arg8[%swap3A_294, %swap3A_295], %broadcast_in_dim3A_293 {strides = array<i32>} : memref<125x64xf32, #tpu.memory_space<vmem>>, vector<16xf32>,
    }
    %scan3A_4 = arith.constant 125 : i32
    %mul3A = arith.constant 625 : i32
    %mul3A_5 = arith.muli %arg1, %mul3A : i32
    %add3A = arith.constant 0 : i32
    %add3A_6 = arith.addi %mul3A_5, %add3A : i32
    "tpu.region"() ({
      %run_scoped3A_277 = tpu.sem_alloc : memref<!tpu.dma_semaphore, #tpu.memory_space<semaphore_mem>>
      %dma_start3A_278 = arith.constant 0 : i32
      %dma_start3A_279 = tpu.memref_slice %arg9[%add3A_6, %dma_start3A_278] : memref<10000x64xf32, #tpu.memory_space<vmem_shared>> -> memref<125x64xf32, #tpu.memory_space<vmem_shared>>
      %dma_start3A_280 = arith.constant 0 : i32
      %dma_start3A_281 = tpu.memref_slice %arg9[%add3A_6, %dma_start3A_280] : memref<10000x64xf32, #tpu.memory_space<vmem_shared>> -> memref<125x64xf32, #tpu.memory_space<vmem_shared>>
      tpu.enqueue_dma source(%arg8 : memref<125x64xf32, #tpu.memory_space<vmem>>) target(%dma_start3A_281 : memref<125x64xf32, #tpu.memory_space<vmem_shared>>) target_semaphore(%run_scoped3A_277 : memref<!tpu.dma_semaphore, #tpu.memory_space<semaphore_mem>>)
      %dma_wait3A_282 = arith.constant 0 : i32
      %dma_wait3A_283 = tpu.memref_slice %arg9[%add3A_6, %dma_wait3A_282] : memref<10000x64xf32, #tpu.memory_space<vmem_shared>> -> memref<125x64xf32, #tpu.memory_space<vmem_shared>>
      %dma_wait3A_284 = arith.constant 0 : i32
      %dma_wait3A_285 = tpu.memref_slice %arg9[%add3A_6, %dma_wait3A_284] : memref<10000x64xf32, #tpu.memory_space<vmem_shared>> -> memref<125x64xf32, #tpu.memory_space<vmem_shared>>
      tpu.wait_dma2 semaphore(%run_scoped3A_277 : memref<!tpu.dma_semaphore, #tpu.memory_space<semaphore_mem>>) src(%arg8 : memref<125x64xf32, #tpu.memory_space<vmem>>) dst(%dma_wait3A_285 : memref<125x64xf32, #tpu.memory_space<vmem_shared>>)
      tpu.yield
    }) : () -> ()
    %mul3A_7 = arith.constant 625 : i32
    %mul3A_8 = arith.muli %arg1, %mul3A_7 : i32
    %add3A_9 = arith.constant 125 : i32
    %add3A_10 = arith.addi %mul3A_8, %add3A_9 : i32
    "tpu.region"() ({
      %run_scoped3A_277 = tpu.sem_alloc : memref<!tpu.dma_semaphore, #tpu.memory_space<semaphore_mem>>
      %dma_start3A_278 = arith.constant 0 : i32
      %dma_start3A_279 = tpu.memref_slice %arg9[%add3A_10, %dma_start3A_278] : memref<10000x64xf32, #tpu.memory_space<vmem_shared>> -> memref<125x64xf32, #tpu.memory_space<vmem_shared>>
      %dma_start3A_280 = arith.constant 0 : i32
      %dma_start3A_281 = tpu.memref_slice %arg9[%add3A_10, %dma_start3A_280] : memref<10000x64xf32, #tpu.memory_space<vmem_shared>> -> memref<125x64xf32, #tpu.memory_space<vmem_shared>>
      tpu.enqueue_dma source(%arg8 : memref<125x64xf32, #tpu.memory_space<vmem>>) target(%dma_start3A_281 : memref<125x64xf32, #tpu.memory_space<vmem_shared>>) target_semaphore(%run_scoped3A_277 : memref<!tpu.dma_semaphore, #tpu.memory_space<semaphore_mem>>)
      %dma_wait3A_282 = arith.constant 0 : i32
      %dma_wait3A_283 = tpu.memref_slice %arg9[%add3A_10, %dma_wait3A_282] : memref<10000x64xf32, #tpu.memory_space<vmem_shared>> -> memref<125x64xf32, #tpu.memory_space<vmem_shared>>
      %dma_wait3A_284 = arith.constant 0 : i32
      %dma_wait3A_285 = tpu.memref_slice %arg9[%add3A_10, %dma_wait3A_284] : memref<10000x64xf32, #tpu.memory_space<vmem_shared>> -> memref<125x64xf32, #tpu.memory_space<vmem_shared>>
      tpu.wait_dma2 semaphore(%run_scoped3A_277 : memref<!tpu.dma_semaphore, #tpu.memory_space<semaphore_mem>>) src(%arg8 : memref<125x64xf32, #tpu.memory_space<vmem>>) dst(%dma_wait3A_285 : memref<125x64xf32, #tpu.memory_space<vmem_shared>>)
      tpu.yield
    }) : () -> ()
    %mul3A_11 = arith.constant 625 : i32
    %mul3A_12 = arith.muli %arg1, %mul3A_11 : i32
    %add3A_13 = arith.constant 250 : i32
    %add3A_14 = arith.addi %mul3A_12, %add3A_13 : i32
    "tpu.region"() ({
      %run_scoped3A_277 = tpu.sem_alloc : memref<!tpu.dma_semaphore, #tpu.memory_space<semaphore_mem>>
      %dma_start3A_278 = arith.constant 0 : i32
      %dma_start3A_279 = tpu.memref_slice %arg9[%add3A_14, %dma_start3A_278] : memref<10000x64xf32, #tpu.memory_space<vmem_shared>> -> memref<125x64xf32, #tpu.memory_space<vmem_shared>>
      %dma_start3A_280 = arith.constant 0 : i32
      %dma_start3A_281 = tpu.memref_slice %arg9[%add3A_14, %dma_start3A_280] : memref<10000x64xf32, #tpu.memory_space<vmem_shared>> -> memref<125x64xf32, #tpu.memory_space<vmem_shared>>
      tpu.enqueue_dma source(%arg8 : memref<125x64xf32, #tpu.memory_space<vmem>>) target(%dma_start3A_281 : memref<125x64xf32, #tpu.memory_space<vmem_shared>>) target_semaphore(%run_scoped3A_277 : memref<!tpu.dma_semaphore, #tpu.memory_space<semaphore_mem>>)
      %dma_wait3A_282 = arith.constant 0 : i32
      %dma_wait3A_283 = tpu.memref_slice %arg9[%add3A_14, %dma_wait3A_282] : memref<10000x64xf32, #tpu.memory_space<vmem_shared>> -> memref<125x64xf32, #tpu.memory_space<vmem_shared>>
      %dma_wait3A_284 = arith.constant 0 : i32
      %dma_wait3A_285 = tpu.memref_slice %arg9[%add3A_14, %dma_wait3A_284] : memref<10000x64xf32, #tpu.memory_space<vmem_shared>> -> memref<125x64xf32, #tpu.memory_space<vmem_shared>>
      tpu.wait_dma2 semaphore(%run_scoped3A_277 : memref<!tpu.dma_semaphore, #tpu.memory_space<semaphore_mem>>) src(%arg8 : memref<125x64xf32, #tpu.memory_space<vmem>>) dst(%dma_wait3A_285 : memref<125x64xf32, #tpu.memory_space<vmem_shared>>)
      tpu.yield
    }) : () -> ()
    %mul3A_15 = arith.constant 625 : i32
    %mul3A_16 = arith.muli %arg1, %mul3A_15 : i32
    %add3A_17 = arith.constant 375 : i32
    %add3A_18 = arith.addi %mul3A_16, %add3A_17 : i32
    "tpu.region"() ({
      %run_scoped3A_277 = tpu.sem_alloc : memref<!tpu.dma_semaphore, #tpu.memory_space<semaphore_mem>>
      %dma_start3A_278 = arith.constant 0 : i32
      %dma_start3A_279 = tpu.memref_slice %arg9[%add3A_18, %dma_start3A_278] : memref<10000x64xf32, #tpu.memory_space<vmem_shared>> -> memref<125x64xf32, #tpu.memory_space<vmem_shared>>
      %dma_start3A_280 = arith.constant 0 : i32
      %dma_start3A_281 = tpu.memref_slice %arg9[%add3A_18, %dma_start3A_280] : memref<10000x64xf32, #tpu.memory_space<vmem_shared>> -> memref<125x64xf32, #tpu.memory_space<vmem_shared>>
      tpu.enqueue_dma source(%arg8 : memref<125x64xf32, #tpu.memory_space<vmem>>) target(%dma_start3A_281 : memref<125x64xf32, #tpu.memory_space<vmem_shared>>) target_semaphore(%run_scoped3A_277 : memref<!tpu.dma_semaphore, #tpu.memory_space<semaphore_mem>>)
      %dma_wait3A_282 = arith.constant 0 : i32
      %dma_wait3A_283 = tpu.memref_slice %arg9[%add3A_18, %dma_wait3A_282] : memref<10000x64xf32, #tpu.memory_space<vmem_shared>> -> memref<125x64xf32, #tpu.memory_space<vmem_shared>>
      %dma_wait3A_284 = arith.constant 0 : i32
      %dma_wait3A_285 = tpu.memref_slice %arg9[%add3A_18, %dma_wait3A_284] : memref<10000x64xf32, #tpu.memory_space<vmem_shared>> -> memref<125x64xf32, #tpu.memory_space<vmem_shared>>
      tpu.wait_dma2 semaphore(%run_scoped3A_277 : memref<!tpu.dma_semaphore, #tpu.memory_space<semaphore_mem>>) src(%arg8 : memref<125x64xf32, #tpu.memory_space<vmem>>) dst(%dma_wait3A_285 : memref<125x64xf32, #tpu.memory_space<vmem_shared>>)
      tpu.yield
    }) : () -> ()
    %mul3A_19 = arith.constant 625 : i32
    %mul3A_20 = arith.muli %arg1, %mul3A_19 : i32
    %add3A_21 = arith.constant 500 : i32
    %add3A_22 = arith.addi %mul3A_20, %add3A_21 : i32
    "tpu.region"() ({
      %run_scoped3A_277 = tpu.sem_alloc : memref<!tpu.dma_semaphore, #tpu.memory_space<semaphore_mem>>
      %dma_start3A_278 = arith.constant 0 : i32
      %dma_start3A_279 = tpu.memref_slice %arg9[%add3A_22, %dma_start3A_278] : memref<10000x64xf32, #tpu.memory_space<vmem_shared>> -> memref<125x64xf32, #tpu.memory_space<vmem_shared>>
      %dma_start3A_280 = arith.constant 0 : i32
      %dma_start3A_281 = tpu.memref_slice %arg9[%add3A_22, %dma_start3A_280] : memref<10000x64xf32, #tpu.memory_space<vmem_shared>> -> memref<125x64xf32, #tpu.memory_space<vmem_shared>>
      tpu.enqueue_dma source(%arg8 : memref<125x64xf32, #tpu.memory_space<vmem>>) target(%dma_start3A_281 : memref<125x64xf32, #tpu.memory_space<vmem_shared>>) target_semaphore(%run_scoped3A_277 : memref<!tpu.dma_semaphore, #tpu.memory_space<semaphore_mem>>)
      %dma_wait3A_282 = arith.constant 0 : i32
      %dma_wait3A_283 = tpu.memref_slice %arg9[%add3A_22, %dma_wait3A_282] : memref<10000x64xf32, #tpu.memory_space<vmem_shared>> -> memref<125x64xf32, #tpu.memory_space<vmem_shared>>
      %dma_wait3A_284 = arith.constant 0 : i32
      %dma_wait3A_285 = tpu.memref_slice %arg9[%add3A_22, %dma_wait3A_284] : memref<10000x64xf32, #tpu.memory_space<vmem_shared>> -> memref<125x64xf32, #tpu.memory_space<vmem_shared>>
      tpu.wait_dma2 semaphore(%run_scoped3A_277 : memref<!tpu.dma_semaphore, #tpu.memory_space<semaphore_mem>>) src(%arg8 : memref<125x64xf32, #tpu.memory_space<vmem>>) dst(%dma_wait3A_285 : memref<125x64xf32, #tpu.memory_space<vmem_shared>>)
      tpu.yield
    }) : () -> ()
    %run_scoped3A = arith.constant 0 : i32
    "tpu.region"() ({
      %run_scoped3A_277 = tpu.sem_alloc : memref<!tpu.dma_semaphore, #tpu.memory_space<semaphore_mem>>
      %dma_start3A_278 = arith.constant 0 : i32
      %dma_start3A_279 = arith.constant 0 : i32
      %dma_start3A_280 = tpu.memref_slice %arg3[%run_scoped3A, %arg1, %dma_start3A_278, %dma_start3A_279] : memref<2x16x250x80xi32, #tpu.memory_space<hbm>> -> memref<1x1x250x80xi32, #tpu.memory_space<hbm>>
      %dma_start3A_281 = tpu.memref_squeeze %dma_start3A_280 : memref<1x1x250x80xi32, #tpu.memory_space<hbm>> -> memref<250x80xi32, #tpu.memory_space<hbm>>
      %dma_start3A_282 = arith.constant 0 : i32
      %dma_start3A_283 = arith.constant 0 : i32
      %dma_start3A_284 = tpu.memref_slice %arg3[%run_scoped3A, %arg1, %dma_start3A_282, %dma_start3A_283] : memref<2x16x250x80xi32, #tpu.memory_space<hbm>> -> memref<1x1x250x80xi32, #tpu.memory_space<hbm>>
      %dma_start3A_285 = tpu.memref_squeeze %dma_start3A_284 : memref<1x1x250x80xi32, #tpu.memory_space<hbm>> -> memref<250x80xi32, #tpu.memory_space<hbm>>
      tpu.enqueue_dma source(%dma_start3A_285 : memref<250x80xi32, #tpu.memory_space<hbm>>) target(%arg5 : memref<250x80xi32, #tpu.memory_space<vmem>>) target_semaphore(%run_scoped3A_277 : memref<!tpu.dma_semaphore, #tpu.memory_space<semaphore_mem>>)
      %dma_wait3A_286 = arith.constant 0 : i32
      %dma_wait3A_287 = arith.constant 0 : i32
      %dma_wait3A_288 = tpu.memref_slice %arg3[%run_scoped3A, %arg1, %dma_wait3A_286, %dma_wait3A_287] : memref<2x16x250x80xi32, #tpu.memory_space<hbm>> -> memref<1x1x250x80xi32, #tpu.memory_space<hbm>>
      %dma_wait3A_289 = tpu.memref_squeeze %dma_wait3A_288 : memref<1x1x250x80xi32, #tpu.memory_space<hbm>> -> memref<250x80xi32, #tpu.memory_space<hbm>>
      %dma_wait3A_290 = arith.constant 0 : i32
      %dma_wait3A_291 = arith.constant 0 : i32
      %dma_wait3A_292 = tpu.memref_slice %arg3[%run_scoped3A, %arg1, %dma_wait3A_290, %dma_wait3A_291] : memref<2x16x250x80xi32, #tpu.memory_space<hbm>> -> memref<1x1x250x80xi32, #tpu.memory_space<hbm>>
      %dma_wait3A_293 = tpu.memref_squeeze %dma_wait3A_292 : memref<1x1x250x80xi32, #tpu.memory_space<hbm>> -> memref<250x80xi32, #tpu.memory_space<hbm>>
      tpu.wait_dma2 semaphore(%run_scoped3A_277 : memref<!tpu.dma_semaphore, #tpu.memory_space<semaphore_mem>>) src(%dma_wait3A_293 : memref<250x80xi32, #tpu.memory_space<hbm>>) dst(%arg5 : memref<250x80xi32, #tpu.memory_space<vmem>>)
      tpu.yield
    }) : () -> ()
    %run_scoped3A_23 = arith.constant 1 : i32
    "tpu.region"() ({
      %run_scoped3A_277 = tpu.sem_alloc : memref<!tpu.dma_semaphore, #tpu.memory_space<semaphore_mem>>
      %dma_start3A_278 = arith.constant 0 : i32
      %dma_start3A_279 = arith.constant 0 : i32
      %dma_start3A_280 = tpu.memref_slice %arg3[%run_scoped3A_23, %arg1, %dma_start3A_278, %dma_start3A_279] : memref<2x16x250x80xi32, #tpu.memory_space<hbm>> -> memref<1x1x250x80xi32, #tpu.memory_space<hbm>>
      %dma_start3A_281 = tpu.memref_squeeze %dma_start3A_280 : memref<1x1x250x80xi32, #tpu.memory_space<hbm>> -> memref<250x80xi32, #tpu.memory_space<hbm>>
      %dma_start3A_282 = arith.constant 0 : i32
      %dma_start3A_283 = arith.constant 0 : i32
      %dma_start3A_284 = tpu.memref_slice %arg3[%run_scoped3A_23, %arg1, %dma_start3A_282, %dma_start3A_283] : memref<2x16x250x80xi32, #tpu.memory_space<hbm>> -> memref<1x1x250x80xi32, #tpu.memory_space<hbm>>
      %dma_start3A_285 = tpu.memref_squeeze %dma_start3A_284 : memref<1x1x250x80xi32, #tpu.memory_space<hbm>> -> memref<250x80xi32, #tpu.memory_space<hbm>>
      tpu.enqueue_dma source(%dma_start3A_285 : memref<250x80xi32, #tpu.memory_space<hbm>>) target(%arg6 : memref<250x80xi32, #tpu.memory_space<vmem>>) target_semaphore(%run_scoped3A_277 : memref<!tpu.dma_semaphore, #tpu.memory_space<semaphore_mem>>)
      %dma_wait3A_286 = arith.constant 0 : i32
      %dma_wait3A_287 = arith.constant 0 : i32
      %dma_wait3A_288 = tpu.memref_slice %arg3[%run_scoped3A_23, %arg1, %dma_wait3A_286, %dma_wait3A_287] : memref<2x16x250x80xi32, #tpu.memory_space<hbm>> -> memref<1x1x250x80xi32, #tpu.memory_space<hbm>>
      %dma_wait3A_289 = tpu.memref_squeeze %dma_wait3A_288 : memref<1x1x250x80xi32, #tpu.memory_space<hbm>> -> memref<250x80xi32, #tpu.memory_space<hbm>>
      %dma_wait3A_290 = arith.constant 0 : i32
      %dma_wait3A_291 = arith.constant 0 : i32
      %dma_wait3A_292 = tpu.memref_slice %arg3[%run_scoped3A_23, %arg1, %dma_wait3A_290, %dma_wait3A_291] : memref<2x16x250x80xi32, #tpu.memory_space<hbm>> -> memref<1x1x250x80xi32, #tpu.memory_space<hbm>>
      %dma_wait3A_293 = tpu.memref_squeeze %dma_wait3A_292 : memref<1x1x250x80xi32, #tpu.memory_space<hbm>> -> memref<250x80xi32, #tpu.memory_space<hbm>>
      tpu.wait_dma2 semaphore(%run_scoped3A_277 : memref<!tpu.dma_semaphore, #tpu.memory_space<semaphore_mem>>) src(%dma_wait3A_293 : memref<250x80xi32, #tpu.memory_space<hbm>>) dst(%arg6 : memref<250x80xi32, #tpu.memory_space<vmem>>)
      tpu.yield
    }) : () -> ()
    %scan3A_24 = arith.constant 0 : i32
    %scan3A_25 = arith.constant 0 : i32
    %scan3A_26 = arith.constant 1250 : i32
    %scan3A_27 = arith.addi %scan3A_25, %scan3A_26 : i32
    %scan3A_28 = arith.constant 1 : i32
    scf.for %scan3A_277 = %scan3A_25 to %scan3A_27 step %scan3A_28  : i32 {
      %jit3A = arith.constant 5 : i32
      %div3A = arith.divsi %scan3A_277, %jit3A : i32
      %sign3A = arith.constant 0 : i32
      %sign3A_278 = arith.cmpi sgt, %scan3A_277, %sign3A : i32
      %sign3A_279 = arith.extui %sign3A_278 : i1 to i32
      %sign3A_280 = arith.constant 0 : i32
      %sign3A_281 = arith.cmpi slt, %scan3A_277, %sign3A_280 : i32
      %sign3A_282 = arith.extui %sign3A_281 : i1 to i32
      %sign3A_283 = arith.subi %sign3A_279, %sign3A_282 : i32
      %sign3A_284 = arith.constant 0 : i32
      %sign3A_285 = arith.cmpi sgt, %jit3A, %sign3A_284 : i32
      %sign3A_286 = arith.extui %sign3A_285 : i1 to i32
      %sign3A_287 = arith.constant 0 : i32
      %sign3A_288 = arith.cmpi slt, %jit3A, %sign3A_287 : i32
      %sign3A_289 = arith.extui %sign3A_288 : i1 to i32
      %sign3A_290 = arith.subi %sign3A_286, %sign3A_289 : i32
      %ne3A = arith.cmpi ne, %sign3A_283, %sign3A_290 : i32
      %rem3A = arith.remsi %scan3A_277, %jit3A : i32
      %ne3A_291 = arith.constant 0 : i32
      %ne3A_292 = arith.cmpi ne, %rem3A, %ne3A_291 : i32
      %and3A = arith.andi %ne3A, %ne3A_292 : i1
      %sub3A = arith.constant 1 : i32
      %sub3A_293 = arith.subi %div3A, %sub3A : i32
      %select_n3A = arith.select %and3A, %sub3A_293, %div3A : i32
      %jit3A_294 = arith.constant 5 : i32
      %eq3A = arith.constant 0 : i32
      %eq3A_295 = arith.cmpi eq, %jit3A_294, %eq3A : i32
      %jit3A_296 = arith.constant 1 : i32
      %select_n3A_297 = arith.select %eq3A_295, %jit3A_296, %jit3A_294 : i32
      %rem3A_298 = arith.remsi %scan3A_277, %select_n3A_297 : i32
      %ne3A_299 = arith.constant 0 : i32
      %ne3A_300 = arith.cmpi ne, %rem3A_298, %ne3A_299 : i32
      %lt3A = arith.constant 0 : i32
      %lt3A_301 = arith.cmpi slt, %rem3A_298, %lt3A : i32
      %lt3A_302 = arith.constant 0 : i32
      %lt3A_303 = arith.cmpi slt, %select_n3A_297, %lt3A_302 : i32
      %ne3A_304 = arith.xori %lt3A_301, %lt3A_303 : i1
      %and3A_305 = arith.andi %ne3A_304, %ne3A_300 : i1
      %add3A_306 = arith.addi %rem3A_298, %select_n3A_297 : i32
      %select_n3A_307 = arith.select %and3A_305, %add3A_306, %rem3A_298 : i32
      %mul3A_308 = arith.constant 16 : i32
      %mul3A_309 = arith.muli %select_n3A_307, %mul3A_308 : i32
      %get3A = arith.index_cast %select_n3A : i32 to index
      %get3A_310 = arith.index_cast %mul3A_309 : i32 to index
      %get3A_311 = tpu.vector_load %arg5[%get3A, %get3A_310] {strides = array<i32>} : memref<250x80xi32, #tpu.memory_space<vmem>>, vector<16xi32>,
      %mul3A_312 = arith.constant 2 : i32
      %mul3A_313 = vector.broadcast %mul3A_312 : i32 to vector<16xi32>
      %mul3A_314 = arith.muli %get3A_311, %mul3A_313 : vector<16xi32>
      %add3A_315 = vector.broadcast %arg0 : i32 to vector<16xi32>
      %add3A_316 = arith.addi %mul3A_314, %add3A_315 : vector<16xi32>
      %mul3A_317 = arith.constant 16 : i32
      %mul3A_318 = arith.muli %select_n3A_307, %mul3A_317 : i32
      %swap3A = arith.index_cast %select_n3A : i32 to index
      %swap3A_319 = arith.index_cast %mul3A_318 : i32 to index
      %swap3A_320 = tpu.vector_load %arg5[%swap3A, %swap3A_319] {strides = array<i32>} : memref<250x80xi32, #tpu.memory_space<vmem>>, vector<16xi32>,
      tpu.vector_store %arg5[%swap3A, %swap3A_319], %add3A_316 {strides = array<i32>} : memref<250x80xi32, #tpu.memory_space<vmem>>, vector<16xi32>,
    }
    %scan3A_29 = arith.constant 1250 : i32
    %barrier3A = arith.constant 0 : index
    tpu.barrier barrier_id(%barrier3A)
    %broadcast_in_dim3A = arith.constant 1.000000e+00 : f32
    %broadcast_in_dim3A_30 = vector.broadcast %broadcast_in_dim3A : f32 to vector<16xf32>
    %dma_start3A = arith.constant 0 : i32
    %dma_start3A_31 = arith.constant 0 : i32
    %dma_start3A_32 = arith.constant 0 : i32
    %dma_start3A_33 = arith.constant 0 : i32
    %dma_start3A_34 = tpu.memref_slice %arg7[%dma_start3A_31, %dma_start3A_32, %dma_start3A_33] : memref<6x80x64xf32, #tpu.memory_space<vmem>> -> memref<1x80x64xf32, #tpu.memory_space<vmem>>
    %dma_start3A_35 = tpu.memref_squeeze %dma_start3A_34 : memref<1x80x64xf32, #tpu.memory_space<vmem>> -> memref<80x64xf32, #tpu.memory_space<vmem>>
    %dma_start3A_36 = arith.constant 0 : i32
    %dma_start3A_37 = tpu.memref_slice %arg5[%dma_start3A, %dma_start3A_36] : memref<250x80xi32, #tpu.memory_space<vmem>> -> memref<1x80xi32, #tpu.memory_space<vmem>>
    %dma_start3A_38 = tpu.memref_squeeze %dma_start3A_37 : memref<1x80xi32, #tpu.memory_space<vmem>> -> memref<80xi32, #tpu.memory_space<vmem>>
    %dma_start3A_39 = arith.constant 0 : i32
    %dma_start3A_40 = arith.constant 0 : i32
    %dma_start3A_41 = tpu.memref_slice %arg2[%dma_start3A_39, %dma_start3A_40] : memref<20000x64xf32, #tpu.memory_space<hbm>> -> memref<20000x64xf32, #tpu.memory_space<hbm>>
    tpu.enqueue_indirect_dma source(%dma_start3A_41 : memref<20000x64xf32, #tpu.memory_space<hbm>>) target(%dma_start3A_35 : memref<80x64xf32, #tpu.memory_space<vmem>>) offsets(%dma_start3A_38 : memref<80xi32, #tpu.memory_space<vmem>>) semaphore(%arg10 : memref<!tpu.dma_semaphore, #tpu.memory_space<semaphore_mem>>)
    %dma_start3A_42 = arith.constant 1 : i32
    %dma_start3A_43 = arith.constant 1 : i32
    %dma_start3A_44 = arith.constant 0 : i32
    %dma_start3A_45 = arith.constant 0 : i32
    %dma_start3A_46 = tpu.memref_slice %arg7[%dma_start3A_43, %dma_start3A_44, %dma_start3A_45] : memref<6x80x64xf32, #tpu.memory_space<vmem>> -> memref<1x80x64xf32, #tpu.memory_space<vmem>>
    %dma_start3A_47 = tpu.memref_squeeze %dma_start3A_46 : memref<1x80x64xf32, #tpu.memory_space<vmem>> -> memref<80x64xf32, #tpu.memory_space<vmem>>
    %dma_start3A_48 = arith.constant 0 : i32
    %dma_start3A_49 = tpu.memref_slice %arg5[%dma_start3A_42, %dma_start3A_48] : memref<250x80xi32, #tpu.memory_space<vmem>> -> memref<1x80xi32, #tpu.memory_space<vmem>>
    %dma_start3A_50 = tpu.memref_squeeze %dma_start3A_49 : memref<1x80xi32, #tpu.memory_space<vmem>> -> memref<80xi32, #tpu.memory_space<vmem>>
    %dma_start3A_51 = arith.constant 0 : i32
    %dma_start3A_52 = arith.constant 0 : i32
    %dma_start3A_53 = tpu.memref_slice %arg2[%dma_start3A_51, %dma_start3A_52] : memref<20000x64xf32, #tpu.memory_space<hbm>> -> memref<20000x64xf32, #tpu.memory_space<hbm>>
    tpu.enqueue_indirect_dma source(%dma_start3A_53 : memref<20000x64xf32, #tpu.memory_space<hbm>>) target(%dma_start3A_47 : memref<80x64xf32, #tpu.memory_space<vmem>>) offsets(%dma_start3A_50 : memref<80xi32, #tpu.memory_space<vmem>>) semaphore(%arg11 : memref<!tpu.dma_semaphore, #tpu.memory_space<semaphore_mem>>)
    %dma_start3A_54 = arith.constant 2 : i32
    %dma_start3A_55 = arith.constant 2 : i32
    %dma_start3A_56 = arith.constant 0 : i32
    %dma_start3A_57 = arith.constant 0 : i32
    %dma_start3A_58 = tpu.memref_slice %arg7[%dma_start3A_55, %dma_start3A_56, %dma_start3A_57] : memref<6x80x64xf32, #tpu.memory_space<vmem>> -> memref<1x80x64xf32, #tpu.memory_space<vmem>>
    %dma_start3A_59 = tpu.memref_squeeze %dma_start3A_58 : memref<1x80x64xf32, #tpu.memory_space<vmem>> -> memref<80x64xf32, #tpu.memory_space<vmem>>
    %dma_start3A_60 = arith.constant 0 : i32
    %dma_start3A_61 = tpu.memref_slice %arg5[%dma_start3A_54, %dma_start3A_60] : memref<250x80xi32, #tpu.memory_space<vmem>> -> memref<1x80xi32, #tpu.memory_space<vmem>>
    %dma_start3A_62 = tpu.memref_squeeze %dma_start3A_61 : memref<1x80xi32, #tpu.memory_space<vmem>> -> memref<80xi32, #tpu.memory_space<vmem>>
    %dma_start3A_63 = arith.constant 0 : i32
    %dma_start3A_64 = arith.constant 0 : i32
    %dma_start3A_65 = tpu.memref_slice %arg2[%dma_start3A_63, %dma_start3A_64] : memref<20000x64xf32, #tpu.memory_space<hbm>> -> memref<20000x64xf32, #tpu.memory_space<hbm>>
    tpu.enqueue_indirect_dma source(%dma_start3A_65 : memref<20000x64xf32, #tpu.memory_space<hbm>>) target(%dma_start3A_59 : memref<80x64xf32, #tpu.memory_space<vmem>>) offsets(%dma_start3A_62 : memref<80xi32, #tpu.memory_space<vmem>>) semaphore(%arg12 : memref<!tpu.dma_semaphore, #tpu.memory_space<semaphore_mem>>)
    %dma_start3A_66 = arith.constant 3 : i32
    %dma_start3A_67 = arith.constant 3 : i32
    %dma_start3A_68 = arith.constant 0 : i32
    %dma_start3A_69 = arith.constant 0 : i32
    %dma_start3A_70 = tpu.memref_slice %arg7[%dma_start3A_67, %dma_start3A_68, %dma_start3A_69] : memref<6x80x64xf32, #tpu.memory_space<vmem>> -> memref<1x80x64xf32, #tpu.memory_space<vmem>>
    %dma_start3A_71 = tpu.memref_squeeze %dma_start3A_70 : memref<1x80x64xf32, #tpu.memory_space<vmem>> -> memref<80x64xf32, #tpu.memory_space<vmem>>
    %dma_start3A_72 = arith.constant 0 : i32
    %dma_start3A_73 = tpu.memref_slice %arg5[%dma_start3A_66, %dma_start3A_72] : memref<250x80xi32, #tpu.memory_space<vmem>> -> memref<1x80xi32, #tpu.memory_space<vmem>>
    %dma_start3A_74 = tpu.memref_squeeze %dma_start3A_73 : memref<1x80xi32, #tpu.memory_space<vmem>> -> memref<80xi32, #tpu.memory_space<vmem>>
    %dma_start3A_75 = arith.constant 0 : i32
    %dma_start3A_76 = arith.constant 0 : i32
    %dma_start3A_77 = tpu.memref_slice %arg2[%dma_start3A_75, %dma_start3A_76] : memref<20000x64xf32, #tpu.memory_space<hbm>> -> memref<20000x64xf32, #tpu.memory_space<hbm>>
    tpu.enqueue_indirect_dma source(%dma_start3A_77 : memref<20000x64xf32, #tpu.memory_space<hbm>>) target(%dma_start3A_71 : memref<80x64xf32, #tpu.memory_space<vmem>>) offsets(%dma_start3A_74 : memref<80xi32, #tpu.memory_space<vmem>>) semaphore(%arg13 : memref<!tpu.dma_semaphore, #tpu.memory_space<semaphore_mem>>)
    %dma_start3A_78 = arith.constant 0 : i32
    %dma_start3A_79 = arith.constant 0 : i32
    %dma_start3A_80 = arith.constant 0 : i32
    %dma_start3A_81 = tpu.memref_slice %arg8[%dma_start3A_79, %dma_start3A_80] : memref<125x64xf32, #tpu.memory_space<vmem>> -> memref<80x64xf32, #tpu.memory_space<vmem>>
    %dma_start3A_82 = arith.constant 0 : i32
    %dma_start3A_83 = tpu.memref_slice %arg6[%dma_start3A_78, %dma_start3A_82] : memref<250x80xi32, #tpu.memory_space<vmem>> -> memref<1x80xi32, #tpu.memory_space<vmem>>
    %dma_start3A_84 = tpu.memref_squeeze %dma_start3A_83 : memref<1x80xi32, #tpu.memory_space<vmem>> -> memref<80xi32, #tpu.memory_space<vmem>>
    %dma_start3A_85 = arith.constant 0 : i32
    %dma_start3A_86 = arith.constant 0 : i32
    %dma_start3A_87 = tpu.memref_slice %arg9[%dma_start3A_85, %dma_start3A_86] : memref<10000x64xf32, #tpu.memory_space<vmem_shared>> -> memref<10000x64xf32, #tpu.memory_space<vmem_shared>>
    tpu.enqueue_indirect_dma source(%dma_start3A_81 : memref<80x64xf32, #tpu.memory_space<vmem>>) target(%dma_start3A_87 : memref<10000x64xf32, #tpu.memory_space<vmem_shared>>) offsets(%dma_start3A_84 : memref<80xi32, #tpu.memory_space<vmem>>) semaphore(%arg16 : memref<!tpu.dma_semaphore, #tpu.memory_space<semaphore_mem>>) {add = true}
    %dma_start3A_88 = arith.constant 0 : i32
    %dma_start3A_89 = arith.constant 0 : i32
    %dma_start3A_90 = arith.constant 0 : i32
    %dma_start3A_91 = tpu.memref_slice %arg8[%dma_start3A_89, %dma_start3A_90] : memref<125x64xf32, #tpu.memory_space<vmem>> -> memref<80x64xf32, #tpu.memory_space<vmem>>
    %dma_start3A_92 = arith.constant 0 : i32
    %dma_start3A_93 = tpu.memref_slice %arg6[%dma_start3A_88, %dma_start3A_92] : memref<250x80xi32, #tpu.memory_space<vmem>> -> memref<1x80xi32, #tpu.memory_space<vmem>>
    %dma_start3A_94 = tpu.memref_squeeze %dma_start3A_93 : memref<1x80xi32, #tpu.memory_space<vmem>> -> memref<80xi32, #tpu.memory_space<vmem>>
    %dma_start3A_95 = arith.constant 0 : i32
    %dma_start3A_96 = arith.constant 0 : i32
    %dma_start3A_97 = tpu.memref_slice %arg9[%dma_start3A_95, %dma_start3A_96] : memref<10000x64xf32, #tpu.memory_space<vmem_shared>> -> memref<10000x64xf32, #tpu.memory_space<vmem_shared>>
    tpu.enqueue_indirect_dma source(%dma_start3A_91 : memref<80x64xf32, #tpu.memory_space<vmem>>) target(%dma_start3A_97 : memref<10000x64xf32, #tpu.memory_space<vmem_shared>>) offsets(%dma_start3A_94 : memref<80xi32, #tpu.memory_space<vmem>>) semaphore(%arg17 : memref<!tpu.dma_semaphore, #tpu.memory_space<semaphore_mem>>) {add = true}
    %scan3A_98 = arith.constant 0 : i32
    %scan3A_99 = arith.constant 0 : i32
    %scan3A_100 = arith.constant 41 : i32
    %scan3A_101 = arith.addi %scan3A_99, %scan3A_100 : i32
    %scan3A_102 = arith.constant 1 : i32
    scf.for %scan3A_277 = %scan3A_99 to %scan3A_101 step %scan3A_102  : i32 {
      %mul3A_278 = arith.constant 6 : i32
      %mul3A_279 = arith.muli %mul3A_278, %scan3A_277 : i32
      %add3A_280 = arith.constant 0 : i32
      %add3A_281 = arith.addi %mul3A_279, %add3A_280 : i32
      %dma_wait3A_282 = arith.constant 0 : i32
      %dma_wait3A_283 = arith.constant 0 : i32
      %dma_wait3A_284 = arith.constant 0 : i32
      %dma_wait3A_285 = arith.constant 0 : i32
      %dma_wait3A_286 = tpu.memref_slice %arg7[%dma_wait3A_283, %dma_wait3A_284, %dma_wait3A_285] : memref<6x80x64xf32, #tpu.memory_space<vmem>> -> memref<1x80x64xf32, #tpu.memory_space<vmem>>
      %dma_wait3A_287 = tpu.memref_squeeze %dma_wait3A_286 : memref<1x80x64xf32, #tpu.memory_space<vmem>> -> memref<80x64xf32, #tpu.memory_space<vmem>>
      %dma_wait3A_288 = arith.constant 0 : i32
      %dma_wait3A_289 = tpu.memref_slice %arg5[%dma_wait3A_282, %dma_wait3A_288] : memref<250x80xi32, #tpu.memory_space<vmem>> -> memref<1x80xi32, #tpu.memory_space<vmem>>
      %dma_wait3A_290 = tpu.memref_squeeze %dma_wait3A_289 : memref<1x80xi32, #tpu.memory_space<vmem>> -> memref<80xi32, #tpu.memory_space<vmem>>
      %dma_wait3A_291 = arith.constant 0 : i32
      %dma_wait3A_292 = arith.constant 0 : i32
      %dma_wait3A_293 = tpu.memref_slice %arg2[%dma_wait3A_291, %dma_wait3A_292] : memref<20000x64xf32, #tpu.memory_space<hbm>> -> memref<20000x64xf32, #tpu.memory_space<hbm>>
      tpu.wait_indirect_dma semaphore(%arg10 : memref<!tpu.dma_semaphore, #tpu.memory_space<semaphore_mem>>) src(%dma_wait3A_293 : memref<20000x64xf32, #tpu.memory_space<hbm>>) dst(%dma_wait3A_287 : memref<80x64xf32, #tpu.memory_space<vmem>>)
      %dma_wait3A_294 = arith.constant 0 : i32
      %dma_wait3A_295 = arith.constant 0 : i32
      %dma_wait3A_296 = arith.constant 0 : i32
      %dma_wait3A_297 = arith.constant 0 : i32
      %dma_wait3A_298 = tpu.memref_slice %arg7[%dma_wait3A_294, %dma_wait3A_296, %dma_wait3A_297] : memref<6x80x64xf32, #tpu.memory_space<vmem>> -> memref<1x80x64xf32, #tpu.memory_space<vmem>>
      %dma_wait3A_299 = tpu.memref_squeeze %dma_wait3A_298 : memref<1x80x64xf32, #tpu.memory_space<vmem>> -> memref<80x64xf32, #tpu.memory_space<vmem>>
      %dma_wait3A_300 = arith.constant 0 : i32
      %dma_wait3A_301 = tpu.memref_slice %arg6[%dma_wait3A_295, %dma_wait3A_300] : memref<250x80xi32, #tpu.memory_space<vmem>> -> memref<1x80xi32, #tpu.memory_space<vmem>>
      %dma_wait3A_302 = tpu.memref_squeeze %dma_wait3A_301 : memref<1x80xi32, #tpu.memory_space<vmem>> -> memref<80xi32, #tpu.memory_space<vmem>>
      %dma_wait3A_303 = arith.constant 0 : i32
      %dma_wait3A_304 = arith.constant 0 : i32
      %dma_wait3A_305 = tpu.memref_slice %arg9[%dma_wait3A_303, %dma_wait3A_304] : memref<10000x64xf32, #tpu.memory_space<vmem_shared>> -> memref<10000x64xf32, #tpu.memory_space<vmem_shared>>
      tpu.wait_indirect_dma semaphore(%arg16 : memref<!tpu.dma_semaphore, #tpu.memory_space<semaphore_mem>>) src(%dma_wait3A_299 : memref<80x64xf32, #tpu.memory_space<vmem>>) dst(%dma_wait3A_305 : memref<10000x64xf32, #tpu.memory_space<vmem_shared>>)
      %dma_start3A_306 = arith.constant 0 : i32
      %dma_start3A_307 = arith.constant 0 : i32
      %dma_start3A_308 = arith.constant 0 : i32
      %dma_start3A_309 = tpu.memref_slice %arg7[%dma_start3A_306, %dma_start3A_307, %dma_start3A_308] : memref<6x80x64xf32, #tpu.memory_space<vmem>> -> memref<1x80x64xf32, #tpu.memory_space<vmem>>
      %dma_start3A_310 = tpu.memref_squeeze %dma_start3A_309 : memref<1x80x64xf32, #tpu.memory_space<vmem>> -> memref<80x64xf32, #tpu.memory_space<vmem>>
      %dma_start3A_311 = arith.constant 0 : i32
      %dma_start3A_312 = tpu.memref_slice %arg6[%add3A_281, %dma_start3A_311] : memref<250x80xi32, #tpu.memory_space<vmem>> -> memref<1x80xi32, #tpu.memory_space<vmem>>
      %dma_start3A_313 = tpu.memref_squeeze %dma_start3A_312 : memref<1x80xi32, #tpu.memory_space<vmem>> -> memref<80xi32, #tpu.memory_space<vmem>>
      %dma_start3A_314 = arith.constant 0 : i32
      %dma_start3A_315 = arith.constant 0 : i32
      %dma_start3A_316 = tpu.memref_slice %arg9[%dma_start3A_314, %dma_start3A_315] : memref<10000x64xf32, #tpu.memory_space<vmem_shared>> -> memref<10000x64xf32, #tpu.memory_space<vmem_shared>>
      tpu.enqueue_indirect_dma source(%dma_start3A_310 : memref<80x64xf32, #tpu.memory_space<vmem>>) target(%dma_start3A_316 : memref<10000x64xf32, #tpu.memory_space<vmem_shared>>) offsets(%dma_start3A_313 : memref<80xi32, #tpu.memory_space<vmem>>) semaphore(%arg16 : memref<!tpu.dma_semaphore, #tpu.memory_space<semaphore_mem>>) {add = true}
      %add3A_317 = arith.constant 6 : i32
      %add3A_318 = arith.addi %add3A_281, %add3A_317 : i32
      %sub3A = arith.constant 2 : i32
      %sub3A_319 = arith.subi %add3A_318, %sub3A : i32
      %dma_start3A_320 = arith.constant 4 : i32
      %dma_start3A_321 = arith.constant 0 : i32
      %dma_start3A_322 = arith.constant 0 : i32
      %dma_start3A_323 = tpu.memref_slice %arg7[%dma_start3A_320, %dma_start3A_321, %dma_start3A_322] : memref<6x80x64xf32, #tpu.memory_space<vmem>> -> memref<1x80x64xf32, #tpu.memory_space<vmem>>
      %dma_start3A_324 = tpu.memref_squeeze %dma_start3A_323 : memref<1x80x64xf32, #tpu.memory_space<vmem>> -> memref<80x64xf32, #tpu.memory_space<vmem>>
      %dma_start3A_325 = arith.constant 0 : i32
      %dma_start3A_326 = tpu.memref_slice %arg5[%sub3A_319, %dma_start3A_325] : memref<250x80xi32, #tpu.memory_space<vmem>> -> memref<1x80xi32, #tpu.memory_space<vmem>>
      %dma_start3A_327 = tpu.memref_squeeze %dma_start3A_326 : memref<1x80xi32, #tpu.memory_space<vmem>> -> memref<80xi32, #tpu.memory_space<vmem>>
      %dma_start3A_328 = arith.constant 0 : i32
      %dma_start3A_329 = arith.constant 0 : i32
      %dma_start3A_330 = tpu.memref_slice %arg2[%dma_start3A_328, %dma_start3A_329] : memref<20000x64xf32, #tpu.memory_space<hbm>> -> memref<20000x64xf32, #tpu.memory_space<hbm>>
      tpu.enqueue_indirect_dma source(%dma_start3A_330 : memref<20000x64xf32, #tpu.memory_space<hbm>>) target(%dma_start3A_324 : memref<80x64xf32, #tpu.memory_space<vmem>>) offsets(%dma_start3A_327 : memref<80xi32, #tpu.memory_space<vmem>>) semaphore(%arg14 : memref<!tpu.dma_semaphore, #tpu.memory_space<semaphore_mem>>)
      %mul3A_331 = arith.constant 6 : i32
      %mul3A_332 = arith.muli %mul3A_331, %scan3A_277 : i32
      %add3A_333 = arith.constant 1 : i32
      %add3A_334 = arith.addi %mul3A_332, %add3A_333 : i32
      %dma_wait3A_335 = arith.constant 0 : i32
      %dma_wait3A_336 = arith.constant 1 : i32
      %dma_wait3A_337 = arith.constant 0 : i32
      %dma_wait3A_338 = arith.constant 0 : i32
      %dma_wait3A_339 = tpu.memref_slice %arg7[%dma_wait3A_336, %dma_wait3A_337, %dma_wait3A_338] : memref<6x80x64xf32, #tpu.memory_space<vmem>> -> memref<1x80x64xf32, #tpu.memory_space<vmem>>
      %dma_wait3A_340 = tpu.memref_squeeze %dma_wait3A_339 : memref<1x80x64xf32, #tpu.memory_space<vmem>> -> memref<80x64xf32, #tpu.memory_space<vmem>>
      %dma_wait3A_341 = arith.constant 0 : i32
      %dma_wait3A_342 = tpu.memref_slice %arg5[%dma_wait3A_335, %dma_wait3A_341] : memref<250x80xi32, #tpu.memory_space<vmem>> -> memref<1x80xi32, #tpu.memory_space<vmem>>
      %dma_wait3A_343 = tpu.memref_squeeze %dma_wait3A_342 : memref<1x80xi32, #tpu.memory_space<vmem>> -> memref<80xi32, #tpu.memory_space<vmem>>
      %dma_wait3A_344 = arith.constant 0 : i32
      %dma_wait3A_345 = arith.constant 0 : i32
      %dma_wait3A_346 = tpu.memref_slice %arg2[%dma_wait3A_344, %dma_wait3A_345] : memref<20000x64xf32, #tpu.memory_space<hbm>> -> memref<20000x64xf32, #tpu.memory_space<hbm>>
      tpu.wait_indirect_dma semaphore(%arg11 : memref<!tpu.dma_semaphore, #tpu.memory_space<semaphore_mem>>) src(%dma_wait3A_346 : memref<20000x64xf32, #tpu.memory_space<hbm>>) dst(%dma_wait3A_340 : memref<80x64xf32, #tpu.memory_space<vmem>>)
      %dma_wait3A_347 = arith.constant 0 : i32
      %dma_wait3A_348 = arith.constant 0 : i32
      %dma_wait3A_349 = arith.constant 0 : i32
      %dma_wait3A_350 = arith.constant 0 : i32
      %dma_wait3A_351 = tpu.memref_slice %arg7[%dma_wait3A_347, %dma_wait3A_349, %dma_wait3A_350] : memref<6x80x64xf32, #tpu.memory_space<vmem>> -> memref<1x80x64xf32, #tpu.memory_space<vmem>>
      %dma_wait3A_352 = tpu.memref_squeeze %dma_wait3A_351 : memref<1x80x64xf32, #tpu.memory_space<vmem>> -> memref<80x64xf32, #tpu.memory_space<vmem>>
      %dma_wait3A_353 = arith.constant 0 : i32
      %dma_wait3A_354 = tpu.memref_slice %arg6[%dma_wait3A_348, %dma_wait3A_353] : memref<250x80xi32, #tpu.memory_space<vmem>> -> memref<1x80xi32, #tpu.memory_space<vmem>>
      %dma_wait3A_355 = tpu.memref_squeeze %dma_wait3A_354 : memref<1x80xi32, #tpu.memory_space<vmem>> -> memref<80xi32, #tpu.memory_space<vmem>>
      %dma_wait3A_356 = arith.constant 0 : i32
      %dma_wait3A_357 = arith.constant 0 : i32
      %dma_wait3A_358 = tpu.memref_slice %arg9[%dma_wait3A_356, %dma_wait3A_357] : memref<10000x64xf32, #tpu.memory_space<vmem_shared>> -> memref<10000x64xf32, #tpu.memory_space<vmem_shared>>
      tpu.wait_indirect_dma semaphore(%arg17 : memref<!tpu.dma_semaphore, #tpu.memory_space<semaphore_mem>>) src(%dma_wait3A_352 : memref<80x64xf32, #tpu.memory_space<vmem>>) dst(%dma_wait3A_358 : memref<10000x64xf32, #tpu.memory_space<vmem_shared>>)
      %dma_start3A_359 = arith.constant 1 : i32
      %dma_start3A_360 = arith.constant 0 : i32
      %dma_start3A_361 = arith.constant 0 : i32
      %dma_start3A_362 = tpu.memref_slice %arg7[%dma_start3A_359, %dma_start3A_360, %dma_start3A_361] : memref<6x80x64xf32, #tpu.memory_space<vmem>> -> memref<1x80x64xf32, #tpu.memory_space<vmem>>
      %dma_start3A_363 = tpu.memref_squeeze %dma_start3A_362 : memref<1x80x64xf32, #tpu.memory_space<vmem>> -> memref<80x64xf32, #tpu.memory_space<vmem>>
      %dma_start3A_364 = arith.constant 0 : i32
      %dma_start3A_365 = tpu.memref_slice %arg6[%add3A_334, %dma_start3A_364] : memref<250x80xi32, #tpu.memory_space<vmem>> -> memref<1x80xi32, #tpu.memory_space<vmem>>
      %dma_start3A_366 = tpu.memref_squeeze %dma_start3A_365 : memref<1x80xi32, #tpu.memory_space<vmem>> -> memref<80xi32, #tpu.memory_space<vmem>>
      %dma_start3A_367 = arith.constant 0 : i32
      %dma_start3A_368 = arith.constant 0 : i32
      %dma_start3A_369 = tpu.memref_slice %arg9[%dma_start3A_367, %dma_start3A_368] : memref<10000x64xf32, #tpu.memory_space<vmem_shared>> -> memref<10000x64xf32, #tpu.memory_space<vmem_shared>>
      tpu.enqueue_indirect_dma source(%dma_start3A_363 : memref<80x64xf32, #tpu.memory_space<vmem>>) target(%dma_start3A_369 : memref<10000x64xf32, #tpu.memory_space<vmem_shared>>) offsets(%dma_start3A_366 : memref<80xi32, #tpu.memory_space<vmem>>) semaphore(%arg17 : memref<!tpu.dma_semaphore, #tpu.memory_space<semaphore_mem>>) {add = true}
      %add3A_370 = arith.constant 6 : i32
      %add3A_371 = arith.addi %add3A_334, %add3A_370 : i32
      %sub3A_372 = arith.constant 2 : i32
      %sub3A_373 = arith.subi %add3A_371, %sub3A_372 : i32
      %dma_start3A_374 = arith.constant 5 : i32
      %dma_start3A_375 = arith.constant 0 : i32
      %dma_start3A_376 = arith.constant 0 : i32
      %dma_start3A_377 = tpu.memref_slice %arg7[%dma_start3A_374, %dma_start3A_375, %dma_start3A_376] : memref<6x80x64xf32, #tpu.memory_space<vmem>> -> memref<1x80x64xf32, #tpu.memory_space<vmem>>
      %dma_start3A_378 = tpu.memref_squeeze %dma_start3A_377 : memref<1x80x64xf32, #tpu.memory_space<vmem>> -> memref<80x64xf32, #tpu.memory_space<vmem>>
      %dma_start3A_379 = arith.constant 0 : i32
      %dma_start3A_380 = tpu.memref_slice %arg5[%sub3A_373, %dma_start3A_379] : memref<250x80xi32, #tpu.memory_space<vmem>> -> memref<1x80xi32, #tpu.memory_space<vmem>>
      %dma_start3A_381 = tpu.memref_squeeze %dma_start3A_380 : memref<1x80xi32, #tpu.memory_space<vmem>> -> memref<80xi32, #tpu.memory_space<vmem>>
      %dma_start3A_382 = arith.constant 0 : i32
      %dma_start3A_383 = arith.constant 0 : i32
      %dma_start3A_384 = tpu.memref_slice %arg2[%dma_start3A_382, %dma_start3A_383] : memref<20000x64xf32, #tpu.memory_space<hbm>> -> memref<20000x64xf32, #tpu.memory_space<hbm>>
      tpu.enqueue_indirect_dma source(%dma_start3A_384 : memref<20000x64xf32, #tpu.memory_space<hbm>>) target(%dma_start3A_378 : memref<80x64xf32, #tpu.memory_space<vmem>>) offsets(%dma_start3A_381 : memref<80xi32, #tpu.memory_space<vmem>>) semaphore(%arg15 : memref<!tpu.dma_semaphore, #tpu.memory_space<semaphore_mem>>)
      %mul3A_385 = arith.constant 6 : i32
      %mul3A_386 = arith.muli %mul3A_385, %scan3A_277 : i32
      %add3A_387 = arith.constant 2 : i32
      %add3A_388 = arith.addi %mul3A_386, %add3A_387 : i32
      %dma_wait3A_389 = arith.constant 0 : i32
      %dma_wait3A_390 = arith.constant 2 : i32
      %dma_wait3A_391 = arith.constant 0 : i32
      %dma_wait3A_392 = arith.constant 0 : i32
      %dma_wait3A_393 = tpu.memref_slice %arg7[%dma_wait3A_390, %dma_wait3A_391, %dma_wait3A_392] : memref<6x80x64xf32, #tpu.memory_space<vmem>> -> memref<1x80x64xf32, #tpu.memory_space<vmem>>
      %dma_wait3A_394 = tpu.memref_squeeze %dma_wait3A_393 : memref<1x80x64xf32, #tpu.memory_space<vmem>> -> memref<80x64xf32, #tpu.memory_space<vmem>>
      %dma_wait3A_395 = arith.constant 0 : i32
      %dma_wait3A_396 = tpu.memref_slice %arg5[%dma_wait3A_389, %dma_wait3A_395] : memref<250x80xi32, #tpu.memory_space<vmem>> -> memref<1x80xi32, #tpu.memory_space<vmem>>
      %dma_wait3A_397 = tpu.memref_squeeze %dma_wait3A_396 : memref<1x80xi32, #tpu.memory_space<vmem>> -> memref<80xi32, #tpu.memory_space<vmem>>
      %dma_wait3A_398 = arith.constant 0 : i32
      %dma_wait3A_399 = arith.constant 0 : i32
      %dma_wait3A_400 = tpu.memref_slice %arg2[%dma_wait3A_398, %dma_wait3A_399] : memref<20000x64xf32, #tpu.memory_space<hbm>> -> memref<20000x64xf32, #tpu.memory_space<hbm>>
      tpu.wait_indirect_dma semaphore(%arg12 : memref<!tpu.dma_semaphore, #tpu.memory_space<semaphore_mem>>) src(%dma_wait3A_400 : memref<20000x64xf32, #tpu.memory_space<hbm>>) dst(%dma_wait3A_394 : memref<80x64xf32, #tpu.memory_space<vmem>>)
      %dma_wait3A_401 = arith.constant 0 : i32
      %dma_wait3A_402 = arith.constant 0 : i32
      %dma_wait3A_403 = arith.constant 0 : i32
      %dma_wait3A_404 = arith.constant 0 : i32
      %dma_wait3A_405 = tpu.memref_slice %arg7[%dma_wait3A_401, %dma_wait3A_403, %dma_wait3A_404] : memref<6x80x64xf32, #tpu.memory_space<vmem>> -> memref<1x80x64xf32, #tpu.memory_space<vmem>>
      %dma_wait3A_406 = tpu.memref_squeeze %dma_wait3A_405 : memref<1x80x64xf32, #tpu.memory_space<vmem>> -> memref<80x64xf32, #tpu.memory_space<vmem>>
      %dma_wait3A_407 = arith.constant 0 : i32
      %dma_wait3A_408 = tpu.memref_slice %arg6[%dma_wait3A_402, %dma_wait3A_407] : memref<250x80xi32, #tpu.memory_space<vmem>> -> memref<1x80xi32, #tpu.memory_space<vmem>>
      %dma_wait3A_409 = tpu.memref_squeeze %dma_wait3A_408 : memref<1x80xi32, #tpu.memory_space<vmem>> -> memref<80xi32, #tpu.memory_space<vmem>>
      %dma_wait3A_410 = arith.constant 0 : i32
      %dma_wait3A_411 = arith.constant 0 : i32
      %dma_wait3A_412 = tpu.memref_slice %arg9[%dma_wait3A_410, %dma_wait3A_411] : memref<10000x64xf32, #tpu.memory_space<vmem_shared>> -> memref<10000x64xf32, #tpu.memory_space<vmem_shared>>
      tpu.wait_indirect_dma semaphore(%arg16 : memref<!tpu.dma_semaphore, #tpu.memory_space<semaphore_mem>>) src(%dma_wait3A_406 : memref<80x64xf32, #tpu.memory_space<vmem>>) dst(%dma_wait3A_412 : memref<10000x64xf32, #tpu.memory_space<vmem_shared>>)
      %dma_start3A_413 = arith.constant 2 : i32
      %dma_start3A_414 = arith.constant 0 : i32
      %dma_start3A_415 = arith.constant 0 : i32
      %dma_start3A_416 = tpu.memref_slice %arg7[%dma_start3A_413, %dma_start3A_414, %dma_start3A_415] : memref<6x80x64xf32, #tpu.memory_space<vmem>> -> memref<1x80x64xf32, #tpu.memory_space<vmem>>
      %dma_start3A_417 = tpu.memref_squeeze %dma_start3A_416 : memref<1x80x64xf32, #tpu.memory_space<vmem>> -> memref<80x64xf32, #tpu.memory_space<vmem>>
      %dma_start3A_418 = arith.constant 0 : i32
      %dma_start3A_419 = tpu.memref_slice %arg6[%add3A_388, %dma_start3A_418] : memref<250x80xi32, #tpu.memory_space<vmem>> -> memref<1x80xi32, #tpu.memory_space<vmem>>
      %dma_start3A_420 = tpu.memref_squeeze %dma_start3A_419 : memref<1x80xi32, #tpu.memory_space<vmem>> -> memref<80xi32, #tpu.memory_space<vmem>>
      %dma_start3A_421 = arith.constant 0 : i32
      %dma_start3A_422 = arith.constant 0 : i32
      %dma_start3A_423 = tpu.memref_slice %arg9[%dma_start3A_421, %dma_start3A_422] : memref<10000x64xf32, #tpu.memory_space<vmem_shared>> -> memref<10000x64xf32, #tpu.memory_space<vmem_shared>>
      tpu.enqueue_indirect_dma source(%dma_start3A_417 : memref<80x64xf32, #tpu.memory_space<vmem>>) target(%dma_start3A_423 : memref<10000x64xf32, #tpu.memory_space<vmem_shared>>) offsets(%dma_start3A_420 : memref<80xi32, #tpu.memory_space<vmem>>) semaphore(%arg16 : memref<!tpu.dma_semaphore, #tpu.memory_space<semaphore_mem>>) {add = true}
      %add3A_424 = arith.constant 6 : i32
      %add3A_425 = arith.addi %add3A_388, %add3A_424 : i32
      %sub3A_426 = arith.constant 2 : i32
      %sub3A_427 = arith.subi %add3A_425, %sub3A_426 : i32
      %dma_start3A_428 = arith.constant 0 : i32
      %dma_start3A_429 = arith.constant 0 : i32
      %dma_start3A_430 = arith.constant 0 : i32
      %dma_start3A_431 = tpu.memref_slice %arg7[%dma_start3A_428, %dma_start3A_429, %dma_start3A_430] : memref<6x80x64xf32, #tpu.memory_space<vmem>> -> memref<1x80x64xf32, #tpu.memory_space<vmem>>
      %dma_start3A_432 = tpu.memref_squeeze %dma_start3A_431 : memref<1x80x64xf32, #tpu.memory_space<vmem>> -> memref<80x64xf32, #tpu.memory_space<vmem>>
      %dma_start3A_433 = arith.constant 0 : i32
      %dma_start3A_434 = tpu.memref_slice %arg5[%sub3A_427, %dma_start3A_433] : memref<250x80xi32, #tpu.memory_space<vmem>> -> memref<1x80xi32, #tpu.memory_space<vmem>>
      %dma_start3A_435 = tpu.memref_squeeze %dma_start3A_434 : memref<1x80xi32, #tpu.memory_space<vmem>> -> memref<80xi32, #tpu.memory_space<vmem>>
      %dma_start3A_436 = arith.constant 0 : i32
      %dma_start3A_437 = arith.constant 0 : i32
      %dma_start3A_438 = tpu.memref_slice %arg2[%dma_start3A_436, %dma_start3A_437] : memref<20000x64xf32, #tpu.memory_space<hbm>> -> memref<20000x64xf32, #tpu.memory_space<hbm>>
      tpu.enqueue_indirect_dma source(%dma_start3A_438 : memref<20000x64xf32, #tpu.memory_space<hbm>>) target(%dma_start3A_432 : memref<80x64xf32, #tpu.memory_space<vmem>>) offsets(%dma_start3A_435 : memref<80xi32, #tpu.memory_space<vmem>>) semaphore(%arg10 : memref<!tpu.dma_semaphore, #tpu.memory_space<semaphore_mem>>)
      %mul3A_439 = arith.constant 6 : i32
      %mul3A_440 = arith.muli %mul3A_439, %scan3A_277 : i32
      %add3A_441 = arith.constant 3 : i32
      %add3A_442 = arith.addi %mul3A_440, %add3A_441 : i32
      %dma_wait3A_443 = arith.constant 0 : i32
      %dma_wait3A_444 = arith.constant 3 : i32
      %dma_wait3A_445 = arith.constant 0 : i32
      %dma_wait3A_446 = arith.constant 0 : i32
      %dma_wait3A_447 = tpu.memref_slice %arg7[%dma_wait3A_444, %dma_wait3A_445, %dma_wait3A_446] : memref<6x80x64xf32, #tpu.memory_space<vmem>> -> memref<1x80x64xf32, #tpu.memory_space<vmem>>
      %dma_wait3A_448 = tpu.memref_squeeze %dma_wait3A_447 : memref<1x80x64xf32, #tpu.memory_space<vmem>> -> memref<80x64xf32, #tpu.memory_space<vmem>>
      %dma_wait3A_449 = arith.constant 0 : i32
      %dma_wait3A_450 = tpu.memref_slice %arg5[%dma_wait3A_443, %dma_wait3A_449] : memref<250x80xi32, #tpu.memory_space<vmem>> -> memref<1x80xi32, #tpu.memory_space<vmem>>
      %dma_wait3A_451 = tpu.memref_squeeze %dma_wait3A_450 : memref<1x80xi32, #tpu.memory_space<vmem>> -> memref<80xi32, #tpu.memory_space<vmem>>
      %dma_wait3A_452 = arith.constant 0 : i32
      %dma_wait3A_453 = arith.constant 0 : i32
      %dma_wait3A_454 = tpu.memref_slice %arg2[%dma_wait3A_452, %dma_wait3A_453] : memref<20000x64xf32, #tpu.memory_space<hbm>> -> memref<20000x64xf32, #tpu.memory_space<hbm>>
      tpu.wait_indirect_dma semaphore(%arg13 : memref<!tpu.dma_semaphore, #tpu.memory_space<semaphore_mem>>) src(%dma_wait3A_454 : memref<20000x64xf32, #tpu.memory_space<hbm>>) dst(%dma_wait3A_448 : memref<80x64xf32, #tpu.memory_space<vmem>>)
      %dma_wait3A_455 = arith.constant 0 : i32
      %dma_wait3A_456 = arith.constant 0 : i32
      %dma_wait3A_457 = arith.constant 0 : i32
      %dma_wait3A_458 = arith.constant 0 : i32
      %dma_wait3A_459 = tpu.memref_slice %arg7[%dma_wait3A_455, %dma_wait3A_457, %dma_wait3A_458] : memref<6x80x64xf32, #tpu.memory_space<vmem>> -> memref<1x80x64xf32, #tpu.memory_space<vmem>>
      %dma_wait3A_460 = tpu.memref_squeeze %dma_wait3A_459 : memref<1x80x64xf32, #tpu.memory_space<vmem>> -> memref<80x64xf32, #tpu.memory_space<vmem>>
      %dma_wait3A_461 = arith.constant 0 : i32
      %dma_wait3A_462 = tpu.memref_slice %arg6[%dma_wait3A_456, %dma_wait3A_461] : memref<250x80xi32, #tpu.memory_space<vmem>> -> memref<1x80xi32, #tpu.memory_space<vmem>>
      %dma_wait3A_463 = tpu.memref_squeeze %dma_wait3A_462 : memref<1x80xi32, #tpu.memory_space<vmem>> -> memref<80xi32, #tpu.memory_space<vmem>>
      %dma_wait3A_464 = arith.constant 0 : i32
      %dma_wait3A_465 = arith.constant 0 : i32
      %dma_wait3A_466 = tpu.memref_slice %arg9[%dma_wait3A_464, %dma_wait3A_465] : memref<10000x64xf32, #tpu.memory_space<vmem_shared>> -> memref<10000x64xf32, #tpu.memory_space<vmem_shared>>
      tpu.wait_indirect_dma semaphore(%arg17 : memref<!tpu.dma_semaphore, #tpu.memory_space<semaphore_mem>>) src(%dma_wait3A_460 : memref<80x64xf32, #tpu.memory_space<vmem>>) dst(%dma_wait3A_466 : memref<10000x64xf32, #tpu.memory_space<vmem_shared>>)
      %dma_start3A_467 = arith.constant 3 : i32
      %dma_start3A_468 = arith.constant 0 : i32
      %dma_start3A_469 = arith.constant 0 : i32
      %dma_start3A_470 = tpu.memref_slice %arg7[%dma_start3A_467, %dma_start3A_468, %dma_start3A_469] : memref<6x80x64xf32, #tpu.memory_space<vmem>> -> memref<1x80x64xf32, #tpu.memory_space<vmem>>
      %dma_start3A_471 = tpu.memref_squeeze %dma_start3A_470 : memref<1x80x64xf32, #tpu.memory_space<vmem>> -> memref<80x64xf32, #tpu.memory_space<vmem>>
      %dma_start3A_472 = arith.constant 0 : i32
      %dma_start3A_473 = tpu.memref_slice %arg6[%add3A_442, %dma_start3A_472] : memref<250x80xi32, #tpu.memory_space<vmem>> -> memref<1x80xi32, #tpu.memory_space<vmem>>
      %dma_start3A_474 = tpu.memref_squeeze %dma_start3A_473 : memref<1x80xi32, #tpu.memory_space<vmem>> -> memref<80xi32, #tpu.memory_space<vmem>>
      %dma_start3A_475 = arith.constant 0 : i32
      %dma_start3A_476 = arith.constant 0 : i32
      %dma_start3A_477 = tpu.memref_slice %arg9[%dma_start3A_475, %dma_start3A_476] : memref<10000x64xf32, #tpu.memory_space<vmem_shared>> -> memref<10000x64xf32, #tpu.memory_space<vmem_shared>>
      tpu.enqueue_indirect_dma source(%dma_start3A_471 : memref<80x64xf32, #tpu.memory_space<vmem>>) target(%dma_start3A_477 : memref<10000x64xf32, #tpu.memory_space<vmem_shared>>) offsets(%dma_start3A_474 : memref<80xi32, #tpu.memory_space<vmem>>) semaphore(%arg17 : memref<!tpu.dma_semaphore, #tpu.memory_space<semaphore_mem>>) {add = true}
      %add3A_478 = arith.constant 6 : i32
      %add3A_479 = arith.addi %add3A_442, %add3A_478 : i32
      %sub3A_480 = arith.constant 2 : i32
      %sub3A_481 = arith.subi %add3A_479, %sub3A_480 : i32
      %dma_start3A_482 = arith.constant 1 : i32
      %dma_start3A_483 = arith.constant 0 : i32
      %dma_start3A_484 = arith.constant 0 : i32
      %dma_start3A_485 = tpu.memref_slice %arg7[%dma_start3A_482, %dma_start3A_483, %dma_start3A_484] : memref<6x80x64xf32, #tpu.memory_space<vmem>> -> memref<1x80x64xf32, #tpu.memory_space<vmem>>
      %dma_start3A_486 = tpu.memref_squeeze %dma_start3A_485 : memref<1x80x64xf32, #tpu.memory_space<vmem>> -> memref<80x64xf32, #tpu.memory_space<vmem>>
      %dma_start3A_487 = arith.constant 0 : i32
      %dma_start3A_488 = tpu.memref_slice %arg5[%sub3A_481, %dma_start3A_487] : memref<250x80xi32, #tpu.memory_space<vmem>> -> memref<1x80xi32, #tpu.memory_space<vmem>>
      %dma_start3A_489 = tpu.memref_squeeze %dma_start3A_488 : memref<1x80xi32, #tpu.memory_space<vmem>> -> memref<80xi32, #tpu.memory_space<vmem>>
      %dma_start3A_490 = arith.constant 0 : i32
      %dma_start3A_491 = arith.constant 0 : i32
      %dma_start3A_492 = tpu.memref_slice %arg2[%dma_start3A_490, %dma_start3A_491] : memref<20000x64xf32, #tpu.memory_space<hbm>> -> memref<20000x64xf32, #tpu.memory_space<hbm>>
      tpu.enqueue_indirect_dma source(%dma_start3A_492 : memref<20000x64xf32, #tpu.memory_space<hbm>>) target(%dma_start3A_486 : memref<80x64xf32, #tpu.memory_space<vmem>>) offsets(%dma_start3A_489 : memref<80xi32, #tpu.memory_space<vmem>>) semaphore(%arg11 : memref<!tpu.dma_semaphore, #tpu.memory_space<semaphore_mem>>)
      %mul3A_493 = arith.constant 6 : i32
      %mul3A_494 = arith.muli %mul3A_493, %scan3A_277 : i32
      %add3A_495 = arith.constant 4 : i32
      %add3A_496 = arith.addi %mul3A_494, %add3A_495 : i32
      %dma_wait3A_497 = arith.constant 0 : i32
      %dma_wait3A_498 = arith.constant 4 : i32
      %dma_wait3A_499 = arith.constant 0 : i32
      %dma_wait3A_500 = arith.constant 0 : i32
      %dma_wait3A_501 = tpu.memref_slice %arg7[%dma_wait3A_498, %dma_wait3A_499, %dma_wait3A_500] : memref<6x80x64xf32, #tpu.memory_space<vmem>> -> memref<1x80x64xf32, #tpu.memory_space<vmem>>
      %dma_wait3A_502 = tpu.memref_squeeze %dma_wait3A_501 : memref<1x80x64xf32, #tpu.memory_space<vmem>> -> memref<80x64xf32, #tpu.memory_space<vmem>>
      %dma_wait3A_503 = arith.constant 0 : i32
      %dma_wait3A_504 = tpu.memref_slice %arg5[%dma_wait3A_497, %dma_wait3A_503] : memref<250x80xi32, #tpu.memory_space<vmem>> -> memref<1x80xi32, #tpu.memory_space<vmem>>
      %dma_wait3A_505 = tpu.memref_squeeze %dma_wait3A_504 : memref<1x80xi32, #tpu.memory_space<vmem>> -> memref<80xi32, #tpu.memory_space<vmem>>
      %dma_wait3A_506 = arith.constant 0 : i32
      %dma_wait3A_507 = arith.constant 0 : i32
      %dma_wait3A_508 = tpu.memref_slice %arg2[%dma_wait3A_506, %dma_wait3A_507] : memref<20000x64xf32, #tpu.memory_space<hbm>> -> memref<20000x64xf32, #tpu.memory_space<hbm>>
      tpu.wait_indirect_dma semaphore(%arg14 : memref<!tpu.dma_semaphore, #tpu.memory_space<semaphore_mem>>) src(%dma_wait3A_508 : memref<20000x64xf32, #tpu.memory_space<hbm>>) dst(%dma_wait3A_502 : memref<80x64xf32, #tpu.memory_space<vmem>>)
      %dma_wait3A_509 = arith.constant 0 : i32
      %dma_wait3A_510 = arith.constant 0 : i32
      %dma_wait3A_511 = arith.constant 0 : i32
      %dma_wait3A_512 = arith.constant 0 : i32
      %dma_wait3A_513 = tpu.memref_slice %arg7[%dma_wait3A_509, %dma_wait3A_511, %dma_wait3A_512] : memref<6x80x64xf32, #tpu.memory_space<vmem>> -> memref<1x80x64xf32, #tpu.memory_space<vmem>>
      %dma_wait3A_514 = tpu.memref_squeeze %dma_wait3A_513 : memref<1x80x64xf32, #tpu.memory_space<vmem>> -> memref<80x64xf32, #tpu.memory_space<vmem>>
      %dma_wait3A_515 = arith.constant 0 : i32
      %dma_wait3A_516 = tpu.memref_slice %arg6[%dma_wait3A_510, %dma_wait3A_515] : memref<250x80xi32, #tpu.memory_space<vmem>> -> memref<1x80xi32, #tpu.memory_space<vmem>>
      %dma_wait3A_517 = tpu.memref_squeeze %dma_wait3A_516 : memref<1x80xi32, #tpu.memory_space<vmem>> -> memref<80xi32, #tpu.memory_space<vmem>>
      %dma_wait3A_518 = arith.constant 0 : i32
      %dma_wait3A_519 = arith.constant 0 : i32
      %dma_wait3A_520 = tpu.memref_slice %arg9[%dma_wait3A_518, %dma_wait3A_519] : memref<10000x64xf32, #tpu.memory_space<vmem_shared>> -> memref<10000x64xf32, #tpu.memory_space<vmem_shared>>
      tpu.wait_indirect_dma semaphore(%arg16 : memref<!tpu.dma_semaphore, #tpu.memory_space<semaphore_mem>>) src(%dma_wait3A_514 : memref<80x64xf32, #tpu.memory_space<vmem>>) dst(%dma_wait3A_520 : memref<10000x64xf32, #tpu.memory_space<vmem_shared>>)
      %dma_start3A_521 = arith.constant 4 : i32
      %dma_start3A_522 = arith.constant 0 : i32
      %dma_start3A_523 = arith.constant 0 : i32
      %dma_start3A_524 = tpu.memref_slice %arg7[%dma_start3A_521, %dma_start3A_522, %dma_start3A_523] : memref<6x80x64xf32, #tpu.memory_space<vmem>> -> memref<1x80x64xf32, #tpu.memory_space<vmem>>
      %dma_start3A_525 = tpu.memref_squeeze %dma_start3A_524 : memref<1x80x64xf32, #tpu.memory_space<vmem>> -> memref<80x64xf32, #tpu.memory_space<vmem>>
      %dma_start3A_526 = arith.constant 0 : i32
      %dma_start3A_527 = tpu.memref_slice %arg6[%add3A_496, %dma_start3A_526] : memref<250x80xi32, #tpu.memory_space<vmem>> -> memref<1x80xi32, #tpu.memory_space<vmem>>
      %dma_start3A_528 = tpu.memref_squeeze %dma_start3A_527 : memref<1x80xi32, #tpu.memory_space<vmem>> -> memref<80xi32, #tpu.memory_space<vmem>>
      %dma_start3A_529 = arith.constant 0 : i32
      %dma_start3A_530 = arith.constant 0 : i32
      %dma_start3A_531 = tpu.memref_slice %arg9[%dma_start3A_529, %dma_start3A_530] : memref<10000x64xf32, #tpu.memory_space<vmem_shared>> -> memref<10000x64xf32, #tpu.memory_space<vmem_shared>>
      tpu.enqueue_indirect_dma source(%dma_start3A_525 : memref<80x64xf32, #tpu.memory_space<vmem>>) target(%dma_start3A_531 : memref<10000x64xf32, #tpu.memory_space<vmem_shared>>) offsets(%dma_start3A_528 : memref<80xi32, #tpu.memory_space<vmem>>) semaphore(%arg16 : memref<!tpu.dma_semaphore, #tpu.memory_space<semaphore_mem>>) {add = true}
      %add3A_532 = arith.constant 6 : i32
      %add3A_533 = arith.addi %add3A_496, %add3A_532 : i32
      %sub3A_534 = arith.constant 2 : i32
      %sub3A_535 = arith.subi %add3A_533, %sub3A_534 : i32
      %dma_start3A_536 = arith.constant 2 : i32
      %dma_start3A_537 = arith.constant 0 : i32
      %dma_start3A_538 = arith.constant 0 : i32
      %dma_start3A_539 = tpu.memref_slice %arg7[%dma_start3A_536, %dma_start3A_537, %dma_start3A_538] : memref<6x80x64xf32, #tpu.memory_space<vmem>> -> memref<1x80x64xf32, #tpu.memory_space<vmem>>
      %dma_start3A_540 = tpu.memref_squeeze %dma_start3A_539 : memref<1x80x64xf32, #tpu.memory_space<vmem>> -> memref<80x64xf32, #tpu.memory_space<vmem>>
      %dma_start3A_541 = arith.constant 0 : i32
      %dma_start3A_542 = tpu.memref_slice %arg5[%sub3A_535, %dma_start3A_541] : memref<250x80xi32, #tpu.memory_space<vmem>> -> memref<1x80xi32, #tpu.memory_space<vmem>>
      %dma_start3A_543 = tpu.memref_squeeze %dma_start3A_542 : memref<1x80xi32, #tpu.memory_space<vmem>> -> memref<80xi32, #tpu.memory_space<vmem>>
      %dma_start3A_544 = arith.constant 0 : i32
      %dma_start3A_545 = arith.constant 0 : i32
      %dma_start3A_546 = tpu.memref_slice %arg2[%dma_start3A_544, %dma_start3A_545] : memref<20000x64xf32, #tpu.memory_space<hbm>> -> memref<20000x64xf32, #tpu.memory_space<hbm>>
      tpu.enqueue_indirect_dma source(%dma_start3A_546 : memref<20000x64xf32, #tpu.memory_space<hbm>>) target(%dma_start3A_540 : memref<80x64xf32, #tpu.memory_space<vmem>>) offsets(%dma_start3A_543 : memref<80xi32, #tpu.memory_space<vmem>>) semaphore(%arg12 : memref<!tpu.dma_semaphore, #tpu.memory_space<semaphore_mem>>)
      %mul3A_547 = arith.constant 6 : i32
      %mul3A_548 = arith.muli %mul3A_547, %scan3A_277 : i32
      %add3A_549 = arith.constant 5 : i32
      %add3A_550 = arith.addi %mul3A_548, %add3A_549 : i32
      %dma_wait3A_551 = arith.constant 0 : i32
      %dma_wait3A_552 = arith.constant 5 : i32
      %dma_wait3A_553 = arith.constant 0 : i32
      %dma_wait3A_554 = arith.constant 0 : i32
      %dma_wait3A_555 = tpu.memref_slice %arg7[%dma_wait3A_552, %dma_wait3A_553, %dma_wait3A_554] : memref<6x80x64xf32, #tpu.memory_space<vmem>> -> memref<1x80x64xf32, #tpu.memory_space<vmem>>
      %dma_wait3A_556 = tpu.memref_squeeze %dma_wait3A_555 : memref<1x80x64xf32, #tpu.memory_space<vmem>> -> memref<80x64xf32, #tpu.memory_space<vmem>>
      %dma_wait3A_557 = arith.constant 0 : i32
      %dma_wait3A_558 = tpu.memref_slice %arg5[%dma_wait3A_551, %dma_wait3A_557] : memref<250x80xi32, #tpu.memory_space<vmem>> -> memref<1x80xi32, #tpu.memory_space<vmem>>
      %dma_wait3A_559 = tpu.memref_squeeze %dma_wait3A_558 : memref<1x80xi32, #tpu.memory_space<vmem>> -> memref<80xi32, #tpu.memory_space<vmem>>
      %dma_wait3A_560 = arith.constant 0 : i32
      %dma_wait3A_561 = arith.constant 0 : i32
      %dma_wait3A_562 = tpu.memref_slice %arg2[%dma_wait3A_560, %dma_wait3A_561] : memref<20000x64xf32, #tpu.memory_space<hbm>> -> memref<20000x64xf32, #tpu.memory_space<hbm>>
      tpu.wait_indirect_dma semaphore(%arg15 : memref<!tpu.dma_semaphore, #tpu.memory_space<semaphore_mem>>) src(%dma_wait3A_562 : memref<20000x64xf32, #tpu.memory_space<hbm>>) dst(%dma_wait3A_556 : memref<80x64xf32, #tpu.memory_space<vmem>>)
      %dma_wait3A_563 = arith.constant 0 : i32
      %dma_wait3A_564 = arith.constant 0 : i32
      %dma_wait3A_565 = arith.constant 0 : i32
      %dma_wait3A_566 = arith.constant 0 : i32
      %dma_wait3A_567 = tpu.memref_slice %arg7[%dma_wait3A_563, %dma_wait3A_565, %dma_wait3A_566] : memref<6x80x64xf32, #tpu.memory_space<vmem>> -> memref<1x80x64xf32, #tpu.memory_space<vmem>>
      %dma_wait3A_568 = tpu.memref_squeeze %dma_wait3A_567 : memref<1x80x64xf32, #tpu.memory_space<vmem>> -> memref<80x64xf32, #tpu.memory_space<vmem>>
      %dma_wait3A_569 = arith.constant 0 : i32
      %dma_wait3A_570 = tpu.memref_slice %arg6[%dma_wait3A_564, %dma_wait3A_569] : memref<250x80xi32, #tpu.memory_space<vmem>> -> memref<1x80xi32, #tpu.memory_space<vmem>>
      %dma_wait3A_571 = tpu.memref_squeeze %dma_wait3A_570 : memref<1x80xi32, #tpu.memory_space<vmem>> -> memref<80xi32, #tpu.memory_space<vmem>>
      %dma_wait3A_572 = arith.constant 0 : i32
      %dma_wait3A_573 = arith.constant 0 : i32
      %dma_wait3A_574 = tpu.memref_slice %arg9[%dma_wait3A_572, %dma_wait3A_573] : memref<10000x64xf32, #tpu.memory_space<vmem_shared>> -> memref<10000x64xf32, #tpu.memory_space<vmem_shared>>
      tpu.wait_indirect_dma semaphore(%arg17 : memref<!tpu.dma_semaphore, #tpu.memory_space<semaphore_mem>>) src(%dma_wait3A_568 : memref<80x64xf32, #tpu.memory_space<vmem>>) dst(%dma_wait3A_574 : memref<10000x64xf32, #tpu.memory_space<vmem_shared>>)
      %dma_start3A_575 = arith.constant 5 : i32
      %dma_start3A_576 = arith.constant 0 : i32
      %dma_start3A_577 = arith.constant 0 : i32
      %dma_start3A_578 = tpu.memref_slice %arg7[%dma_start3A_575, %dma_start3A_576, %dma_start3A_577] : memref<6x80x64xf32, #tpu.memory_space<vmem>> -> memref<1x80x64xf32, #tpu.memory_space<vmem>>
      %dma_start3A_579 = tpu.memref_squeeze %dma_start3A_578 : memref<1x80x64xf32, #tpu.memory_space<vmem>> -> memref<80x64xf32, #tpu.memory_space<vmem>>
      %dma_start3A_580 = arith.constant 0 : i32
      %dma_start3A_581 = tpu.memref_slice %arg6[%add3A_550, %dma_start3A_580] : memref<250x80xi32, #tpu.memory_space<vmem>> -> memref<1x80xi32, #tpu.memory_space<vmem>>
      %dma_start3A_582 = tpu.memref_squeeze %dma_start3A_581 : memref<1x80xi32, #tpu.memory_space<vmem>> -> memref<80xi32, #tpu.memory_space<vmem>>
      %dma_start3A_583 = arith.constant 0 : i32
      %dma_start3A_584 = arith.constant 0 : i32
      %dma_start3A_585 = tpu.memref_slice %arg9[%dma_start3A_583, %dma_start3A_584] : memref<10000x64xf32, #tpu.memory_space<vmem_shared>> -> memref<10000x64xf32, #tpu.memory_space<vmem_shared>>
      tpu.enqueue_indirect_dma source(%dma_start3A_579 : memref<80x64xf32, #tpu.memory_space<vmem>>) target(%dma_start3A_585 : memref<10000x64xf32, #tpu.memory_space<vmem_shared>>) offsets(%dma_start3A_582 : memref<80xi32, #tpu.memory_space<vmem>>) semaphore(%arg17 : memref<!tpu.dma_semaphore, #tpu.memory_space<semaphore_mem>>) {add = true}
      %add3A_586 = arith.constant 6 : i32
      %add3A_587 = arith.addi %add3A_550, %add3A_586 : i32
      %sub3A_588 = arith.constant 2 : i32
      %sub3A_589 = arith.subi %add3A_587, %sub3A_588 : i32
      %dma_start3A_590 = arith.constant 3 : i32
      %dma_start3A_591 = arith.constant 0 : i32
      %dma_start3A_592 = arith.constant 0 : i32
      %dma_start3A_593 = tpu.memref_slice %arg7[%dma_start3A_590, %dma_start3A_591, %dma_start3A_592] : memref<6x80x64xf32, #tpu.memory_space<vmem>> -> memref<1x80x64xf32, #tpu.memory_space<vmem>>
      %dma_start3A_594 = tpu.memref_squeeze %dma_start3A_593 : memref<1x80x64xf32, #tpu.memory_space<vmem>> -> memref<80x64xf32, #tpu.memory_space<vmem>>
      %dma_start3A_595 = arith.constant 0 : i32
      %dma_start3A_596 = tpu.memref_slice %arg5[%sub3A_589, %dma_start3A_595] : memref<250x80xi32, #tpu.memory_space<vmem>> -> memref<1x80xi32, #tpu.memory_space<vmem>>
      %dma_start3A_597 = tpu.memref_squeeze %dma_start3A_596 : memref<1x80xi32, #tpu.memory_space<vmem>> -> memref<80xi32, #tpu.memory_space<vmem>>
      %dma_start3A_598 = arith.constant 0 : i32
      %dma_start3A_599 = arith.constant 0 : i32
      %dma_start3A_600 = tpu.memref_slice %arg2[%dma_start3A_598, %dma_start3A_599] : memref<20000x64xf32, #tpu.memory_space<hbm>> -> memref<20000x64xf32, #tpu.memory_space<hbm>>
      tpu.enqueue_indirect_dma source(%dma_start3A_600 : memref<20000x64xf32, #tpu.memory_space<hbm>>) target(%dma_start3A_594 : memref<80x64xf32, #tpu.memory_space<vmem>>) offsets(%dma_start3A_597 : memref<80xi32, #tpu.memory_space<vmem>>) semaphore(%arg13 : memref<!tpu.dma_semaphore, #tpu.memory_space<semaphore_mem>>)
    }
    %scan3A_103 = arith.constant 41 : i32
    %dma_wait3A = arith.constant 0 : i32
    %dma_wait3A_104 = arith.constant 0 : i32
    %dma_wait3A_105 = arith.constant 0 : i32
    %dma_wait3A_106 = arith.constant 0 : i32
    %dma_wait3A_107 = tpu.memref_slice %arg7[%dma_wait3A_104, %dma_wait3A_105, %dma_wait3A_106] : memref<6x80x64xf32, #tpu.memory_space<vmem>> -> memref<1x80x64xf32, #tpu.memory_space<vmem>>
    %dma_wait3A_108 = tpu.memref_squeeze %dma_wait3A_107 : memref<1x80x64xf32, #tpu.memory_space<vmem>> -> memref<80x64xf32, #tpu.memory_space<vmem>>
    %dma_wait3A_109 = arith.constant 0 : i32
    %dma_wait3A_110 = tpu.memref_slice %arg5[%dma_wait3A, %dma_wait3A_109] : memref<250x80xi32, #tpu.memory_space<vmem>> -> memref<1x80xi32, #tpu.memory_space<vmem>>
    %dma_wait3A_111 = tpu.memref_squeeze %dma_wait3A_110 : memref<1x80xi32, #tpu.memory_space<vmem>> -> memref<80xi32, #tpu.memory_space<vmem>>
    %dma_wait3A_112 = arith.constant 0 : i32
    %dma_wait3A_113 = arith.constant 0 : i32
    %dma_wait3A_114 = tpu.memref_slice %arg2[%dma_wait3A_112, %dma_wait3A_113] : memref<20000x64xf32, #tpu.memory_space<hbm>> -> memref<20000x64xf32, #tpu.memory_space<hbm>>
    tpu.wait_indirect_dma semaphore(%arg10 : memref<!tpu.dma_semaphore, #tpu.memory_space<semaphore_mem>>) src(%dma_wait3A_114 : memref<20000x64xf32, #tpu.memory_space<hbm>>) dst(%dma_wait3A_108 : memref<80x64xf32, #tpu.memory_space<vmem>>)
    %dma_wait3A_115 = arith.constant 0 : i32
    %dma_wait3A_116 = arith.constant 0 : i32
    %dma_wait3A_117 = arith.constant 0 : i32
    %dma_wait3A_118 = arith.constant 0 : i32
    %dma_wait3A_119 = tpu.memref_slice %arg7[%dma_wait3A_115, %dma_wait3A_117, %dma_wait3A_118] : memref<6x80x64xf32, #tpu.memory_space<vmem>> -> memref<1x80x64xf32, #tpu.memory_space<vmem>>
    %dma_wait3A_120 = tpu.memref_squeeze %dma_wait3A_119 : memref<1x80x64xf32, #tpu.memory_space<vmem>> -> memref<80x64xf32, #tpu.memory_space<vmem>>
    %dma_wait3A_121 = arith.constant 0 : i32
    %dma_wait3A_122 = tpu.memref_slice %arg6[%dma_wait3A_116, %dma_wait3A_121] : memref<250x80xi32, #tpu.memory_space<vmem>> -> memref<1x80xi32, #tpu.memory_space<vmem>>
    %dma_wait3A_123 = tpu.memref_squeeze %dma_wait3A_122 : memref<1x80xi32, #tpu.memory_space<vmem>> -> memref<80xi32, #tpu.memory_space<vmem>>
    %dma_wait3A_124 = arith.constant 0 : i32
    %dma_wait3A_125 = arith.constant 0 : i32
    %dma_wait3A_126 = tpu.memref_slice %arg9[%dma_wait3A_124, %dma_wait3A_125] : memref<10000x64xf32, #tpu.memory_space<vmem_shared>> -> memref<10000x64xf32, #tpu.memory_space<vmem_shared>>
    tpu.wait_indirect_dma semaphore(%arg16 : memref<!tpu.dma_semaphore, #tpu.memory_space<semaphore_mem>>) src(%dma_wait3A_120 : memref<80x64xf32, #tpu.memory_space<vmem>>) dst(%dma_wait3A_126 : memref<10000x64xf32, #tpu.memory_space<vmem_shared>>)
    %dma_start3A_127 = arith.constant 0 : i32
    %dma_start3A_128 = arith.constant 246 : i32
    %dma_start3A_129 = arith.constant 0 : i32
    %dma_start3A_130 = arith.constant 0 : i32
    %dma_start3A_131 = tpu.memref_slice %arg7[%dma_start3A_127, %dma_start3A_129, %dma_start3A_130] : memref<6x80x64xf32, #tpu.memory_space<vmem>> -> memref<1x80x64xf32, #tpu.memory_space<vmem>>
    %dma_start3A_132 = tpu.memref_squeeze %dma_start3A_131 : memref<1x80x64xf32, #tpu.memory_space<vmem>> -> memref<80x64xf32, #tpu.memory_space<vmem>>
    %dma_start3A_133 = arith.constant 0 : i32
    %dma_start3A_134 = tpu.memref_slice %arg6[%dma_start3A_128, %dma_start3A_133] : memref<250x80xi32, #tpu.memory_space<vmem>> -> memref<1x80xi32, #tpu.memory_space<vmem>>
    %dma_start3A_135 = tpu.memref_squeeze %dma_start3A_134 : memref<1x80xi32, #tpu.memory_space<vmem>> -> memref<80xi32, #tpu.memory_space<vmem>>
    %dma_start3A_136 = arith.constant 0 : i32
    %dma_start3A_137 = arith.constant 0 : i32
    %dma_start3A_138 = tpu.memref_slice %arg9[%dma_start3A_136, %dma_start3A_137] : memref<10000x64xf32, #tpu.memory_space<vmem_shared>> -> memref<10000x64xf32, #tpu.memory_space<vmem_shared>>
    tpu.enqueue_indirect_dma source(%dma_start3A_132 : memref<80x64xf32, #tpu.memory_space<vmem>>) target(%dma_start3A_138 : memref<10000x64xf32, #tpu.memory_space<vmem_shared>>) offsets(%dma_start3A_135 : memref<80xi32, #tpu.memory_space<vmem>>) semaphore(%arg16 : memref<!tpu.dma_semaphore, #tpu.memory_space<semaphore_mem>>) {add = true}
    %dma_wait3A_139 = arith.constant 0 : i32
    %dma_wait3A_140 = arith.constant 1 : i32
    %dma_wait3A_141 = arith.constant 0 : i32
    %dma_wait3A_142 = arith.constant 0 : i32
    %dma_wait3A_143 = tpu.memref_slice %arg7[%dma_wait3A_140, %dma_wait3A_141, %dma_wait3A_142] : memref<6x80x64xf32, #tpu.memory_space<vmem>> -> memref<1x80x64xf32, #tpu.memory_space<vmem>>
    %dma_wait3A_144 = tpu.memref_squeeze %dma_wait3A_143 : memref<1x80x64xf32, #tpu.memory_space<vmem>> -> memref<80x64xf32, #tpu.memory_space<vmem>>
    %dma_wait3A_145 = arith.constant 0 : i32
    %dma_wait3A_146 = tpu.memref_slice %arg5[%dma_wait3A_139, %dma_wait3A_145] : memref<250x80xi32, #tpu.memory_space<vmem>> -> memref<1x80xi32, #tpu.memory_space<vmem>>
    %dma_wait3A_147 = tpu.memref_squeeze %dma_wait3A_146 : memref<1x80xi32, #tpu.memory_space<vmem>> -> memref<80xi32, #tpu.memory_space<vmem>>
    %dma_wait3A_148 = arith.constant 0 : i32
    %dma_wait3A_149 = arith.constant 0 : i32
    %dma_wait3A_150 = tpu.memref_slice %arg2[%dma_wait3A_148, %dma_wait3A_149] : memref<20000x64xf32, #tpu.memory_space<hbm>> -> memref<20000x64xf32, #tpu.memory_space<hbm>>
    tpu.wait_indirect_dma semaphore(%arg11 : memref<!tpu.dma_semaphore, #tpu.memory_space<semaphore_mem>>) src(%dma_wait3A_150 : memref<20000x64xf32, #tpu.memory_space<hbm>>) dst(%dma_wait3A_144 : memref<80x64xf32, #tpu.memory_space<vmem>>)
    %dma_wait3A_151 = arith.constant 0 : i32
    %dma_wait3A_152 = arith.constant 0 : i32
    %dma_wait3A_153 = arith.constant 0 : i32
    %dma_wait3A_154 = arith.constant 0 : i32
    %dma_wait3A_155 = tpu.memref_slice %arg7[%dma_wait3A_151, %dma_wait3A_153, %dma_wait3A_154] : memref<6x80x64xf32, #tpu.memory_space<vmem>> -> memref<1x80x64xf32, #tpu.memory_space<vmem>>
    %dma_wait3A_156 = tpu.memref_squeeze %dma_wait3A_155 : memref<1x80x64xf32, #tpu.memory_space<vmem>> -> memref<80x64xf32, #tpu.memory_space<vmem>>
    %dma_wait3A_157 = arith.constant 0 : i32
    %dma_wait3A_158 = tpu.memref_slice %arg6[%dma_wait3A_152, %dma_wait3A_157] : memref<250x80xi32, #tpu.memory_space<vmem>> -> memref<1x80xi32, #tpu.memory_space<vmem>>
    %dma_wait3A_159 = tpu.memref_squeeze %dma_wait3A_158 : memref<1x80xi32, #tpu.memory_space<vmem>> -> memref<80xi32, #tpu.memory_space<vmem>>
    %dma_wait3A_160 = arith.constant 0 : i32
    %dma_wait3A_161 = arith.constant 0 : i32
    %dma_wait3A_162 = tpu.memref_slice %arg9[%dma_wait3A_160, %dma_wait3A_161] : memref<10000x64xf32, #tpu.memory_space<vmem_shared>> -> memref<10000x64xf32, #tpu.memory_space<vmem_shared>>
    tpu.wait_indirect_dma semaphore(%arg17 : memref<!tpu.dma_semaphore, #tpu.memory_space<semaphore_mem>>) src(%dma_wait3A_156 : memref<80x64xf32, #tpu.memory_space<vmem>>) dst(%dma_wait3A_162 : memref<10000x64xf32, #tpu.memory_space<vmem_shared>>)
    %dma_start3A_163 = arith.constant 1 : i32
    %dma_start3A_164 = arith.constant 247 : i32
    %dma_start3A_165 = arith.constant 0 : i32
    %dma_start3A_166 = arith.constant 0 : i32
    %dma_start3A_167 = tpu.memref_slice %arg7[%dma_start3A_163, %dma_start3A_165, %dma_start3A_166] : memref<6x80x64xf32, #tpu.memory_space<vmem>> -> memref<1x80x64xf32, #tpu.memory_space<vmem>>
    %dma_start3A_168 = tpu.memref_squeeze %dma_start3A_167 : memref<1x80x64xf32, #tpu.memory_space<vmem>> -> memref<80x64xf32, #tpu.memory_space<vmem>>
    %dma_start3A_169 = arith.constant 0 : i32
    %dma_start3A_170 = tpu.memref_slice %arg6[%dma_start3A_164, %dma_start3A_169] : memref<250x80xi32, #tpu.memory_space<vmem>> -> memref<1x80xi32, #tpu.memory_space<vmem>>
    %dma_start3A_171 = tpu.memref_squeeze %dma_start3A_170 : memref<1x80xi32, #tpu.memory_space<vmem>> -> memref<80xi32, #tpu.memory_space<vmem>>
    %dma_start3A_172 = arith.constant 0 : i32
    %dma_start3A_173 = arith.constant 0 : i32
    %dma_start3A_174 = tpu.memref_slice %arg9[%dma_start3A_172, %dma_start3A_173] : memref<10000x64xf32, #tpu.memory_space<vmem_shared>> -> memref<10000x64xf32, #tpu.memory_space<vmem_shared>>
    tpu.enqueue_indirect_dma source(%dma_start3A_168 : memref<80x64xf32, #tpu.memory_space<vmem>>) target(%dma_start3A_174 : memref<10000x64xf32, #tpu.memory_space<vmem_shared>>) offsets(%dma_start3A_171 : memref<80xi32, #tpu.memory_space<vmem>>) semaphore(%arg17 : memref<!tpu.dma_semaphore, #tpu.memory_space<semaphore_mem>>) {add = true}
    %dma_wait3A_175 = arith.constant 0 : i32
    %dma_wait3A_176 = arith.constant 2 : i32
    %dma_wait3A_177 = arith.constant 0 : i32
    %dma_wait3A_178 = arith.constant 0 : i32
    %dma_wait3A_179 = tpu.memref_slice %arg7[%dma_wait3A_176, %dma_wait3A_177, %dma_wait3A_178] : memref<6x80x64xf32, #tpu.memory_space<vmem>> -> memref<1x80x64xf32, #tpu.memory_space<vmem>>
    %dma_wait3A_180 = tpu.memref_squeeze %dma_wait3A_179 : memref<1x80x64xf32, #tpu.memory_space<vmem>> -> memref<80x64xf32, #tpu.memory_space<vmem>>
    %dma_wait3A_181 = arith.constant 0 : i32
    %dma_wait3A_182 = tpu.memref_slice %arg5[%dma_wait3A_175, %dma_wait3A_181] : memref<250x80xi32, #tpu.memory_space<vmem>> -> memref<1x80xi32, #tpu.memory_space<vmem>>
    %dma_wait3A_183 = tpu.memref_squeeze %dma_wait3A_182 : memref<1x80xi32, #tpu.memory_space<vmem>> -> memref<80xi32, #tpu.memory_space<vmem>>
    %dma_wait3A_184 = arith.constant 0 : i32
    %dma_wait3A_185 = arith.constant 0 : i32
    %dma_wait3A_186 = tpu.memref_slice %arg2[%dma_wait3A_184, %dma_wait3A_185] : memref<20000x64xf32, #tpu.memory_space<hbm>> -> memref<20000x64xf32, #tpu.memory_space<hbm>>
    tpu.wait_indirect_dma semaphore(%arg12 : memref<!tpu.dma_semaphore, #tpu.memory_space<semaphore_mem>>) src(%dma_wait3A_186 : memref<20000x64xf32, #tpu.memory_space<hbm>>) dst(%dma_wait3A_180 : memref<80x64xf32, #tpu.memory_space<vmem>>)
    %dma_wait3A_187 = arith.constant 0 : i32
    %dma_wait3A_188 = arith.constant 0 : i32
    %dma_wait3A_189 = arith.constant 0 : i32
    %dma_wait3A_190 = arith.constant 0 : i32
    %dma_wait3A_191 = tpu.memref_slice %arg7[%dma_wait3A_187, %dma_wait3A_189, %dma_wait3A_190] : memref<6x80x64xf32, #tpu.memory_space<vmem>> -> memref<1x80x64xf32, #tpu.memory_space<vmem>>
    %dma_wait3A_192 = tpu.memref_squeeze %dma_wait3A_191 : memref<1x80x64xf32, #tpu.memory_space<vmem>> -> memref<80x64xf32, #tpu.memory_space<vmem>>
    %dma_wait3A_193 = arith.constant 0 : i32
    %dma_wait3A_194 = tpu.memref_slice %arg6[%dma_wait3A_188, %dma_wait3A_193] : memref<250x80xi32, #tpu.memory_space<vmem>> -> memref<1x80xi32, #tpu.memory_space<vmem>>
    %dma_wait3A_195 = tpu.memref_squeeze %dma_wait3A_194 : memref<1x80xi32, #tpu.memory_space<vmem>> -> memref<80xi32, #tpu.memory_space<vmem>>
    %dma_wait3A_196 = arith.constant 0 : i32
    %dma_wait3A_197 = arith.constant 0 : i32
    %dma_wait3A_198 = tpu.memref_slice %arg9[%dma_wait3A_196, %dma_wait3A_197] : memref<10000x64xf32, #tpu.memory_space<vmem_shared>> -> memref<10000x64xf32, #tpu.memory_space<vmem_shared>>
    tpu.wait_indirect_dma semaphore(%arg16 : memref<!tpu.dma_semaphore, #tpu.memory_space<semaphore_mem>>) src(%dma_wait3A_192 : memref<80x64xf32, #tpu.memory_space<vmem>>) dst(%dma_wait3A_198 : memref<10000x64xf32, #tpu.memory_space<vmem_shared>>)
    %dma_start3A_199 = arith.constant 2 : i32
    %dma_start3A_200 = arith.constant 248 : i32
    %dma_start3A_201 = arith.constant 0 : i32
    %dma_start3A_202 = arith.constant 0 : i32
    %dma_start3A_203 = tpu.memref_slice %arg7[%dma_start3A_199, %dma_start3A_201, %dma_start3A_202] : memref<6x80x64xf32, #tpu.memory_space<vmem>> -> memref<1x80x64xf32, #tpu.memory_space<vmem>>
    %dma_start3A_204 = tpu.memref_squeeze %dma_start3A_203 : memref<1x80x64xf32, #tpu.memory_space<vmem>> -> memref<80x64xf32, #tpu.memory_space<vmem>>
    %dma_start3A_205 = arith.constant 0 : i32
    %dma_start3A_206 = tpu.memref_slice %arg6[%dma_start3A_200, %dma_start3A_205] : memref<250x80xi32, #tpu.memory_space<vmem>> -> memref<1x80xi32, #tpu.memory_space<vmem>>
    %dma_start3A_207 = tpu.memref_squeeze %dma_start3A_206 : memref<1x80xi32, #tpu.memory_space<vmem>> -> memref<80xi32, #tpu.memory_space<vmem>>
    %dma_start3A_208 = arith.constant 0 : i32
    %dma_start3A_209 = arith.constant 0 : i32
    %dma_start3A_210 = tpu.memref_slice %arg9[%dma_start3A_208, %dma_start3A_209] : memref<10000x64xf32, #tpu.memory_space<vmem_shared>> -> memref<10000x64xf32, #tpu.memory_space<vmem_shared>>
    tpu.enqueue_indirect_dma source(%dma_start3A_204 : memref<80x64xf32, #tpu.memory_space<vmem>>) target(%dma_start3A_210 : memref<10000x64xf32, #tpu.memory_space<vmem_shared>>) offsets(%dma_start3A_207 : memref<80xi32, #tpu.memory_space<vmem>>) semaphore(%arg16 : memref<!tpu.dma_semaphore, #tpu.memory_space<semaphore_mem>>) {add = true}
    %dma_wait3A_211 = arith.constant 0 : i32
    %dma_wait3A_212 = arith.constant 3 : i32
    %dma_wait3A_213 = arith.constant 0 : i32
    %dma_wait3A_214 = arith.constant 0 : i32
    %dma_wait3A_215 = tpu.memref_slice %arg7[%dma_wait3A_212, %dma_wait3A_213, %dma_wait3A_214] : memref<6x80x64xf32, #tpu.memory_space<vmem>> -> memref<1x80x64xf32, #tpu.memory_space<vmem>>
    %dma_wait3A_216 = tpu.memref_squeeze %dma_wait3A_215 : memref<1x80x64xf32, #tpu.memory_space<vmem>> -> memref<80x64xf32, #tpu.memory_space<vmem>>
    %dma_wait3A_217 = arith.constant 0 : i32
    %dma_wait3A_218 = tpu.memref_slice %arg5[%dma_wait3A_211, %dma_wait3A_217] : memref<250x80xi32, #tpu.memory_space<vmem>> -> memref<1x80xi32, #tpu.memory_space<vmem>>
    %dma_wait3A_219 = tpu.memref_squeeze %dma_wait3A_218 : memref<1x80xi32, #tpu.memory_space<vmem>> -> memref<80xi32, #tpu.memory_space<vmem>>
    %dma_wait3A_220 = arith.constant 0 : i32
    %dma_wait3A_221 = arith.constant 0 : i32
    %dma_wait3A_222 = tpu.memref_slice %arg2[%dma_wait3A_220, %dma_wait3A_221] : memref<20000x64xf32, #tpu.memory_space<hbm>> -> memref<20000x64xf32, #tpu.memory_space<hbm>>
    tpu.wait_indirect_dma semaphore(%arg13 : memref<!tpu.dma_semaphore, #tpu.memory_space<semaphore_mem>>) src(%dma_wait3A_222 : memref<20000x64xf32, #tpu.memory_space<hbm>>) dst(%dma_wait3A_216 : memref<80x64xf32, #tpu.memory_space<vmem>>)
    %dma_wait3A_223 = arith.constant 0 : i32
    %dma_wait3A_224 = arith.constant 0 : i32
    %dma_wait3A_225 = arith.constant 0 : i32
    %dma_wait3A_226 = arith.constant 0 : i32
    %dma_wait3A_227 = tpu.memref_slice %arg7[%dma_wait3A_223, %dma_wait3A_225, %dma_wait3A_226] : memref<6x80x64xf32, #tpu.memory_space<vmem>> -> memref<1x80x64xf32, #tpu.memory_space<vmem>>
    %dma_wait3A_228 = tpu.memref_squeeze %dma_wait3A_227 : memref<1x80x64xf32, #tpu.memory_space<vmem>> -> memref<80x64xf32, #tpu.memory_space<vmem>>
    %dma_wait3A_229 = arith.constant 0 : i32
    %dma_wait3A_230 = tpu.memref_slice %arg6[%dma_wait3A_224, %dma_wait3A_229] : memref<250x80xi32, #tpu.memory_space<vmem>> -> memref<1x80xi32, #tpu.memory_space<vmem>>
    %dma_wait3A_231 = tpu.memref_squeeze %dma_wait3A_230 : memref<1x80xi32, #tpu.memory_space<vmem>> -> memref<80xi32, #tpu.memory_space<vmem>>
    %dma_wait3A_232 = arith.constant 0 : i32
    %dma_wait3A_233 = arith.constant 0 : i32
    %dma_wait3A_234 = tpu.memref_slice %arg9[%dma_wait3A_232, %dma_wait3A_233] : memref<10000x64xf32, #tpu.memory_space<vmem_shared>> -> memref<10000x64xf32, #tpu.memory_space<vmem_shared>>
    tpu.wait_indirect_dma semaphore(%arg17 : memref<!tpu.dma_semaphore, #tpu.memory_space<semaphore_mem>>) src(%dma_wait3A_228 : memref<80x64xf32, #tpu.memory_space<vmem>>) dst(%dma_wait3A_234 : memref<10000x64xf32, #tpu.memory_space<vmem_shared>>)
    %dma_start3A_235 = arith.constant 3 : i32
    %dma_start3A_236 = arith.constant 249 : i32
    %dma_start3A_237 = arith.constant 0 : i32
    %dma_start3A_238 = arith.constant 0 : i32
    %dma_start3A_239 = tpu.memref_slice %arg7[%dma_start3A_235, %dma_start3A_237, %dma_start3A_238] : memref<6x80x64xf32, #tpu.memory_space<vmem>> -> memref<1x80x64xf32, #tpu.memory_space<vmem>>
    %dma_start3A_240 = tpu.memref_squeeze %dma_start3A_239 : memref<1x80x64xf32, #tpu.memory_space<vmem>> -> memref<80x64xf32, #tpu.memory_space<vmem>>
    %dma_start3A_241 = arith.constant 0 : i32
    %dma_start3A_242 = tpu.memref_slice %arg6[%dma_start3A_236, %dma_start3A_241] : memref<250x80xi32, #tpu.memory_space<vmem>> -> memref<1x80xi32, #tpu.memory_space<vmem>>
    %dma_start3A_243 = tpu.memref_squeeze %dma_start3A_242 : memref<1x80xi32, #tpu.memory_space<vmem>> -> memref<80xi32, #tpu.memory_space<vmem>>
    %dma_start3A_244 = arith.constant 0 : i32
    %dma_start3A_245 = arith.constant 0 : i32
    %dma_start3A_246 = tpu.memref_slice %arg9[%dma_start3A_244, %dma_start3A_245] : memref<10000x64xf32, #tpu.memory_space<vmem_shared>> -> memref<10000x64xf32, #tpu.memory_space<vmem_shared>>
    tpu.enqueue_indirect_dma source(%dma_start3A_240 : memref<80x64xf32, #tpu.memory_space<vmem>>) target(%dma_start3A_246 : memref<10000x64xf32, #tpu.memory_space<vmem_shared>>) offsets(%dma_start3A_243 : memref<80xi32, #tpu.memory_space<vmem>>) semaphore(%arg17 : memref<!tpu.dma_semaphore, #tpu.memory_space<semaphore_mem>>) {add = true}
    %dma_wait3A_247 = arith.constant 0 : i32
    %dma_wait3A_248 = arith.constant 0 : i32
    %dma_wait3A_249 = arith.constant 0 : i32
    %dma_wait3A_250 = arith.constant 0 : i32
    %dma_wait3A_251 = tpu.memref_slice %arg7[%dma_wait3A_247, %dma_wait3A_249, %dma_wait3A_250] : memref<6x80x64xf32, #tpu.memory_space<vmem>> -> memref<1x80x64xf32, #tpu.memory_space<vmem>>
    %dma_wait3A_252 = tpu.memref_squeeze %dma_wait3A_251 : memref<1x80x64xf32, #tpu.memory_space<vmem>> -> memref<80x64xf32, #tpu.memory_space<vmem>>
    %dma_wait3A_253 = arith.constant 0 : i32
    %dma_wait3A_254 = tpu.memref_slice %arg6[%dma_wait3A_248, %dma_wait3A_253] : memref<250x80xi32, #tpu.memory_space<vmem>> -> memref<1x80xi32, #tpu.memory_space<vmem>>
    %dma_wait3A_255 = tpu.memref_squeeze %dma_wait3A_254 : memref<1x80xi32, #tpu.memory_space<vmem>> -> memref<80xi32, #tpu.memory_space<vmem>>
    %dma_wait3A_256 = arith.constant 0 : i32
    %dma_wait3A_257 = arith.constant 0 : i32
    %dma_wait3A_258 = tpu.memref_slice %arg9[%dma_wait3A_256, %dma_wait3A_257] : memref<10000x64xf32, #tpu.memory_space<vmem_shared>> -> memref<10000x64xf32, #tpu.memory_space<vmem_shared>>
    tpu.wait_indirect_dma semaphore(%arg16 : memref<!tpu.dma_semaphore, #tpu.memory_space<semaphore_mem>>) src(%dma_wait3A_252 : memref<80x64xf32, #tpu.memory_space<vmem>>) dst(%dma_wait3A_258 : memref<10000x64xf32, #tpu.memory_space<vmem_shared>>)
    %dma_wait3A_259 = arith.constant 0 : i32
    %dma_wait3A_260 = arith.constant 0 : i32
    %dma_wait3A_261 = arith.constant 0 : i32
    %dma_wait3A_262 = arith.constant 0 : i32
    %dma_wait3A_263 = tpu.memref_slice %arg7[%dma_wait3A_259, %dma_wait3A_261, %dma_wait3A_262] : memref<6x80x64xf32, #tpu.memory_space<vmem>> -> memref<1x80x64xf32, #tpu.memory_space<vmem>>
    %dma_wait3A_264 = tpu.memref_squeeze %dma_wait3A_263 : memref<1x80x64xf32, #tpu.memory_space<vmem>> -> memref<80x64xf32, #tpu.memory_space<vmem>>
    %dma_wait3A_265 = arith.constant 0 : i32
    %dma_wait3A_266 = tpu.memref_slice %arg6[%dma_wait3A_260, %dma_wait3A_265] : memref<250x80xi32, #tpu.memory_space<vmem>> -> memref<1x80xi32, #tpu.memory_space<vmem>>
    %dma_wait3A_267 = tpu.memref_squeeze %dma_wait3A_266 : memref<1x80xi32, #tpu.memory_space<vmem>> -> memref<80xi32, #tpu.memory_space<vmem>>
    %dma_wait3A_268 = arith.constant 0 : i32
    %dma_wait3A_269 = arith.constant 0 : i32
    %dma_wait3A_270 = tpu.memref_slice %arg9[%dma_wait3A_268, %dma_wait3A_269] : memref<10000x64xf32, #tpu.memory_space<vmem_shared>> -> memref<10000x64xf32, #tpu.memory_space<vmem_shared>>
    tpu.wait_indirect_dma semaphore(%arg17 : memref<!tpu.dma_semaphore, #tpu.memory_space<semaphore_mem>>) src(%dma_wait3A_264 : memref<80x64xf32, #tpu.memory_space<vmem>>) dst(%dma_wait3A_270 : memref<10000x64xf32, #tpu.memory_space<vmem_shared>>)
    %barrier3A_271 = arith.constant 0 : index
    tpu.barrier barrier_id(%barrier3A_271)
    %mul3A_272 = arith.constant 625 : i32
    %mul3A_273 = arith.muli %arg1, %mul3A_272 : i32
    %mul3A_274 = arith.constant 10000 : i32
    %mul3A_275 = arith.muli %arg0, %mul3A_274 : i32
    %add3A_276 = arith.addi %mul3A_275, %mul3A_273 : i32
    "tpu.region"() ({
      %run_scoped3A_277 = tpu.sem_alloc : memref<!tpu.dma_semaphore, #tpu.memory_space<semaphore_mem>>
      %dma_start3A_278 = arith.constant 0 : i32
      %dma_start3A_279 = tpu.memref_slice %arg4[%add3A_276, %dma_start3A_278] : memref<20000x64xf32, #tpu.memory_space<hbm>> -> memref<625x64xf32, #tpu.memory_space<hbm>>
      %dma_start3A_280 = arith.constant 0 : i32
      %dma_start3A_281 = tpu.memref_slice %arg9[%mul3A_273, %dma_start3A_280] : memref<10000x64xf32, #tpu.memory_space<vmem_shared>> -> memref<625x64xf32, #tpu.memory_space<vmem_shared>>
      tpu.enqueue_dma source(%dma_start3A_281 : memref<625x64xf32, #tpu.memory_space<vmem_shared>>) target(%dma_start3A_279 : memref<625x64xf32, #tpu.memory_space<hbm>>) target_semaphore(%run_scoped3A_277 : memref<!tpu.dma_semaphore, #tpu.memory_space<semaphore_mem>>)
      %dma_wait3A_282 = arith.constant 0 : i32
      %dma_wait3A_283 = tpu.memref_slice %arg4[%add3A_276, %dma_wait3A_282] : memref<20000x64xf32, #tpu.memory_space<hbm>> -> memref<625x64xf32, #tpu.memory_space<hbm>>
      %dma_wait3A_284 = arith.constant 0 : i32
      %dma_wait3A_285 = tpu.memref_slice %arg9[%mul3A_273, %dma_wait3A_284] : memref<10000x64xf32, #tpu.memory_space<vmem_shared>> -> memref<625x64xf32, #tpu.memory_space<vmem_shared>>
      tpu.wait_dma2 semaphore(%run_scoped3A_277 : memref<!tpu.dma_semaphore, #tpu.memory_space<semaphore_mem>>) src(%dma_wait3A_285 : memref<625x64xf32, #tpu.memory_space<vmem_shared>>) dst(%dma_wait3A_283 : memref<625x64xf32, #tpu.memory_space<hbm>>)
      tpu.yield
    }) : () -> ()
    return
  }
}

#map = affine_map<(d0, d1) -> (0, 0)>
#map1 = affine_map<(d0, d1) -> (0, 0, 0, 0)>
#map2 = affine_map<(d0, d1) -> (0, 0, 0)>
module attributes {stable_mosaic.version = 14 : i64} {
  func.func @_agg_body(%arg0: i32, %arg1: i32, %arg2: memref<20000x64xf32, #tpu.memory_space<hbm>>, %arg3: memref<2x16x250x80xi32, #tpu.memory_space<hbm>>, %arg4: memref<20000x64xf32, #tpu.memory_space<hbm>>, %arg5: memref<10x16x1000xf32, #tpu.memory_space<hbm>>, %arg6: memref<250x80xi32, #tpu.memory_space<vmem>>, %arg7: memref<250x80xi32, #tpu.memory_space<vmem>>, %arg8: memref<6x80x64xf32, #tpu.memory_space<vmem>>, %arg9: memref<125x64xf32, #tpu.memory_space<vmem>>, %arg10: memref<10000xf32, #tpu.memory_space<vmem>>, %arg11: memref<10000x64xf32, #tpu.memory_space<vmem_shared>>, %arg12: memref<!tpu.dma_semaphore, #tpu.memory_space<semaphore_mem>>, %arg13: memref<!tpu.dma_semaphore, #tpu.memory_space<semaphore_mem>>, %arg14: memref<!tpu.dma_semaphore, #tpu.memory_space<semaphore_mem>>, %arg15: memref<!tpu.dma_semaphore, #tpu.memory_space<semaphore_mem>>, %arg16: memref<!tpu.dma_semaphore, #tpu.memory_space<semaphore_mem>>, %arg17: memref<!tpu.dma_semaphore, #tpu.memory_space<semaphore_mem>>, %arg18: memref<!tpu.dma_semaphore, #tpu.memory_space<semaphore_mem>>, %arg19: memref<!tpu.dma_semaphore, #tpu.memory_space<semaphore_mem>>) attributes {dimension_semantics = [#tpu.dimension_semantics<core_parallel>, #tpu.dimension_semantics<subcore_parallel>], iteration_bounds = array<i64: 2, 16>, scalar_prefetch = 0 : i64, scratch_operands = 14 : i64, tpu.core_type = #tpu.core_type<sc_vector_subcore>, window_params = [{transform_indices = #map}, {transform_indices = #map1}, {transform_indices = #map}, {transform_indices = #map2}]} {
    %scan3A = arith.constant 0 : i32
    %scan3A_0 = arith.constant 0 : i32
    %scan3A_1 = arith.constant 125 : i32
    %scan3A_2 = arith.addi %scan3A_0, %scan3A_1 : i32
    %scan3A_3 = arith.constant 1 : i32
    scf.for %scan3A_305 = %scan3A_0 to %scan3A_2 step %scan3A_3  : i32 {
      %broadcast_in_dim3A_306 = arith.constant 0.000000e+00 : f32
      %broadcast_in_dim3A_307 = vector.broadcast %broadcast_in_dim3A_306 : f32 to vector<16xf32>
      %swap3A = arith.index_cast %scan3A_305 : i32 to index
      %swap3A_308 = arith.constant 0 : index
      %swap3A_309 = tpu.vector_load %arg9[%swap3A, %swap3A_308] {strides = array<i32>} : memref<125x64xf32, #tpu.memory_space<vmem>>, vector<16xf32>,
      tpu.vector_store %arg9[%swap3A, %swap3A_308], %broadcast_in_dim3A_307 {strides = array<i32>} : memref<125x64xf32, #tpu.memory_space<vmem>>, vector<16xf32>,
      %broadcast_in_dim3A_310 = arith.constant 0.000000e+00 : f32
      %broadcast_in_dim3A_311 = vector.broadcast %broadcast_in_dim3A_310 : f32 to vector<16xf32>
      %swap3A_312 = arith.index_cast %scan3A_305 : i32 to index
      %swap3A_313 = arith.constant 16 : index
      %swap3A_314 = tpu.vector_load %arg9[%swap3A_312, %swap3A_313] {strides = array<i32>} : memref<125x64xf32, #tpu.memory_space<vmem>>, vector<16xf32>,
      tpu.vector_store %arg9[%swap3A_312, %swap3A_313], %broadcast_in_dim3A_311 {strides = array<i32>} : memref<125x64xf32, #tpu.memory_space<vmem>>, vector<16xf32>,
      %broadcast_in_dim3A_315 = arith.constant 0.000000e+00 : f32
      %broadcast_in_dim3A_316 = vector.broadcast %broadcast_in_dim3A_315 : f32 to vector<16xf32>
      %swap3A_317 = arith.index_cast %scan3A_305 : i32 to index
      %swap3A_318 = arith.constant 32 : index
      %swap3A_319 = tpu.vector_load %arg9[%swap3A_317, %swap3A_318] {strides = array<i32>} : memref<125x64xf32, #tpu.memory_space<vmem>>, vector<16xf32>,
      tpu.vector_store %arg9[%swap3A_317, %swap3A_318], %broadcast_in_dim3A_316 {strides = array<i32>} : memref<125x64xf32, #tpu.memory_space<vmem>>, vector<16xf32>,
      %broadcast_in_dim3A_320 = arith.constant 0.000000e+00 : f32
      %broadcast_in_dim3A_321 = vector.broadcast %broadcast_in_dim3A_320 : f32 to vector<16xf32>
      %swap3A_322 = arith.index_cast %scan3A_305 : i32 to index
      %swap3A_323 = arith.constant 48 : index
      %swap3A_324 = tpu.vector_load %arg9[%swap3A_322, %swap3A_323] {strides = array<i32>} : memref<125x64xf32, #tpu.memory_space<vmem>>, vector<16xf32>,
      tpu.vector_store %arg9[%swap3A_322, %swap3A_323], %broadcast_in_dim3A_321 {strides = array<i32>} : memref<125x64xf32, #tpu.memory_space<vmem>>, vector<16xf32>,
    }
    %scan3A_4 = arith.constant 125 : i32
    %mul3A = arith.constant 625 : i32
    %mul3A_5 = arith.muli %arg1, %mul3A : i32
    %add3A = arith.constant 0 : i32
    %add3A_6 = arith.addi %mul3A_5, %add3A : i32
    "tpu.region"() ({
      %run_scoped3A_305 = tpu.sem_alloc : memref<!tpu.dma_semaphore, #tpu.memory_space<semaphore_mem>>
      %dma_start3A_306 = arith.constant 0 : i32
      %dma_start3A_307 = tpu.memref_slice %arg11[%add3A_6, %dma_start3A_306] : memref<10000x64xf32, #tpu.memory_space<vmem_shared>> -> memref<125x64xf32, #tpu.memory_space<vmem_shared>>
      %dma_start3A_308 = arith.constant 0 : i32
      %dma_start3A_309 = tpu.memref_slice %arg11[%add3A_6, %dma_start3A_308] : memref<10000x64xf32, #tpu.memory_space<vmem_shared>> -> memref<125x64xf32, #tpu.memory_space<vmem_shared>>
      tpu.enqueue_dma source(%arg9 : memref<125x64xf32, #tpu.memory_space<vmem>>) target(%dma_start3A_309 : memref<125x64xf32, #tpu.memory_space<vmem_shared>>) target_semaphore(%run_scoped3A_305 : memref<!tpu.dma_semaphore, #tpu.memory_space<semaphore_mem>>)
      %dma_wait3A_310 = arith.constant 0 : i32
      %dma_wait3A_311 = tpu.memref_slice %arg11[%add3A_6, %dma_wait3A_310] : memref<10000x64xf32, #tpu.memory_space<vmem_shared>> -> memref<125x64xf32, #tpu.memory_space<vmem_shared>>
      %dma_wait3A_312 = arith.constant 0 : i32
      %dma_wait3A_313 = tpu.memref_slice %arg11[%add3A_6, %dma_wait3A_312] : memref<10000x64xf32, #tpu.memory_space<vmem_shared>> -> memref<125x64xf32, #tpu.memory_space<vmem_shared>>
      tpu.wait_dma2 semaphore(%run_scoped3A_305 : memref<!tpu.dma_semaphore, #tpu.memory_space<semaphore_mem>>) src(%arg9 : memref<125x64xf32, #tpu.memory_space<vmem>>) dst(%dma_wait3A_313 : memref<125x64xf32, #tpu.memory_space<vmem_shared>>)
      tpu.yield
    }) : () -> ()
    %mul3A_7 = arith.constant 625 : i32
    %mul3A_8 = arith.muli %arg1, %mul3A_7 : i32
    %add3A_9 = arith.constant 125 : i32
    %add3A_10 = arith.addi %mul3A_8, %add3A_9 : i32
    "tpu.region"() ({
      %run_scoped3A_305 = tpu.sem_alloc : memref<!tpu.dma_semaphore, #tpu.memory_space<semaphore_mem>>
      %dma_start3A_306 = arith.constant 0 : i32
      %dma_start3A_307 = tpu.memref_slice %arg11[%add3A_10, %dma_start3A_306] : memref<10000x64xf32, #tpu.memory_space<vmem_shared>> -> memref<125x64xf32, #tpu.memory_space<vmem_shared>>
      %dma_start3A_308 = arith.constant 0 : i32
      %dma_start3A_309 = tpu.memref_slice %arg11[%add3A_10, %dma_start3A_308] : memref<10000x64xf32, #tpu.memory_space<vmem_shared>> -> memref<125x64xf32, #tpu.memory_space<vmem_shared>>
      tpu.enqueue_dma source(%arg9 : memref<125x64xf32, #tpu.memory_space<vmem>>) target(%dma_start3A_309 : memref<125x64xf32, #tpu.memory_space<vmem_shared>>) target_semaphore(%run_scoped3A_305 : memref<!tpu.dma_semaphore, #tpu.memory_space<semaphore_mem>>)
      %dma_wait3A_310 = arith.constant 0 : i32
      %dma_wait3A_311 = tpu.memref_slice %arg11[%add3A_10, %dma_wait3A_310] : memref<10000x64xf32, #tpu.memory_space<vmem_shared>> -> memref<125x64xf32, #tpu.memory_space<vmem_shared>>
      %dma_wait3A_312 = arith.constant 0 : i32
      %dma_wait3A_313 = tpu.memref_slice %arg11[%add3A_10, %dma_wait3A_312] : memref<10000x64xf32, #tpu.memory_space<vmem_shared>> -> memref<125x64xf32, #tpu.memory_space<vmem_shared>>
      tpu.wait_dma2 semaphore(%run_scoped3A_305 : memref<!tpu.dma_semaphore, #tpu.memory_space<semaphore_mem>>) src(%arg9 : memref<125x64xf32, #tpu.memory_space<vmem>>) dst(%dma_wait3A_313 : memref<125x64xf32, #tpu.memory_space<vmem_shared>>)
      tpu.yield
    }) : () -> ()
    %mul3A_11 = arith.constant 625 : i32
    %mul3A_12 = arith.muli %arg1, %mul3A_11 : i32
    %add3A_13 = arith.constant 250 : i32
    %add3A_14 = arith.addi %mul3A_12, %add3A_13 : i32
    "tpu.region"() ({
      %run_scoped3A_305 = tpu.sem_alloc : memref<!tpu.dma_semaphore, #tpu.memory_space<semaphore_mem>>
      %dma_start3A_306 = arith.constant 0 : i32
      %dma_start3A_307 = tpu.memref_slice %arg11[%add3A_14, %dma_start3A_306] : memref<10000x64xf32, #tpu.memory_space<vmem_shared>> -> memref<125x64xf32, #tpu.memory_space<vmem_shared>>
      %dma_start3A_308 = arith.constant 0 : i32
      %dma_start3A_309 = tpu.memref_slice %arg11[%add3A_14, %dma_start3A_308] : memref<10000x64xf32, #tpu.memory_space<vmem_shared>> -> memref<125x64xf32, #tpu.memory_space<vmem_shared>>
      tpu.enqueue_dma source(%arg9 : memref<125x64xf32, #tpu.memory_space<vmem>>) target(%dma_start3A_309 : memref<125x64xf32, #tpu.memory_space<vmem_shared>>) target_semaphore(%run_scoped3A_305 : memref<!tpu.dma_semaphore, #tpu.memory_space<semaphore_mem>>)
      %dma_wait3A_310 = arith.constant 0 : i32
      %dma_wait3A_311 = tpu.memref_slice %arg11[%add3A_14, %dma_wait3A_310] : memref<10000x64xf32, #tpu.memory_space<vmem_shared>> -> memref<125x64xf32, #tpu.memory_space<vmem_shared>>
      %dma_wait3A_312 = arith.constant 0 : i32
      %dma_wait3A_313 = tpu.memref_slice %arg11[%add3A_14, %dma_wait3A_312] : memref<10000x64xf32, #tpu.memory_space<vmem_shared>> -> memref<125x64xf32, #tpu.memory_space<vmem_shared>>
      tpu.wait_dma2 semaphore(%run_scoped3A_305 : memref<!tpu.dma_semaphore, #tpu.memory_space<semaphore_mem>>) src(%arg9 : memref<125x64xf32, #tpu.memory_space<vmem>>) dst(%dma_wait3A_313 : memref<125x64xf32, #tpu.memory_space<vmem_shared>>)
      tpu.yield
    }) : () -> ()
    %mul3A_15 = arith.constant 625 : i32
    %mul3A_16 = arith.muli %arg1, %mul3A_15 : i32
    %add3A_17 = arith.constant 375 : i32
    %add3A_18 = arith.addi %mul3A_16, %add3A_17 : i32
    "tpu.region"() ({
      %run_scoped3A_305 = tpu.sem_alloc : memref<!tpu.dma_semaphore, #tpu.memory_space<semaphore_mem>>
      %dma_start3A_306 = arith.constant 0 : i32
      %dma_start3A_307 = tpu.memref_slice %arg11[%add3A_18, %dma_start3A_306] : memref<10000x64xf32, #tpu.memory_space<vmem_shared>> -> memref<125x64xf32, #tpu.memory_space<vmem_shared>>
      %dma_start3A_308 = arith.constant 0 : i32
      %dma_start3A_309 = tpu.memref_slice %arg11[%add3A_18, %dma_start3A_308] : memref<10000x64xf32, #tpu.memory_space<vmem_shared>> -> memref<125x64xf32, #tpu.memory_space<vmem_shared>>
      tpu.enqueue_dma source(%arg9 : memref<125x64xf32, #tpu.memory_space<vmem>>) target(%dma_start3A_309 : memref<125x64xf32, #tpu.memory_space<vmem_shared>>) target_semaphore(%run_scoped3A_305 : memref<!tpu.dma_semaphore, #tpu.memory_space<semaphore_mem>>)
      %dma_wait3A_310 = arith.constant 0 : i32
      %dma_wait3A_311 = tpu.memref_slice %arg11[%add3A_18, %dma_wait3A_310] : memref<10000x64xf32, #tpu.memory_space<vmem_shared>> -> memref<125x64xf32, #tpu.memory_space<vmem_shared>>
      %dma_wait3A_312 = arith.constant 0 : i32
      %dma_wait3A_313 = tpu.memref_slice %arg11[%add3A_18, %dma_wait3A_312] : memref<10000x64xf32, #tpu.memory_space<vmem_shared>> -> memref<125x64xf32, #tpu.memory_space<vmem_shared>>
      tpu.wait_dma2 semaphore(%run_scoped3A_305 : memref<!tpu.dma_semaphore, #tpu.memory_space<semaphore_mem>>) src(%arg9 : memref<125x64xf32, #tpu.memory_space<vmem>>) dst(%dma_wait3A_313 : memref<125x64xf32, #tpu.memory_space<vmem_shared>>)
      tpu.yield
    }) : () -> ()
    %mul3A_19 = arith.constant 625 : i32
    %mul3A_20 = arith.muli %arg1, %mul3A_19 : i32
    %add3A_21 = arith.constant 500 : i32
    %add3A_22 = arith.addi %mul3A_20, %add3A_21 : i32
    "tpu.region"() ({
      %run_scoped3A_305 = tpu.sem_alloc : memref<!tpu.dma_semaphore, #tpu.memory_space<semaphore_mem>>
      %dma_start3A_306 = arith.constant 0 : i32
      %dma_start3A_307 = tpu.memref_slice %arg11[%add3A_22, %dma_start3A_306] : memref<10000x64xf32, #tpu.memory_space<vmem_shared>> -> memref<125x64xf32, #tpu.memory_space<vmem_shared>>
      %dma_start3A_308 = arith.constant 0 : i32
      %dma_start3A_309 = tpu.memref_slice %arg11[%add3A_22, %dma_start3A_308] : memref<10000x64xf32, #tpu.memory_space<vmem_shared>> -> memref<125x64xf32, #tpu.memory_space<vmem_shared>>
      tpu.enqueue_dma source(%arg9 : memref<125x64xf32, #tpu.memory_space<vmem>>) target(%dma_start3A_309 : memref<125x64xf32, #tpu.memory_space<vmem_shared>>) target_semaphore(%run_scoped3A_305 : memref<!tpu.dma_semaphore, #tpu.memory_space<semaphore_mem>>)
      %dma_wait3A_310 = arith.constant 0 : i32
      %dma_wait3A_311 = tpu.memref_slice %arg11[%add3A_22, %dma_wait3A_310] : memref<10000x64xf32, #tpu.memory_space<vmem_shared>> -> memref<125x64xf32, #tpu.memory_space<vmem_shared>>
      %dma_wait3A_312 = arith.constant 0 : i32
      %dma_wait3A_313 = tpu.memref_slice %arg11[%add3A_22, %dma_wait3A_312] : memref<10000x64xf32, #tpu.memory_space<vmem_shared>> -> memref<125x64xf32, #tpu.memory_space<vmem_shared>>
      tpu.wait_dma2 semaphore(%run_scoped3A_305 : memref<!tpu.dma_semaphore, #tpu.memory_space<semaphore_mem>>) src(%arg9 : memref<125x64xf32, #tpu.memory_space<vmem>>) dst(%dma_wait3A_313 : memref<125x64xf32, #tpu.memory_space<vmem_shared>>)
      tpu.yield
    }) : () -> ()
    %scan3A_23 = arith.constant 0 : i32
    %scan3A_24 = arith.constant 0 : i32
    %scan3A_25 = arith.constant 625 : i32
    %scan3A_26 = arith.addi %scan3A_24, %scan3A_25 : i32
    %scan3A_27 = arith.constant 1 : i32
    scf.for %scan3A_305 = %scan3A_24 to %scan3A_26 step %scan3A_27  : i32 {
      %broadcast_in_dim3A_306 = arith.constant 0.000000e+00 : f32
      %broadcast_in_dim3A_307 = vector.broadcast %broadcast_in_dim3A_306 : f32 to vector<16xf32>
      %mul3A_308 = arith.constant 16 : i32
      %mul3A_309 = arith.muli %scan3A_305, %mul3A_308 : i32
      %swap3A = arith.index_cast %mul3A_309 : i32 to index
      %swap3A_310 = tpu.vector_load %arg10[%swap3A] {strides = array<i32>} : memref<10000xf32, #tpu.memory_space<vmem>>, vector<16xf32>,
      tpu.vector_store %arg10[%swap3A], %broadcast_in_dim3A_307 {strides = array<i32>} : memref<10000xf32, #tpu.memory_space<vmem>>, vector<16xf32>,
    }
    %scan3A_28 = arith.constant 625 : i32
    %run_scoped3A = arith.constant 0 : i32
    "tpu.region"() ({
      %run_scoped3A_305 = tpu.sem_alloc : memref<!tpu.dma_semaphore, #tpu.memory_space<semaphore_mem>>
      %dma_start3A_306 = arith.constant 0 : i32
      %dma_start3A_307 = arith.constant 0 : i32
      %dma_start3A_308 = tpu.memref_slice %arg3[%run_scoped3A, %arg1, %dma_start3A_306, %dma_start3A_307] : memref<2x16x250x80xi32, #tpu.memory_space<hbm>> -> memref<1x1x250x80xi32, #tpu.memory_space<hbm>>
      %dma_start3A_309 = tpu.memref_squeeze %dma_start3A_308 : memref<1x1x250x80xi32, #tpu.memory_space<hbm>> -> memref<250x80xi32, #tpu.memory_space<hbm>>
      %dma_start3A_310 = arith.constant 0 : i32
      %dma_start3A_311 = arith.constant 0 : i32
      %dma_start3A_312 = tpu.memref_slice %arg3[%run_scoped3A, %arg1, %dma_start3A_310, %dma_start3A_311] : memref<2x16x250x80xi32, #tpu.memory_space<hbm>> -> memref<1x1x250x80xi32, #tpu.memory_space<hbm>>
      %dma_start3A_313 = tpu.memref_squeeze %dma_start3A_312 : memref<1x1x250x80xi32, #tpu.memory_space<hbm>> -> memref<250x80xi32, #tpu.memory_space<hbm>>
      tpu.enqueue_dma source(%dma_start3A_313 : memref<250x80xi32, #tpu.memory_space<hbm>>) target(%arg6 : memref<250x80xi32, #tpu.memory_space<vmem>>) target_semaphore(%run_scoped3A_305 : memref<!tpu.dma_semaphore, #tpu.memory_space<semaphore_mem>>)
      %dma_wait3A_314 = arith.constant 0 : i32
      %dma_wait3A_315 = arith.constant 0 : i32
      %dma_wait3A_316 = tpu.memref_slice %arg3[%run_scoped3A, %arg1, %dma_wait3A_314, %dma_wait3A_315] : memref<2x16x250x80xi32, #tpu.memory_space<hbm>> -> memref<1x1x250x80xi32, #tpu.memory_space<hbm>>
      %dma_wait3A_317 = tpu.memref_squeeze %dma_wait3A_316 : memref<1x1x250x80xi32, #tpu.memory_space<hbm>> -> memref<250x80xi32, #tpu.memory_space<hbm>>
      %dma_wait3A_318 = arith.constant 0 : i32
      %dma_wait3A_319 = arith.constant 0 : i32
      %dma_wait3A_320 = tpu.memref_slice %arg3[%run_scoped3A, %arg1, %dma_wait3A_318, %dma_wait3A_319] : memref<2x16x250x80xi32, #tpu.memory_space<hbm>> -> memref<1x1x250x80xi32, #tpu.memory_space<hbm>>
      %dma_wait3A_321 = tpu.memref_squeeze %dma_wait3A_320 : memref<1x1x250x80xi32, #tpu.memory_space<hbm>> -> memref<250x80xi32, #tpu.memory_space<hbm>>
      tpu.wait_dma2 semaphore(%run_scoped3A_305 : memref<!tpu.dma_semaphore, #tpu.memory_space<semaphore_mem>>) src(%dma_wait3A_321 : memref<250x80xi32, #tpu.memory_space<hbm>>) dst(%arg6 : memref<250x80xi32, #tpu.memory_space<vmem>>)
      tpu.yield
    }) : () -> ()
    %run_scoped3A_29 = arith.constant 1 : i32
    "tpu.region"() ({
      %run_scoped3A_305 = tpu.sem_alloc : memref<!tpu.dma_semaphore, #tpu.memory_space<semaphore_mem>>
      %dma_start3A_306 = arith.constant 0 : i32
      %dma_start3A_307 = arith.constant 0 : i32
      %dma_start3A_308 = tpu.memref_slice %arg3[%run_scoped3A_29, %arg1, %dma_start3A_306, %dma_start3A_307] : memref<2x16x250x80xi32, #tpu.memory_space<hbm>> -> memref<1x1x250x80xi32, #tpu.memory_space<hbm>>
      %dma_start3A_309 = tpu.memref_squeeze %dma_start3A_308 : memref<1x1x250x80xi32, #tpu.memory_space<hbm>> -> memref<250x80xi32, #tpu.memory_space<hbm>>
      %dma_start3A_310 = arith.constant 0 : i32
      %dma_start3A_311 = arith.constant 0 : i32
      %dma_start3A_312 = tpu.memref_slice %arg3[%run_scoped3A_29, %arg1, %dma_start3A_310, %dma_start3A_311] : memref<2x16x250x80xi32, #tpu.memory_space<hbm>> -> memref<1x1x250x80xi32, #tpu.memory_space<hbm>>
      %dma_start3A_313 = tpu.memref_squeeze %dma_start3A_312 : memref<1x1x250x80xi32, #tpu.memory_space<hbm>> -> memref<250x80xi32, #tpu.memory_space<hbm>>
      tpu.enqueue_dma source(%dma_start3A_313 : memref<250x80xi32, #tpu.memory_space<hbm>>) target(%arg7 : memref<250x80xi32, #tpu.memory_space<vmem>>) target_semaphore(%run_scoped3A_305 : memref<!tpu.dma_semaphore, #tpu.memory_space<semaphore_mem>>)
      %dma_wait3A_314 = arith.constant 0 : i32
      %dma_wait3A_315 = arith.constant 0 : i32
      %dma_wait3A_316 = tpu.memref_slice %arg3[%run_scoped3A_29, %arg1, %dma_wait3A_314, %dma_wait3A_315] : memref<2x16x250x80xi32, #tpu.memory_space<hbm>> -> memref<1x1x250x80xi32, #tpu.memory_space<hbm>>
      %dma_wait3A_317 = tpu.memref_squeeze %dma_wait3A_316 : memref<1x1x250x80xi32, #tpu.memory_space<hbm>> -> memref<250x80xi32, #tpu.memory_space<hbm>>
      %dma_wait3A_318 = arith.constant 0 : i32
      %dma_wait3A_319 = arith.constant 0 : i32
      %dma_wait3A_320 = tpu.memref_slice %arg3[%run_scoped3A_29, %arg1, %dma_wait3A_318, %dma_wait3A_319] : memref<2x16x250x80xi32, #tpu.memory_space<hbm>> -> memref<1x1x250x80xi32, #tpu.memory_space<hbm>>
      %dma_wait3A_321 = tpu.memref_squeeze %dma_wait3A_320 : memref<1x1x250x80xi32, #tpu.memory_space<hbm>> -> memref<250x80xi32, #tpu.memory_space<hbm>>
      tpu.wait_dma2 semaphore(%run_scoped3A_305 : memref<!tpu.dma_semaphore, #tpu.memory_space<semaphore_mem>>) src(%dma_wait3A_321 : memref<250x80xi32, #tpu.memory_space<hbm>>) dst(%arg7 : memref<250x80xi32, #tpu.memory_space<vmem>>)
      tpu.yield
    }) : () -> ()
    %scan3A_30 = arith.constant 0 : i32
    %scan3A_31 = arith.constant 0 : i32
    %scan3A_32 = arith.constant 1250 : i32
    %scan3A_33 = arith.addi %scan3A_31, %scan3A_32 : i32
    %scan3A_34 = arith.constant 1 : i32
    scf.for %scan3A_305 = %scan3A_31 to %scan3A_33 step %scan3A_34  : i32 {
      %jit3A = arith.constant 5 : i32
      %div3A = arith.divsi %scan3A_305, %jit3A : i32
      %sign3A = arith.constant 0 : i32
      %sign3A_306 = arith.cmpi sgt, %scan3A_305, %sign3A : i32
      %sign3A_307 = arith.extui %sign3A_306 : i1 to i32
      %sign3A_308 = arith.constant 0 : i32
      %sign3A_309 = arith.cmpi slt, %scan3A_305, %sign3A_308 : i32
      %sign3A_310 = arith.extui %sign3A_309 : i1 to i32
      %sign3A_311 = arith.subi %sign3A_307, %sign3A_310 : i32
      %sign3A_312 = arith.constant 0 : i32
      %sign3A_313 = arith.cmpi sgt, %jit3A, %sign3A_312 : i32
      %sign3A_314 = arith.extui %sign3A_313 : i1 to i32
      %sign3A_315 = arith.constant 0 : i32
      %sign3A_316 = arith.cmpi slt, %jit3A, %sign3A_315 : i32
      %sign3A_317 = arith.extui %sign3A_316 : i1 to i32
      %sign3A_318 = arith.subi %sign3A_314, %sign3A_317 : i32
      %ne3A = arith.cmpi ne, %sign3A_311, %sign3A_318 : i32
      %rem3A = arith.remsi %scan3A_305, %jit3A : i32
      %ne3A_319 = arith.constant 0 : i32
      %ne3A_320 = arith.cmpi ne, %rem3A, %ne3A_319 : i32
      %and3A = arith.andi %ne3A, %ne3A_320 : i1
      %sub3A = arith.constant 1 : i32
      %sub3A_321 = arith.subi %div3A, %sub3A : i32
      %select_n3A = arith.select %and3A, %sub3A_321, %div3A : i32
      %jit3A_322 = arith.constant 5 : i32
      %eq3A_323 = arith.constant 0 : i32
      %eq3A_324 = arith.cmpi eq, %jit3A_322, %eq3A_323 : i32
      %jit3A_325 = arith.constant 1 : i32
      %select_n3A_326 = arith.select %eq3A_324, %jit3A_325, %jit3A_322 : i32
      %rem3A_327 = arith.remsi %scan3A_305, %select_n3A_326 : i32
      %ne3A_328 = arith.constant 0 : i32
      %ne3A_329 = arith.cmpi ne, %rem3A_327, %ne3A_328 : i32
      %lt3A = arith.constant 0 : i32
      %lt3A_330 = arith.cmpi slt, %rem3A_327, %lt3A : i32
      %lt3A_331 = arith.constant 0 : i32
      %lt3A_332 = arith.cmpi slt, %select_n3A_326, %lt3A_331 : i32
      %ne3A_333 = arith.xori %lt3A_330, %lt3A_332 : i1
      %and3A_334 = arith.andi %ne3A_333, %ne3A_329 : i1
      %add3A_335 = arith.addi %rem3A_327, %select_n3A_326 : i32
      %select_n3A_336 = arith.select %and3A_334, %add3A_335, %rem3A_327 : i32
      %mul3A_337 = arith.constant 16 : i32
      %mul3A_338 = arith.muli %select_n3A_336, %mul3A_337 : i32
      %get3A = arith.index_cast %select_n3A : i32 to index
      %get3A_339 = arith.index_cast %mul3A_338 : i32 to index
      %get3A_340 = tpu.vector_load %arg6[%get3A, %get3A_339] {strides = array<i32>} : memref<250x80xi32, #tpu.memory_space<vmem>>, vector<16xi32>,
      %mul3A_341 = arith.constant 2 : i32
      %mul3A_342 = vector.broadcast %mul3A_341 : i32 to vector<16xi32>
      %mul3A_343 = arith.muli %get3A_340, %mul3A_342 : vector<16xi32>
      %add3A_344 = vector.broadcast %arg0 : i32 to vector<16xi32>
      %add3A_345 = arith.addi %mul3A_343, %add3A_344 : vector<16xi32>
      %mul3A_346 = arith.constant 16 : i32
      %mul3A_347 = arith.muli %select_n3A_336, %mul3A_346 : i32
      %swap3A = arith.index_cast %select_n3A : i32 to index
      %swap3A_348 = arith.index_cast %mul3A_347 : i32 to index
      %swap3A_349 = tpu.vector_load %arg6[%swap3A, %swap3A_348] {strides = array<i32>} : memref<250x80xi32, #tpu.memory_space<vmem>>, vector<16xi32>,
      tpu.vector_store %arg6[%swap3A, %swap3A_348], %add3A_345 {strides = array<i32>} : memref<250x80xi32, #tpu.memory_space<vmem>>, vector<16xi32>,
    }
    %scan3A_35 = arith.constant 1250 : i32
    %barrier3A = arith.constant 0 : index
    tpu.barrier barrier_id(%barrier3A)
    %broadcast_in_dim3A = arith.constant 1.000000e+00 : f32
    %broadcast_in_dim3A_36 = vector.broadcast %broadcast_in_dim3A : f32 to vector<16xf32>
    %dma_start3A = arith.constant 0 : i32
    %dma_start3A_37 = arith.constant 0 : i32
    %dma_start3A_38 = arith.constant 0 : i32
    %dma_start3A_39 = arith.constant 0 : i32
    %dma_start3A_40 = tpu.memref_slice %arg8[%dma_start3A_37, %dma_start3A_38, %dma_start3A_39] : memref<6x80x64xf32, #tpu.memory_space<vmem>> -> memref<1x80x64xf32, #tpu.memory_space<vmem>>
    %dma_start3A_41 = tpu.memref_squeeze %dma_start3A_40 : memref<1x80x64xf32, #tpu.memory_space<vmem>> -> memref<80x64xf32, #tpu.memory_space<vmem>>
    %dma_start3A_42 = arith.constant 0 : i32
    %dma_start3A_43 = tpu.memref_slice %arg6[%dma_start3A, %dma_start3A_42] : memref<250x80xi32, #tpu.memory_space<vmem>> -> memref<1x80xi32, #tpu.memory_space<vmem>>
    %dma_start3A_44 = tpu.memref_squeeze %dma_start3A_43 : memref<1x80xi32, #tpu.memory_space<vmem>> -> memref<80xi32, #tpu.memory_space<vmem>>
    %dma_start3A_45 = arith.constant 0 : i32
    %dma_start3A_46 = arith.constant 0 : i32
    %dma_start3A_47 = tpu.memref_slice %arg2[%dma_start3A_45, %dma_start3A_46] : memref<20000x64xf32, #tpu.memory_space<hbm>> -> memref<20000x64xf32, #tpu.memory_space<hbm>>
    tpu.enqueue_indirect_dma source(%dma_start3A_47 : memref<20000x64xf32, #tpu.memory_space<hbm>>) target(%dma_start3A_41 : memref<80x64xf32, #tpu.memory_space<vmem>>) offsets(%dma_start3A_44 : memref<80xi32, #tpu.memory_space<vmem>>) semaphore(%arg12 : memref<!tpu.dma_semaphore, #tpu.memory_space<semaphore_mem>>)
    %dma_start3A_48 = arith.constant 1 : i32
    %dma_start3A_49 = arith.constant 1 : i32
    %dma_start3A_50 = arith.constant 0 : i32
    %dma_start3A_51 = arith.constant 0 : i32
    %dma_start3A_52 = tpu.memref_slice %arg8[%dma_start3A_49, %dma_start3A_50, %dma_start3A_51] : memref<6x80x64xf32, #tpu.memory_space<vmem>> -> memref<1x80x64xf32, #tpu.memory_space<vmem>>
    %dma_start3A_53 = tpu.memref_squeeze %dma_start3A_52 : memref<1x80x64xf32, #tpu.memory_space<vmem>> -> memref<80x64xf32, #tpu.memory_space<vmem>>
    %dma_start3A_54 = arith.constant 0 : i32
    %dma_start3A_55 = tpu.memref_slice %arg6[%dma_start3A_48, %dma_start3A_54] : memref<250x80xi32, #tpu.memory_space<vmem>> -> memref<1x80xi32, #tpu.memory_space<vmem>>
    %dma_start3A_56 = tpu.memref_squeeze %dma_start3A_55 : memref<1x80xi32, #tpu.memory_space<vmem>> -> memref<80xi32, #tpu.memory_space<vmem>>
    %dma_start3A_57 = arith.constant 0 : i32
    %dma_start3A_58 = arith.constant 0 : i32
    %dma_start3A_59 = tpu.memref_slice %arg2[%dma_start3A_57, %dma_start3A_58] : memref<20000x64xf32, #tpu.memory_space<hbm>> -> memref<20000x64xf32, #tpu.memory_space<hbm>>
    tpu.enqueue_indirect_dma source(%dma_start3A_59 : memref<20000x64xf32, #tpu.memory_space<hbm>>) target(%dma_start3A_53 : memref<80x64xf32, #tpu.memory_space<vmem>>) offsets(%dma_start3A_56 : memref<80xi32, #tpu.memory_space<vmem>>) semaphore(%arg13 : memref<!tpu.dma_semaphore, #tpu.memory_space<semaphore_mem>>)
    %dma_start3A_60 = arith.constant 2 : i32
    %dma_start3A_61 = arith.constant 2 : i32
    %dma_start3A_62 = arith.constant 0 : i32
    %dma_start3A_63 = arith.constant 0 : i32
    %dma_start3A_64 = tpu.memref_slice %arg8[%dma_start3A_61, %dma_start3A_62, %dma_start3A_63] : memref<6x80x64xf32, #tpu.memory_space<vmem>> -> memref<1x80x64xf32, #tpu.memory_space<vmem>>
    %dma_start3A_65 = tpu.memref_squeeze %dma_start3A_64 : memref<1x80x64xf32, #tpu.memory_space<vmem>> -> memref<80x64xf32, #tpu.memory_space<vmem>>
    %dma_start3A_66 = arith.constant 0 : i32
    %dma_start3A_67 = tpu.memref_slice %arg6[%dma_start3A_60, %dma_start3A_66] : memref<250x80xi32, #tpu.memory_space<vmem>> -> memref<1x80xi32, #tpu.memory_space<vmem>>
    %dma_start3A_68 = tpu.memref_squeeze %dma_start3A_67 : memref<1x80xi32, #tpu.memory_space<vmem>> -> memref<80xi32, #tpu.memory_space<vmem>>
    %dma_start3A_69 = arith.constant 0 : i32
    %dma_start3A_70 = arith.constant 0 : i32
    %dma_start3A_71 = tpu.memref_slice %arg2[%dma_start3A_69, %dma_start3A_70] : memref<20000x64xf32, #tpu.memory_space<hbm>> -> memref<20000x64xf32, #tpu.memory_space<hbm>>
    tpu.enqueue_indirect_dma source(%dma_start3A_71 : memref<20000x64xf32, #tpu.memory_space<hbm>>) target(%dma_start3A_65 : memref<80x64xf32, #tpu.memory_space<vmem>>) offsets(%dma_start3A_68 : memref<80xi32, #tpu.memory_space<vmem>>) semaphore(%arg14 : memref<!tpu.dma_semaphore, #tpu.memory_space<semaphore_mem>>)
    %dma_start3A_72 = arith.constant 3 : i32
    %dma_start3A_73 = arith.constant 3 : i32
    %dma_start3A_74 = arith.constant 0 : i32
    %dma_start3A_75 = arith.constant 0 : i32
    %dma_start3A_76 = tpu.memref_slice %arg8[%dma_start3A_73, %dma_start3A_74, %dma_start3A_75] : memref<6x80x64xf32, #tpu.memory_space<vmem>> -> memref<1x80x64xf32, #tpu.memory_space<vmem>>
    %dma_start3A_77 = tpu.memref_squeeze %dma_start3A_76 : memref<1x80x64xf32, #tpu.memory_space<vmem>> -> memref<80x64xf32, #tpu.memory_space<vmem>>
    %dma_start3A_78 = arith.constant 0 : i32
    %dma_start3A_79 = tpu.memref_slice %arg6[%dma_start3A_72, %dma_start3A_78] : memref<250x80xi32, #tpu.memory_space<vmem>> -> memref<1x80xi32, #tpu.memory_space<vmem>>
    %dma_start3A_80 = tpu.memref_squeeze %dma_start3A_79 : memref<1x80xi32, #tpu.memory_space<vmem>> -> memref<80xi32, #tpu.memory_space<vmem>>
    %dma_start3A_81 = arith.constant 0 : i32
    %dma_start3A_82 = arith.constant 0 : i32
    %dma_start3A_83 = tpu.memref_slice %arg2[%dma_start3A_81, %dma_start3A_82] : memref<20000x64xf32, #tpu.memory_space<hbm>> -> memref<20000x64xf32, #tpu.memory_space<hbm>>
    tpu.enqueue_indirect_dma source(%dma_start3A_83 : memref<20000x64xf32, #tpu.memory_space<hbm>>) target(%dma_start3A_77 : memref<80x64xf32, #tpu.memory_space<vmem>>) offsets(%dma_start3A_80 : memref<80xi32, #tpu.memory_space<vmem>>) semaphore(%arg15 : memref<!tpu.dma_semaphore, #tpu.memory_space<semaphore_mem>>)
    %dma_start3A_84 = arith.constant 0 : i32
    %dma_start3A_85 = arith.constant 0 : i32
    %dma_start3A_86 = arith.constant 0 : i32
    %dma_start3A_87 = tpu.memref_slice %arg9[%dma_start3A_85, %dma_start3A_86] : memref<125x64xf32, #tpu.memory_space<vmem>> -> memref<80x64xf32, #tpu.memory_space<vmem>>
    %dma_start3A_88 = arith.constant 0 : i32
    %dma_start3A_89 = tpu.memref_slice %arg7[%dma_start3A_84, %dma_start3A_88] : memref<250x80xi32, #tpu.memory_space<vmem>> -> memref<1x80xi32, #tpu.memory_space<vmem>>
    %dma_start3A_90 = tpu.memref_squeeze %dma_start3A_89 : memref<1x80xi32, #tpu.memory_space<vmem>> -> memref<80xi32, #tpu.memory_space<vmem>>
    %dma_start3A_91 = arith.constant 0 : i32
    %dma_start3A_92 = arith.constant 0 : i32
    %dma_start3A_93 = tpu.memref_slice %arg11[%dma_start3A_91, %dma_start3A_92] : memref<10000x64xf32, #tpu.memory_space<vmem_shared>> -> memref<10000x64xf32, #tpu.memory_space<vmem_shared>>
    tpu.enqueue_indirect_dma source(%dma_start3A_87 : memref<80x64xf32, #tpu.memory_space<vmem>>) target(%dma_start3A_93 : memref<10000x64xf32, #tpu.memory_space<vmem_shared>>) offsets(%dma_start3A_90 : memref<80xi32, #tpu.memory_space<vmem>>) semaphore(%arg18 : memref<!tpu.dma_semaphore, #tpu.memory_space<semaphore_mem>>) {add = true}
    %dma_start3A_94 = arith.constant 0 : i32
    %dma_start3A_95 = arith.constant 0 : i32
    %dma_start3A_96 = arith.constant 0 : i32
    %dma_start3A_97 = tpu.memref_slice %arg9[%dma_start3A_95, %dma_start3A_96] : memref<125x64xf32, #tpu.memory_space<vmem>> -> memref<80x64xf32, #tpu.memory_space<vmem>>
    %dma_start3A_98 = arith.constant 0 : i32
    %dma_start3A_99 = tpu.memref_slice %arg7[%dma_start3A_94, %dma_start3A_98] : memref<250x80xi32, #tpu.memory_space<vmem>> -> memref<1x80xi32, #tpu.memory_space<vmem>>
    %dma_start3A_100 = tpu.memref_squeeze %dma_start3A_99 : memref<1x80xi32, #tpu.memory_space<vmem>> -> memref<80xi32, #tpu.memory_space<vmem>>
    %dma_start3A_101 = arith.constant 0 : i32
    %dma_start3A_102 = arith.constant 0 : i32
    %dma_start3A_103 = tpu.memref_slice %arg11[%dma_start3A_101, %dma_start3A_102] : memref<10000x64xf32, #tpu.memory_space<vmem_shared>> -> memref<10000x64xf32, #tpu.memory_space<vmem_shared>>
    tpu.enqueue_indirect_dma source(%dma_start3A_97 : memref<80x64xf32, #tpu.memory_space<vmem>>) target(%dma_start3A_103 : memref<10000x64xf32, #tpu.memory_space<vmem_shared>>) offsets(%dma_start3A_100 : memref<80xi32, #tpu.memory_space<vmem>>) semaphore(%arg19 : memref<!tpu.dma_semaphore, #tpu.memory_space<semaphore_mem>>) {add = true}
    %scan3A_104 = arith.constant 0 : i32
    %scan3A_105 = arith.constant 0 : i32
    %scan3A_106 = arith.constant 41 : i32
    %scan3A_107 = arith.addi %scan3A_105, %scan3A_106 : i32
    %scan3A_108 = arith.constant 1 : i32
    scf.for %scan3A_305 = %scan3A_105 to %scan3A_107 step %scan3A_108  : i32 {
      %mul3A_306 = arith.constant 6 : i32
      %mul3A_307 = arith.muli %mul3A_306, %scan3A_305 : i32
      %add3A_308 = arith.constant 0 : i32
      %add3A_309 = arith.addi %mul3A_307, %add3A_308 : i32
      %dma_wait3A_310 = arith.constant 0 : i32
      %dma_wait3A_311 = arith.constant 0 : i32
      %dma_wait3A_312 = arith.constant 0 : i32
      %dma_wait3A_313 = arith.constant 0 : i32
      %dma_wait3A_314 = tpu.memref_slice %arg8[%dma_wait3A_311, %dma_wait3A_312, %dma_wait3A_313] : memref<6x80x64xf32, #tpu.memory_space<vmem>> -> memref<1x80x64xf32, #tpu.memory_space<vmem>>
      %dma_wait3A_315 = tpu.memref_squeeze %dma_wait3A_314 : memref<1x80x64xf32, #tpu.memory_space<vmem>> -> memref<80x64xf32, #tpu.memory_space<vmem>>
      %dma_wait3A_316 = arith.constant 0 : i32
      %dma_wait3A_317 = tpu.memref_slice %arg6[%dma_wait3A_310, %dma_wait3A_316] : memref<250x80xi32, #tpu.memory_space<vmem>> -> memref<1x80xi32, #tpu.memory_space<vmem>>
      %dma_wait3A_318 = tpu.memref_squeeze %dma_wait3A_317 : memref<1x80xi32, #tpu.memory_space<vmem>> -> memref<80xi32, #tpu.memory_space<vmem>>
      %dma_wait3A_319 = arith.constant 0 : i32
      %dma_wait3A_320 = arith.constant 0 : i32
      %dma_wait3A_321 = tpu.memref_slice %arg2[%dma_wait3A_319, %dma_wait3A_320] : memref<20000x64xf32, #tpu.memory_space<hbm>> -> memref<20000x64xf32, #tpu.memory_space<hbm>>
      tpu.wait_indirect_dma semaphore(%arg12 : memref<!tpu.dma_semaphore, #tpu.memory_space<semaphore_mem>>) src(%dma_wait3A_321 : memref<20000x64xf32, #tpu.memory_space<hbm>>) dst(%dma_wait3A_315 : memref<80x64xf32, #tpu.memory_space<vmem>>)
      %dma_wait3A_322 = arith.constant 0 : i32
      %dma_wait3A_323 = arith.constant 0 : i32
      %dma_wait3A_324 = arith.constant 0 : i32
      %dma_wait3A_325 = arith.constant 0 : i32
      %dma_wait3A_326 = tpu.memref_slice %arg8[%dma_wait3A_322, %dma_wait3A_324, %dma_wait3A_325] : memref<6x80x64xf32, #tpu.memory_space<vmem>> -> memref<1x80x64xf32, #tpu.memory_space<vmem>>
      %dma_wait3A_327 = tpu.memref_squeeze %dma_wait3A_326 : memref<1x80x64xf32, #tpu.memory_space<vmem>> -> memref<80x64xf32, #tpu.memory_space<vmem>>
      %dma_wait3A_328 = arith.constant 0 : i32
      %dma_wait3A_329 = tpu.memref_slice %arg7[%dma_wait3A_323, %dma_wait3A_328] : memref<250x80xi32, #tpu.memory_space<vmem>> -> memref<1x80xi32, #tpu.memory_space<vmem>>
      %dma_wait3A_330 = tpu.memref_squeeze %dma_wait3A_329 : memref<1x80xi32, #tpu.memory_space<vmem>> -> memref<80xi32, #tpu.memory_space<vmem>>
      %dma_wait3A_331 = arith.constant 0 : i32
      %dma_wait3A_332 = arith.constant 0 : i32
      %dma_wait3A_333 = tpu.memref_slice %arg11[%dma_wait3A_331, %dma_wait3A_332] : memref<10000x64xf32, #tpu.memory_space<vmem_shared>> -> memref<10000x64xf32, #tpu.memory_space<vmem_shared>>
      tpu.wait_indirect_dma semaphore(%arg18 : memref<!tpu.dma_semaphore, #tpu.memory_space<semaphore_mem>>) src(%dma_wait3A_327 : memref<80x64xf32, #tpu.memory_space<vmem>>) dst(%dma_wait3A_333 : memref<10000x64xf32, #tpu.memory_space<vmem_shared>>)
      %dma_start3A_334 = arith.constant 0 : i32
      %dma_start3A_335 = arith.constant 0 : i32
      %dma_start3A_336 = arith.constant 0 : i32
      %dma_start3A_337 = tpu.memref_slice %arg8[%dma_start3A_334, %dma_start3A_335, %dma_start3A_336] : memref<6x80x64xf32, #tpu.memory_space<vmem>> -> memref<1x80x64xf32, #tpu.memory_space<vmem>>
      %dma_start3A_338 = tpu.memref_squeeze %dma_start3A_337 : memref<1x80x64xf32, #tpu.memory_space<vmem>> -> memref<80x64xf32, #tpu.memory_space<vmem>>
      %dma_start3A_339 = arith.constant 0 : i32
      %dma_start3A_340 = tpu.memref_slice %arg7[%add3A_309, %dma_start3A_339] : memref<250x80xi32, #tpu.memory_space<vmem>> -> memref<1x80xi32, #tpu.memory_space<vmem>>
      %dma_start3A_341 = tpu.memref_squeeze %dma_start3A_340 : memref<1x80xi32, #tpu.memory_space<vmem>> -> memref<80xi32, #tpu.memory_space<vmem>>
      %dma_start3A_342 = arith.constant 0 : i32
      %dma_start3A_343 = arith.constant 0 : i32
      %dma_start3A_344 = tpu.memref_slice %arg11[%dma_start3A_342, %dma_start3A_343] : memref<10000x64xf32, #tpu.memory_space<vmem_shared>> -> memref<10000x64xf32, #tpu.memory_space<vmem_shared>>
      tpu.enqueue_indirect_dma source(%dma_start3A_338 : memref<80x64xf32, #tpu.memory_space<vmem>>) target(%dma_start3A_344 : memref<10000x64xf32, #tpu.memory_space<vmem_shared>>) offsets(%dma_start3A_341 : memref<80xi32, #tpu.memory_space<vmem>>) semaphore(%arg18 : memref<!tpu.dma_semaphore, #tpu.memory_space<semaphore_mem>>) {add = true}
      %eq3A_345 = arith.constant 0 : i32
      %eq3A_346 = arith.cmpi eq, %arg0, %eq3A_345 : i32
      %convert_element_type3A_347 = arith.extui %eq3A_346 : i1 to i32
      %cond3A_348 = arith.constant 0 : i32
      %cond3A_349 = arith.cmpi ne, %convert_element_type3A_347, %cond3A_348 : i32
      scf.if %cond3A_349 {
        %get3A = arith.index_cast %add3A_309 : i32 to index
        %get3A_659 = arith.constant 0 : index
        %get3A_660 = tpu.vector_load %arg7[%get3A, %get3A_659] {strides = array<i32>} : memref<250x80xi32, #tpu.memory_space<vmem>>, vector<16xi32>,
        tpu.vector_store_idx %arg10[%get3A_660], %broadcast_in_dim3A_36 {add = true} : memref<10000xf32, #tpu.memory_space<vmem>>[vector<16xi32>], vector<16xf32>,
        %get3A_661 = arith.index_cast %add3A_309 : i32 to index
        %get3A_662 = arith.constant 16 : index
        %get3A_663 = tpu.vector_load %arg7[%get3A_661, %get3A_662] {strides = array<i32>} : memref<250x80xi32, #tpu.memory_space<vmem>>, vector<16xi32>,
        tpu.vector_store_idx %arg10[%get3A_663], %broadcast_in_dim3A_36 {add = true} : memref<10000xf32, #tpu.memory_space<vmem>>[vector<16xi32>], vector<16xf32>,
        %get3A_664 = arith.index_cast %add3A_309 : i32 to index
        %get3A_665 = arith.constant 32 : index
        %get3A_666 = tpu.vector_load %arg7[%get3A_664, %get3A_665] {strides = array<i32>} : memref<250x80xi32, #tpu.memory_space<vmem>>, vector<16xi32>,
        tpu.vector_store_idx %arg10[%get3A_666], %broadcast_in_dim3A_36 {add = true} : memref<10000xf32, #tpu.memory_space<vmem>>[vector<16xi32>], vector<16xf32>,
        %get3A_667 = arith.index_cast %add3A_309 : i32 to index
        %get3A_668 = arith.constant 48 : index
        %get3A_669 = tpu.vector_load %arg7[%get3A_667, %get3A_668] {strides = array<i32>} : memref<250x80xi32, #tpu.memory_space<vmem>>, vector<16xi32>,
        tpu.vector_store_idx %arg10[%get3A_669], %broadcast_in_dim3A_36 {add = true} : memref<10000xf32, #tpu.memory_space<vmem>>[vector<16xi32>], vector<16xf32>,
        %get3A_670 = arith.index_cast %add3A_309 : i32 to index
        %get3A_671 = arith.constant 64 : index
        %get3A_672 = tpu.vector_load %arg7[%get3A_670, %get3A_671] {strides = array<i32>} : memref<250x80xi32, #tpu.memory_space<vmem>>, vector<16xi32>,
        tpu.vector_store_idx %arg10[%get3A_672], %broadcast_in_dim3A_36 {add = true} : memref<10000xf32, #tpu.memory_space<vmem>>[vector<16xi32>], vector<16xf32>,
      } else {
      }
      %add3A_350 = arith.constant 6 : i32
      %add3A_351 = arith.addi %add3A_309, %add3A_350 : i32
      %sub3A = arith.constant 2 : i32
      %sub3A_352 = arith.subi %add3A_351, %sub3A : i32
      %dma_start3A_353 = arith.constant 4 : i32
      %dma_start3A_354 = arith.constant 0 : i32
      %dma_start3A_355 = arith.constant 0 : i32
      %dma_start3A_356 = tpu.memref_slice %arg8[%dma_start3A_353, %dma_start3A_354, %dma_start3A_355] : memref<6x80x64xf32, #tpu.memory_space<vmem>> -> memref<1x80x64xf32, #tpu.memory_space<vmem>>
      %dma_start3A_357 = tpu.memref_squeeze %dma_start3A_356 : memref<1x80x64xf32, #tpu.memory_space<vmem>> -> memref<80x64xf32, #tpu.memory_space<vmem>>
      %dma_start3A_358 = arith.constant 0 : i32
      %dma_start3A_359 = tpu.memref_slice %arg6[%sub3A_352, %dma_start3A_358] : memref<250x80xi32, #tpu.memory_space<vmem>> -> memref<1x80xi32, #tpu.memory_space<vmem>>
      %dma_start3A_360 = tpu.memref_squeeze %dma_start3A_359 : memref<1x80xi32, #tpu.memory_space<vmem>> -> memref<80xi32, #tpu.memory_space<vmem>>
      %dma_start3A_361 = arith.constant 0 : i32
      %dma_start3A_362 = arith.constant 0 : i32
      %dma_start3A_363 = tpu.memref_slice %arg2[%dma_start3A_361, %dma_start3A_362] : memref<20000x64xf32, #tpu.memory_space<hbm>> -> memref<20000x64xf32, #tpu.memory_space<hbm>>
      tpu.enqueue_indirect_dma source(%dma_start3A_363 : memref<20000x64xf32, #tpu.memory_space<hbm>>) target(%dma_start3A_357 : memref<80x64xf32, #tpu.memory_space<vmem>>) offsets(%dma_start3A_360 : memref<80xi32, #tpu.memory_space<vmem>>) semaphore(%arg16 : memref<!tpu.dma_semaphore, #tpu.memory_space<semaphore_mem>>)
      %mul3A_364 = arith.constant 6 : i32
      %mul3A_365 = arith.muli %mul3A_364, %scan3A_305 : i32
      %add3A_366 = arith.constant 1 : i32
      %add3A_367 = arith.addi %mul3A_365, %add3A_366 : i32
      %dma_wait3A_368 = arith.constant 0 : i32
      %dma_wait3A_369 = arith.constant 1 : i32
      %dma_wait3A_370 = arith.constant 0 : i32
      %dma_wait3A_371 = arith.constant 0 : i32
      %dma_wait3A_372 = tpu.memref_slice %arg8[%dma_wait3A_369, %dma_wait3A_370, %dma_wait3A_371] : memref<6x80x64xf32, #tpu.memory_space<vmem>> -> memref<1x80x64xf32, #tpu.memory_space<vmem>>
      %dma_wait3A_373 = tpu.memref_squeeze %dma_wait3A_372 : memref<1x80x64xf32, #tpu.memory_space<vmem>> -> memref<80x64xf32, #tpu.memory_space<vmem>>
      %dma_wait3A_374 = arith.constant 0 : i32
      %dma_wait3A_375 = tpu.memref_slice %arg6[%dma_wait3A_368, %dma_wait3A_374] : memref<250x80xi32, #tpu.memory_space<vmem>> -> memref<1x80xi32, #tpu.memory_space<vmem>>
      %dma_wait3A_376 = tpu.memref_squeeze %dma_wait3A_375 : memref<1x80xi32, #tpu.memory_space<vmem>> -> memref<80xi32, #tpu.memory_space<vmem>>
      %dma_wait3A_377 = arith.constant 0 : i32
      %dma_wait3A_378 = arith.constant 0 : i32
      %dma_wait3A_379 = tpu.memref_slice %arg2[%dma_wait3A_377, %dma_wait3A_378] : memref<20000x64xf32, #tpu.memory_space<hbm>> -> memref<20000x64xf32, #tpu.memory_space<hbm>>
      tpu.wait_indirect_dma semaphore(%arg13 : memref<!tpu.dma_semaphore, #tpu.memory_space<semaphore_mem>>) src(%dma_wait3A_379 : memref<20000x64xf32, #tpu.memory_space<hbm>>) dst(%dma_wait3A_373 : memref<80x64xf32, #tpu.memory_space<vmem>>)
      %dma_wait3A_380 = arith.constant 0 : i32
      %dma_wait3A_381 = arith.constant 0 : i32
      %dma_wait3A_382 = arith.constant 0 : i32
      %dma_wait3A_383 = arith.constant 0 : i32
      %dma_wait3A_384 = tpu.memref_slice %arg8[%dma_wait3A_380, %dma_wait3A_382, %dma_wait3A_383] : memref<6x80x64xf32, #tpu.memory_space<vmem>> -> memref<1x80x64xf32, #tpu.memory_space<vmem>>
      %dma_wait3A_385 = tpu.memref_squeeze %dma_wait3A_384 : memref<1x80x64xf32, #tpu.memory_space<vmem>> -> memref<80x64xf32, #tpu.memory_space<vmem>>
      %dma_wait3A_386 = arith.constant 0 : i32
      %dma_wait3A_387 = tpu.memref_slice %arg7[%dma_wait3A_381, %dma_wait3A_386] : memref<250x80xi32, #tpu.memory_space<vmem>> -> memref<1x80xi32, #tpu.memory_space<vmem>>
      %dma_wait3A_388 = tpu.memref_squeeze %dma_wait3A_387 : memref<1x80xi32, #tpu.memory_space<vmem>> -> memref<80xi32, #tpu.memory_space<vmem>>
      %dma_wait3A_389 = arith.constant 0 : i32
      %dma_wait3A_390 = arith.constant 0 : i32
      %dma_wait3A_391 = tpu.memref_slice %arg11[%dma_wait3A_389, %dma_wait3A_390] : memref<10000x64xf32, #tpu.memory_space<vmem_shared>> -> memref<10000x64xf32, #tpu.memory_space<vmem_shared>>
      tpu.wait_indirect_dma semaphore(%arg19 : memref<!tpu.dma_semaphore, #tpu.memory_space<semaphore_mem>>) src(%dma_wait3A_385 : memref<80x64xf32, #tpu.memory_space<vmem>>) dst(%dma_wait3A_391 : memref<10000x64xf32, #tpu.memory_space<vmem_shared>>)
      %dma_start3A_392 = arith.constant 1 : i32
      %dma_start3A_393 = arith.constant 0 : i32
      %dma_start3A_394 = arith.constant 0 : i32
      %dma_start3A_395 = tpu.memref_slice %arg8[%dma_start3A_392, %dma_start3A_393, %dma_start3A_394] : memref<6x80x64xf32, #tpu.memory_space<vmem>> -> memref<1x80x64xf32, #tpu.memory_space<vmem>>
      %dma_start3A_396 = tpu.memref_squeeze %dma_start3A_395 : memref<1x80x64xf32, #tpu.memory_space<vmem>> -> memref<80x64xf32, #tpu.memory_space<vmem>>
      %dma_start3A_397 = arith.constant 0 : i32
      %dma_start3A_398 = tpu.memref_slice %arg7[%add3A_367, %dma_start3A_397] : memref<250x80xi32, #tpu.memory_space<vmem>> -> memref<1x80xi32, #tpu.memory_space<vmem>>
      %dma_start3A_399 = tpu.memref_squeeze %dma_start3A_398 : memref<1x80xi32, #tpu.memory_space<vmem>> -> memref<80xi32, #tpu.memory_space<vmem>>
      %dma_start3A_400 = arith.constant 0 : i32
      %dma_start3A_401 = arith.constant 0 : i32
      %dma_start3A_402 = tpu.memref_slice %arg11[%dma_start3A_400, %dma_start3A_401] : memref<10000x64xf32, #tpu.memory_space<vmem_shared>> -> memref<10000x64xf32, #tpu.memory_space<vmem_shared>>
      tpu.enqueue_indirect_dma source(%dma_start3A_396 : memref<80x64xf32, #tpu.memory_space<vmem>>) target(%dma_start3A_402 : memref<10000x64xf32, #tpu.memory_space<vmem_shared>>) offsets(%dma_start3A_399 : memref<80xi32, #tpu.memory_space<vmem>>) semaphore(%arg19 : memref<!tpu.dma_semaphore, #tpu.memory_space<semaphore_mem>>) {add = true}
      %eq3A_403 = arith.constant 0 : i32
      %eq3A_404 = arith.cmpi eq, %arg0, %eq3A_403 : i32
      %convert_element_type3A_405 = arith.extui %eq3A_404 : i1 to i32
      %cond3A_406 = arith.constant 0 : i32
      %cond3A_407 = arith.cmpi ne, %convert_element_type3A_405, %cond3A_406 : i32
      scf.if %cond3A_407 {
        %get3A = arith.index_cast %add3A_367 : i32 to index
        %get3A_659 = arith.constant 0 : index
        %get3A_660 = tpu.vector_load %arg7[%get3A, %get3A_659] {strides = array<i32>} : memref<250x80xi32, #tpu.memory_space<vmem>>, vector<16xi32>,
        tpu.vector_store_idx %arg10[%get3A_660], %broadcast_in_dim3A_36 {add = true} : memref<10000xf32, #tpu.memory_space<vmem>>[vector<16xi32>], vector<16xf32>,
        %get3A_661 = arith.index_cast %add3A_367 : i32 to index
        %get3A_662 = arith.constant 16 : index
        %get3A_663 = tpu.vector_load %arg7[%get3A_661, %get3A_662] {strides = array<i32>} : memref<250x80xi32, #tpu.memory_space<vmem>>, vector<16xi32>,
        tpu.vector_store_idx %arg10[%get3A_663], %broadcast_in_dim3A_36 {add = true} : memref<10000xf32, #tpu.memory_space<vmem>>[vector<16xi32>], vector<16xf32>,
        %get3A_664 = arith.index_cast %add3A_367 : i32 to index
        %get3A_665 = arith.constant 32 : index
        %get3A_666 = tpu.vector_load %arg7[%get3A_664, %get3A_665] {strides = array<i32>} : memref<250x80xi32, #tpu.memory_space<vmem>>, vector<16xi32>,
        tpu.vector_store_idx %arg10[%get3A_666], %broadcast_in_dim3A_36 {add = true} : memref<10000xf32, #tpu.memory_space<vmem>>[vector<16xi32>], vector<16xf32>,
        %get3A_667 = arith.index_cast %add3A_367 : i32 to index
        %get3A_668 = arith.constant 48 : index
        %get3A_669 = tpu.vector_load %arg7[%get3A_667, %get3A_668] {strides = array<i32>} : memref<250x80xi32, #tpu.memory_space<vmem>>, vector<16xi32>,
        tpu.vector_store_idx %arg10[%get3A_669], %broadcast_in_dim3A_36 {add = true} : memref<10000xf32, #tpu.memory_space<vmem>>[vector<16xi32>], vector<16xf32>,
        %get3A_670 = arith.index_cast %add3A_367 : i32 to index
        %get3A_671 = arith.constant 64 : index
        %get3A_672 = tpu.vector_load %arg7[%get3A_670, %get3A_671] {strides = array<i32>} : memref<250x80xi32, #tpu.memory_space<vmem>>, vector<16xi32>,
        tpu.vector_store_idx %arg10[%get3A_672], %broadcast_in_dim3A_36 {add = true} : memref<10000xf32, #tpu.memory_space<vmem>>[vector<16xi32>], vector<16xf32>,
      } else {
      }
      %add3A_408 = arith.constant 6 : i32
      %add3A_409 = arith.addi %add3A_367, %add3A_408 : i32
      %sub3A_410 = arith.constant 2 : i32
      %sub3A_411 = arith.subi %add3A_409, %sub3A_410 : i32
      %dma_start3A_412 = arith.constant 5 : i32
      %dma_start3A_413 = arith.constant 0 : i32
      %dma_start3A_414 = arith.constant 0 : i32
      %dma_start3A_415 = tpu.memref_slice %arg8[%dma_start3A_412, %dma_start3A_413, %dma_start3A_414] : memref<6x80x64xf32, #tpu.memory_space<vmem>> -> memref<1x80x64xf32, #tpu.memory_space<vmem>>
      %dma_start3A_416 = tpu.memref_squeeze %dma_start3A_415 : memref<1x80x64xf32, #tpu.memory_space<vmem>> -> memref<80x64xf32, #tpu.memory_space<vmem>>
      %dma_start3A_417 = arith.constant 0 : i32
      %dma_start3A_418 = tpu.memref_slice %arg6[%sub3A_411, %dma_start3A_417] : memref<250x80xi32, #tpu.memory_space<vmem>> -> memref<1x80xi32, #tpu.memory_space<vmem>>
      %dma_start3A_419 = tpu.memref_squeeze %dma_start3A_418 : memref<1x80xi32, #tpu.memory_space<vmem>> -> memref<80xi32, #tpu.memory_space<vmem>>
      %dma_start3A_420 = arith.constant 0 : i32
      %dma_start3A_421 = arith.constant 0 : i32
      %dma_start3A_422 = tpu.memref_slice %arg2[%dma_start3A_420, %dma_start3A_421] : memref<20000x64xf32, #tpu.memory_space<hbm>> -> memref<20000x64xf32, #tpu.memory_space<hbm>>
      tpu.enqueue_indirect_dma source(%dma_start3A_422 : memref<20000x64xf32, #tpu.memory_space<hbm>>) target(%dma_start3A_416 : memref<80x64xf32, #tpu.memory_space<vmem>>) offsets(%dma_start3A_419 : memref<80xi32, #tpu.memory_space<vmem>>) semaphore(%arg17 : memref<!tpu.dma_semaphore, #tpu.memory_space<semaphore_mem>>)
      %mul3A_423 = arith.constant 6 : i32
      %mul3A_424 = arith.muli %mul3A_423, %scan3A_305 : i32
      %add3A_425 = arith.constant 2 : i32
      %add3A_426 = arith.addi %mul3A_424, %add3A_425 : i32
      %dma_wait3A_427 = arith.constant 0 : i32
      %dma_wait3A_428 = arith.constant 2 : i32
      %dma_wait3A_429 = arith.constant 0 : i32
      %dma_wait3A_430 = arith.constant 0 : i32
      %dma_wait3A_431 = tpu.memref_slice %arg8[%dma_wait3A_428, %dma_wait3A_429, %dma_wait3A_430] : memref<6x80x64xf32, #tpu.memory_space<vmem>> -> memref<1x80x64xf32, #tpu.memory_space<vmem>>
      %dma_wait3A_432 = tpu.memref_squeeze %dma_wait3A_431 : memref<1x80x64xf32, #tpu.memory_space<vmem>> -> memref<80x64xf32, #tpu.memory_space<vmem>>
      %dma_wait3A_433 = arith.constant 0 : i32
      %dma_wait3A_434 = tpu.memref_slice %arg6[%dma_wait3A_427, %dma_wait3A_433] : memref<250x80xi32, #tpu.memory_space<vmem>> -> memref<1x80xi32, #tpu.memory_space<vmem>>
      %dma_wait3A_435 = tpu.memref_squeeze %dma_wait3A_434 : memref<1x80xi32, #tpu.memory_space<vmem>> -> memref<80xi32, #tpu.memory_space<vmem>>
      %dma_wait3A_436 = arith.constant 0 : i32
      %dma_wait3A_437 = arith.constant 0 : i32
      %dma_wait3A_438 = tpu.memref_slice %arg2[%dma_wait3A_436, %dma_wait3A_437] : memref<20000x64xf32, #tpu.memory_space<hbm>> -> memref<20000x64xf32, #tpu.memory_space<hbm>>
      tpu.wait_indirect_dma semaphore(%arg14 : memref<!tpu.dma_semaphore, #tpu.memory_space<semaphore_mem>>) src(%dma_wait3A_438 : memref<20000x64xf32, #tpu.memory_space<hbm>>) dst(%dma_wait3A_432 : memref<80x64xf32, #tpu.memory_space<vmem>>)
      %dma_wait3A_439 = arith.constant 0 : i32
      %dma_wait3A_440 = arith.constant 0 : i32
      %dma_wait3A_441 = arith.constant 0 : i32
      %dma_wait3A_442 = arith.constant 0 : i32
      %dma_wait3A_443 = tpu.memref_slice %arg8[%dma_wait3A_439, %dma_wait3A_441, %dma_wait3A_442] : memref<6x80x64xf32, #tpu.memory_space<vmem>> -> memref<1x80x64xf32, #tpu.memory_space<vmem>>
      %dma_wait3A_444 = tpu.memref_squeeze %dma_wait3A_443 : memref<1x80x64xf32, #tpu.memory_space<vmem>> -> memref<80x64xf32, #tpu.memory_space<vmem>>
      %dma_wait3A_445 = arith.constant 0 : i32
      %dma_wait3A_446 = tpu.memref_slice %arg7[%dma_wait3A_440, %dma_wait3A_445] : memref<250x80xi32, #tpu.memory_space<vmem>> -> memref<1x80xi32, #tpu.memory_space<vmem>>
      %dma_wait3A_447 = tpu.memref_squeeze %dma_wait3A_446 : memref<1x80xi32, #tpu.memory_space<vmem>> -> memref<80xi32, #tpu.memory_space<vmem>>
      %dma_wait3A_448 = arith.constant 0 : i32
      %dma_wait3A_449 = arith.constant 0 : i32
      %dma_wait3A_450 = tpu.memref_slice %arg11[%dma_wait3A_448, %dma_wait3A_449] : memref<10000x64xf32, #tpu.memory_space<vmem_shared>> -> memref<10000x64xf32, #tpu.memory_space<vmem_shared>>
      tpu.wait_indirect_dma semaphore(%arg18 : memref<!tpu.dma_semaphore, #tpu.memory_space<semaphore_mem>>) src(%dma_wait3A_444 : memref<80x64xf32, #tpu.memory_space<vmem>>) dst(%dma_wait3A_450 : memref<10000x64xf32, #tpu.memory_space<vmem_shared>>)
      %dma_start3A_451 = arith.constant 2 : i32
      %dma_start3A_452 = arith.constant 0 : i32
      %dma_start3A_453 = arith.constant 0 : i32
      %dma_start3A_454 = tpu.memref_slice %arg8[%dma_start3A_451, %dma_start3A_452, %dma_start3A_453] : memref<6x80x64xf32, #tpu.memory_space<vmem>> -> memref<1x80x64xf32, #tpu.memory_space<vmem>>
      %dma_start3A_455 = tpu.memref_squeeze %dma_start3A_454 : memref<1x80x64xf32, #tpu.memory_space<vmem>> -> memref<80x64xf32, #tpu.memory_space<vmem>>
      %dma_start3A_456 = arith.constant 0 : i32
      %dma_start3A_457 = tpu.memref_slice %arg7[%add3A_426, %dma_start3A_456] : memref<250x80xi32, #tpu.memory_space<vmem>> -> memref<1x80xi32, #tpu.memory_space<vmem>>
      %dma_start3A_458 = tpu.memref_squeeze %dma_start3A_457 : memref<1x80xi32, #tpu.memory_space<vmem>> -> memref<80xi32, #tpu.memory_space<vmem>>
      %dma_start3A_459 = arith.constant 0 : i32
      %dma_start3A_460 = arith.constant 0 : i32
      %dma_start3A_461 = tpu.memref_slice %arg11[%dma_start3A_459, %dma_start3A_460] : memref<10000x64xf32, #tpu.memory_space<vmem_shared>> -> memref<10000x64xf32, #tpu.memory_space<vmem_shared>>
      tpu.enqueue_indirect_dma source(%dma_start3A_455 : memref<80x64xf32, #tpu.memory_space<vmem>>) target(%dma_start3A_461 : memref<10000x64xf32, #tpu.memory_space<vmem_shared>>) offsets(%dma_start3A_458 : memref<80xi32, #tpu.memory_space<vmem>>) semaphore(%arg18 : memref<!tpu.dma_semaphore, #tpu.memory_space<semaphore_mem>>) {add = true}
      %eq3A_462 = arith.constant 0 : i32
      %eq3A_463 = arith.cmpi eq, %arg0, %eq3A_462 : i32
      %convert_element_type3A_464 = arith.extui %eq3A_463 : i1 to i32
      %cond3A_465 = arith.constant 0 : i32
      %cond3A_466 = arith.cmpi ne, %convert_element_type3A_464, %cond3A_465 : i32
      scf.if %cond3A_466 {
        %get3A = arith.index_cast %add3A_426 : i32 to index
        %get3A_659 = arith.constant 0 : index
        %get3A_660 = tpu.vector_load %arg7[%get3A, %get3A_659] {strides = array<i32>} : memref<250x80xi32, #tpu.memory_space<vmem>>, vector<16xi32>,
        tpu.vector_store_idx %arg10[%get3A_660], %broadcast_in_dim3A_36 {add = true} : memref<10000xf32, #tpu.memory_space<vmem>>[vector<16xi32>], vector<16xf32>,
        %get3A_661 = arith.index_cast %add3A_426 : i32 to index
        %get3A_662 = arith.constant 16 : index
        %get3A_663 = tpu.vector_load %arg7[%get3A_661, %get3A_662] {strides = array<i32>} : memref<250x80xi32, #tpu.memory_space<vmem>>, vector<16xi32>,
        tpu.vector_store_idx %arg10[%get3A_663], %broadcast_in_dim3A_36 {add = true} : memref<10000xf32, #tpu.memory_space<vmem>>[vector<16xi32>], vector<16xf32>,
        %get3A_664 = arith.index_cast %add3A_426 : i32 to index
        %get3A_665 = arith.constant 32 : index
        %get3A_666 = tpu.vector_load %arg7[%get3A_664, %get3A_665] {strides = array<i32>} : memref<250x80xi32, #tpu.memory_space<vmem>>, vector<16xi32>,
        tpu.vector_store_idx %arg10[%get3A_666], %broadcast_in_dim3A_36 {add = true} : memref<10000xf32, #tpu.memory_space<vmem>>[vector<16xi32>], vector<16xf32>,
        %get3A_667 = arith.index_cast %add3A_426 : i32 to index
        %get3A_668 = arith.constant 48 : index
        %get3A_669 = tpu.vector_load %arg7[%get3A_667, %get3A_668] {strides = array<i32>} : memref<250x80xi32, #tpu.memory_space<vmem>>, vector<16xi32>,
        tpu.vector_store_idx %arg10[%get3A_669], %broadcast_in_dim3A_36 {add = true} : memref<10000xf32, #tpu.memory_space<vmem>>[vector<16xi32>], vector<16xf32>,
        %get3A_670 = arith.index_cast %add3A_426 : i32 to index
        %get3A_671 = arith.constant 64 : index
        %get3A_672 = tpu.vector_load %arg7[%get3A_670, %get3A_671] {strides = array<i32>} : memref<250x80xi32, #tpu.memory_space<vmem>>, vector<16xi32>,
        tpu.vector_store_idx %arg10[%get3A_672], %broadcast_in_dim3A_36 {add = true} : memref<10000xf32, #tpu.memory_space<vmem>>[vector<16xi32>], vector<16xf32>,
      } else {
      }
      %add3A_467 = arith.constant 6 : i32
      %add3A_468 = arith.addi %add3A_426, %add3A_467 : i32
      %sub3A_469 = arith.constant 2 : i32
      %sub3A_470 = arith.subi %add3A_468, %sub3A_469 : i32
      %dma_start3A_471 = arith.constant 0 : i32
      %dma_start3A_472 = arith.constant 0 : i32
      %dma_start3A_473 = arith.constant 0 : i32
      %dma_start3A_474 = tpu.memref_slice %arg8[%dma_start3A_471, %dma_start3A_472, %dma_start3A_473] : memref<6x80x64xf32, #tpu.memory_space<vmem>> -> memref<1x80x64xf32, #tpu.memory_space<vmem>>
      %dma_start3A_475 = tpu.memref_squeeze %dma_start3A_474 : memref<1x80x64xf32, #tpu.memory_space<vmem>> -> memref<80x64xf32, #tpu.memory_space<vmem>>
      %dma_start3A_476 = arith.constant 0 : i32
      %dma_start3A_477 = tpu.memref_slice %arg6[%sub3A_470, %dma_start3A_476] : memref<250x80xi32, #tpu.memory_space<vmem>> -> memref<1x80xi32, #tpu.memory_space<vmem>>
      %dma_start3A_478 = tpu.memref_squeeze %dma_start3A_477 : memref<1x80xi32, #tpu.memory_space<vmem>> -> memref<80xi32, #tpu.memory_space<vmem>>
      %dma_start3A_479 = arith.constant 0 : i32
      %dma_start3A_480 = arith.constant 0 : i32
      %dma_start3A_481 = tpu.memref_slice %arg2[%dma_start3A_479, %dma_start3A_480] : memref<20000x64xf32, #tpu.memory_space<hbm>> -> memref<20000x64xf32, #tpu.memory_space<hbm>>
      tpu.enqueue_indirect_dma source(%dma_start3A_481 : memref<20000x64xf32, #tpu.memory_space<hbm>>) target(%dma_start3A_475 : memref<80x64xf32, #tpu.memory_space<vmem>>) offsets(%dma_start3A_478 : memref<80xi32, #tpu.memory_space<vmem>>) semaphore(%arg12 : memref<!tpu.dma_semaphore, #tpu.memory_space<semaphore_mem>>)
      %mul3A_482 = arith.constant 6 : i32
      %mul3A_483 = arith.muli %mul3A_482, %scan3A_305 : i32
      %add3A_484 = arith.constant 3 : i32
      %add3A_485 = arith.addi %mul3A_483, %add3A_484 : i32
      %dma_wait3A_486 = arith.constant 0 : i32
      %dma_wait3A_487 = arith.constant 3 : i32
      %dma_wait3A_488 = arith.constant 0 : i32
      %dma_wait3A_489 = arith.constant 0 : i32
      %dma_wait3A_490 = tpu.memref_slice %arg8[%dma_wait3A_487, %dma_wait3A_488, %dma_wait3A_489] : memref<6x80x64xf32, #tpu.memory_space<vmem>> -> memref<1x80x64xf32, #tpu.memory_space<vmem>>
      %dma_wait3A_491 = tpu.memref_squeeze %dma_wait3A_490 : memref<1x80x64xf32, #tpu.memory_space<vmem>> -> memref<80x64xf32, #tpu.memory_space<vmem>>
      %dma_wait3A_492 = arith.constant 0 : i32
      %dma_wait3A_493 = tpu.memref_slice %arg6[%dma_wait3A_486, %dma_wait3A_492] : memref<250x80xi32, #tpu.memory_space<vmem>> -> memref<1x80xi32, #tpu.memory_space<vmem>>
      %dma_wait3A_494 = tpu.memref_squeeze %dma_wait3A_493 : memref<1x80xi32, #tpu.memory_space<vmem>> -> memref<80xi32, #tpu.memory_space<vmem>>
      %dma_wait3A_495 = arith.constant 0 : i32
      %dma_wait3A_496 = arith.constant 0 : i32
      %dma_wait3A_497 = tpu.memref_slice %arg2[%dma_wait3A_495, %dma_wait3A_496] : memref<20000x64xf32, #tpu.memory_space<hbm>> -> memref<20000x64xf32, #tpu.memory_space<hbm>>
      tpu.wait_indirect_dma semaphore(%arg15 : memref<!tpu.dma_semaphore, #tpu.memory_space<semaphore_mem>>) src(%dma_wait3A_497 : memref<20000x64xf32, #tpu.memory_space<hbm>>) dst(%dma_wait3A_491 : memref<80x64xf32, #tpu.memory_space<vmem>>)
      %dma_wait3A_498 = arith.constant 0 : i32
      %dma_wait3A_499 = arith.constant 0 : i32
      %dma_wait3A_500 = arith.constant 0 : i32
      %dma_wait3A_501 = arith.constant 0 : i32
      %dma_wait3A_502 = tpu.memref_slice %arg8[%dma_wait3A_498, %dma_wait3A_500, %dma_wait3A_501] : memref<6x80x64xf32, #tpu.memory_space<vmem>> -> memref<1x80x64xf32, #tpu.memory_space<vmem>>
      %dma_wait3A_503 = tpu.memref_squeeze %dma_wait3A_502 : memref<1x80x64xf32, #tpu.memory_space<vmem>> -> memref<80x64xf32, #tpu.memory_space<vmem>>
      %dma_wait3A_504 = arith.constant 0 : i32
      %dma_wait3A_505 = tpu.memref_slice %arg7[%dma_wait3A_499, %dma_wait3A_504] : memref<250x80xi32, #tpu.memory_space<vmem>> -> memref<1x80xi32, #tpu.memory_space<vmem>>
      %dma_wait3A_506 = tpu.memref_squeeze %dma_wait3A_505 : memref<1x80xi32, #tpu.memory_space<vmem>> -> memref<80xi32, #tpu.memory_space<vmem>>
      %dma_wait3A_507 = arith.constant 0 : i32
      %dma_wait3A_508 = arith.constant 0 : i32
      %dma_wait3A_509 = tpu.memref_slice %arg11[%dma_wait3A_507, %dma_wait3A_508] : memref<10000x64xf32, #tpu.memory_space<vmem_shared>> -> memref<10000x64xf32, #tpu.memory_space<vmem_shared>>
      tpu.wait_indirect_dma semaphore(%arg19 : memref<!tpu.dma_semaphore, #tpu.memory_space<semaphore_mem>>) src(%dma_wait3A_503 : memref<80x64xf32, #tpu.memory_space<vmem>>) dst(%dma_wait3A_509 : memref<10000x64xf32, #tpu.memory_space<vmem_shared>>)
      %dma_start3A_510 = arith.constant 3 : i32
      %dma_start3A_511 = arith.constant 0 : i32
      %dma_start3A_512 = arith.constant 0 : i32
      %dma_start3A_513 = tpu.memref_slice %arg8[%dma_start3A_510, %dma_start3A_511, %dma_start3A_512] : memref<6x80x64xf32, #tpu.memory_space<vmem>> -> memref<1x80x64xf32, #tpu.memory_space<vmem>>
      %dma_start3A_514 = tpu.memref_squeeze %dma_start3A_513 : memref<1x80x64xf32, #tpu.memory_space<vmem>> -> memref<80x64xf32, #tpu.memory_space<vmem>>
      %dma_start3A_515 = arith.constant 0 : i32
      %dma_start3A_516 = tpu.memref_slice %arg7[%add3A_485, %dma_start3A_515] : memref<250x80xi32, #tpu.memory_space<vmem>> -> memref<1x80xi32, #tpu.memory_space<vmem>>
      %dma_start3A_517 = tpu.memref_squeeze %dma_start3A_516 : memref<1x80xi32, #tpu.memory_space<vmem>> -> memref<80xi32, #tpu.memory_space<vmem>>
      %dma_start3A_518 = arith.constant 0 : i32
      %dma_start3A_519 = arith.constant 0 : i32
      %dma_start3A_520 = tpu.memref_slice %arg11[%dma_start3A_518, %dma_start3A_519] : memref<10000x64xf32, #tpu.memory_space<vmem_shared>> -> memref<10000x64xf32, #tpu.memory_space<vmem_shared>>
      tpu.enqueue_indirect_dma source(%dma_start3A_514 : memref<80x64xf32, #tpu.memory_space<vmem>>) target(%dma_start3A_520 : memref<10000x64xf32, #tpu.memory_space<vmem_shared>>) offsets(%dma_start3A_517 : memref<80xi32, #tpu.memory_space<vmem>>) semaphore(%arg19 : memref<!tpu.dma_semaphore, #tpu.memory_space<semaphore_mem>>) {add = true}
      %eq3A_521 = arith.constant 0 : i32
      %eq3A_522 = arith.cmpi eq, %arg0, %eq3A_521 : i32
      %convert_element_type3A_523 = arith.extui %eq3A_522 : i1 to i32
      %cond3A_524 = arith.constant 0 : i32
      %cond3A_525 = arith.cmpi ne, %convert_element_type3A_523, %cond3A_524 : i32
      scf.if %cond3A_525 {
        %get3A = arith.index_cast %add3A_485 : i32 to index
        %get3A_659 = arith.constant 0 : index
        %get3A_660 = tpu.vector_load %arg7[%get3A, %get3A_659] {strides = array<i32>} : memref<250x80xi32, #tpu.memory_space<vmem>>, vector<16xi32>,
        tpu.vector_store_idx %arg10[%get3A_660], %broadcast_in_dim3A_36 {add = true} : memref<10000xf32, #tpu.memory_space<vmem>>[vector<16xi32>], vector<16xf32>,
        %get3A_661 = arith.index_cast %add3A_485 : i32 to index
        %get3A_662 = arith.constant 16 : index
        %get3A_663 = tpu.vector_load %arg7[%get3A_661, %get3A_662] {strides = array<i32>} : memref<250x80xi32, #tpu.memory_space<vmem>>, vector<16xi32>,
        tpu.vector_store_idx %arg10[%get3A_663], %broadcast_in_dim3A_36 {add = true} : memref<10000xf32, #tpu.memory_space<vmem>>[vector<16xi32>], vector<16xf32>,
        %get3A_664 = arith.index_cast %add3A_485 : i32 to index
        %get3A_665 = arith.constant 32 : index
        %get3A_666 = tpu.vector_load %arg7[%get3A_664, %get3A_665] {strides = array<i32>} : memref<250x80xi32, #tpu.memory_space<vmem>>, vector<16xi32>,
        tpu.vector_store_idx %arg10[%get3A_666], %broadcast_in_dim3A_36 {add = true} : memref<10000xf32, #tpu.memory_space<vmem>>[vector<16xi32>], vector<16xf32>,
        %get3A_667 = arith.index_cast %add3A_485 : i32 to index
        %get3A_668 = arith.constant 48 : index
        %get3A_669 = tpu.vector_load %arg7[%get3A_667, %get3A_668] {strides = array<i32>} : memref<250x80xi32, #tpu.memory_space<vmem>>, vector<16xi32>,
        tpu.vector_store_idx %arg10[%get3A_669], %broadcast_in_dim3A_36 {add = true} : memref<10000xf32, #tpu.memory_space<vmem>>[vector<16xi32>], vector<16xf32>,
        %get3A_670 = arith.index_cast %add3A_485 : i32 to index
        %get3A_671 = arith.constant 64 : index
        %get3A_672 = tpu.vector_load %arg7[%get3A_670, %get3A_671] {strides = array<i32>} : memref<250x80xi32, #tpu.memory_space<vmem>>, vector<16xi32>,
        tpu.vector_store_idx %arg10[%get3A_672], %broadcast_in_dim3A_36 {add = true} : memref<10000xf32, #tpu.memory_space<vmem>>[vector<16xi32>], vector<16xf32>,
      } else {
      }
      %add3A_526 = arith.constant 6 : i32
      %add3A_527 = arith.addi %add3A_485, %add3A_526 : i32
      %sub3A_528 = arith.constant 2 : i32
      %sub3A_529 = arith.subi %add3A_527, %sub3A_528 : i32
      %dma_start3A_530 = arith.constant 1 : i32
      %dma_start3A_531 = arith.constant 0 : i32
      %dma_start3A_532 = arith.constant 0 : i32
      %dma_start3A_533 = tpu.memref_slice %arg8[%dma_start3A_530, %dma_start3A_531, %dma_start3A_532] : memref<6x80x64xf32, #tpu.memory_space<vmem>> -> memref<1x80x64xf32, #tpu.memory_space<vmem>>
      %dma_start3A_534 = tpu.memref_squeeze %dma_start3A_533 : memref<1x80x64xf32, #tpu.memory_space<vmem>> -> memref<80x64xf32, #tpu.memory_space<vmem>>
      %dma_start3A_535 = arith.constant 0 : i32
      %dma_start3A_536 = tpu.memref_slice %arg6[%sub3A_529, %dma_start3A_535] : memref<250x80xi32, #tpu.memory_space<vmem>> -> memref<1x80xi32, #tpu.memory_space<vmem>>
      %dma_start3A_537 = tpu.memref_squeeze %dma_start3A_536 : memref<1x80xi32, #tpu.memory_space<vmem>> -> memref<80xi32, #tpu.memory_space<vmem>>
      %dma_start3A_538 = arith.constant 0 : i32
      %dma_start3A_539 = arith.constant 0 : i32
      %dma_start3A_540 = tpu.memref_slice %arg2[%dma_start3A_538, %dma_start3A_539] : memref<20000x64xf32, #tpu.memory_space<hbm>> -> memref<20000x64xf32, #tpu.memory_space<hbm>>
      tpu.enqueue_indirect_dma source(%dma_start3A_540 : memref<20000x64xf32, #tpu.memory_space<hbm>>) target(%dma_start3A_534 : memref<80x64xf32, #tpu.memory_space<vmem>>) offsets(%dma_start3A_537 : memref<80xi32, #tpu.memory_space<vmem>>) semaphore(%arg13 : memref<!tpu.dma_semaphore, #tpu.memory_space<semaphore_mem>>)
      %mul3A_541 = arith.constant 6 : i32
      %mul3A_542 = arith.muli %mul3A_541, %scan3A_305 : i32
      %add3A_543 = arith.constant 4 : i32
      %add3A_544 = arith.addi %mul3A_542, %add3A_543 : i32
      %dma_wait3A_545 = arith.constant 0 : i32
      %dma_wait3A_546 = arith.constant 4 : i32
      %dma_wait3A_547 = arith.constant 0 : i32
      %dma_wait3A_548 = arith.constant 0 : i32
      %dma_wait3A_549 = tpu.memref_slice %arg8[%dma_wait3A_546, %dma_wait3A_547, %dma_wait3A_548] : memref<6x80x64xf32, #tpu.memory_space<vmem>> -> memref<1x80x64xf32, #tpu.memory_space<vmem>>
      %dma_wait3A_550 = tpu.memref_squeeze %dma_wait3A_549 : memref<1x80x64xf32, #tpu.memory_space<vmem>> -> memref<80x64xf32, #tpu.memory_space<vmem>>
      %dma_wait3A_551 = arith.constant 0 : i32
      %dma_wait3A_552 = tpu.memref_slice %arg6[%dma_wait3A_545, %dma_wait3A_551] : memref<250x80xi32, #tpu.memory_space<vmem>> -> memref<1x80xi32, #tpu.memory_space<vmem>>
      %dma_wait3A_553 = tpu.memref_squeeze %dma_wait3A_552 : memref<1x80xi32, #tpu.memory_space<vmem>> -> memref<80xi32, #tpu.memory_space<vmem>>
      %dma_wait3A_554 = arith.constant 0 : i32
      %dma_wait3A_555 = arith.constant 0 : i32
      %dma_wait3A_556 = tpu.memref_slice %arg2[%dma_wait3A_554, %dma_wait3A_555] : memref<20000x64xf32, #tpu.memory_space<hbm>> -> memref<20000x64xf32, #tpu.memory_space<hbm>>
      tpu.wait_indirect_dma semaphore(%arg16 : memref<!tpu.dma_semaphore, #tpu.memory_space<semaphore_mem>>) src(%dma_wait3A_556 : memref<20000x64xf32, #tpu.memory_space<hbm>>) dst(%dma_wait3A_550 : memref<80x64xf32, #tpu.memory_space<vmem>>)
      %dma_wait3A_557 = arith.constant 0 : i32
      %dma_wait3A_558 = arith.constant 0 : i32
      %dma_wait3A_559 = arith.constant 0 : i32
      %dma_wait3A_560 = arith.constant 0 : i32
      %dma_wait3A_561 = tpu.memref_slice %arg8[%dma_wait3A_557, %dma_wait3A_559, %dma_wait3A_560] : memref<6x80x64xf32, #tpu.memory_space<vmem>> -> memref<1x80x64xf32, #tpu.memory_space<vmem>>
      %dma_wait3A_562 = tpu.memref_squeeze %dma_wait3A_561 : memref<1x80x64xf32, #tpu.memory_space<vmem>> -> memref<80x64xf32, #tpu.memory_space<vmem>>
      %dma_wait3A_563 = arith.constant 0 : i32
      %dma_wait3A_564 = tpu.memref_slice %arg7[%dma_wait3A_558, %dma_wait3A_563] : memref<250x80xi32, #tpu.memory_space<vmem>> -> memref<1x80xi32, #tpu.memory_space<vmem>>
      %dma_wait3A_565 = tpu.memref_squeeze %dma_wait3A_564 : memref<1x80xi32, #tpu.memory_space<vmem>> -> memref<80xi32, #tpu.memory_space<vmem>>
      %dma_wait3A_566 = arith.constant 0 : i32
      %dma_wait3A_567 = arith.constant 0 : i32
      %dma_wait3A_568 = tpu.memref_slice %arg11[%dma_wait3A_566, %dma_wait3A_567] : memref<10000x64xf32, #tpu.memory_space<vmem_shared>> -> memref<10000x64xf32, #tpu.memory_space<vmem_shared>>
      tpu.wait_indirect_dma semaphore(%arg18 : memref<!tpu.dma_semaphore, #tpu.memory_space<semaphore_mem>>) src(%dma_wait3A_562 : memref<80x64xf32, #tpu.memory_space<vmem>>) dst(%dma_wait3A_568 : memref<10000x64xf32, #tpu.memory_space<vmem_shared>>)
      %dma_start3A_569 = arith.constant 4 : i32
      %dma_start3A_570 = arith.constant 0 : i32
      %dma_start3A_571 = arith.constant 0 : i32
      %dma_start3A_572 = tpu.memref_slice %arg8[%dma_start3A_569, %dma_start3A_570, %dma_start3A_571] : memref<6x80x64xf32, #tpu.memory_space<vmem>> -> memref<1x80x64xf32, #tpu.memory_space<vmem>>
      %dma_start3A_573 = tpu.memref_squeeze %dma_start3A_572 : memref<1x80x64xf32, #tpu.memory_space<vmem>> -> memref<80x64xf32, #tpu.memory_space<vmem>>
      %dma_start3A_574 = arith.constant 0 : i32
      %dma_start3A_575 = tpu.memref_slice %arg7[%add3A_544, %dma_start3A_574] : memref<250x80xi32, #tpu.memory_space<vmem>> -> memref<1x80xi32, #tpu.memory_space<vmem>>
      %dma_start3A_576 = tpu.memref_squeeze %dma_start3A_575 : memref<1x80xi32, #tpu.memory_space<vmem>> -> memref<80xi32, #tpu.memory_space<vmem>>
      %dma_start3A_577 = arith.constant 0 : i32
      %dma_start3A_578 = arith.constant 0 : i32
      %dma_start3A_579 = tpu.memref_slice %arg11[%dma_start3A_577, %dma_start3A_578] : memref<10000x64xf32, #tpu.memory_space<vmem_shared>> -> memref<10000x64xf32, #tpu.memory_space<vmem_shared>>
      tpu.enqueue_indirect_dma source(%dma_start3A_573 : memref<80x64xf32, #tpu.memory_space<vmem>>) target(%dma_start3A_579 : memref<10000x64xf32, #tpu.memory_space<vmem_shared>>) offsets(%dma_start3A_576 : memref<80xi32, #tpu.memory_space<vmem>>) semaphore(%arg18 : memref<!tpu.dma_semaphore, #tpu.memory_space<semaphore_mem>>) {add = true}
      %eq3A_580 = arith.constant 0 : i32
      %eq3A_581 = arith.cmpi eq, %arg0, %eq3A_580 : i32
      %convert_element_type3A_582 = arith.extui %eq3A_581 : i1 to i32
      %cond3A_583 = arith.constant 0 : i32
      %cond3A_584 = arith.cmpi ne, %convert_element_type3A_582, %cond3A_583 : i32
      scf.if %cond3A_584 {
        %get3A = arith.index_cast %add3A_544 : i32 to index
        %get3A_659 = arith.constant 0 : index
        %get3A_660 = tpu.vector_load %arg7[%get3A, %get3A_659] {strides = array<i32>} : memref<250x80xi32, #tpu.memory_space<vmem>>, vector<16xi32>,
        tpu.vector_store_idx %arg10[%get3A_660], %broadcast_in_dim3A_36 {add = true} : memref<10000xf32, #tpu.memory_space<vmem>>[vector<16xi32>], vector<16xf32>,
        %get3A_661 = arith.index_cast %add3A_544 : i32 to index
        %get3A_662 = arith.constant 16 : index
        %get3A_663 = tpu.vector_load %arg7[%get3A_661, %get3A_662] {strides = array<i32>} : memref<250x80xi32, #tpu.memory_space<vmem>>, vector<16xi32>,
        tpu.vector_store_idx %arg10[%get3A_663], %broadcast_in_dim3A_36 {add = true} : memref<10000xf32, #tpu.memory_space<vmem>>[vector<16xi32>], vector<16xf32>,
        %get3A_664 = arith.index_cast %add3A_544 : i32 to index
        %get3A_665 = arith.constant 32 : index
        %get3A_666 = tpu.vector_load %arg7[%get3A_664, %get3A_665] {strides = array<i32>} : memref<250x80xi32, #tpu.memory_space<vmem>>, vector<16xi32>,
        tpu.vector_store_idx %arg10[%get3A_666], %broadcast_in_dim3A_36 {add = true} : memref<10000xf32, #tpu.memory_space<vmem>>[vector<16xi32>], vector<16xf32>,
        %get3A_667 = arith.index_cast %add3A_544 : i32 to index
        %get3A_668 = arith.constant 48 : index
        %get3A_669 = tpu.vector_load %arg7[%get3A_667, %get3A_668] {strides = array<i32>} : memref<250x80xi32, #tpu.memory_space<vmem>>, vector<16xi32>,
        tpu.vector_store_idx %arg10[%get3A_669], %broadcast_in_dim3A_36 {add = true} : memref<10000xf32, #tpu.memory_space<vmem>>[vector<16xi32>], vector<16xf32>,
        %get3A_670 = arith.index_cast %add3A_544 : i32 to index
        %get3A_671 = arith.constant 64 : index
        %get3A_672 = tpu.vector_load %arg7[%get3A_670, %get3A_671] {strides = array<i32>} : memref<250x80xi32, #tpu.memory_space<vmem>>, vector<16xi32>,
        tpu.vector_store_idx %arg10[%get3A_672], %broadcast_in_dim3A_36 {add = true} : memref<10000xf32, #tpu.memory_space<vmem>>[vector<16xi32>], vector<16xf32>,
      } else {
      }
      %add3A_585 = arith.constant 6 : i32
      %add3A_586 = arith.addi %add3A_544, %add3A_585 : i32
      %sub3A_587 = arith.constant 2 : i32
      %sub3A_588 = arith.subi %add3A_586, %sub3A_587 : i32
      %dma_start3A_589 = arith.constant 2 : i32
      %dma_start3A_590 = arith.constant 0 : i32
      %dma_start3A_591 = arith.constant 0 : i32
      %dma_start3A_592 = tpu.memref_slice %arg8[%dma_start3A_589, %dma_start3A_590, %dma_start3A_591] : memref<6x80x64xf32, #tpu.memory_space<vmem>> -> memref<1x80x64xf32, #tpu.memory_space<vmem>>
      %dma_start3A_593 = tpu.memref_squeeze %dma_start3A_592 : memref<1x80x64xf32, #tpu.memory_space<vmem>> -> memref<80x64xf32, #tpu.memory_space<vmem>>
      %dma_start3A_594 = arith.constant 0 : i32
      %dma_start3A_595 = tpu.memref_slice %arg6[%sub3A_588, %dma_start3A_594] : memref<250x80xi32, #tpu.memory_space<vmem>> -> memref<1x80xi32, #tpu.memory_space<vmem>>
      %dma_start3A_596 = tpu.memref_squeeze %dma_start3A_595 : memref<1x80xi32, #tpu.memory_space<vmem>> -> memref<80xi32, #tpu.memory_space<vmem>>
      %dma_start3A_597 = arith.constant 0 : i32
      %dma_start3A_598 = arith.constant 0 : i32
      %dma_start3A_599 = tpu.memref_slice %arg2[%dma_start3A_597, %dma_start3A_598] : memref<20000x64xf32, #tpu.memory_space<hbm>> -> memref<20000x64xf32, #tpu.memory_space<hbm>>
      tpu.enqueue_indirect_dma source(%dma_start3A_599 : memref<20000x64xf32, #tpu.memory_space<hbm>>) target(%dma_start3A_593 : memref<80x64xf32, #tpu.memory_space<vmem>>) offsets(%dma_start3A_596 : memref<80xi32, #tpu.memory_space<vmem>>) semaphore(%arg14 : memref<!tpu.dma_semaphore, #tpu.memory_space<semaphore_mem>>)
      %mul3A_600 = arith.constant 6 : i32
      %mul3A_601 = arith.muli %mul3A_600, %scan3A_305 : i32
      %add3A_602 = arith.constant 5 : i32
      %add3A_603 = arith.addi %mul3A_601, %add3A_602 : i32
      %dma_wait3A_604 = arith.constant 0 : i32
      %dma_wait3A_605 = arith.constant 5 : i32
      %dma_wait3A_606 = arith.constant 0 : i32
      %dma_wait3A_607 = arith.constant 0 : i32
      %dma_wait3A_608 = tpu.memref_slice %arg8[%dma_wait3A_605, %dma_wait3A_606, %dma_wait3A_607] : memref<6x80x64xf32, #tpu.memory_space<vmem>> -> memref<1x80x64xf32, #tpu.memory_space<vmem>>
      %dma_wait3A_609 = tpu.memref_squeeze %dma_wait3A_608 : memref<1x80x64xf32, #tpu.memory_space<vmem>> -> memref<80x64xf32, #tpu.memory_space<vmem>>
      %dma_wait3A_610 = arith.constant 0 : i32
      %dma_wait3A_611 = tpu.memref_slice %arg6[%dma_wait3A_604, %dma_wait3A_610] : memref<250x80xi32, #tpu.memory_space<vmem>> -> memref<1x80xi32, #tpu.memory_space<vmem>>
      %dma_wait3A_612 = tpu.memref_squeeze %dma_wait3A_611 : memref<1x80xi32, #tpu.memory_space<vmem>> -> memref<80xi32, #tpu.memory_space<vmem>>
      %dma_wait3A_613 = arith.constant 0 : i32
      %dma_wait3A_614 = arith.constant 0 : i32
      %dma_wait3A_615 = tpu.memref_slice %arg2[%dma_wait3A_613, %dma_wait3A_614] : memref<20000x64xf32, #tpu.memory_space<hbm>> -> memref<20000x64xf32, #tpu.memory_space<hbm>>
      tpu.wait_indirect_dma semaphore(%arg17 : memref<!tpu.dma_semaphore, #tpu.memory_space<semaphore_mem>>) src(%dma_wait3A_615 : memref<20000x64xf32, #tpu.memory_space<hbm>>) dst(%dma_wait3A_609 : memref<80x64xf32, #tpu.memory_space<vmem>>)
      %dma_wait3A_616 = arith.constant 0 : i32
      %dma_wait3A_617 = arith.constant 0 : i32
      %dma_wait3A_618 = arith.constant 0 : i32
      %dma_wait3A_619 = arith.constant 0 : i32
      %dma_wait3A_620 = tpu.memref_slice %arg8[%dma_wait3A_616, %dma_wait3A_618, %dma_wait3A_619] : memref<6x80x64xf32, #tpu.memory_space<vmem>> -> memref<1x80x64xf32, #tpu.memory_space<vmem>>
      %dma_wait3A_621 = tpu.memref_squeeze %dma_wait3A_620 : memref<1x80x64xf32, #tpu.memory_space<vmem>> -> memref<80x64xf32, #tpu.memory_space<vmem>>
      %dma_wait3A_622 = arith.constant 0 : i32
      %dma_wait3A_623 = tpu.memref_slice %arg7[%dma_wait3A_617, %dma_wait3A_622] : memref<250x80xi32, #tpu.memory_space<vmem>> -> memref<1x80xi32, #tpu.memory_space<vmem>>
      %dma_wait3A_624 = tpu.memref_squeeze %dma_wait3A_623 : memref<1x80xi32, #tpu.memory_space<vmem>> -> memref<80xi32, #tpu.memory_space<vmem>>
      %dma_wait3A_625 = arith.constant 0 : i32
      %dma_wait3A_626 = arith.constant 0 : i32
      %dma_wait3A_627 = tpu.memref_slice %arg11[%dma_wait3A_625, %dma_wait3A_626] : memref<10000x64xf32, #tpu.memory_space<vmem_shared>> -> memref<10000x64xf32, #tpu.memory_space<vmem_shared>>
      tpu.wait_indirect_dma semaphore(%arg19 : memref<!tpu.dma_semaphore, #tpu.memory_space<semaphore_mem>>) src(%dma_wait3A_621 : memref<80x64xf32, #tpu.memory_space<vmem>>) dst(%dma_wait3A_627 : memref<10000x64xf32, #tpu.memory_space<vmem_shared>>)
      %dma_start3A_628 = arith.constant 5 : i32
      %dma_start3A_629 = arith.constant 0 : i32
      %dma_start3A_630 = arith.constant 0 : i32
      %dma_start3A_631 = tpu.memref_slice %arg8[%dma_start3A_628, %dma_start3A_629, %dma_start3A_630] : memref<6x80x64xf32, #tpu.memory_space<vmem>> -> memref<1x80x64xf32, #tpu.memory_space<vmem>>
      %dma_start3A_632 = tpu.memref_squeeze %dma_start3A_631 : memref<1x80x64xf32, #tpu.memory_space<vmem>> -> memref<80x64xf32, #tpu.memory_space<vmem>>
      %dma_start3A_633 = arith.constant 0 : i32
      %dma_start3A_634 = tpu.memref_slice %arg7[%add3A_603, %dma_start3A_633] : memref<250x80xi32, #tpu.memory_space<vmem>> -> memref<1x80xi32, #tpu.memory_space<vmem>>
      %dma_start3A_635 = tpu.memref_squeeze %dma_start3A_634 : memref<1x80xi32, #tpu.memory_space<vmem>> -> memref<80xi32, #tpu.memory_space<vmem>>
      %dma_start3A_636 = arith.constant 0 : i32
      %dma_start3A_637 = arith.constant 0 : i32
      %dma_start3A_638 = tpu.memref_slice %arg11[%dma_start3A_636, %dma_start3A_637] : memref<10000x64xf32, #tpu.memory_space<vmem_shared>> -> memref<10000x64xf32, #tpu.memory_space<vmem_shared>>
      tpu.enqueue_indirect_dma source(%dma_start3A_632 : memref<80x64xf32, #tpu.memory_space<vmem>>) target(%dma_start3A_638 : memref<10000x64xf32, #tpu.memory_space<vmem_shared>>) offsets(%dma_start3A_635 : memref<80xi32, #tpu.memory_space<vmem>>) semaphore(%arg19 : memref<!tpu.dma_semaphore, #tpu.memory_space<semaphore_mem>>) {add = true}
      %eq3A_639 = arith.constant 0 : i32
      %eq3A_640 = arith.cmpi eq, %arg0, %eq3A_639 : i32
      %convert_element_type3A_641 = arith.extui %eq3A_640 : i1 to i32
      %cond3A_642 = arith.constant 0 : i32
      %cond3A_643 = arith.cmpi ne, %convert_element_type3A_641, %cond3A_642 : i32
      scf.if %cond3A_643 {
        %get3A = arith.index_cast %add3A_603 : i32 to index
        %get3A_659 = arith.constant 0 : index
        %get3A_660 = tpu.vector_load %arg7[%get3A, %get3A_659] {strides = array<i32>} : memref<250x80xi32, #tpu.memory_space<vmem>>, vector<16xi32>,
        tpu.vector_store_idx %arg10[%get3A_660], %broadcast_in_dim3A_36 {add = true} : memref<10000xf32, #tpu.memory_space<vmem>>[vector<16xi32>], vector<16xf32>,
        %get3A_661 = arith.index_cast %add3A_603 : i32 to index
        %get3A_662 = arith.constant 16 : index
        %get3A_663 = tpu.vector_load %arg7[%get3A_661, %get3A_662] {strides = array<i32>} : memref<250x80xi32, #tpu.memory_space<vmem>>, vector<16xi32>,
        tpu.vector_store_idx %arg10[%get3A_663], %broadcast_in_dim3A_36 {add = true} : memref<10000xf32, #tpu.memory_space<vmem>>[vector<16xi32>], vector<16xf32>,
        %get3A_664 = arith.index_cast %add3A_603 : i32 to index
        %get3A_665 = arith.constant 32 : index
        %get3A_666 = tpu.vector_load %arg7[%get3A_664, %get3A_665] {strides = array<i32>} : memref<250x80xi32, #tpu.memory_space<vmem>>, vector<16xi32>,
        tpu.vector_store_idx %arg10[%get3A_666], %broadcast_in_dim3A_36 {add = true} : memref<10000xf32, #tpu.memory_space<vmem>>[vector<16xi32>], vector<16xf32>,
        %get3A_667 = arith.index_cast %add3A_603 : i32 to index
        %get3A_668 = arith.constant 48 : index
        %get3A_669 = tpu.vector_load %arg7[%get3A_667, %get3A_668] {strides = array<i32>} : memref<250x80xi32, #tpu.memory_space<vmem>>, vector<16xi32>,
        tpu.vector_store_idx %arg10[%get3A_669], %broadcast_in_dim3A_36 {add = true} : memref<10000xf32, #tpu.memory_space<vmem>>[vector<16xi32>], vector<16xf32>,
        %get3A_670 = arith.index_cast %add3A_603 : i32 to index
        %get3A_671 = arith.constant 64 : index
        %get3A_672 = tpu.vector_load %arg7[%get3A_670, %get3A_671] {strides = array<i32>} : memref<250x80xi32, #tpu.memory_space<vmem>>, vector<16xi32>,
        tpu.vector_store_idx %arg10[%get3A_672], %broadcast_in_dim3A_36 {add = true} : memref<10000xf32, #tpu.memory_space<vmem>>[vector<16xi32>], vector<16xf32>,
      } else {
      }
      %add3A_644 = arith.constant 6 : i32
      %add3A_645 = arith.addi %add3A_603, %add3A_644 : i32
      %sub3A_646 = arith.constant 2 : i32
      %sub3A_647 = arith.subi %add3A_645, %sub3A_646 : i32
      %dma_start3A_648 = arith.constant 3 : i32
      %dma_start3A_649 = arith.constant 0 : i32
      %dma_start3A_650 = arith.constant 0 : i32
      %dma_start3A_651 = tpu.memref_slice %arg8[%dma_start3A_648, %dma_start3A_649, %dma_start3A_650] : memref<6x80x64xf32, #tpu.memory_space<vmem>> -> memref<1x80x64xf32, #tpu.memory_space<vmem>>
      %dma_start3A_652 = tpu.memref_squeeze %dma_start3A_651 : memref<1x80x64xf32, #tpu.memory_space<vmem>> -> memref<80x64xf32, #tpu.memory_space<vmem>>
      %dma_start3A_653 = arith.constant 0 : i32
      %dma_start3A_654 = tpu.memref_slice %arg6[%sub3A_647, %dma_start3A_653] : memref<250x80xi32, #tpu.memory_space<vmem>> -> memref<1x80xi32, #tpu.memory_space<vmem>>
      %dma_start3A_655 = tpu.memref_squeeze %dma_start3A_654 : memref<1x80xi32, #tpu.memory_space<vmem>> -> memref<80xi32, #tpu.memory_space<vmem>>
      %dma_start3A_656 = arith.constant 0 : i32
      %dma_start3A_657 = arith.constant 0 : i32
      %dma_start3A_658 = tpu.memref_slice %arg2[%dma_start3A_656, %dma_start3A_657] : memref<20000x64xf32, #tpu.memory_space<hbm>> -> memref<20000x64xf32, #tpu.memory_space<hbm>>
      tpu.enqueue_indirect_dma source(%dma_start3A_658 : memref<20000x64xf32, #tpu.memory_space<hbm>>) target(%dma_start3A_652 : memref<80x64xf32, #tpu.memory_space<vmem>>) offsets(%dma_start3A_655 : memref<80xi32, #tpu.memory_space<vmem>>) semaphore(%arg15 : memref<!tpu.dma_semaphore, #tpu.memory_space<semaphore_mem>>)
    }
    %scan3A_109 = arith.constant 41 : i32
    %dma_wait3A = arith.constant 0 : i32
    %dma_wait3A_110 = arith.constant 0 : i32
    %dma_wait3A_111 = arith.constant 0 : i32
    %dma_wait3A_112 = arith.constant 0 : i32
    %dma_wait3A_113 = tpu.memref_slice %arg8[%dma_wait3A_110, %dma_wait3A_111, %dma_wait3A_112] : memref<6x80x64xf32, #tpu.memory_space<vmem>> -> memref<1x80x64xf32, #tpu.memory_space<vmem>>
    %dma_wait3A_114 = tpu.memref_squeeze %dma_wait3A_113 : memref<1x80x64xf32, #tpu.memory_space<vmem>> -> memref<80x64xf32, #tpu.memory_space<vmem>>
    %dma_wait3A_115 = arith.constant 0 : i32
    %dma_wait3A_116 = tpu.memref_slice %arg6[%dma_wait3A, %dma_wait3A_115] : memref<250x80xi32, #tpu.memory_space<vmem>> -> memref<1x80xi32, #tpu.memory_space<vmem>>
    %dma_wait3A_117 = tpu.memref_squeeze %dma_wait3A_116 : memref<1x80xi32, #tpu.memory_space<vmem>> -> memref<80xi32, #tpu.memory_space<vmem>>
    %dma_wait3A_118 = arith.constant 0 : i32
    %dma_wait3A_119 = arith.constant 0 : i32
    %dma_wait3A_120 = tpu.memref_slice %arg2[%dma_wait3A_118, %dma_wait3A_119] : memref<20000x64xf32, #tpu.memory_space<hbm>> -> memref<20000x64xf32, #tpu.memory_space<hbm>>
    tpu.wait_indirect_dma semaphore(%arg12 : memref<!tpu.dma_semaphore, #tpu.memory_space<semaphore_mem>>) src(%dma_wait3A_120 : memref<20000x64xf32, #tpu.memory_space<hbm>>) dst(%dma_wait3A_114 : memref<80x64xf32, #tpu.memory_space<vmem>>)
    %dma_wait3A_121 = arith.constant 0 : i32
    %dma_wait3A_122 = arith.constant 0 : i32
    %dma_wait3A_123 = arith.constant 0 : i32
    %dma_wait3A_124 = arith.constant 0 : i32
    %dma_wait3A_125 = tpu.memref_slice %arg8[%dma_wait3A_121, %dma_wait3A_123, %dma_wait3A_124] : memref<6x80x64xf32, #tpu.memory_space<vmem>> -> memref<1x80x64xf32, #tpu.memory_space<vmem>>
    %dma_wait3A_126 = tpu.memref_squeeze %dma_wait3A_125 : memref<1x80x64xf32, #tpu.memory_space<vmem>> -> memref<80x64xf32, #tpu.memory_space<vmem>>
    %dma_wait3A_127 = arith.constant 0 : i32
    %dma_wait3A_128 = tpu.memref_slice %arg7[%dma_wait3A_122, %dma_wait3A_127] : memref<250x80xi32, #tpu.memory_space<vmem>> -> memref<1x80xi32, #tpu.memory_space<vmem>>
    %dma_wait3A_129 = tpu.memref_squeeze %dma_wait3A_128 : memref<1x80xi32, #tpu.memory_space<vmem>> -> memref<80xi32, #tpu.memory_space<vmem>>
    %dma_wait3A_130 = arith.constant 0 : i32
    %dma_wait3A_131 = arith.constant 0 : i32
    %dma_wait3A_132 = tpu.memref_slice %arg11[%dma_wait3A_130, %dma_wait3A_131] : memref<10000x64xf32, #tpu.memory_space<vmem_shared>> -> memref<10000x64xf32, #tpu.memory_space<vmem_shared>>
    tpu.wait_indirect_dma semaphore(%arg18 : memref<!tpu.dma_semaphore, #tpu.memory_space<semaphore_mem>>) src(%dma_wait3A_126 : memref<80x64xf32, #tpu.memory_space<vmem>>) dst(%dma_wait3A_132 : memref<10000x64xf32, #tpu.memory_space<vmem_shared>>)
    %dma_start3A_133 = arith.constant 0 : i32
    %dma_start3A_134 = arith.constant 246 : i32
    %dma_start3A_135 = arith.constant 0 : i32
    %dma_start3A_136 = arith.constant 0 : i32
    %dma_start3A_137 = tpu.memref_slice %arg8[%dma_start3A_133, %dma_start3A_135, %dma_start3A_136] : memref<6x80x64xf32, #tpu.memory_space<vmem>> -> memref<1x80x64xf32, #tpu.memory_space<vmem>>
    %dma_start3A_138 = tpu.memref_squeeze %dma_start3A_137 : memref<1x80x64xf32, #tpu.memory_space<vmem>> -> memref<80x64xf32, #tpu.memory_space<vmem>>
    %dma_start3A_139 = arith.constant 0 : i32
    %dma_start3A_140 = tpu.memref_slice %arg7[%dma_start3A_134, %dma_start3A_139] : memref<250x80xi32, #tpu.memory_space<vmem>> -> memref<1x80xi32, #tpu.memory_space<vmem>>
    %dma_start3A_141 = tpu.memref_squeeze %dma_start3A_140 : memref<1x80xi32, #tpu.memory_space<vmem>> -> memref<80xi32, #tpu.memory_space<vmem>>
    %dma_start3A_142 = arith.constant 0 : i32
    %dma_start3A_143 = arith.constant 0 : i32
    %dma_start3A_144 = tpu.memref_slice %arg11[%dma_start3A_142, %dma_start3A_143] : memref<10000x64xf32, #tpu.memory_space<vmem_shared>> -> memref<10000x64xf32, #tpu.memory_space<vmem_shared>>
    tpu.enqueue_indirect_dma source(%dma_start3A_138 : memref<80x64xf32, #tpu.memory_space<vmem>>) target(%dma_start3A_144 : memref<10000x64xf32, #tpu.memory_space<vmem_shared>>) offsets(%dma_start3A_141 : memref<80xi32, #tpu.memory_space<vmem>>) semaphore(%arg18 : memref<!tpu.dma_semaphore, #tpu.memory_space<semaphore_mem>>) {add = true}
    %eq3A = arith.constant 0 : i32
    %eq3A_145 = arith.cmpi eq, %arg0, %eq3A : i32
    %convert_element_type3A = arith.extui %eq3A_145 : i1 to i32
    %cond3A = arith.constant 0 : i32
    %cond3A_146 = arith.cmpi ne, %convert_element_type3A, %cond3A : i32
    scf.if %cond3A_146 {
      %get3A = arith.constant 246 : i32
      %get3A_305 = arith.index_cast %get3A : i32 to index
      %get3A_306 = arith.constant 0 : index
      %get3A_307 = tpu.vector_load %arg7[%get3A_305, %get3A_306] {strides = array<i32>} : memref<250x80xi32, #tpu.memory_space<vmem>>, vector<16xi32>,
      tpu.vector_store_idx %arg10[%get3A_307], %broadcast_in_dim3A_36 {add = true} : memref<10000xf32, #tpu.memory_space<vmem>>[vector<16xi32>], vector<16xf32>,
      %get3A_308 = arith.constant 246 : i32
      %get3A_309 = arith.index_cast %get3A_308 : i32 to index
      %get3A_310 = arith.constant 16 : index
      %get3A_311 = tpu.vector_load %arg7[%get3A_309, %get3A_310] {strides = array<i32>} : memref<250x80xi32, #tpu.memory_space<vmem>>, vector<16xi32>,
      tpu.vector_store_idx %arg10[%get3A_311], %broadcast_in_dim3A_36 {add = true} : memref<10000xf32, #tpu.memory_space<vmem>>[vector<16xi32>], vector<16xf32>,
      %get3A_312 = arith.constant 246 : i32
      %get3A_313 = arith.index_cast %get3A_312 : i32 to index
      %get3A_314 = arith.constant 32 : index
      %get3A_315 = tpu.vector_load %arg7[%get3A_313, %get3A_314] {strides = array<i32>} : memref<250x80xi32, #tpu.memory_space<vmem>>, vector<16xi32>,
      tpu.vector_store_idx %arg10[%get3A_315], %broadcast_in_dim3A_36 {add = true} : memref<10000xf32, #tpu.memory_space<vmem>>[vector<16xi32>], vector<16xf32>,
      %get3A_316 = arith.constant 246 : i32
      %get3A_317 = arith.index_cast %get3A_316 : i32 to index
      %get3A_318 = arith.constant 48 : index
      %get3A_319 = tpu.vector_load %arg7[%get3A_317, %get3A_318] {strides = array<i32>} : memref<250x80xi32, #tpu.memory_space<vmem>>, vector<16xi32>,
      tpu.vector_store_idx %arg10[%get3A_319], %broadcast_in_dim3A_36 {add = true} : memref<10000xf32, #tpu.memory_space<vmem>>[vector<16xi32>], vector<16xf32>,
      %get3A_320 = arith.constant 246 : i32
      %get3A_321 = arith.index_cast %get3A_320 : i32 to index
      %get3A_322 = arith.constant 64 : index
      %get3A_323 = tpu.vector_load %arg7[%get3A_321, %get3A_322] {strides = array<i32>} : memref<250x80xi32, #tpu.memory_space<vmem>>, vector<16xi32>,
      tpu.vector_store_idx %arg10[%get3A_323], %broadcast_in_dim3A_36 {add = true} : memref<10000xf32, #tpu.memory_space<vmem>>[vector<16xi32>], vector<16xf32>,
    } else {
    }
    %dma_wait3A_147 = arith.constant 0 : i32
    %dma_wait3A_148 = arith.constant 1 : i32
    %dma_wait3A_149 = arith.constant 0 : i32
    %dma_wait3A_150 = arith.constant 0 : i32
    %dma_wait3A_151 = tpu.memref_slice %arg8[%dma_wait3A_148, %dma_wait3A_149, %dma_wait3A_150] : memref<6x80x64xf32, #tpu.memory_space<vmem>> -> memref<1x80x64xf32, #tpu.memory_space<vmem>>
    %dma_wait3A_152 = tpu.memref_squeeze %dma_wait3A_151 : memref<1x80x64xf32, #tpu.memory_space<vmem>> -> memref<80x64xf32, #tpu.memory_space<vmem>>
    %dma_wait3A_153 = arith.constant 0 : i32
    %dma_wait3A_154 = tpu.memref_slice %arg6[%dma_wait3A_147, %dma_wait3A_153] : memref<250x80xi32, #tpu.memory_space<vmem>> -> memref<1x80xi32, #tpu.memory_space<vmem>>
    %dma_wait3A_155 = tpu.memref_squeeze %dma_wait3A_154 : memref<1x80xi32, #tpu.memory_space<vmem>> -> memref<80xi32, #tpu.memory_space<vmem>>
    %dma_wait3A_156 = arith.constant 0 : i32
    %dma_wait3A_157 = arith.constant 0 : i32
    %dma_wait3A_158 = tpu.memref_slice %arg2[%dma_wait3A_156, %dma_wait3A_157] : memref<20000x64xf32, #tpu.memory_space<hbm>> -> memref<20000x64xf32, #tpu.memory_space<hbm>>
    tpu.wait_indirect_dma semaphore(%arg13 : memref<!tpu.dma_semaphore, #tpu.memory_space<semaphore_mem>>) src(%dma_wait3A_158 : memref<20000x64xf32, #tpu.memory_space<hbm>>) dst(%dma_wait3A_152 : memref<80x64xf32, #tpu.memory_space<vmem>>)
    %dma_wait3A_159 = arith.constant 0 : i32
    %dma_wait3A_160 = arith.constant 0 : i32
    %dma_wait3A_161 = arith.constant 0 : i32
    %dma_wait3A_162 = arith.constant 0 : i32
    %dma_wait3A_163 = tpu.memref_slice %arg8[%dma_wait3A_159, %dma_wait3A_161, %dma_wait3A_162] : memref<6x80x64xf32, #tpu.memory_space<vmem>> -> memref<1x80x64xf32, #tpu.memory_space<vmem>>
    %dma_wait3A_164 = tpu.memref_squeeze %dma_wait3A_163 : memref<1x80x64xf32, #tpu.memory_space<vmem>> -> memref<80x64xf32, #tpu.memory_space<vmem>>
    %dma_wait3A_165 = arith.constant 0 : i32
    %dma_wait3A_166 = tpu.memref_slice %arg7[%dma_wait3A_160, %dma_wait3A_165] : memref<250x80xi32, #tpu.memory_space<vmem>> -> memref<1x80xi32, #tpu.memory_space<vmem>>
    %dma_wait3A_167 = tpu.memref_squeeze %dma_wait3A_166 : memref<1x80xi32, #tpu.memory_space<vmem>> -> memref<80xi32, #tpu.memory_space<vmem>>
    %dma_wait3A_168 = arith.constant 0 : i32
    %dma_wait3A_169 = arith.constant 0 : i32
    %dma_wait3A_170 = tpu.memref_slice %arg11[%dma_wait3A_168, %dma_wait3A_169] : memref<10000x64xf32, #tpu.memory_space<vmem_shared>> -> memref<10000x64xf32, #tpu.memory_space<vmem_shared>>
    tpu.wait_indirect_dma semaphore(%arg19 : memref<!tpu.dma_semaphore, #tpu.memory_space<semaphore_mem>>) src(%dma_wait3A_164 : memref<80x64xf32, #tpu.memory_space<vmem>>) dst(%dma_wait3A_170 : memref<10000x64xf32, #tpu.memory_space<vmem_shared>>)
    %dma_start3A_171 = arith.constant 1 : i32
    %dma_start3A_172 = arith.constant 247 : i32
    %dma_start3A_173 = arith.constant 0 : i32
    %dma_start3A_174 = arith.constant 0 : i32
    %dma_start3A_175 = tpu.memref_slice %arg8[%dma_start3A_171, %dma_start3A_173, %dma_start3A_174] : memref<6x80x64xf32, #tpu.memory_space<vmem>> -> memref<1x80x64xf32, #tpu.memory_space<vmem>>
    %dma_start3A_176 = tpu.memref_squeeze %dma_start3A_175 : memref<1x80x64xf32, #tpu.memory_space<vmem>> -> memref<80x64xf32, #tpu.memory_space<vmem>>
    %dma_start3A_177 = arith.constant 0 : i32
    %dma_start3A_178 = tpu.memref_slice %arg7[%dma_start3A_172, %dma_start3A_177] : memref<250x80xi32, #tpu.memory_space<vmem>> -> memref<1x80xi32, #tpu.memory_space<vmem>>
    %dma_start3A_179 = tpu.memref_squeeze %dma_start3A_178 : memref<1x80xi32, #tpu.memory_space<vmem>> -> memref<80xi32, #tpu.memory_space<vmem>>
    %dma_start3A_180 = arith.constant 0 : i32
    %dma_start3A_181 = arith.constant 0 : i32
    %dma_start3A_182 = tpu.memref_slice %arg11[%dma_start3A_180, %dma_start3A_181] : memref<10000x64xf32, #tpu.memory_space<vmem_shared>> -> memref<10000x64xf32, #tpu.memory_space<vmem_shared>>
    tpu.enqueue_indirect_dma source(%dma_start3A_176 : memref<80x64xf32, #tpu.memory_space<vmem>>) target(%dma_start3A_182 : memref<10000x64xf32, #tpu.memory_space<vmem_shared>>) offsets(%dma_start3A_179 : memref<80xi32, #tpu.memory_space<vmem>>) semaphore(%arg19 : memref<!tpu.dma_semaphore, #tpu.memory_space<semaphore_mem>>) {add = true}
    %eq3A_183 = arith.constant 0 : i32
    %eq3A_184 = arith.cmpi eq, %arg0, %eq3A_183 : i32
    %convert_element_type3A_185 = arith.extui %eq3A_184 : i1 to i32
    %cond3A_186 = arith.constant 0 : i32
    %cond3A_187 = arith.cmpi ne, %convert_element_type3A_185, %cond3A_186 : i32
    scf.if %cond3A_187 {
      %get3A = arith.constant 247 : i32
      %get3A_305 = arith.index_cast %get3A : i32 to index
      %get3A_306 = arith.constant 0 : index
      %get3A_307 = tpu.vector_load %arg7[%get3A_305, %get3A_306] {strides = array<i32>} : memref<250x80xi32, #tpu.memory_space<vmem>>, vector<16xi32>,
      tpu.vector_store_idx %arg10[%get3A_307], %broadcast_in_dim3A_36 {add = true} : memref<10000xf32, #tpu.memory_space<vmem>>[vector<16xi32>], vector<16xf32>,
      %get3A_308 = arith.constant 247 : i32
      %get3A_309 = arith.index_cast %get3A_308 : i32 to index
      %get3A_310 = arith.constant 16 : index
      %get3A_311 = tpu.vector_load %arg7[%get3A_309, %get3A_310] {strides = array<i32>} : memref<250x80xi32, #tpu.memory_space<vmem>>, vector<16xi32>,
      tpu.vector_store_idx %arg10[%get3A_311], %broadcast_in_dim3A_36 {add = true} : memref<10000xf32, #tpu.memory_space<vmem>>[vector<16xi32>], vector<16xf32>,
      %get3A_312 = arith.constant 247 : i32
      %get3A_313 = arith.index_cast %get3A_312 : i32 to index
      %get3A_314 = arith.constant 32 : index
      %get3A_315 = tpu.vector_load %arg7[%get3A_313, %get3A_314] {strides = array<i32>} : memref<250x80xi32, #tpu.memory_space<vmem>>, vector<16xi32>,
      tpu.vector_store_idx %arg10[%get3A_315], %broadcast_in_dim3A_36 {add = true} : memref<10000xf32, #tpu.memory_space<vmem>>[vector<16xi32>], vector<16xf32>,
      %get3A_316 = arith.constant 247 : i32
      %get3A_317 = arith.index_cast %get3A_316 : i32 to index
      %get3A_318 = arith.constant 48 : index
      %get3A_319 = tpu.vector_load %arg7[%get3A_317, %get3A_318] {strides = array<i32>} : memref<250x80xi32, #tpu.memory_space<vmem>>, vector<16xi32>,
      tpu.vector_store_idx %arg10[%get3A_319], %broadcast_in_dim3A_36 {add = true} : memref<10000xf32, #tpu.memory_space<vmem>>[vector<16xi32>], vector<16xf32>,
      %get3A_320 = arith.constant 247 : i32
      %get3A_321 = arith.index_cast %get3A_320 : i32 to index
      %get3A_322 = arith.constant 64 : index
      %get3A_323 = tpu.vector_load %arg7[%get3A_321, %get3A_322] {strides = array<i32>} : memref<250x80xi32, #tpu.memory_space<vmem>>, vector<16xi32>,
      tpu.vector_store_idx %arg10[%get3A_323], %broadcast_in_dim3A_36 {add = true} : memref<10000xf32, #tpu.memory_space<vmem>>[vector<16xi32>], vector<16xf32>,
    } else {
    }
    %dma_wait3A_188 = arith.constant 0 : i32
    %dma_wait3A_189 = arith.constant 2 : i32
    %dma_wait3A_190 = arith.constant 0 : i32
    %dma_wait3A_191 = arith.constant 0 : i32
    %dma_wait3A_192 = tpu.memref_slice %arg8[%dma_wait3A_189, %dma_wait3A_190, %dma_wait3A_191] : memref<6x80x64xf32, #tpu.memory_space<vmem>> -> memref<1x80x64xf32, #tpu.memory_space<vmem>>
    %dma_wait3A_193 = tpu.memref_squeeze %dma_wait3A_192 : memref<1x80x64xf32, #tpu.memory_space<vmem>> -> memref<80x64xf32, #tpu.memory_space<vmem>>
    %dma_wait3A_194 = arith.constant 0 : i32
    %dma_wait3A_195 = tpu.memref_slice %arg6[%dma_wait3A_188, %dma_wait3A_194] : memref<250x80xi32, #tpu.memory_space<vmem>> -> memref<1x80xi32, #tpu.memory_space<vmem>>
    %dma_wait3A_196 = tpu.memref_squeeze %dma_wait3A_195 : memref<1x80xi32, #tpu.memory_space<vmem>> -> memref<80xi32, #tpu.memory_space<vmem>>
    %dma_wait3A_197 = arith.constant 0 : i32
    %dma_wait3A_198 = arith.constant 0 : i32
    %dma_wait3A_199 = tpu.memref_slice %arg2[%dma_wait3A_197, %dma_wait3A_198] : memref<20000x64xf32, #tpu.memory_space<hbm>> -> memref<20000x64xf32, #tpu.memory_space<hbm>>
    tpu.wait_indirect_dma semaphore(%arg14 : memref<!tpu.dma_semaphore, #tpu.memory_space<semaphore_mem>>) src(%dma_wait3A_199 : memref<20000x64xf32, #tpu.memory_space<hbm>>) dst(%dma_wait3A_193 : memref<80x64xf32, #tpu.memory_space<vmem>>)
    %dma_wait3A_200 = arith.constant 0 : i32
    %dma_wait3A_201 = arith.constant 0 : i32
    %dma_wait3A_202 = arith.constant 0 : i32
    %dma_wait3A_203 = arith.constant 0 : i32
    %dma_wait3A_204 = tpu.memref_slice %arg8[%dma_wait3A_200, %dma_wait3A_202, %dma_wait3A_203] : memref<6x80x64xf32, #tpu.memory_space<vmem>> -> memref<1x80x64xf32, #tpu.memory_space<vmem>>
    %dma_wait3A_205 = tpu.memref_squeeze %dma_wait3A_204 : memref<1x80x64xf32, #tpu.memory_space<vmem>> -> memref<80x64xf32, #tpu.memory_space<vmem>>
    %dma_wait3A_206 = arith.constant 0 : i32
    %dma_wait3A_207 = tpu.memref_slice %arg7[%dma_wait3A_201, %dma_wait3A_206] : memref<250x80xi32, #tpu.memory_space<vmem>> -> memref<1x80xi32, #tpu.memory_space<vmem>>
    %dma_wait3A_208 = tpu.memref_squeeze %dma_wait3A_207 : memref<1x80xi32, #tpu.memory_space<vmem>> -> memref<80xi32, #tpu.memory_space<vmem>>
    %dma_wait3A_209 = arith.constant 0 : i32
    %dma_wait3A_210 = arith.constant 0 : i32
    %dma_wait3A_211 = tpu.memref_slice %arg11[%dma_wait3A_209, %dma_wait3A_210] : memref<10000x64xf32, #tpu.memory_space<vmem_shared>> -> memref<10000x64xf32, #tpu.memory_space<vmem_shared>>
    tpu.wait_indirect_dma semaphore(%arg18 : memref<!tpu.dma_semaphore, #tpu.memory_space<semaphore_mem>>) src(%dma_wait3A_205 : memref<80x64xf32, #tpu.memory_space<vmem>>) dst(%dma_wait3A_211 : memref<10000x64xf32, #tpu.memory_space<vmem_shared>>)
    %dma_start3A_212 = arith.constant 2 : i32
    %dma_start3A_213 = arith.constant 248 : i32
    %dma_start3A_214 = arith.constant 0 : i32
    %dma_start3A_215 = arith.constant 0 : i32
    %dma_start3A_216 = tpu.memref_slice %arg8[%dma_start3A_212, %dma_start3A_214, %dma_start3A_215] : memref<6x80x64xf32, #tpu.memory_space<vmem>> -> memref<1x80x64xf32, #tpu.memory_space<vmem>>
    %dma_start3A_217 = tpu.memref_squeeze %dma_start3A_216 : memref<1x80x64xf32, #tpu.memory_space<vmem>> -> memref<80x64xf32, #tpu.memory_space<vmem>>
    %dma_start3A_218 = arith.constant 0 : i32
    %dma_start3A_219 = tpu.memref_slice %arg7[%dma_start3A_213, %dma_start3A_218] : memref<250x80xi32, #tpu.memory_space<vmem>> -> memref<1x80xi32, #tpu.memory_space<vmem>>
    %dma_start3A_220 = tpu.memref_squeeze %dma_start3A_219 : memref<1x80xi32, #tpu.memory_space<vmem>> -> memref<80xi32, #tpu.memory_space<vmem>>
    %dma_start3A_221 = arith.constant 0 : i32
    %dma_start3A_222 = arith.constant 0 : i32
    %dma_start3A_223 = tpu.memref_slice %arg11[%dma_start3A_221, %dma_start3A_222] : memref<10000x64xf32, #tpu.memory_space<vmem_shared>> -> memref<10000x64xf32, #tpu.memory_space<vmem_shared>>
    tpu.enqueue_indirect_dma source(%dma_start3A_217 : memref<80x64xf32, #tpu.memory_space<vmem>>) target(%dma_start3A_223 : memref<10000x64xf32, #tpu.memory_space<vmem_shared>>) offsets(%dma_start3A_220 : memref<80xi32, #tpu.memory_space<vmem>>) semaphore(%arg18 : memref<!tpu.dma_semaphore, #tpu.memory_space<semaphore_mem>>) {add = true}
    %eq3A_224 = arith.constant 0 : i32
    %eq3A_225 = arith.cmpi eq, %arg0, %eq3A_224 : i32
    %convert_element_type3A_226 = arith.extui %eq3A_225 : i1 to i32
    %cond3A_227 = arith.constant 0 : i32
    %cond3A_228 = arith.cmpi ne, %convert_element_type3A_226, %cond3A_227 : i32
    scf.if %cond3A_228 {
      %get3A = arith.constant 248 : i32
      %get3A_305 = arith.index_cast %get3A : i32 to index
      %get3A_306 = arith.constant 0 : index
      %get3A_307 = tpu.vector_load %arg7[%get3A_305, %get3A_306] {strides = array<i32>} : memref<250x80xi32, #tpu.memory_space<vmem>>, vector<16xi32>,
      tpu.vector_store_idx %arg10[%get3A_307], %broadcast_in_dim3A_36 {add = true} : memref<10000xf32, #tpu.memory_space<vmem>>[vector<16xi32>], vector<16xf32>,
      %get3A_308 = arith.constant 248 : i32
      %get3A_309 = arith.index_cast %get3A_308 : i32 to index
      %get3A_310 = arith.constant 16 : index
      %get3A_311 = tpu.vector_load %arg7[%get3A_309, %get3A_310] {strides = array<i32>} : memref<250x80xi32, #tpu.memory_space<vmem>>, vector<16xi32>,
      tpu.vector_store_idx %arg10[%get3A_311], %broadcast_in_dim3A_36 {add = true} : memref<10000xf32, #tpu.memory_space<vmem>>[vector<16xi32>], vector<16xf32>,
      %get3A_312 = arith.constant 248 : i32
      %get3A_313 = arith.index_cast %get3A_312 : i32 to index
      %get3A_314 = arith.constant 32 : index
      %get3A_315 = tpu.vector_load %arg7[%get3A_313, %get3A_314] {strides = array<i32>} : memref<250x80xi32, #tpu.memory_space<vmem>>, vector<16xi32>,
      tpu.vector_store_idx %arg10[%get3A_315], %broadcast_in_dim3A_36 {add = true} : memref<10000xf32, #tpu.memory_space<vmem>>[vector<16xi32>], vector<16xf32>,
      %get3A_316 = arith.constant 248 : i32
      %get3A_317 = arith.index_cast %get3A_316 : i32 to index
      %get3A_318 = arith.constant 48 : index
      %get3A_319 = tpu.vector_load %arg7[%get3A_317, %get3A_318] {strides = array<i32>} : memref<250x80xi32, #tpu.memory_space<vmem>>, vector<16xi32>,
      tpu.vector_store_idx %arg10[%get3A_319], %broadcast_in_dim3A_36 {add = true} : memref<10000xf32, #tpu.memory_space<vmem>>[vector<16xi32>], vector<16xf32>,
      %get3A_320 = arith.constant 248 : i32
      %get3A_321 = arith.index_cast %get3A_320 : i32 to index
      %get3A_322 = arith.constant 64 : index
      %get3A_323 = tpu.vector_load %arg7[%get3A_321, %get3A_322] {strides = array<i32>} : memref<250x80xi32, #tpu.memory_space<vmem>>, vector<16xi32>,
      tpu.vector_store_idx %arg10[%get3A_323], %broadcast_in_dim3A_36 {add = true} : memref<10000xf32, #tpu.memory_space<vmem>>[vector<16xi32>], vector<16xf32>,
    } else {
    }
    %dma_wait3A_229 = arith.constant 0 : i32
    %dma_wait3A_230 = arith.constant 3 : i32
    %dma_wait3A_231 = arith.constant 0 : i32
    %dma_wait3A_232 = arith.constant 0 : i32
    %dma_wait3A_233 = tpu.memref_slice %arg8[%dma_wait3A_230, %dma_wait3A_231, %dma_wait3A_232] : memref<6x80x64xf32, #tpu.memory_space<vmem>> -> memref<1x80x64xf32, #tpu.memory_space<vmem>>
    %dma_wait3A_234 = tpu.memref_squeeze %dma_wait3A_233 : memref<1x80x64xf32, #tpu.memory_space<vmem>> -> memref<80x64xf32, #tpu.memory_space<vmem>>
    %dma_wait3A_235 = arith.constant 0 : i32
    %dma_wait3A_236 = tpu.memref_slice %arg6[%dma_wait3A_229, %dma_wait3A_235] : memref<250x80xi32, #tpu.memory_space<vmem>> -> memref<1x80xi32, #tpu.memory_space<vmem>>
    %dma_wait3A_237 = tpu.memref_squeeze %dma_wait3A_236 : memref<1x80xi32, #tpu.memory_space<vmem>> -> memref<80xi32, #tpu.memory_space<vmem>>
    %dma_wait3A_238 = arith.constant 0 : i32
    %dma_wait3A_239 = arith.constant 0 : i32
    %dma_wait3A_240 = tpu.memref_slice %arg2[%dma_wait3A_238, %dma_wait3A_239] : memref<20000x64xf32, #tpu.memory_space<hbm>> -> memref<20000x64xf32, #tpu.memory_space<hbm>>
    tpu.wait_indirect_dma semaphore(%arg15 : memref<!tpu.dma_semaphore, #tpu.memory_space<semaphore_mem>>) src(%dma_wait3A_240 : memref<20000x64xf32, #tpu.memory_space<hbm>>) dst(%dma_wait3A_234 : memref<80x64xf32, #tpu.memory_space<vmem>>)
    %dma_wait3A_241 = arith.constant 0 : i32
    %dma_wait3A_242 = arith.constant 0 : i32
    %dma_wait3A_243 = arith.constant 0 : i32
    %dma_wait3A_244 = arith.constant 0 : i32
    %dma_wait3A_245 = tpu.memref_slice %arg8[%dma_wait3A_241, %dma_wait3A_243, %dma_wait3A_244] : memref<6x80x64xf32, #tpu.memory_space<vmem>> -> memref<1x80x64xf32, #tpu.memory_space<vmem>>
    %dma_wait3A_246 = tpu.memref_squeeze %dma_wait3A_245 : memref<1x80x64xf32, #tpu.memory_space<vmem>> -> memref<80x64xf32, #tpu.memory_space<vmem>>
    %dma_wait3A_247 = arith.constant 0 : i32
    %dma_wait3A_248 = tpu.memref_slice %arg7[%dma_wait3A_242, %dma_wait3A_247] : memref<250x80xi32, #tpu.memory_space<vmem>> -> memref<1x80xi32, #tpu.memory_space<vmem>>
    %dma_wait3A_249 = tpu.memref_squeeze %dma_wait3A_248 : memref<1x80xi32, #tpu.memory_space<vmem>> -> memref<80xi32, #tpu.memory_space<vmem>>
    %dma_wait3A_250 = arith.constant 0 : i32
    %dma_wait3A_251 = arith.constant 0 : i32
    %dma_wait3A_252 = tpu.memref_slice %arg11[%dma_wait3A_250, %dma_wait3A_251] : memref<10000x64xf32, #tpu.memory_space<vmem_shared>> -> memref<10000x64xf32, #tpu.memory_space<vmem_shared>>
    tpu.wait_indirect_dma semaphore(%arg19 : memref<!tpu.dma_semaphore, #tpu.memory_space<semaphore_mem>>) src(%dma_wait3A_246 : memref<80x64xf32, #tpu.memory_space<vmem>>) dst(%dma_wait3A_252 : memref<10000x64xf32, #tpu.memory_space<vmem_shared>>)
    %dma_start3A_253 = arith.constant 3 : i32
    %dma_start3A_254 = arith.constant 249 : i32
    %dma_start3A_255 = arith.constant 0 : i32
    %dma_start3A_256 = arith.constant 0 : i32
    %dma_start3A_257 = tpu.memref_slice %arg8[%dma_start3A_253, %dma_start3A_255, %dma_start3A_256] : memref<6x80x64xf32, #tpu.memory_space<vmem>> -> memref<1x80x64xf32, #tpu.memory_space<vmem>>
    %dma_start3A_258 = tpu.memref_squeeze %dma_start3A_257 : memref<1x80x64xf32, #tpu.memory_space<vmem>> -> memref<80x64xf32, #tpu.memory_space<vmem>>
    %dma_start3A_259 = arith.constant 0 : i32
    %dma_start3A_260 = tpu.memref_slice %arg7[%dma_start3A_254, %dma_start3A_259] : memref<250x80xi32, #tpu.memory_space<vmem>> -> memref<1x80xi32, #tpu.memory_space<vmem>>
    %dma_start3A_261 = tpu.memref_squeeze %dma_start3A_260 : memref<1x80xi32, #tpu.memory_space<vmem>> -> memref<80xi32, #tpu.memory_space<vmem>>
    %dma_start3A_262 = arith.constant 0 : i32
    %dma_start3A_263 = arith.constant 0 : i32
    %dma_start3A_264 = tpu.memref_slice %arg11[%dma_start3A_262, %dma_start3A_263] : memref<10000x64xf32, #tpu.memory_space<vmem_shared>> -> memref<10000x64xf32, #tpu.memory_space<vmem_shared>>
    tpu.enqueue_indirect_dma source(%dma_start3A_258 : memref<80x64xf32, #tpu.memory_space<vmem>>) target(%dma_start3A_264 : memref<10000x64xf32, #tpu.memory_space<vmem_shared>>) offsets(%dma_start3A_261 : memref<80xi32, #tpu.memory_space<vmem>>) semaphore(%arg19 : memref<!tpu.dma_semaphore, #tpu.memory_space<semaphore_mem>>) {add = true}
    %eq3A_265 = arith.constant 0 : i32
    %eq3A_266 = arith.cmpi eq, %arg0, %eq3A_265 : i32
    %convert_element_type3A_267 = arith.extui %eq3A_266 : i1 to i32
    %cond3A_268 = arith.constant 0 : i32
    %cond3A_269 = arith.cmpi ne, %convert_element_type3A_267, %cond3A_268 : i32
    scf.if %cond3A_269 {
      %get3A = arith.constant 249 : i32
      %get3A_305 = arith.index_cast %get3A : i32 to index
      %get3A_306 = arith.constant 0 : index
      %get3A_307 = tpu.vector_load %arg7[%get3A_305, %get3A_306] {strides = array<i32>} : memref<250x80xi32, #tpu.memory_space<vmem>>, vector<16xi32>,
      tpu.vector_store_idx %arg10[%get3A_307], %broadcast_in_dim3A_36 {add = true} : memref<10000xf32, #tpu.memory_space<vmem>>[vector<16xi32>], vector<16xf32>,
      %get3A_308 = arith.constant 249 : i32
      %get3A_309 = arith.index_cast %get3A_308 : i32 to index
      %get3A_310 = arith.constant 16 : index
      %get3A_311 = tpu.vector_load %arg7[%get3A_309, %get3A_310] {strides = array<i32>} : memref<250x80xi32, #tpu.memory_space<vmem>>, vector<16xi32>,
      tpu.vector_store_idx %arg10[%get3A_311], %broadcast_in_dim3A_36 {add = true} : memref<10000xf32, #tpu.memory_space<vmem>>[vector<16xi32>], vector<16xf32>,
      %get3A_312 = arith.constant 249 : i32
      %get3A_313 = arith.index_cast %get3A_312 : i32 to index
      %get3A_314 = arith.constant 32 : index
      %get3A_315 = tpu.vector_load %arg7[%get3A_313, %get3A_314] {strides = array<i32>} : memref<250x80xi32, #tpu.memory_space<vmem>>, vector<16xi32>,
      tpu.vector_store_idx %arg10[%get3A_315], %broadcast_in_dim3A_36 {add = true} : memref<10000xf32, #tpu.memory_space<vmem>>[vector<16xi32>], vector<16xf32>,
      %get3A_316 = arith.constant 249 : i32
      %get3A_317 = arith.index_cast %get3A_316 : i32 to index
      %get3A_318 = arith.constant 48 : index
      %get3A_319 = tpu.vector_load %arg7[%get3A_317, %get3A_318] {strides = array<i32>} : memref<250x80xi32, #tpu.memory_space<vmem>>, vector<16xi32>,
      tpu.vector_store_idx %arg10[%get3A_319], %broadcast_in_dim3A_36 {add = true} : memref<10000xf32, #tpu.memory_space<vmem>>[vector<16xi32>], vector<16xf32>,
      %get3A_320 = arith.constant 249 : i32
      %get3A_321 = arith.index_cast %get3A_320 : i32 to index
      %get3A_322 = arith.constant 64 : index
      %get3A_323 = tpu.vector_load %arg7[%get3A_321, %get3A_322] {strides = array<i32>} : memref<250x80xi32, #tpu.memory_space<vmem>>, vector<16xi32>,
      tpu.vector_store_idx %arg10[%get3A_323], %broadcast_in_dim3A_36 {add = true} : memref<10000xf32, #tpu.memory_space<vmem>>[vector<16xi32>], vector<16xf32>,
    } else {
    }
    %dma_wait3A_270 = arith.constant 0 : i32
    %dma_wait3A_271 = arith.constant 0 : i32
    %dma_wait3A_272 = arith.constant 0 : i32
    %dma_wait3A_273 = arith.constant 0 : i32
    %dma_wait3A_274 = tpu.memref_slice %arg8[%dma_wait3A_270, %dma_wait3A_272, %dma_wait3A_273] : memref<6x80x64xf32, #tpu.memory_space<vmem>> -> memref<1x80x64xf32, #tpu.memory_space<vmem>>
    %dma_wait3A_275 = tpu.memref_squeeze %dma_wait3A_274 : memref<1x80x64xf32, #tpu.memory_space<vmem>> -> memref<80x64xf32, #tpu.memory_space<vmem>>
    %dma_wait3A_276 = arith.constant 0 : i32
    %dma_wait3A_277 = tpu.memref_slice %arg7[%dma_wait3A_271, %dma_wait3A_276] : memref<250x80xi32, #tpu.memory_space<vmem>> -> memref<1x80xi32, #tpu.memory_space<vmem>>
    %dma_wait3A_278 = tpu.memref_squeeze %dma_wait3A_277 : memref<1x80xi32, #tpu.memory_space<vmem>> -> memref<80xi32, #tpu.memory_space<vmem>>
    %dma_wait3A_279 = arith.constant 0 : i32
    %dma_wait3A_280 = arith.constant 0 : i32
    %dma_wait3A_281 = tpu.memref_slice %arg11[%dma_wait3A_279, %dma_wait3A_280] : memref<10000x64xf32, #tpu.memory_space<vmem_shared>> -> memref<10000x64xf32, #tpu.memory_space<vmem_shared>>
    tpu.wait_indirect_dma semaphore(%arg18 : memref<!tpu.dma_semaphore, #tpu.memory_space<semaphore_mem>>) src(%dma_wait3A_275 : memref<80x64xf32, #tpu.memory_space<vmem>>) dst(%dma_wait3A_281 : memref<10000x64xf32, #tpu.memory_space<vmem_shared>>)
    %dma_wait3A_282 = arith.constant 0 : i32
    %dma_wait3A_283 = arith.constant 0 : i32
    %dma_wait3A_284 = arith.constant 0 : i32
    %dma_wait3A_285 = arith.constant 0 : i32
    %dma_wait3A_286 = tpu.memref_slice %arg8[%dma_wait3A_282, %dma_wait3A_284, %dma_wait3A_285] : memref<6x80x64xf32, #tpu.memory_space<vmem>> -> memref<1x80x64xf32, #tpu.memory_space<vmem>>
    %dma_wait3A_287 = tpu.memref_squeeze %dma_wait3A_286 : memref<1x80x64xf32, #tpu.memory_space<vmem>> -> memref<80x64xf32, #tpu.memory_space<vmem>>
    %dma_wait3A_288 = arith.constant 0 : i32
    %dma_wait3A_289 = tpu.memref_slice %arg7[%dma_wait3A_283, %dma_wait3A_288] : memref<250x80xi32, #tpu.memory_space<vmem>> -> memref<1x80xi32, #tpu.memory_space<vmem>>
    %dma_wait3A_290 = tpu.memref_squeeze %dma_wait3A_289 : memref<1x80xi32, #tpu.memory_space<vmem>> -> memref<80xi32, #tpu.memory_space<vmem>>
    %dma_wait3A_291 = arith.constant 0 : i32
    %dma_wait3A_292 = arith.constant 0 : i32
    %dma_wait3A_293 = tpu.memref_slice %arg11[%dma_wait3A_291, %dma_wait3A_292] : memref<10000x64xf32, #tpu.memory_space<vmem_shared>> -> memref<10000x64xf32, #tpu.memory_space<vmem_shared>>
    tpu.wait_indirect_dma semaphore(%arg19 : memref<!tpu.dma_semaphore, #tpu.memory_space<semaphore_mem>>) src(%dma_wait3A_287 : memref<80x64xf32, #tpu.memory_space<vmem>>) dst(%dma_wait3A_293 : memref<10000x64xf32, #tpu.memory_space<vmem_shared>>)
    %barrier3A_294 = arith.constant 0 : index
    tpu.barrier barrier_id(%barrier3A_294)
    %mul3A_295 = arith.constant 625 : i32
    %mul3A_296 = arith.muli %arg1, %mul3A_295 : i32
    %mul3A_297 = arith.constant 10000 : i32
    %mul3A_298 = arith.muli %arg0, %mul3A_297 : i32
    %add3A_299 = arith.addi %mul3A_298, %mul3A_296 : i32
    "tpu.region"() ({
      %run_scoped3A_305 = tpu.sem_alloc : memref<!tpu.dma_semaphore, #tpu.memory_space<semaphore_mem>>
      %dma_start3A_306 = arith.constant 0 : i32
      %dma_start3A_307 = tpu.memref_slice %arg4[%add3A_299, %dma_start3A_306] : memref<20000x64xf32, #tpu.memory_space<hbm>> -> memref<625x64xf32, #tpu.memory_space<hbm>>
      %dma_start3A_308 = arith.constant 0 : i32
      %dma_start3A_309 = tpu.memref_slice %arg11[%mul3A_296, %dma_start3A_308] : memref<10000x64xf32, #tpu.memory_space<vmem_shared>> -> memref<625x64xf32, #tpu.memory_space<vmem_shared>>
      tpu.enqueue_dma source(%dma_start3A_309 : memref<625x64xf32, #tpu.memory_space<vmem_shared>>) target(%dma_start3A_307 : memref<625x64xf32, #tpu.memory_space<hbm>>) target_semaphore(%run_scoped3A_305 : memref<!tpu.dma_semaphore, #tpu.memory_space<semaphore_mem>>)
      %dma_wait3A_310 = arith.constant 0 : i32
      %dma_wait3A_311 = tpu.memref_slice %arg4[%add3A_299, %dma_wait3A_310] : memref<20000x64xf32, #tpu.memory_space<hbm>> -> memref<625x64xf32, #tpu.memory_space<hbm>>
      %dma_wait3A_312 = arith.constant 0 : i32
      %dma_wait3A_313 = tpu.memref_slice %arg11[%mul3A_296, %dma_wait3A_312] : memref<10000x64xf32, #tpu.memory_space<vmem_shared>> -> memref<625x64xf32, #tpu.memory_space<vmem_shared>>
      tpu.wait_dma2 semaphore(%run_scoped3A_305 : memref<!tpu.dma_semaphore, #tpu.memory_space<semaphore_mem>>) src(%dma_wait3A_313 : memref<625x64xf32, #tpu.memory_space<vmem_shared>>) dst(%dma_wait3A_311 : memref<625x64xf32, #tpu.memory_space<hbm>>)
      tpu.yield
    }) : () -> ()
    %eq3A_300 = arith.constant 0 : i32
    %eq3A_301 = arith.cmpi eq, %arg0, %eq3A_300 : i32
    %convert_element_type3A_302 = arith.extui %eq3A_301 : i1 to i32
    %cond3A_303 = arith.constant 0 : i32
    %cond3A_304 = arith.cmpi ne, %convert_element_type3A_302, %cond3A_303 : i32
    scf.if %cond3A_304 {
      %run_scoped3A_305 = arith.constant 0 : i32
      "tpu.region"() ({
        %run_scoped3A_315 = tpu.sem_alloc : memref<!tpu.dma_semaphore, #tpu.memory_space<semaphore_mem>>
        %dma_start3A_316 = arith.constant 0 : i32
        %dma_start3A_317 = tpu.memref_slice %arg10[%dma_start3A_316] : memref<10000xf32, #tpu.memory_space<vmem>> -> memref<1000xf32, #tpu.memory_space<vmem>>
        %dma_start3A_318 = arith.constant 0 : i32
        %dma_start3A_319 = tpu.memref_slice %arg5[%run_scoped3A_305, %arg1, %dma_start3A_318] : memref<10x16x1000xf32, #tpu.memory_space<hbm>> -> memref<1x1x1000xf32, #tpu.memory_space<hbm>>
        %dma_start3A_320 = tpu.memref_squeeze %dma_start3A_319 : memref<1x1x1000xf32, #tpu.memory_space<hbm>> -> memref<1000xf32, #tpu.memory_space<hbm>>
        %dma_start3A_321 = arith.constant 0 : i32
        %dma_start3A_322 = tpu.memref_slice %arg5[%run_scoped3A_305, %arg1, %dma_start3A_321] : memref<10x16x1000xf32, #tpu.memory_space<hbm>> -> memref<1x1x1000xf32, #tpu.memory_space<hbm>>
        %dma_start3A_323 = tpu.memref_squeeze %dma_start3A_322 : memref<1x1x1000xf32, #tpu.memory_space<hbm>> -> memref<1000xf32, #tpu.memory_space<hbm>>
        %dma_start3A_324 = arith.constant 0 : i32
        %dma_start3A_325 = tpu.memref_slice %arg10[%dma_start3A_324] : memref<10000xf32, #tpu.memory_space<vmem>> -> memref<1000xf32, #tpu.memory_space<vmem>>
        tpu.enqueue_dma source(%dma_start3A_325 : memref<1000xf32, #tpu.memory_space<vmem>>) target(%dma_start3A_323 : memref<1000xf32, #tpu.memory_space<hbm>>) target_semaphore(%run_scoped3A_315 : memref<!tpu.dma_semaphore, #tpu.memory_space<semaphore_mem>>)
        %dma_wait3A_326 = arith.constant 0 : i32
        %dma_wait3A_327 = tpu.memref_slice %arg10[%dma_wait3A_326] : memref<10000xf32, #tpu.memory_space<vmem>> -> memref<1000xf32, #tpu.memory_space<vmem>>
        %dma_wait3A_328 = arith.constant 0 : i32
        %dma_wait3A_329 = tpu.memref_slice %arg5[%run_scoped3A_305, %arg1, %dma_wait3A_328] : memref<10x16x1000xf32, #tpu.memory_space<hbm>> -> memref<1x1x1000xf32, #tpu.memory_space<hbm>>
        %dma_wait3A_330 = tpu.memref_squeeze %dma_wait3A_329 : memref<1x1x1000xf32, #tpu.memory_space<hbm>> -> memref<1000xf32, #tpu.memory_space<hbm>>
        %dma_wait3A_331 = arith.constant 0 : i32
        %dma_wait3A_332 = tpu.memref_slice %arg5[%run_scoped3A_305, %arg1, %dma_wait3A_331] : memref<10x16x1000xf32, #tpu.memory_space<hbm>> -> memref<1x1x1000xf32, #tpu.memory_space<hbm>>
        %dma_wait3A_333 = tpu.memref_squeeze %dma_wait3A_332 : memref<1x1x1000xf32, #tpu.memory_space<hbm>> -> memref<1000xf32, #tpu.memory_space<hbm>>
        %dma_wait3A_334 = arith.constant 0 : i32
        %dma_wait3A_335 = tpu.memref_slice %arg10[%dma_wait3A_334] : memref<10000xf32, #tpu.memory_space<vmem>> -> memref<1000xf32, #tpu.memory_space<vmem>>
        tpu.wait_dma2 semaphore(%run_scoped3A_315 : memref<!tpu.dma_semaphore, #tpu.memory_space<semaphore_mem>>) src(%dma_wait3A_335 : memref<1000xf32, #tpu.memory_space<vmem>>) dst(%dma_wait3A_333 : memref<1000xf32, #tpu.memory_space<hbm>>)
        tpu.yield
      }) : () -> ()
      %run_scoped3A_306 = arith.constant 1 : i32
      "tpu.region"() ({
        %run_scoped3A_315 = tpu.sem_alloc : memref<!tpu.dma_semaphore, #tpu.memory_space<semaphore_mem>>
        %dma_start3A_316 = arith.constant 1000 : i32
        %dma_start3A_317 = tpu.memref_slice %arg10[%dma_start3A_316] : memref<10000xf32, #tpu.memory_space<vmem>> -> memref<1000xf32, #tpu.memory_space<vmem>>
        %dma_start3A_318 = arith.constant 0 : i32
        %dma_start3A_319 = tpu.memref_slice %arg5[%run_scoped3A_306, %arg1, %dma_start3A_318] : memref<10x16x1000xf32, #tpu.memory_space<hbm>> -> memref<1x1x1000xf32, #tpu.memory_space<hbm>>
        %dma_start3A_320 = tpu.memref_squeeze %dma_start3A_319 : memref<1x1x1000xf32, #tpu.memory_space<hbm>> -> memref<1000xf32, #tpu.memory_space<hbm>>
        %dma_start3A_321 = arith.constant 0 : i32
        %dma_start3A_322 = tpu.memref_slice %arg5[%run_scoped3A_306, %arg1, %dma_start3A_321] : memref<10x16x1000xf32, #tpu.memory_space<hbm>> -> memref<1x1x1000xf32, #tpu.memory_space<hbm>>
        %dma_start3A_323 = tpu.memref_squeeze %dma_start3A_322 : memref<1x1x1000xf32, #tpu.memory_space<hbm>> -> memref<1000xf32, #tpu.memory_space<hbm>>
        %dma_start3A_324 = arith.constant 1000 : i32
        %dma_start3A_325 = tpu.memref_slice %arg10[%dma_start3A_324] : memref<10000xf32, #tpu.memory_space<vmem>> -> memref<1000xf32, #tpu.memory_space<vmem>>
        tpu.enqueue_dma source(%dma_start3A_325 : memref<1000xf32, #tpu.memory_space<vmem>>) target(%dma_start3A_323 : memref<1000xf32, #tpu.memory_space<hbm>>) target_semaphore(%run_scoped3A_315 : memref<!tpu.dma_semaphore, #tpu.memory_space<semaphore_mem>>)
        %dma_wait3A_326 = arith.constant 1000 : i32
        %dma_wait3A_327 = tpu.memref_slice %arg10[%dma_wait3A_326] : memref<10000xf32, #tpu.memory_space<vmem>> -> memref<1000xf32, #tpu.memory_space<vmem>>
        %dma_wait3A_328 = arith.constant 0 : i32
        %dma_wait3A_329 = tpu.memref_slice %arg5[%run_scoped3A_306, %arg1, %dma_wait3A_328] : memref<10x16x1000xf32, #tpu.memory_space<hbm>> -> memref<1x1x1000xf32, #tpu.memory_space<hbm>>
        %dma_wait3A_330 = tpu.memref_squeeze %dma_wait3A_329 : memref<1x1x1000xf32, #tpu.memory_space<hbm>> -> memref<1000xf32, #tpu.memory_space<hbm>>
        %dma_wait3A_331 = arith.constant 0 : i32
        %dma_wait3A_332 = tpu.memref_slice %arg5[%run_scoped3A_306, %arg1, %dma_wait3A_331] : memref<10x16x1000xf32, #tpu.memory_space<hbm>> -> memref<1x1x1000xf32, #tpu.memory_space<hbm>>
        %dma_wait3A_333 = tpu.memref_squeeze %dma_wait3A_332 : memref<1x1x1000xf32, #tpu.memory_space<hbm>> -> memref<1000xf32, #tpu.memory_space<hbm>>
        %dma_wait3A_334 = arith.constant 1000 : i32
        %dma_wait3A_335 = tpu.memref_slice %arg10[%dma_wait3A_334] : memref<10000xf32, #tpu.memory_space<vmem>> -> memref<1000xf32, #tpu.memory_space<vmem>>
        tpu.wait_dma2 semaphore(%run_scoped3A_315 : memref<!tpu.dma_semaphore, #tpu.memory_space<semaphore_mem>>) src(%dma_wait3A_335 : memref<1000xf32, #tpu.memory_space<vmem>>) dst(%dma_wait3A_333 : memref<1000xf32, #tpu.memory_space<hbm>>)
        tpu.yield
      }) : () -> ()
      %run_scoped3A_307 = arith.constant 2 : i32
      "tpu.region"() ({
        %run_scoped3A_315 = tpu.sem_alloc : memref<!tpu.dma_semaphore, #tpu.memory_space<semaphore_mem>>
        %dma_start3A_316 = arith.constant 2000 : i32
        %dma_start3A_317 = tpu.memref_slice %arg10[%dma_start3A_316] : memref<10000xf32, #tpu.memory_space<vmem>> -> memref<1000xf32, #tpu.memory_space<vmem>>
        %dma_start3A_318 = arith.constant 0 : i32
        %dma_start3A_319 = tpu.memref_slice %arg5[%run_scoped3A_307, %arg1, %dma_start3A_318] : memref<10x16x1000xf32, #tpu.memory_space<hbm>> -> memref<1x1x1000xf32, #tpu.memory_space<hbm>>
        %dma_start3A_320 = tpu.memref_squeeze %dma_start3A_319 : memref<1x1x1000xf32, #tpu.memory_space<hbm>> -> memref<1000xf32, #tpu.memory_space<hbm>>
        %dma_start3A_321 = arith.constant 0 : i32
        %dma_start3A_322 = tpu.memref_slice %arg5[%run_scoped3A_307, %arg1, %dma_start3A_321] : memref<10x16x1000xf32, #tpu.memory_space<hbm>> -> memref<1x1x1000xf32, #tpu.memory_space<hbm>>
        %dma_start3A_323 = tpu.memref_squeeze %dma_start3A_322 : memref<1x1x1000xf32, #tpu.memory_space<hbm>> -> memref<1000xf32, #tpu.memory_space<hbm>>
        %dma_start3A_324 = arith.constant 2000 : i32
        %dma_start3A_325 = tpu.memref_slice %arg10[%dma_start3A_324] : memref<10000xf32, #tpu.memory_space<vmem>> -> memref<1000xf32, #tpu.memory_space<vmem>>
        tpu.enqueue_dma source(%dma_start3A_325 : memref<1000xf32, #tpu.memory_space<vmem>>) target(%dma_start3A_323 : memref<1000xf32, #tpu.memory_space<hbm>>) target_semaphore(%run_scoped3A_315 : memref<!tpu.dma_semaphore, #tpu.memory_space<semaphore_mem>>)
        %dma_wait3A_326 = arith.constant 2000 : i32
        %dma_wait3A_327 = tpu.memref_slice %arg10[%dma_wait3A_326] : memref<10000xf32, #tpu.memory_space<vmem>> -> memref<1000xf32, #tpu.memory_space<vmem>>
        %dma_wait3A_328 = arith.constant 0 : i32
        %dma_wait3A_329 = tpu.memref_slice %arg5[%run_scoped3A_307, %arg1, %dma_wait3A_328] : memref<10x16x1000xf32, #tpu.memory_space<hbm>> -> memref<1x1x1000xf32, #tpu.memory_space<hbm>>
        %dma_wait3A_330 = tpu.memref_squeeze %dma_wait3A_329 : memref<1x1x1000xf32, #tpu.memory_space<hbm>> -> memref<1000xf32, #tpu.memory_space<hbm>>
        %dma_wait3A_331 = arith.constant 0 : i32
        %dma_wait3A_332 = tpu.memref_slice %arg5[%run_scoped3A_307, %arg1, %dma_wait3A_331] : memref<10x16x1000xf32, #tpu.memory_space<hbm>> -> memref<1x1x1000xf32, #tpu.memory_space<hbm>>
        %dma_wait3A_333 = tpu.memref_squeeze %dma_wait3A_332 : memref<1x1x1000xf32, #tpu.memory_space<hbm>> -> memref<1000xf32, #tpu.memory_space<hbm>>
        %dma_wait3A_334 = arith.constant 2000 : i32
        %dma_wait3A_335 = tpu.memref_slice %arg10[%dma_wait3A_334] : memref<10000xf32, #tpu.memory_space<vmem>> -> memref<1000xf32, #tpu.memory_space<vmem>>
        tpu.wait_dma2 semaphore(%run_scoped3A_315 : memref<!tpu.dma_semaphore, #tpu.memory_space<semaphore_mem>>) src(%dma_wait3A_335 : memref<1000xf32, #tpu.memory_space<vmem>>) dst(%dma_wait3A_333 : memref<1000xf32, #tpu.memory_space<hbm>>)
        tpu.yield
      }) : () -> ()
      %run_scoped3A_308 = arith.constant 3 : i32
      "tpu.region"() ({
        %run_scoped3A_315 = tpu.sem_alloc : memref<!tpu.dma_semaphore, #tpu.memory_space<semaphore_mem>>
        %dma_start3A_316 = arith.constant 3000 : i32
        %dma_start3A_317 = tpu.memref_slice %arg10[%dma_start3A_316] : memref<10000xf32, #tpu.memory_space<vmem>> -> memref<1000xf32, #tpu.memory_space<vmem>>
        %dma_start3A_318 = arith.constant 0 : i32
        %dma_start3A_319 = tpu.memref_slice %arg5[%run_scoped3A_308, %arg1, %dma_start3A_318] : memref<10x16x1000xf32, #tpu.memory_space<hbm>> -> memref<1x1x1000xf32, #tpu.memory_space<hbm>>
        %dma_start3A_320 = tpu.memref_squeeze %dma_start3A_319 : memref<1x1x1000xf32, #tpu.memory_space<hbm>> -> memref<1000xf32, #tpu.memory_space<hbm>>
        %dma_start3A_321 = arith.constant 0 : i32
        %dma_start3A_322 = tpu.memref_slice %arg5[%run_scoped3A_308, %arg1, %dma_start3A_321] : memref<10x16x1000xf32, #tpu.memory_space<hbm>> -> memref<1x1x1000xf32, #tpu.memory_space<hbm>>
        %dma_start3A_323 = tpu.memref_squeeze %dma_start3A_322 : memref<1x1x1000xf32, #tpu.memory_space<hbm>> -> memref<1000xf32, #tpu.memory_space<hbm>>
        %dma_start3A_324 = arith.constant 3000 : i32
        %dma_start3A_325 = tpu.memref_slice %arg10[%dma_start3A_324] : memref<10000xf32, #tpu.memory_space<vmem>> -> memref<1000xf32, #tpu.memory_space<vmem>>
        tpu.enqueue_dma source(%dma_start3A_325 : memref<1000xf32, #tpu.memory_space<vmem>>) target(%dma_start3A_323 : memref<1000xf32, #tpu.memory_space<hbm>>) target_semaphore(%run_scoped3A_315 : memref<!tpu.dma_semaphore, #tpu.memory_space<semaphore_mem>>)
        %dma_wait3A_326 = arith.constant 3000 : i32
        %dma_wait3A_327 = tpu.memref_slice %arg10[%dma_wait3A_326] : memref<10000xf32, #tpu.memory_space<vmem>> -> memref<1000xf32, #tpu.memory_space<vmem>>
        %dma_wait3A_328 = arith.constant 0 : i32
        %dma_wait3A_329 = tpu.memref_slice %arg5[%run_scoped3A_308, %arg1, %dma_wait3A_328] : memref<10x16x1000xf32, #tpu.memory_space<hbm>> -> memref<1x1x1000xf32, #tpu.memory_space<hbm>>
        %dma_wait3A_330 = tpu.memref_squeeze %dma_wait3A_329 : memref<1x1x1000xf32, #tpu.memory_space<hbm>> -> memref<1000xf32, #tpu.memory_space<hbm>>
        %dma_wait3A_331 = arith.constant 0 : i32
        %dma_wait3A_332 = tpu.memref_slice %arg5[%run_scoped3A_308, %arg1, %dma_wait3A_331] : memref<10x16x1000xf32, #tpu.memory_space<hbm>> -> memref<1x1x1000xf32, #tpu.memory_space<hbm>>
        %dma_wait3A_333 = tpu.memref_squeeze %dma_wait3A_332 : memref<1x1x1000xf32, #tpu.memory_space<hbm>> -> memref<1000xf32, #tpu.memory_space<hbm>>
        %dma_wait3A_334 = arith.constant 3000 : i32
        %dma_wait3A_335 = tpu.memref_slice %arg10[%dma_wait3A_334] : memref<10000xf32, #tpu.memory_space<vmem>> -> memref<1000xf32, #tpu.memory_space<vmem>>
        tpu.wait_dma2 semaphore(%run_scoped3A_315 : memref<!tpu.dma_semaphore, #tpu.memory_space<semaphore_mem>>) src(%dma_wait3A_335 : memref<1000xf32, #tpu.memory_space<vmem>>) dst(%dma_wait3A_333 : memref<1000xf32, #tpu.memory_space<hbm>>)
        tpu.yield
      }) : () -> ()
      %run_scoped3A_309 = arith.constant 4 : i32
      "tpu.region"() ({
        %run_scoped3A_315 = tpu.sem_alloc : memref<!tpu.dma_semaphore, #tpu.memory_space<semaphore_mem>>
        %dma_start3A_316 = arith.constant 4000 : i32
        %dma_start3A_317 = tpu.memref_slice %arg10[%dma_start3A_316] : memref<10000xf32, #tpu.memory_space<vmem>> -> memref<1000xf32, #tpu.memory_space<vmem>>
        %dma_start3A_318 = arith.constant 0 : i32
        %dma_start3A_319 = tpu.memref_slice %arg5[%run_scoped3A_309, %arg1, %dma_start3A_318] : memref<10x16x1000xf32, #tpu.memory_space<hbm>> -> memref<1x1x1000xf32, #tpu.memory_space<hbm>>
        %dma_start3A_320 = tpu.memref_squeeze %dma_start3A_319 : memref<1x1x1000xf32, #tpu.memory_space<hbm>> -> memref<1000xf32, #tpu.memory_space<hbm>>
        %dma_start3A_321 = arith.constant 0 : i32
        %dma_start3A_322 = tpu.memref_slice %arg5[%run_scoped3A_309, %arg1, %dma_start3A_321] : memref<10x16x1000xf32, #tpu.memory_space<hbm>> -> memref<1x1x1000xf32, #tpu.memory_space<hbm>>
        %dma_start3A_323 = tpu.memref_squeeze %dma_start3A_322 : memref<1x1x1000xf32, #tpu.memory_space<hbm>> -> memref<1000xf32, #tpu.memory_space<hbm>>
        %dma_start3A_324 = arith.constant 4000 : i32
        %dma_start3A_325 = tpu.memref_slice %arg10[%dma_start3A_324] : memref<10000xf32, #tpu.memory_space<vmem>> -> memref<1000xf32, #tpu.memory_space<vmem>>
        tpu.enqueue_dma source(%dma_start3A_325 : memref<1000xf32, #tpu.memory_space<vmem>>) target(%dma_start3A_323 : memref<1000xf32, #tpu.memory_space<hbm>>) target_semaphore(%run_scoped3A_315 : memref<!tpu.dma_semaphore, #tpu.memory_space<semaphore_mem>>)
        %dma_wait3A_326 = arith.constant 4000 : i32
        %dma_wait3A_327 = tpu.memref_slice %arg10[%dma_wait3A_326] : memref<10000xf32, #tpu.memory_space<vmem>> -> memref<1000xf32, #tpu.memory_space<vmem>>
        %dma_wait3A_328 = arith.constant 0 : i32
        %dma_wait3A_329 = tpu.memref_slice %arg5[%run_scoped3A_309, %arg1, %dma_wait3A_328] : memref<10x16x1000xf32, #tpu.memory_space<hbm>> -> memref<1x1x1000xf32, #tpu.memory_space<hbm>>
        %dma_wait3A_330 = tpu.memref_squeeze %dma_wait3A_329 : memref<1x1x1000xf32, #tpu.memory_space<hbm>> -> memref<1000xf32, #tpu.memory_space<hbm>>
        %dma_wait3A_331 = arith.constant 0 : i32
        %dma_wait3A_332 = tpu.memref_slice %arg5[%run_scoped3A_309, %arg1, %dma_wait3A_331] : memref<10x16x1000xf32, #tpu.memory_space<hbm>> -> memref<1x1x1000xf32, #tpu.memory_space<hbm>>
        %dma_wait3A_333 = tpu.memref_squeeze %dma_wait3A_332 : memref<1x1x1000xf32, #tpu.memory_space<hbm>> -> memref<1000xf32, #tpu.memory_space<hbm>>
        %dma_wait3A_334 = arith.constant 4000 : i32
        %dma_wait3A_335 = tpu.memref_slice %arg10[%dma_wait3A_334] : memref<10000xf32, #tpu.memory_space<vmem>> -> memref<1000xf32, #tpu.memory_space<vmem>>
        tpu.wait_dma2 semaphore(%run_scoped3A_315 : memref<!tpu.dma_semaphore, #tpu.memory_space<semaphore_mem>>) src(%dma_wait3A_335 : memref<1000xf32, #tpu.memory_space<vmem>>) dst(%dma_wait3A_333 : memref<1000xf32, #tpu.memory_space<hbm>>)
        tpu.yield
      }) : () -> ()
      %run_scoped3A_310 = arith.constant 5 : i32
      "tpu.region"() ({
        %run_scoped3A_315 = tpu.sem_alloc : memref<!tpu.dma_semaphore, #tpu.memory_space<semaphore_mem>>
        %dma_start3A_316 = arith.constant 5000 : i32
        %dma_start3A_317 = tpu.memref_slice %arg10[%dma_start3A_316] : memref<10000xf32, #tpu.memory_space<vmem>> -> memref<1000xf32, #tpu.memory_space<vmem>>
        %dma_start3A_318 = arith.constant 0 : i32
        %dma_start3A_319 = tpu.memref_slice %arg5[%run_scoped3A_310, %arg1, %dma_start3A_318] : memref<10x16x1000xf32, #tpu.memory_space<hbm>> -> memref<1x1x1000xf32, #tpu.memory_space<hbm>>
        %dma_start3A_320 = tpu.memref_squeeze %dma_start3A_319 : memref<1x1x1000xf32, #tpu.memory_space<hbm>> -> memref<1000xf32, #tpu.memory_space<hbm>>
        %dma_start3A_321 = arith.constant 0 : i32
        %dma_start3A_322 = tpu.memref_slice %arg5[%run_scoped3A_310, %arg1, %dma_start3A_321] : memref<10x16x1000xf32, #tpu.memory_space<hbm>> -> memref<1x1x1000xf32, #tpu.memory_space<hbm>>
        %dma_start3A_323 = tpu.memref_squeeze %dma_start3A_322 : memref<1x1x1000xf32, #tpu.memory_space<hbm>> -> memref<1000xf32, #tpu.memory_space<hbm>>
        %dma_start3A_324 = arith.constant 5000 : i32
        %dma_start3A_325 = tpu.memref_slice %arg10[%dma_start3A_324] : memref<10000xf32, #tpu.memory_space<vmem>> -> memref<1000xf32, #tpu.memory_space<vmem>>
        tpu.enqueue_dma source(%dma_start3A_325 : memref<1000xf32, #tpu.memory_space<vmem>>) target(%dma_start3A_323 : memref<1000xf32, #tpu.memory_space<hbm>>) target_semaphore(%run_scoped3A_315 : memref<!tpu.dma_semaphore, #tpu.memory_space<semaphore_mem>>)
        %dma_wait3A_326 = arith.constant 5000 : i32
        %dma_wait3A_327 = tpu.memref_slice %arg10[%dma_wait3A_326] : memref<10000xf32, #tpu.memory_space<vmem>> -> memref<1000xf32, #tpu.memory_space<vmem>>
        %dma_wait3A_328 = arith.constant 0 : i32
        %dma_wait3A_329 = tpu.memref_slice %arg5[%run_scoped3A_310, %arg1, %dma_wait3A_328] : memref<10x16x1000xf32, #tpu.memory_space<hbm>> -> memref<1x1x1000xf32, #tpu.memory_space<hbm>>
        %dma_wait3A_330 = tpu.memref_squeeze %dma_wait3A_329 : memref<1x1x1000xf32, #tpu.memory_space<hbm>> -> memref<1000xf32, #tpu.memory_space<hbm>>
        %dma_wait3A_331 = arith.constant 0 : i32
        %dma_wait3A_332 = tpu.memref_slice %arg5[%run_scoped3A_310, %arg1, %dma_wait3A_331] : memref<10x16x1000xf32, #tpu.memory_space<hbm>> -> memref<1x1x1000xf32, #tpu.memory_space<hbm>>
        %dma_wait3A_333 = tpu.memref_squeeze %dma_wait3A_332 : memref<1x1x1000xf32, #tpu.memory_space<hbm>> -> memref<1000xf32, #tpu.memory_space<hbm>>
        %dma_wait3A_334 = arith.constant 5000 : i32
        %dma_wait3A_335 = tpu.memref_slice %arg10[%dma_wait3A_334] : memref<10000xf32, #tpu.memory_space<vmem>> -> memref<1000xf32, #tpu.memory_space<vmem>>
        tpu.wait_dma2 semaphore(%run_scoped3A_315 : memref<!tpu.dma_semaphore, #tpu.memory_space<semaphore_mem>>) src(%dma_wait3A_335 : memref<1000xf32, #tpu.memory_space<vmem>>) dst(%dma_wait3A_333 : memref<1000xf32, #tpu.memory_space<hbm>>)
        tpu.yield
      }) : () -> ()
      %run_scoped3A_311 = arith.constant 6 : i32
      "tpu.region"() ({
        %run_scoped3A_315 = tpu.sem_alloc : memref<!tpu.dma_semaphore, #tpu.memory_space<semaphore_mem>>
        %dma_start3A_316 = arith.constant 6000 : i32
        %dma_start3A_317 = tpu.memref_slice %arg10[%dma_start3A_316] : memref<10000xf32, #tpu.memory_space<vmem>> -> memref<1000xf32, #tpu.memory_space<vmem>>
        %dma_start3A_318 = arith.constant 0 : i32
        %dma_start3A_319 = tpu.memref_slice %arg5[%run_scoped3A_311, %arg1, %dma_start3A_318] : memref<10x16x1000xf32, #tpu.memory_space<hbm>> -> memref<1x1x1000xf32, #tpu.memory_space<hbm>>
        %dma_start3A_320 = tpu.memref_squeeze %dma_start3A_319 : memref<1x1x1000xf32, #tpu.memory_space<hbm>> -> memref<1000xf32, #tpu.memory_space<hbm>>
        %dma_start3A_321 = arith.constant 0 : i32
        %dma_start3A_322 = tpu.memref_slice %arg5[%run_scoped3A_311, %arg1, %dma_start3A_321] : memref<10x16x1000xf32, #tpu.memory_space<hbm>> -> memref<1x1x1000xf32, #tpu.memory_space<hbm>>
        %dma_start3A_323 = tpu.memref_squeeze %dma_start3A_322 : memref<1x1x1000xf32, #tpu.memory_space<hbm>> -> memref<1000xf32, #tpu.memory_space<hbm>>
        %dma_start3A_324 = arith.constant 6000 : i32
        %dma_start3A_325 = tpu.memref_slice %arg10[%dma_start3A_324] : memref<10000xf32, #tpu.memory_space<vmem>> -> memref<1000xf32, #tpu.memory_space<vmem>>
        tpu.enqueue_dma source(%dma_start3A_325 : memref<1000xf32, #tpu.memory_space<vmem>>) target(%dma_start3A_323 : memref<1000xf32, #tpu.memory_space<hbm>>) target_semaphore(%run_scoped3A_315 : memref<!tpu.dma_semaphore, #tpu.memory_space<semaphore_mem>>)
        %dma_wait3A_326 = arith.constant 6000 : i32
        %dma_wait3A_327 = tpu.memref_slice %arg10[%dma_wait3A_326] : memref<10000xf32, #tpu.memory_space<vmem>> -> memref<1000xf32, #tpu.memory_space<vmem>>
        %dma_wait3A_328 = arith.constant 0 : i32
        %dma_wait3A_329 = tpu.memref_slice %arg5[%run_scoped3A_311, %arg1, %dma_wait3A_328] : memref<10x16x1000xf32, #tpu.memory_space<hbm>> -> memref<1x1x1000xf32, #tpu.memory_space<hbm>>
        %dma_wait3A_330 = tpu.memref_squeeze %dma_wait3A_329 : memref<1x1x1000xf32, #tpu.memory_space<hbm>> -> memref<1000xf32, #tpu.memory_space<hbm>>
        %dma_wait3A_331 = arith.constant 0 : i32
        %dma_wait3A_332 = tpu.memref_slice %arg5[%run_scoped3A_311, %arg1, %dma_wait3A_331] : memref<10x16x1000xf32, #tpu.memory_space<hbm>> -> memref<1x1x1000xf32, #tpu.memory_space<hbm>>
        %dma_wait3A_333 = tpu.memref_squeeze %dma_wait3A_332 : memref<1x1x1000xf32, #tpu.memory_space<hbm>> -> memref<1000xf32, #tpu.memory_space<hbm>>
        %dma_wait3A_334 = arith.constant 6000 : i32
        %dma_wait3A_335 = tpu.memref_slice %arg10[%dma_wait3A_334] : memref<10000xf32, #tpu.memory_space<vmem>> -> memref<1000xf32, #tpu.memory_space<vmem>>
        tpu.wait_dma2 semaphore(%run_scoped3A_315 : memref<!tpu.dma_semaphore, #tpu.memory_space<semaphore_mem>>) src(%dma_wait3A_335 : memref<1000xf32, #tpu.memory_space<vmem>>) dst(%dma_wait3A_333 : memref<1000xf32, #tpu.memory_space<hbm>>)
        tpu.yield
      }) : () -> ()
      %run_scoped3A_312 = arith.constant 7 : i32
      "tpu.region"() ({
        %run_scoped3A_315 = tpu.sem_alloc : memref<!tpu.dma_semaphore, #tpu.memory_space<semaphore_mem>>
        %dma_start3A_316 = arith.constant 7000 : i32
        %dma_start3A_317 = tpu.memref_slice %arg10[%dma_start3A_316] : memref<10000xf32, #tpu.memory_space<vmem>> -> memref<1000xf32, #tpu.memory_space<vmem>>
        %dma_start3A_318 = arith.constant 0 : i32
        %dma_start3A_319 = tpu.memref_slice %arg5[%run_scoped3A_312, %arg1, %dma_start3A_318] : memref<10x16x1000xf32, #tpu.memory_space<hbm>> -> memref<1x1x1000xf32, #tpu.memory_space<hbm>>
        %dma_start3A_320 = tpu.memref_squeeze %dma_start3A_319 : memref<1x1x1000xf32, #tpu.memory_space<hbm>> -> memref<1000xf32, #tpu.memory_space<hbm>>
        %dma_start3A_321 = arith.constant 0 : i32
        %dma_start3A_322 = tpu.memref_slice %arg5[%run_scoped3A_312, %arg1, %dma_start3A_321] : memref<10x16x1000xf32, #tpu.memory_space<hbm>> -> memref<1x1x1000xf32, #tpu.memory_space<hbm>>
        %dma_start3A_323 = tpu.memref_squeeze %dma_start3A_322 : memref<1x1x1000xf32, #tpu.memory_space<hbm>> -> memref<1000xf32, #tpu.memory_space<hbm>>
        %dma_start3A_324 = arith.constant 7000 : i32
        %dma_start3A_325 = tpu.memref_slice %arg10[%dma_start3A_324] : memref<10000xf32, #tpu.memory_space<vmem>> -> memref<1000xf32, #tpu.memory_space<vmem>>
        tpu.enqueue_dma source(%dma_start3A_325 : memref<1000xf32, #tpu.memory_space<vmem>>) target(%dma_start3A_323 : memref<1000xf32, #tpu.memory_space<hbm>>) target_semaphore(%run_scoped3A_315 : memref<!tpu.dma_semaphore, #tpu.memory_space<semaphore_mem>>)
        %dma_wait3A_326 = arith.constant 7000 : i32
        %dma_wait3A_327 = tpu.memref_slice %arg10[%dma_wait3A_326] : memref<10000xf32, #tpu.memory_space<vmem>> -> memref<1000xf32, #tpu.memory_space<vmem>>
        %dma_wait3A_328 = arith.constant 0 : i32
        %dma_wait3A_329 = tpu.memref_slice %arg5[%run_scoped3A_312, %arg1, %dma_wait3A_328] : memref<10x16x1000xf32, #tpu.memory_space<hbm>> -> memref<1x1x1000xf32, #tpu.memory_space<hbm>>
        %dma_wait3A_330 = tpu.memref_squeeze %dma_wait3A_329 : memref<1x1x1000xf32, #tpu.memory_space<hbm>> -> memref<1000xf32, #tpu.memory_space<hbm>>
        %dma_wait3A_331 = arith.constant 0 : i32
        %dma_wait3A_332 = tpu.memref_slice %arg5[%run_scoped3A_312, %arg1, %dma_wait3A_331] : memref<10x16x1000xf32, #tpu.memory_space<hbm>> -> memref<1x1x1000xf32, #tpu.memory_space<hbm>>
        %dma_wait3A_333 = tpu.memref_squeeze %dma_wait3A_332 : memref<1x1x1000xf32, #tpu.memory_space<hbm>> -> memref<1000xf32, #tpu.memory_space<hbm>>
        %dma_wait3A_334 = arith.constant 7000 : i32
        %dma_wait3A_335 = tpu.memref_slice %arg10[%dma_wait3A_334] : memref<10000xf32, #tpu.memory_space<vmem>> -> memref<1000xf32, #tpu.memory_space<vmem>>
        tpu.wait_dma2 semaphore(%run_scoped3A_315 : memref<!tpu.dma_semaphore, #tpu.memory_space<semaphore_mem>>) src(%dma_wait3A_335 : memref<1000xf32, #tpu.memory_space<vmem>>) dst(%dma_wait3A_333 : memref<1000xf32, #tpu.memory_space<hbm>>)
        tpu.yield
      }) : () -> ()
      %run_scoped3A_313 = arith.constant 8 : i32
      "tpu.region"() ({
        %run_scoped3A_315 = tpu.sem_alloc : memref<!tpu.dma_semaphore, #tpu.memory_space<semaphore_mem>>
        %dma_start3A_316 = arith.constant 8000 : i32
        %dma_start3A_317 = tpu.memref_slice %arg10[%dma_start3A_316] : memref<10000xf32, #tpu.memory_space<vmem>> -> memref<1000xf32, #tpu.memory_space<vmem>>
        %dma_start3A_318 = arith.constant 0 : i32
        %dma_start3A_319 = tpu.memref_slice %arg5[%run_scoped3A_313, %arg1, %dma_start3A_318] : memref<10x16x1000xf32, #tpu.memory_space<hbm>> -> memref<1x1x1000xf32, #tpu.memory_space<hbm>>
        %dma_start3A_320 = tpu.memref_squeeze %dma_start3A_319 : memref<1x1x1000xf32, #tpu.memory_space<hbm>> -> memref<1000xf32, #tpu.memory_space<hbm>>
        %dma_start3A_321 = arith.constant 0 : i32
        %dma_start3A_322 = tpu.memref_slice %arg5[%run_scoped3A_313, %arg1, %dma_start3A_321] : memref<10x16x1000xf32, #tpu.memory_space<hbm>> -> memref<1x1x1000xf32, #tpu.memory_space<hbm>>
        %dma_start3A_323 = tpu.memref_squeeze %dma_start3A_322 : memref<1x1x1000xf32, #tpu.memory_space<hbm>> -> memref<1000xf32, #tpu.memory_space<hbm>>
        %dma_start3A_324 = arith.constant 8000 : i32
        %dma_start3A_325 = tpu.memref_slice %arg10[%dma_start3A_324] : memref<10000xf32, #tpu.memory_space<vmem>> -> memref<1000xf32, #tpu.memory_space<vmem>>
        tpu.enqueue_dma source(%dma_start3A_325 : memref<1000xf32, #tpu.memory_space<vmem>>) target(%dma_start3A_323 : memref<1000xf32, #tpu.memory_space<hbm>>) target_semaphore(%run_scoped3A_315 : memref<!tpu.dma_semaphore, #tpu.memory_space<semaphore_mem>>)
        %dma_wait3A_326 = arith.constant 8000 : i32
        %dma_wait3A_327 = tpu.memref_slice %arg10[%dma_wait3A_326] : memref<10000xf32, #tpu.memory_space<vmem>> -> memref<1000xf32, #tpu.memory_space<vmem>>
        %dma_wait3A_328 = arith.constant 0 : i32
        %dma_wait3A_329 = tpu.memref_slice %arg5[%run_scoped3A_313, %arg1, %dma_wait3A_328] : memref<10x16x1000xf32, #tpu.memory_space<hbm>> -> memref<1x1x1000xf32, #tpu.memory_space<hbm>>
        %dma_wait3A_330 = tpu.memref_squeeze %dma_wait3A_329 : memref<1x1x1000xf32, #tpu.memory_space<hbm>> -> memref<1000xf32, #tpu.memory_space<hbm>>
        %dma_wait3A_331 = arith.constant 0 : i32
        %dma_wait3A_332 = tpu.memref_slice %arg5[%run_scoped3A_313, %arg1, %dma_wait3A_331] : memref<10x16x1000xf32, #tpu.memory_space<hbm>> -> memref<1x1x1000xf32, #tpu.memory_space<hbm>>
        %dma_wait3A_333 = tpu.memref_squeeze %dma_wait3A_332 : memref<1x1x1000xf32, #tpu.memory_space<hbm>> -> memref<1000xf32, #tpu.memory_space<hbm>>
        %dma_wait3A_334 = arith.constant 8000 : i32
        %dma_wait3A_335 = tpu.memref_slice %arg10[%dma_wait3A_334] : memref<10000xf32, #tpu.memory_space<vmem>> -> memref<1000xf32, #tpu.memory_space<vmem>>
        tpu.wait_dma2 semaphore(%run_scoped3A_315 : memref<!tpu.dma_semaphore, #tpu.memory_space<semaphore_mem>>) src(%dma_wait3A_335 : memref<1000xf32, #tpu.memory_space<vmem>>) dst(%dma_wait3A_333 : memref<1000xf32, #tpu.memory_space<hbm>>)
        tpu.yield
      }) : () -> ()
      %run_scoped3A_314 = arith.constant 9 : i32
      "tpu.region"() ({
        %run_scoped3A_315 = tpu.sem_alloc : memref<!tpu.dma_semaphore, #tpu.memory_space<semaphore_mem>>
        %dma_start3A_316 = arith.constant 9000 : i32
        %dma_start3A_317 = tpu.memref_slice %arg10[%dma_start3A_316] : memref<10000xf32, #tpu.memory_space<vmem>> -> memref<1000xf32, #tpu.memory_space<vmem>>
        %dma_start3A_318 = arith.constant 0 : i32
        %dma_start3A_319 = tpu.memref_slice %arg5[%run_scoped3A_314, %arg1, %dma_start3A_318] : memref<10x16x1000xf32, #tpu.memory_space<hbm>> -> memref<1x1x1000xf32, #tpu.memory_space<hbm>>
        %dma_start3A_320 = tpu.memref_squeeze %dma_start3A_319 : memref<1x1x1000xf32, #tpu.memory_space<hbm>> -> memref<1000xf32, #tpu.memory_space<hbm>>
        %dma_start3A_321 = arith.constant 0 : i32
        %dma_start3A_322 = tpu.memref_slice %arg5[%run_scoped3A_314, %arg1, %dma_start3A_321] : memref<10x16x1000xf32, #tpu.memory_space<hbm>> -> memref<1x1x1000xf32, #tpu.memory_space<hbm>>
        %dma_start3A_323 = tpu.memref_squeeze %dma_start3A_322 : memref<1x1x1000xf32, #tpu.memory_space<hbm>> -> memref<1000xf32, #tpu.memory_space<hbm>>
        %dma_start3A_324 = arith.constant 9000 : i32
        %dma_start3A_325 = tpu.memref_slice %arg10[%dma_start3A_324] : memref<10000xf32, #tpu.memory_space<vmem>> -> memref<1000xf32, #tpu.memory_space<vmem>>
        tpu.enqueue_dma source(%dma_start3A_325 : memref<1000xf32, #tpu.memory_space<vmem>>) target(%dma_start3A_323 : memref<1000xf32, #tpu.memory_space<hbm>>) target_semaphore(%run_scoped3A_315 : memref<!tpu.dma_semaphore, #tpu.memory_space<semaphore_mem>>)
        %dma_wait3A_326 = arith.constant 9000 : i32
        %dma_wait3A_327 = tpu.memref_slice %arg10[%dma_wait3A_326] : memref<10000xf32, #tpu.memory_space<vmem>> -> memref<1000xf32, #tpu.memory_space<vmem>>
        %dma_wait3A_328 = arith.constant 0 : i32
        %dma_wait3A_329 = tpu.memref_slice %arg5[%run_scoped3A_314, %arg1, %dma_wait3A_328] : memref<10x16x1000xf32, #tpu.memory_space<hbm>> -> memref<1x1x1000xf32, #tpu.memory_space<hbm>>
        %dma_wait3A_330 = tpu.memref_squeeze %dma_wait3A_329 : memref<1x1x1000xf32, #tpu.memory_space<hbm>> -> memref<1000xf32, #tpu.memory_space<hbm>>
        %dma_wait3A_331 = arith.constant 0 : i32
        %dma_wait3A_332 = tpu.memref_slice %arg5[%run_scoped3A_314, %arg1, %dma_wait3A_331] : memref<10x16x1000xf32, #tpu.memory_space<hbm>> -> memref<1x1x1000xf32, #tpu.memory_space<hbm>>
        %dma_wait3A_333 = tpu.memref_squeeze %dma_wait3A_332 : memref<1x1x1000xf32, #tpu.memory_space<hbm>> -> memref<1000xf32, #tpu.memory_space<hbm>>
        %dma_wait3A_334 = arith.constant 9000 : i32
        %dma_wait3A_335 = tpu.memref_slice %arg10[%dma_wait3A_334] : memref<10000xf32, #tpu.memory_space<vmem>> -> memref<1000xf32, #tpu.memory_space<vmem>>
        tpu.wait_dma2 semaphore(%run_scoped3A_315 : memref<!tpu.dma_semaphore, #tpu.memory_space<semaphore_mem>>) src(%dma_wait3A_335 : memref<1000xf32, #tpu.memory_space<vmem>>) dst(%dma_wait3A_333 : memref<1000xf32, #tpu.memory_space<hbm>>)
        tpu.yield
      }) : () -> ()
    } else {
    }
    return
  }
}

module attributes {stable_mosaic.version = 14 : i64} {
  func.func @_dense1_body(%arg0: i32, %arg1: memref<1000x64xf32, #tpu.memory_space<vmem>>, %arg2: memref<1000x64xf32, #tpu.memory_space<vmem>>, %arg3: memref<1x16x1000xf32, #tpu.memory_space<vmem>>, %arg4: memref<1000x128xf32, #tpu.memory_space<vmem>>, %arg5: memref<128x128xf32, #tpu.memory_space<vmem>>, %arg6: memref<128x128xf32, #tpu.memory_space<vmem>>, %arg7: memref<1x128xf32, #tpu.memory_space<vmem>>, %arg8: memref<1000x128xf32, #tpu.memory_space<vmem>>) attributes {dimension_semantics = [#tpu.dimension_semantics<arbitrary>], iteration_bounds = array<i64: 10>, scalar_prefetch = 0 : i64, scratch_operands = 0 : i64, tpu.core_type = #tpu.core_type<tc>, window_params = [{transform_indices = @transform_0, window_bounds = array<i64: 1000, 64>}, {transform_indices = @transform_1, window_bounds = array<i64: 1000, 64>}, {transform_indices = @transform_2, window_bounds = array<i64: 1, 16, 1000>}, {transform_indices = @transform_3, window_bounds = array<i64: 1000, 128>}, {pipeline_mode = #tpu.pipeline_mode<synchronous>, transform_indices = @transform_4, window_bounds = array<i64: 128, 128>}, {pipeline_mode = #tpu.pipeline_mode<synchronous>, transform_indices = @transform_5, window_bounds = array<i64: 128, 128>}, {pipeline_mode = #tpu.pipeline_mode<synchronous>, transform_indices = @transform_6, window_bounds = array<i64: 1, 128>}, {transform_indices = @transform_7, window_bounds = array<i64: 1000, 128>}]} {
    %get3A = arith.constant 0 : index
    %get3A_0 = arith.constant 0 : index
    %get3A_1 = arith.constant 0 : index
    %get3A_2 = vector.load %arg3[%get3A, %get3A_0, %get3A_1] : memref<1x16x1000xf32, #tpu.memory_space<vmem>>, vector<1x16x1000xf32>
    %get3A_3 = vector.shape_cast %get3A_2 : vector<1x16x1000xf32> to vector<16x1000xf32>
    %reduce_sum3A = arith.constant dense<0.000000e+00> : vector<1000xf32>
    %reduce_sum3A_4 = vector.multi_reduction <add>, %get3A_3, %reduce_sum3A [0] : vector<16x1000xf32> to vector<1000xf32>
    %broadcast_in_dim3A = vector.shape_cast %reduce_sum3A_4 : vector<1000xf32> to vector<1000x1xf32>
    %max3A = arith.constant 1.000000e+00 : f32
    %max3A_5 = vector.broadcast %max3A : f32 to vector<1000x1xf32>
    %max3A_6 = arith.maximumf %broadcast_in_dim3A, %max3A_5 : vector<1000x1xf32>
    %div3A = arith.constant 1.000000e+00 : f32
    %div3A_7 = vector.broadcast %div3A : f32 to vector<1000x1xf32>
    %div3A_8 = arith.divf %div3A_7, %max3A_6 : vector<1000x1xf32>
    %get3A_9 = arith.constant 0 : index
    %get3A_10 = arith.constant 0 : index
    %get3A_11 = vector.load %arg5[%get3A_9, %get3A_10] : memref<128x128xf32, #tpu.memory_space<vmem>>, vector<128x128xf32>
    %get3A_12 = arith.constant 0 : index
    %get3A_13 = arith.constant 0 : index
    %get3A_14 = vector.load %arg1[%get3A_12, %get3A_13] : memref<1000x64xf32, #tpu.memory_space<vmem>>, vector<1000x64xf32>
    %mul3A = vector.broadcast %div3A_8 : vector<1000x1xf32> to vector<1000x64xf32>
    %mul3A_15 = arith.mulf %get3A_14, %mul3A : vector<1000x64xf32>
    %slice3A = vector.extract_strided_slice %get3A_11 {offsets = [0, 0], sizes = [128, 64], strides = [1, 1]} : vector<128x128xf32> to vector<128x64xf32>
    %dot_general3A = arith.constant dense<0.000000e+00> : vector<1000x128xf32>
    %dot_general3A_16 = tpu.matmul %mul3A_15, %slice3A, %dot_general3A {dimension_numbers = #tpu.dot_dimension_numbers<[1], [1], [0], [0], [0, 0, 1, 0], [], []>, transpose_lhs_hint = false} : vector<1000x64xf32>, vector<128x64xf32>, vector<1000x128xf32> -> vector<1000x128xf32>
    %get3A_17 = arith.constant 0 : index
    %get3A_18 = arith.constant 0 : index
    %get3A_19 = vector.load %arg2[%get3A_17, %get3A_18] : memref<1000x64xf32, #tpu.memory_space<vmem>>, vector<1000x64xf32>
    %mul3A_20 = vector.broadcast %div3A_8 : vector<1000x1xf32> to vector<1000x64xf32>
    %mul3A_21 = arith.mulf %get3A_19, %mul3A_20 : vector<1000x64xf32>
    %slice3A_22 = vector.extract_strided_slice %get3A_11 {offsets = [0, 64], sizes = [128, 64], strides = [1, 1]} : vector<128x128xf32> to vector<128x64xf32>
    %dot_general3A_23 = arith.constant dense<0.000000e+00> : vector<1000x128xf32>
    %dot_general3A_24 = tpu.matmul %mul3A_21, %slice3A_22, %dot_general3A_23 {dimension_numbers = #tpu.dot_dimension_numbers<[1], [1], [0], [0], [0, 0, 1, 0], [], []>, transpose_lhs_hint = false} : vector<1000x64xf32>, vector<128x64xf32>, vector<1000x128xf32> -> vector<1000x128xf32>
    %add3A = arith.addf %dot_general3A_16, %dot_general3A_24 : vector<1000x128xf32>
    %get3A_25 = arith.constant 0 : index
    %get3A_26 = arith.constant 0 : index
    %get3A_27 = vector.load %arg4[%get3A_25, %get3A_26] : memref<1000x128xf32, #tpu.memory_space<vmem>>, vector<1000x128xf32>
    %get3A_28 = arith.constant 0 : index
    %get3A_29 = arith.constant 0 : index
    %get3A_30 = vector.load %arg6[%get3A_28, %get3A_29] : memref<128x128xf32, #tpu.memory_space<vmem>>, vector<128x128xf32>
    %dot_general3A_31 = arith.constant dense<0.000000e+00> : vector<1000x128xf32>
    %dot_general3A_32 = tpu.matmul %get3A_27, %get3A_30, %dot_general3A_31 {dimension_numbers = #tpu.dot_dimension_numbers<[1], [1], [0], [0], [0, 0, 1, 0], [], []>, transpose_lhs_hint = false} : vector<1000x128xf32>, vector<128x128xf32>, vector<1000x128xf32> -> vector<1000x128xf32>
    %add3A_33 = arith.addf %add3A, %dot_general3A_32 : vector<1000x128xf32>
    %get3A_34 = arith.constant 0 : index
    %get3A_35 = arith.constant 0 : index
    %get3A_36 = vector.load %arg7[%get3A_34, %get3A_35] : memref<1x128xf32, #tpu.memory_space<vmem>>, vector<1x128xf32>
    %add3A_37 = vector.broadcast %get3A_36 : vector<1x128xf32> to vector<1000x128xf32>
    %add3A_38 = arith.addf %add3A_33, %add3A_37 : vector<1000x128xf32>
    %max3A_39 = arith.constant 0.000000e+00 : f32
    %max3A_40 = vector.broadcast %max3A_39 : f32 to vector<1000x128xf32>
    %max3A_41 = arith.maximumf %add3A_38, %max3A_40 : vector<1000x128xf32>
    %swap3A = arith.constant 0 : index
    %swap3A_42 = arith.constant 0 : index
    %swap3A_43 = vector.load %arg8[%swap3A, %swap3A_42] : memref<1000x128xf32, #tpu.memory_space<vmem>>, vector<1000x128xf32>
    tpu.vector_store %arg8[%swap3A, %swap3A_42], %max3A_41 {strides = array<i32>} : memref<1000x128xf32, #tpu.memory_space<vmem>>, vector<1000x128xf32>,
    return
  }
  func.func @transform_0(%arg0: i32) -> (i32, i32) {
    %c0_i32 = arith.constant 0 : i32
    %c0_i32_0 = arith.constant 0 : i32
    return %arg0, %c0_i32 : i32, i32
  }
  func.func @transform_1(%arg0: i32) -> (i32, i32) {
    %add3A = arith.constant 10 : i32
    %add3A_0 = arith.addi %add3A, %arg0 : i32
    %c0_i32 = arith.constant 0 : i32
    %c0_i32_1 = arith.constant 0 : i32
    return %add3A_0, %c0_i32 : i32, i32
  }
  func.func @transform_2(%arg0: i32) -> (i32, i32, i32) {
    %c0_i32 = arith.constant 0 : i32
    %c0_i32_0 = arith.constant 0 : i32
    %c0_i32_1 = arith.constant 0 : i32
    return %arg0, %c0_i32, %c0_i32_0 : i32, i32, i32
  }
  func.func @transform_3(%arg0: i32) -> (i32, i32) {
    %c0_i32 = arith.constant 0 : i32
    %c0_i32_0 = arith.constant 0 : i32
    return %arg0, %c0_i32 : i32, i32
  }
  func.func @transform_4(%arg0: i32) -> (i32, i32) {
    %c0_i32 = arith.constant 0 : i32
    %c0_i32_0 = arith.constant 0 : i32
    %c0_i32_1 = arith.constant 0 : i32
    return %c0_i32, %c0_i32_0 : i32, i32
  }
  func.func @transform_5(%arg0: i32) -> (i32, i32) {
    %c0_i32 = arith.constant 0 : i32
    %c0_i32_0 = arith.constant 0 : i32
    %c0_i32_1 = arith.constant 0 : i32
    return %c0_i32, %c0_i32_0 : i32, i32
  }
  func.func @transform_6(%arg0: i32) -> (i32, i32) {
    %c0_i32 = arith.constant 0 : i32
    %c0_i32_0 = arith.constant 0 : i32
    %c0_i32_1 = arith.constant 0 : i32
    return %c0_i32, %c0_i32_0 : i32, i32
  }
  func.func @transform_7(%arg0: i32) -> (i32, i32) {
    %c0_i32 = arith.constant 0 : i32
    %c0_i32_0 = arith.constant 0 : i32
    return %arg0, %c0_i32 : i32, i32
  }
}

module attributes {stable_mosaic.version = 14 : i64} {
  func.func @_dense2_body(%arg0: i32, %arg1: memref<1000x64xf32, #tpu.memory_space<vmem>>, %arg2: memref<1000x64xf32, #tpu.memory_space<vmem>>, %arg3: memref<1x16x1000xf32, #tpu.memory_space<vmem>>, %arg4: memref<1000x128xf32, #tpu.memory_space<vmem>>, %arg5: memref<40x128xf32, #tpu.memory_space<vmem>>, %arg6: memref<40x128xf32, #tpu.memory_space<vmem>>, %arg7: memref<1x40xf32, #tpu.memory_space<vmem>>, %arg8: memref<1000x40xf32, #tpu.memory_space<vmem>>) attributes {dimension_semantics = [#tpu.dimension_semantics<arbitrary>], iteration_bounds = array<i64: 10>, scalar_prefetch = 0 : i64, scratch_operands = 0 : i64, tpu.core_type = #tpu.core_type<tc>, window_params = [{transform_indices = @transform_0, window_bounds = array<i64: 1000, 64>}, {transform_indices = @transform_1, window_bounds = array<i64: 1000, 64>}, {transform_indices = @transform_2, window_bounds = array<i64: 1, 16, 1000>}, {transform_indices = @transform_3, window_bounds = array<i64: 1000, 128>}, {pipeline_mode = #tpu.pipeline_mode<synchronous>, transform_indices = @transform_4, window_bounds = array<i64: 40, 128>}, {pipeline_mode = #tpu.pipeline_mode<synchronous>, transform_indices = @transform_5, window_bounds = array<i64: 40, 128>}, {pipeline_mode = #tpu.pipeline_mode<synchronous>, transform_indices = @transform_6, window_bounds = array<i64: 1, 40>}, {transform_indices = @transform_7, window_bounds = array<i64: 1000, 40>}]} {
    %get3A = arith.constant 0 : index
    %get3A_0 = arith.constant 0 : index
    %get3A_1 = arith.constant 0 : index
    %get3A_2 = vector.load %arg3[%get3A, %get3A_0, %get3A_1] : memref<1x16x1000xf32, #tpu.memory_space<vmem>>, vector<1x16x1000xf32>
    %get3A_3 = vector.shape_cast %get3A_2 : vector<1x16x1000xf32> to vector<16x1000xf32>
    %reduce_sum3A = arith.constant dense<0.000000e+00> : vector<1000xf32>
    %reduce_sum3A_4 = vector.multi_reduction <add>, %get3A_3, %reduce_sum3A [0] : vector<16x1000xf32> to vector<1000xf32>
    %broadcast_in_dim3A = vector.shape_cast %reduce_sum3A_4 : vector<1000xf32> to vector<1000x1xf32>
    %max3A = arith.constant 1.000000e+00 : f32
    %max3A_5 = vector.broadcast %max3A : f32 to vector<1000x1xf32>
    %max3A_6 = arith.maximumf %broadcast_in_dim3A, %max3A_5 : vector<1000x1xf32>
    %div3A = arith.constant 1.000000e+00 : f32
    %div3A_7 = vector.broadcast %div3A : f32 to vector<1000x1xf32>
    %div3A_8 = arith.divf %div3A_7, %max3A_6 : vector<1000x1xf32>
    %get3A_9 = arith.constant 0 : index
    %get3A_10 = arith.constant 0 : index
    %get3A_11 = vector.load %arg5[%get3A_9, %get3A_10] : memref<40x128xf32, #tpu.memory_space<vmem>>, vector<40x128xf32>
    %get3A_12 = arith.constant 0 : index
    %get3A_13 = arith.constant 0 : index
    %get3A_14 = vector.load %arg1[%get3A_12, %get3A_13] : memref<1000x64xf32, #tpu.memory_space<vmem>>, vector<1000x64xf32>
    %mul3A = vector.broadcast %div3A_8 : vector<1000x1xf32> to vector<1000x64xf32>
    %mul3A_15 = arith.mulf %get3A_14, %mul3A : vector<1000x64xf32>
    %slice3A = vector.extract_strided_slice %get3A_11 {offsets = [0, 0], sizes = [40, 64], strides = [1, 1]} : vector<40x128xf32> to vector<40x64xf32>
    %dot_general3A = arith.constant dense<0.000000e+00> : vector<1000x40xf32>
    %dot_general3A_16 = tpu.matmul %mul3A_15, %slice3A, %dot_general3A {dimension_numbers = #tpu.dot_dimension_numbers<[1], [1], [0], [0], [0, 0, 1, 0], [], []>, transpose_lhs_hint = false} : vector<1000x64xf32>, vector<40x64xf32>, vector<1000x40xf32> -> vector<1000x40xf32>
    %get3A_17 = arith.constant 0 : index
    %get3A_18 = arith.constant 0 : index
    %get3A_19 = vector.load %arg2[%get3A_17, %get3A_18] : memref<1000x64xf32, #tpu.memory_space<vmem>>, vector<1000x64xf32>
    %mul3A_20 = vector.broadcast %div3A_8 : vector<1000x1xf32> to vector<1000x64xf32>
    %mul3A_21 = arith.mulf %get3A_19, %mul3A_20 : vector<1000x64xf32>
    %slice3A_22 = vector.extract_strided_slice %get3A_11 {offsets = [0, 64], sizes = [40, 64], strides = [1, 1]} : vector<40x128xf32> to vector<40x64xf32>
    %dot_general3A_23 = arith.constant dense<0.000000e+00> : vector<1000x40xf32>
    %dot_general3A_24 = tpu.matmul %mul3A_21, %slice3A_22, %dot_general3A_23 {dimension_numbers = #tpu.dot_dimension_numbers<[1], [1], [0], [0], [0, 0, 1, 0], [], []>, transpose_lhs_hint = false} : vector<1000x64xf32>, vector<40x64xf32>, vector<1000x40xf32> -> vector<1000x40xf32>
    %add3A = arith.addf %dot_general3A_16, %dot_general3A_24 : vector<1000x40xf32>
    %get3A_25 = arith.constant 0 : index
    %get3A_26 = arith.constant 0 : index
    %get3A_27 = vector.load %arg4[%get3A_25, %get3A_26] : memref<1000x128xf32, #tpu.memory_space<vmem>>, vector<1000x128xf32>
    %get3A_28 = arith.constant 0 : index
    %get3A_29 = arith.constant 0 : index
    %get3A_30 = vector.load %arg6[%get3A_28, %get3A_29] : memref<40x128xf32, #tpu.memory_space<vmem>>, vector<40x128xf32>
    %dot_general3A_31 = arith.constant dense<0.000000e+00> : vector<1000x40xf32>
    %dot_general3A_32 = tpu.matmul %get3A_27, %get3A_30, %dot_general3A_31 {dimension_numbers = #tpu.dot_dimension_numbers<[1], [1], [0], [0], [0, 0, 1, 0], [], []>, transpose_lhs_hint = false} : vector<1000x128xf32>, vector<40x128xf32>, vector<1000x40xf32> -> vector<1000x40xf32>
    %add3A_33 = arith.addf %add3A, %dot_general3A_32 : vector<1000x40xf32>
    %get3A_34 = arith.constant 0 : index
    %get3A_35 = arith.constant 0 : index
    %get3A_36 = vector.load %arg7[%get3A_34, %get3A_35] : memref<1x40xf32, #tpu.memory_space<vmem>>, vector<1x40xf32>
    %add3A_37 = vector.broadcast %get3A_36 : vector<1x40xf32> to vector<1000x40xf32>
    %add3A_38 = arith.addf %add3A_33, %add3A_37 : vector<1000x40xf32>
    %reduce_max3A = arith.constant dense<0xFF800000> : vector<1000xf32>
    %reduce_max3A_39 = vector.multi_reduction <maximumf>, %add3A_38, %reduce_max3A [1] : vector<1000x40xf32> to vector<1000xf32>
    %broadcast_in_dim3A_40 = vector.shape_cast %reduce_max3A_39 : vector<1000xf32> to vector<1000x1xf32>
    %sub3A = vector.broadcast %broadcast_in_dim3A_40 : vector<1000x1xf32> to vector<1000x40xf32>
    %sub3A_41 = arith.subf %add3A_38, %sub3A : vector<1000x40xf32>
    %exp3A = math.exp %sub3A_41 : vector<1000x40xf32>
    %reduce_sum3A_42 = arith.constant dense<0.000000e+00> : vector<1000xf32>
    %reduce_sum3A_43 = vector.multi_reduction <add>, %exp3A, %reduce_sum3A_42 [1] : vector<1000x40xf32> to vector<1000xf32>
    %broadcast_in_dim3A_44 = vector.shape_cast %reduce_sum3A_43 : vector<1000xf32> to vector<1000x1xf32>
    %log3A = math.log %broadcast_in_dim3A_44 : vector<1000x1xf32>
    %add3A_45 = arith.addf %log3A, %broadcast_in_dim3A_40 : vector<1000x1xf32>
    %sub3A_46 = vector.broadcast %add3A_45 : vector<1000x1xf32> to vector<1000x40xf32>
    %sub3A_47 = arith.subf %add3A_38, %sub3A_46 : vector<1000x40xf32>
    %swap3A = arith.constant 0 : index
    %swap3A_48 = arith.constant 0 : index
    %swap3A_49 = vector.load %arg8[%swap3A, %swap3A_48] : memref<1000x40xf32, #tpu.memory_space<vmem>>, vector<1000x40xf32>
    tpu.vector_store %arg8[%swap3A, %swap3A_48], %sub3A_47 {strides = array<i32>} : memref<1000x40xf32, #tpu.memory_space<vmem>>, vector<1000x40xf32>,
    return
  }
  func.func @transform_0(%arg0: i32) -> (i32, i32) {
    %c0_i32 = arith.constant 0 : i32
    %c0_i32_0 = arith.constant 0 : i32
    return %arg0, %c0_i32 : i32, i32
  }
  func.func @transform_1(%arg0: i32) -> (i32, i32) {
    %add3A = arith.constant 10 : i32
    %add3A_0 = arith.addi %add3A, %arg0 : i32
    %c0_i32 = arith.constant 0 : i32
    %c0_i32_1 = arith.constant 0 : i32
    return %add3A_0, %c0_i32 : i32, i32
  }
  func.func @transform_2(%arg0: i32) -> (i32, i32, i32) {
    %c0_i32 = arith.constant 0 : i32
    %c0_i32_0 = arith.constant 0 : i32
    %c0_i32_1 = arith.constant 0 : i32
    return %arg0, %c0_i32, %c0_i32_0 : i32, i32, i32
  }
  func.func @transform_3(%arg0: i32) -> (i32, i32) {
    %c0_i32 = arith.constant 0 : i32
    %c0_i32_0 = arith.constant 0 : i32
    return %arg0, %c0_i32 : i32, i32
  }
  func.func @transform_4(%arg0: i32) -> (i32, i32) {
    %c0_i32 = arith.constant 0 : i32
    %c0_i32_0 = arith.constant 0 : i32
    %c0_i32_1 = arith.constant 0 : i32
    return %c0_i32, %c0_i32_0 : i32, i32
  }
  func.func @transform_5(%arg0: i32) -> (i32, i32) {
    %c0_i32 = arith.constant 0 : i32
    %c0_i32_0 = arith.constant 0 : i32
    %c0_i32_1 = arith.constant 0 : i32
    return %c0_i32, %c0_i32_0 : i32, i32
  }
  func.func @transform_6(%arg0: i32) -> (i32, i32) {
    %c0_i32 = arith.constant 0 : i32
    %c0_i32_0 = arith.constant 0 : i32
    %c0_i32_1 = arith.constant 0 : i32
    return %c0_i32, %c0_i32_0 : i32, i32
  }
  func.func @transform_7(%arg0: i32) -> (i32, i32) {
    %c0_i32 = arith.constant 0 : i32
    %c0_i32_0 = arith.constant 0 : i32
    return %arg0, %c0_i32 : i32, i32
  }
}

</mosaic_0001>

<sc_bundles>
// kernel: kernel.6.cloned.1.call-start
scs
__scs_entry_jumppad:
0x0: {  	(pc) =	sbr.rel $0x88, $3  }
0x1: {  	(tag) =	ssettag $0x0;
	lr =	simm.s32 $0x1  }
0x2: {  	[smem:$0x3F99] =	sst lr;
	_ =	strace $0xD0000000  }
0x3: {  	_ = 	snop  }
0x4: {  	_ = 	snop  }
0x5: {  	_ = 	snop  }
0x6: {  	_ = 	snop  }
0x7: {  	_ = 	snop  }
__scs_overlays_trampoline_lowered:
0x8: {  	[smem:$0x3FA8] =	sst s0  }
0x9: {  	[smem:$0x3FA9] =	sst s1  }
0xa: {  	[smem:$0x3FAA] =	sst s2  }
0xb: {  	[smem:$0x3FAB] =	sst s3  }
0xc: {  	[smem:$0x3FAC] =	sst s4  }
0xd: {  	[smem:$0x3FAD] =	sst s5  }
0xe: {  	[smem:$0x3FAE] =	sst s6  }
0xf: {  	[smem:$0x3FAF] =	sst s7  }
0x10: {  	[smem:$0x3FB0] =	sst s8  }
0x11: {  	[smem:$0x3FB1] =	sst s9;
	s0 =	simm.s32 @!p0 $0x0  }
0x12: {  	s1 =	sld [smem:$0x3F97];
	s0 =	simm.s32 @p0 $0x1  }
0x13: {  	[smem:$0x3FB2] =	sst s0;
	s0 =	simm.s32 @!p1 $0x0  }
0x14: {  	s2 =	sld [smem:$0x3F96];
	s0 =	simm.s32 @p1 $0x1  }
0x15: {  	[smem:$0x3FB3] =	sst s0;
	s0 =	simm.s32 @!p2 $0x0  }
0x16: {  	s3 =	sld [smem:$0x3FDB];
	s0 =	simm.s32 @p2 $0x1  }
0x17: {  	s4 =	simm.s32 $0x1BF5;
	[smem:$0x3FB5] =	sst s0  }
0x18: {  	s0 =	sld [smem:$0x3F98];
	_ =	swait.ge [sflag:s4], $0x0  }
0x19: {  	s7 =	sld [smem:$0x3F99]  }
0x1a: {  	s8 =	sadd.s32 $0xFFFFE003, lr  }
0x1b: {  	s9 =	sadd.s32 $0xFFFFFEF7, lr;
	s5 =	simm.s32 $0xFFFFFFFF;
	p2 =	slt.u32 s8, $0xFFFFF086  }
0x1c: {  	p1 =	slt.u32 s9, $0xF7A;
	s5 =	simm.s32 @!p2 $0x0  }
0x1d: {  	s5 =	simm.s32 @p1 $0x1;
	p0 =	seq.s32 s7, s2  }
0x1e: {  	s7 =	smul.u32 @!p0 $0xF7A, s2;
	p2 =	seq.s32 @!p0 s5, $0x0  }
0x1f: {  	s9 =	smul.u32 $0xF7A, s1;
	s8 =	simm.s32 @!p0 $0x1BF5;
	p2 =	por !p2, p0  }
0x20: {  	[sflag:s8] =	ssyncset.s32 @!p0 $0xFFFFF086;
	s6 =	sadd.s32 @!p0 s3, s7;
	s7 =	simm.s32 @!p0 $0x108  }
0x21: {  	s3 =	sadd.s32 s3, s9;
	s6 =	sadd.s32 @!p0 $0x88, s6;
	s7 =	simm.s32 @p2 $0x1082  }
0x22: {  	[simem:s7], [sflag:s8] =	dma.local @!p0 [hbm:s6], $0xF7A  }
0x23: {  	s9 =	sor.u32 $0xD0000000, s2;
	s6 =	simm.s32 $0x108;
	_ =	swait.ge @!p0 [sflag:s8], $0x0  }
0x24: {  	s3 =	sadd.s32 $0x88, s3;
	s6 =	simm.s32 @!p1 $0x1082;
	[sflag:s4] =	ssyncset.s32 $0xFFFFF086  }
0x25: {  	[simem:s6], [sflag:s4] =	dma.local [hbm:s3], $0xF7A  }
0x26: {  	[smem:$0x3F99] =	sst s1;
	(tag) =	ssettag s2;
	_ =	strace s9  }
0x27: {  	s1 =	sld [smem:$0x3FA9]  }
0x28: {  	s2 =	sld [smem:$0x3FAA]  }
0x29: {  	s4 =	sld [smem:$0x3FAC]  }
0x2a: {  	p0 =	seq.s32 s5, $0x0;
	s5 =	sld [smem:$0x3FAD]  }
0x2b: {  	s6 =	sld [smem:$0x3FAE]  }
0x2c: {  	s7 =	sld [smem:$0x3FAF]  }
0x2d: {  	s3 =	simm.s32 $0x108;
	s8 =	sld [smem:$0x3FB0]  }
0x2e: {  	s3 =	simm.s32 @!p0 $0x1082;
	s9 =	sld [smem:$0x3FB1]  }
0x2f: {  	lr =	sadd.s32 s0, s3;
	s0 =	sld [smem:$0x3FA8]  }
0x30: {  	s3 =	sld [smem:$0x3FAB]  }
0x31: {  	[smem:$0x3FB4] =	sst s10  }
0x32: {  	s10 =	sld [smem:$0x3FB2];
	_ =	sdelay $0x3  }
0x33: {  	p0 =	seq.s32 s10, $0x1;
	s10 =	sld [smem:$0x3FB4];
	_ =	sdelay $0x3  }
0x34: {  	[smem:$0x3FB4] =	sst s10  }
0x35: {  	s10 =	sld [smem:$0x3FB3];
	_ =	sdelay $0x3  }
0x36: {  	p1 =	seq.s32 s10, $0x1;
	s10 =	sld [smem:$0x3FB4];
	_ =	sdelay $0x3  }
0x37: {  	[smem:$0x3FB4] =	sst s10  }
0x38: {  	s10 =	sld [smem:$0x3FB5]  }
0x39: {  	_ = 	snop;
	(pc) =	sbr.ind lr, $3  }
0x3a: {  	_ = 	snop  }
0x3b: {  	_ = 	snop  }
0x3c: {  	p2 =	seq.s32 s10, $0x1;
	s10 =	sld [smem:$0x3FB4]  }
0x3d: {  	_ =	shalt  }
0x3e: {  	_ =	shalt  }
0x3f: {  	_ =	shalt  }
0x40: {  	_ =	shalt  }
0x41: {  	_ =	shalt  }
0x42: {  	_ =	shalt  }
0x43: {  	_ =	shalt  }
0x44: {  	_ =	shalt  }
0x45: {  	_ =	shalt  }
0x46: {  	_ =	shalt  }
0x47: {  	_ =	shalt  }
0x48: {  	_ =	shalt  }
0x49: {  	_ =	shalt  }
0x4a: {  	_ =	shalt  }
0x4b: {  	_ =	shalt  }
0x4c: {  	_ =	shalt  }
0x4d: {  	_ =	shalt  }
0x4e: {  	_ =	shalt  }
0x4f: {  	_ =	shalt  }
0x50: {  	_ =	shalt  }
0x51: {  	_ =	shalt  }
0x52: {  	_ =	shalt  }
0x53: {  	_ =	shalt  }
0x54: {  	_ =	shalt  }
0x55: {  	_ =	shalt  }
0x56: {  	_ =	shalt  }
0x57: {  	_ =	shalt  }
0x58: {  	_ =	shalt  }
0x59: {  	_ =	shalt  }
0x5a: {  	_ =	shalt  }
0x5b: {  	_ =	shalt  }
0x5c: {  	_ =	shalt  }
0x5d: {  	_ =	shalt  }
0x5e: {  	_ =	shalt  }
0x5f: {  	_ =	shalt  }
0x60: {  	_ =	shalt  }
0x61: {  	_ =	shalt  }
0x62: {  	_ =	shalt  }
0x63: {  	_ =	shalt  }
0x64: {  	_ =	shalt  }
0x65: {  	_ =	shalt  }
0x66: {  	_ =	shalt  }
0x67: {  	_ =	shalt  }
0x68: {  	_ =	shalt  }
0x69: {  	_ =	shalt  }
0x6a: {  	_ =	shalt  }
0x6b: {  	_ =	shalt  }
0x6c: {  	_ =	shalt  }
0x6d: {  	_ =	shalt  }
0x6e: {  	_ =	shalt  }
0x6f: {  	_ =	shalt  }
0x70: {  	_ =	shalt  }
0x71: {  	_ =	shalt  }
0x72: {  	_ =	shalt  }
0x73: {  	_ =	shalt  }
0x74: {  	_ =	shalt  }
0x75: {  	_ =	shalt  }
0x76: {  	_ =	shalt  }
0x77: {  	_ =	shalt  }
0x78: {  	_ =	shalt  }
0x79: {  	_ =	shalt  }
0x7a: {  	_ =	shalt  }
0x7b: {  	_ =	shalt  }
0x7c: {  	_ =	shalt  }
0x7d: {  	_ =	shalt  }
0x7e: {  	_ =	shalt  }
0x7f: {  	_ =	shalt  }
0x80: {  	_ =	shalt  }
0x81: {  	_ =	shalt  }
0x82: {  	_ =	shalt  }
0x83: {  	_ =	shalt  }
0x84: {  	_ =	shalt  }
0x85: {  	_ =	shalt  }
0x86: {  	_ =	shalt  }
0x87: {  	_ =	shalt  }
.Lfunc_end0:
.L_simem_size_0:
called_computation_lowered:
.L_overlay_start_0:
0x88: {  	s2 =	sld [smem:$0x3FD9]  }
0x89: {  	s3 =	sld [smem:$0x3FFE];
	_ =	sdelay $0x1  }
0x8a: {  	s1 =	srdreg.scid  }
0x8b: {  	s0 =	sand.u32 $0x1, s1  }
0x8c: {  	s17 =	sshll.u32 s0, $0xA;
	s2 =	sadd.s32 s3, s2  }
0x8d: {  	s2 =	sadd.s32 s2, s17  }
0x8e: {  	[smem:$0x3FC0] =	sst s2  }
0x8f: {  	_ = 	snop  }
0x90: {  	s2 =	sld [smem:$0x3FC9]  }
0x91: {  	s18 =	sld [smem:$0x3FD0];
	(tm) =	ssettm $0x1  }
0x92: {  	s4 =	sld [smem:$0x3FFB];
	_ =	sdelay $0x3  }
0x93: {  	_ =	strace s4  }
0x94: {  	s4 =	sld [smem:$0x3FFC];
	_ =	sdelay $0x3  }
0x95: {  	_ =	strace s4  }
0x96: {  	s4 =	sld [smem:$0x3FFD];
	_ =	sdelay $0x3  }
0x97: {  	_ =	strace s4  }
0x98: {  	_ =	strace $0x8FFFFFFF  }
0x99: {  	s19 =	sld [smem:$0x3FDB];
	_ =	sdelay $0x1  }
0x9a: {  	s5 =	simm.s32 $_scs_section_size  }
0x9b: {  	s6 =	simm.s32 $_size__tile_overlayer_lowered;
	s7 =	simm.s32 $_tile_overlayer_lowered  }
0x9c: {  	s22 =	simm.s32 $0x1BFF;
	s21 =	sshll.u32 s7, $0x1;
	s4 =	sadd.s32 s5, s19  }
0x9d: {  	s8 =	simm.s32 $0x0;
	s20 =	sshll.u32 s6, $0x1;
	s6 =	sadd.s32 s21, s4  }
0x9e: {  	[timem:s8], [sflag:s22] =	dma.local [hbm:s6], s20  }
0x9f: {  	_ =	swait.ge [sflag:s22], s20  }
0xa0: {  	s5 =	ssub.s32 $0x0, s20;
	[sflag:s22] =	ssyncset.done $0x0  }
0xa1: {  	[sflag:s22] =	ssyncadd.s32 s5;
	_ =	sdelay $0x1  }
0xa2: {  	s23 =	simm.s32 $0x1B8B  }
0xa3: {  	_ =	swait.ge [sflag:s23], $0x1  }
0xa4: {  	[sflag:s23] =	ssyncset.done $0x0  }
0xa5: {  	s25 =	simm.s32 $0x1B8E;
	s24 =	sld [smem:$0x3FFE];
	[sflag:s23] =	ssyncadd.s32 $0xFFFFFFFF  }
0xa6: {  	s26 =	simm.s32 $execute0_lowered;
	[smem:$0x3FD2] =	sst s25  }
0xa7: {  	s6 =	sshll.u32 s26, $0x1;
	_ =	strace $0x80000046;
	[dreg:$0x1] =	wrdreg $0xFFFFFFFF  }
0xa8: {  	s28 =	simm.s32 $_size_execute0_lowered;
	s4 =	sadd.s32 s4, s6;
	[dreg:$0x0] =	wrdreg $0x0  }
0xa9: {  	s6 =	sshll.u32 s28, $0x1;
	[dreg:$0x2] =	wrdreg s4  }
0xaa: {  	[dreg:$0x3] =	wrdreg s6  }
0xab: {  	[dreg:$0x4] =	wrdreg $0xC0  }
0xac: {  	_ =	task [dreg:s8], $0x5FFFF  }
0xad: {  	[dreg:$0x1] =	wrdreg $0xFFFFFFFF  }
0xae: {  	[dreg:$0x0] =	wrdreg $0x60  }
0xaf: {  	[dreg:$0x2] =	wrdreg s2  }
0xb0: {  	[dreg:$0x3] =	wrdreg s24  }
0xb1: {  	[dreg:$0x4] =	wrdreg s18  }
0xb2: {  	[dreg:$0x5] =	wrdreg $0x15A900  }
0xb3: {  	[dreg:$0x6] =	wrdreg $0x9  }
0xb4: {  	_ =	task.clear_ibuf [dreg:s8], $0x7FFFF;
	_ =	strace $0x90000046  }
0xb5: {  	s29 =	simm.s32 $0x9;
	_ =	strace $0x80000048  }
0xb6: {  	_ =	swait.ge [sflag:s29], $0x1  }
0xb7: {  	[sflag:s29] =	ssyncadd.s32 $0xFFFFFFFF  }
0xb8: {  	_ =	strace $0x90000048  }
0xb9: {  	_ =	sfence  }
0xba: {  	s30 =	sld [smem:$0x0];
	_ =	sdelay $0x2  }
0xbb: {  	s31 =	sshll.u32 s1, $0xD;
	s1 =	sshrl.u32 s1, $0x2  }
0xbc: {  	s3 =	sand.u32 $0x4000, s31;
	s1 =	sadd.s32 s1, s30  }
0xbd: {  	s0 =	sor.u32 s3, s0;
	s1 =	sshll.u32 s1, $0x11  }
0xbe: {  	s0 =	sor.u32 s1, s0  }
0xbf: {  	s0 =	sadd.s32 $0x8F2B, s0  }
0xc0: {  	[sflag:s0] =	ssyncadd.remote.s32 $0x1  }
0xc1: {  	_ =	sfence.sel $0xFFFF  }
0xc2: {  	[dreg:$0x0] =	wrdreg $0xFFFFFFFF;
	(pc) =	sbr.abs _section_cstart, $3  }
0xc3: {  	[dreg:$0x1] =	wrdreg $0xFFFFFFFF  }
0xc4: {  	_ =	task.clear_ibuf [dreg:s8], $0x2FFFF;
	_ =	strace $0x9FFFFFFF  }
0xc5: {  	(tm) =	ssettm $0x7FFFFFFF  }
tec
execute0_lowered:
.L_overlay_start_1:
0x0: {  	(tag) =	ssettag $0x1  }
0x1: {  	s1 =	rddreg [dreg:$0x0]  }
0x2: {  	s0 =	rddreg [dreg:$0x1]  }
0x3: {  	s2 =	rddreg [dreg:$0x2]  }
0x4: {  	s3 =	rddreg [dreg:$0x3];
	s10 =	stileid.u32  }
0x5: {  	s6 =	srdreg.scid;
	s5 =	smul.u32 $0x4E20, s10  }
0x6: {  	s4 =	simm.s32 $0x0;
	s28 =	simm.s32 $0x50;
	s21 =	smul.u32 $0x1388, s10  }
0x7: {  	s29 =	simm.s32 $0x9C40;
	s30 =	simm.s32 $0xB040;
	s8 =	smul.u32 $0x27100, s10  }
0x8: {  	s12 =	sand.u32 $0x1, s6;
	[smem:$0x7FF] =	sst s4;
	s26 =	smul.u32 $0x3E8, s10  }
0x9: {  	s31 =	simm.s32 $0xD840;
	s7 =	smul.u32 $0x13880, s12;
	_ =	strace $0x80000047  }
0xa: {  	s23 =	ssub.s32 $0x2, s12;
	s5 =	sshrl.u32 s5, $0x3;
	s25 =	sshrl.u32 s8, $0x2  }
0xb: {  	s9 =	sadd.s32 s5, s0;
	s5 =	sadd.s32 s25, s3;
	s25 =	simm.s32 $0xEC40  }
0xc: {  	p0 =	sne.s32 s12, $0x0;
	s10 =	sadd.s32 $0x1F40, s5;
	[dreg:$0x5] =	wrdreg s25  }
0xd: {  	v0 =	vmov s12;
	s12 =	simm.s32 $0x6;
	s11 =	sadd.s32 $0x3E80, s5;
	[dreg:$0x6] =	wrdreg s10  }
0xe: {  	s24 =	sshrl.u32 s23, $0x1;
	s13 =	sadd.s32 $0x5DC0, s5;
	[dreg:$0x7] =	wrdreg s11  }
0xf: {  	s22 =	sadd.s32 s21, s7;
	s14 =	sadd.s32 $0x7D00, s5;
	[dreg:$0x8] =	wrdreg s13  }
0x10: {  	s6 =	ssub.s32 s23, s24;
	s15 =	sadd.s32 $0x2400, s9;
	[dreg:$0x9] =	wrdreg s14  }
0x11: {  	s7 =	sshrl.u32 s26, $0x3;
	s16 =	sadd.s32 $0xC040, s9;
	[dreg:$0xa] =	wrdreg s15  }
0x12: {  	s0 =	sadd.s32 s22, s0;
	s26 =	smax.u32 s6, $0x1;
	[dreg:$0xb] =	wrdreg s16  }
0x13: {  	s0 =	sadd.s32 $0x15E00, s0;
	s13 =	sadd.s32 s2, s7;
	[dreg:$0x16] =	wrdreg s26  }
0x14: {  	s8 =	simm.s32 $0x8;
	[dreg:$0xc] =	wrdreg s0;
	s17 =	sadd.s32 $0x7D0, s13  }
0x15: {  	s25 =	simm.s32 $0x9;
	s18 =	sadd.s32 $0xFA0, s13;
	[dreg:$0xd] =	wrdreg s17  }
0x16: {  	s6 =	simm.s32 $0x7;
	s19 =	sadd.s32 $0x1770, s13;
	[dreg:$0xe] =	wrdreg s18  }
0x17: {  	s9 =	simm.s32 $0x10040;
	s20 =	sadd.s32 $0x1F40, s13;
	[dreg:$0xf] =	wrdreg s19  }
0x18: {  	s26 =	simm.s32 $0x4E20;
	s21 =	sadd.s32 $0x2710, s13;
	[dreg:$0x10] =	wrdreg s20  }
0x19: {  	s7 =	simm.s32 $0x2;
	s22 =	sadd.s32 $0x2EE0, s13;
	[dreg:$0x11] =	wrdreg s21  }
0x1a: {  	s10 =	simm.s32 $0x3;
	s23 =	sadd.s32 $0x36B0, s13;
	[dreg:$0x12] =	wrdreg s22  }
0x1b: {  	s11 =	simm.s32 $0x4;
	s24 =	sadd.s32 $0x3E80, s13;
	[dreg:$0x13] =	wrdreg s23  }
0x1c: {  	s2 =	sadd.s32 $0x4650, s13;
	s0 =	simm.s32 $0xC440;
	[dreg:$0x14] =	wrdreg s24  }
0x1d: {  	v1 =	vimm.f32 $0.0e+00;
	[dreg:$0x15] =	wrdreg s2;
	s24 =	simm.s32 $0x11440;
	s2 =	simm.s32 $0x1  }
.LBB2_1:
0x1e: {  	s15 =	simm.s32 $0x100;
	s14 =	simm.s32 $0x0  }
.LBB2_2:
0x1f: {  	p1 =	sne.s32 s15, $0x7C00;
	[tilespmem:s14+$0x11470] =	vst v1;
	s16 =	smov.u32 s15;
	s15 =	sadd.s32 $0x100, s15  }
.Ltmp0:
0x20: {  	[tilespmem:s14+$0x11460] =	vst v1;
	(pc) =	sbr.rel @p1 .LBB2_2-.Ltmp0, $3  }
0x21: {  	[tilespmem:s14+$0x11440] =	vst v1  }
0x22: {  	[tilespmem:s14+$0x11450] =	vst v1;
	_ =	sdelay $0x1  }
0x23: {  	s14 =	sshra.s32 s16, $0x2  }
0x24: {  	[tilespmem:s14+$0x11470] =	vst v1  }
0x25: {  	[tilespmem:s14+$0x11460] =	vst v1  }
0x26: {  	[tilespmem:s14+$0x11440] =	vst v1  }
0x27: {  	[tilespmem:s14+$0x11450] =	vst v1  }
0x28: {  	[spmem:s5] =	stream.linear.scatter [tilespmem:s24], [sflag:$0x9], $0x1F40, $0x38;
	[tilespmem:$0x1F6D0] =	vst v63  }
0x29: {  	_ =	swait.ge [sflag:s25], $0x1F40  }
0x2a: {  	[sflag:s25] =	ssyncset.done $0x0  }
0x2b: {  	s20 =	rddreg [dreg:$0x6];
	[sflag:s25] =	ssyncadd.s32 $0xFFFFE0C0  }
0x2c: {  	[spmem:s20] =	stream.linear.scatter [tilespmem:s24], [sflag:$0x9], $0x1F40, $0x38;
	[tilespmem:$0x1F6D0] =	vst v63  }
0x2d: {  	_ =	swait.ge [sflag:s25], $0x1F40  }
0x2e: {  	[sflag:s25] =	ssyncset.done $0x0  }
0x2f: {  	s21 =	rddreg [dreg:$0x7];
	[sflag:s25] =	ssyncadd.s32 $0xFFFFE0C0  }
0x30: {  	[spmem:s21] =	stream.linear.scatter [tilespmem:s24], [sflag:$0x9], $0x1F40, $0x38;
	[tilespmem:$0x1F6D0] =	vst v63  }
0x31: {  	_ =	swait.ge [sflag:s25], $0x1F40  }
0x32: {  	[sflag:s25] =	ssyncset.done $0x0  }
0x33: {  	s22 =	rddreg [dreg:$0x8];
	[sflag:s25] =	ssyncadd.s32 $0xFFFFE0C0  }
0x34: {  	[spmem:s22] =	stream.linear.scatter [tilespmem:s24], [sflag:$0x9], $0x1F40, $0x38;
	[tilespmem:$0x1F6D0] =	vst v63  }
0x35: {  	_ =	swait.ge [sflag:s25], $0x1F40  }
0x36: {  	[sflag:s25] =	ssyncset.done $0x0  }
0x37: {  	s23 =	rddreg [dreg:$0x9];
	[sflag:s25] =	ssyncadd.s32 $0xFFFFE0C0  }
0x38: {  	[spmem:s23] =	stream.linear.scatter [tilespmem:s24], [sflag:$0x9], $0x1F40, $0x38;
	[tilespmem:$0x1F6D0] =	vst v63  }
0x39: {  	_ =	swait.ge [sflag:s25], $0x1F40  }
0x3a: {  	[sflag:s25] =	ssyncset.done $0x0  }
0x3b: {  	s14 =	simm.s32 $0x40;
	s15 =	simm.s32 $0x0;
	[sflag:s25] =	ssyncadd.s32 $0xFFFFE0C0  }
.LBB2_4:
0x3c: {  	p1 =	sne.s32 s14, $0x9C00;
	[tilespmem:s15+$0x13380] =	vst v1;
	s15 =	smov.u32 s14;
	s14 =	sadd.s32 $0x40, s14  }
.Ltmp1:
0x3d: {  	(pc) =	sbr.rel @p1 .LBB2_4-.Ltmp1, $2  }
0x3e: {  	_ =	sdelay $0x2  }
0x3f: {  	s15 =	sshra.s32 s15, $0x2  }
0x40: {  	[tilespmem:s15+$0x13380] =	vst v1;
	s14 =	simm.s32 $0x0;
	s20 =	rddreg [dreg:$0xa]  }
0x41: {  	[tilespmem:s14], [sflag:$0x9] =	stream.linear.gather [hbm4b:s20+s14], $0x4E20, $0x38;
	[tilespmem:$0x1F6D0] =	vst v63  }
0x42: {  	s21 =	smul.u32 $0xCCCD, s14  }
0x43: {  	_ =	swait.ge [sflag:s25], $0x4E20  }
0x44: {  	[sflag:s25] =	ssyncset.done $0x0;
	s22 =	sshrl.u32 s21, $0x12  }
0x45: {  	s16 =	rddreg [dreg:$0xb];
	[sflag:s25] =	ssyncadd.s32 $0xFFFFB1E0;
	s15 =	smul.u32 $0x5, s22  }
0x46: {  	[tilespmem:s26], [sflag:$0x9] =	stream.linear.gather [hbm4b:s16+s14], $0x4E20, $0x38;
	[tilespmem:$0x1F6D0] =	vst v63  }
0x47: {  	s14 =	smul.u32 $0x140, s22;
	_ =	swait.ge [sflag:s25], $0x4E20;
	s15 =	ssub.s32 $0x0, s15  }
0x48: {  	s16 =	simm.s32 $0x2;
	[sflag:s25] =	ssyncset.done $0x0;
	s23 =	sand.u32 $0xFFFF, s15  }
0x49: {  	s15 =	simm.s32 $0x1;
	s14 =	sshrl.u32 s14, $0x2;
	s18 =	sshll.u32 s23, $0x4  }
0x4a: {  	[sflag:s25] =	ssyncadd.s32 $0xFFFFB1E0;
	s17 =	smul.u32 $0xCCCD, s15;
	s14 =	sadd.s32 s18, s14  }
.LBB2_6:
0x4b: {  	p1 =	sne.s32 s16, $0x4E1;
	v2 =	vld [tilespmem:s14+$0x0]  }
0x4c: {  	s17 =	sshrl.u32 s17, $0x12  }
0x4d: {  	s18 =	smul.u32 $0x5, s17  }
.Ltmp2:
0x4e: {  	(pc) =	sbr.rel @p1 .LBB2_6-.Ltmp2, $4  }
0x4f: {  	s17 =	smul.u32 $0x140, s17;
	s18 =	ssub.s32 s15, s18;
	s15 =	smov.u32 s16  }
0x50: {  	s18 =	sand.u32 $0xFFFF, s18;
	v2 =	vshll.u32 v2, $0x1  }
0x51: {  	s19 =	sshrl.u32 s17, $0x2;
	s18 =	sshll.u32 s18, $0x4;
	v2 =	vor.u32 v0, v2  }
0x52: {  	s16 =	sadd.s32 $0x1, s16;
	s17 =	smul.u32 $0xCCCD, s15;
	[tilespmem:s14+$0x0] =	vst v2;
	s14 =	sadd.s32 s18, s19  }
0x53: {  	v2 =	vld [tilespmem:s14+$0x0]  }
0x54: {  	s16 =	sshrl.u32 s17, $0x12  }
0x55: {  	s17 =	smul.u32 $0x5, s16;
	_ =	sdelay $0x1  }
0x56: {  	s16 =	smul.u32 $0x140, s16;
	s15 =	ssub.s32 s15, s17  }
0x57: {  	s15 =	sand.u32 $0xFFFF, s15;
	v2 =	vshll.u32 v2, $0x1  }
0x58: {  	s16 =	sshrl.u32 s16, $0x2;
	s15 =	sshll.u32 s15, $0x4;
	v2 =	vor.u32 v0, v2  }
0x59: {  	s15 =	sadd.s32 s15, s16;
	[tilespmem:s14+$0x0] =	vst v2  }
0x5a: {  	v2 =	vld [tilespmem:s15+$0x0];
	_ =	sdelay $0x4  }
0x5b: {  	v2 =	vshll.u32 v2, $0x1  }
0x5c: {  	v2 =	vor.u32 v0, v2  }
0x5d: {  	[tilespmem:s15+$0x0] =	vst v2  }
0x5e: {  	s15 =	simm.s32 $0x0;
	[bflag:$0x0] =	sbarrier.arrive $0xFFFF  }
0x5f: {  	[tilespmem:s29], [sflag:$0x1] =	stream.indirect.gather [hbm4b:s1+s28], $0x40, s15, s28, $0xb8;
	[tilespmem:$0x1F6D0] =	vst v63  }
0x60: {  	_ = 	snop  }
0x61: {  	[tilespmem:s30], [sflag:$0x2] =	stream.indirect.gather [hbm4b:s1+s28], $0x40, s28, s28, $0xb8;
	[tilespmem:$0x1F6D0] =	vst v63  }
0x62: {  	s22 =	simm.s32 $0xA0  }
0x63: {  	[tilespmem:s0], [sflag:$0x3] =	stream.indirect.gather [hbm4b:s1+s28], $0x40, s22, s28, $0xb8;
	[tilespmem:$0x1F6D0] =	vst v63  }
0x64: {  	s23 =	simm.s32 $0xF0  }
0x65: {  	[tilespmem:s31], [sflag:$0x4] =	stream.indirect.gather [hbm4b:s1+s28], $0x40, s23, s28, $0xb8;
	[tilespmem:$0x1F6D0] =	vst v63  }
0x66: {  	_ = 	snop  }
0x67: {  	[spmem:s3] =	stream.indirect.scatter.add.f32 [tilespmem:s24], [sflag:$0x7], $0x40, s26, s28, $0xb8;
	[tilespmem:$0x1F6D0] =	vst v63  }
0x68: {  	_ = 	snop  }
0x69: {  	[spmem:s3] =	stream.indirect.scatter.add.f32 [tilespmem:s24], [sflag:$0x8], $0x40, s26, s28, $0xb8;
	[tilespmem:$0x1F6D0] =	vst v63  }
.LBB2_8:
0x6a: {  	_ =	swait.ge [sflag:s2], $0x1400  }
0x6b: {  	[sflag:s2] =	ssyncset.done $0x0  }
0x6c: {  	[sflag:s2] =	ssyncadd.s32 $0xFFFFEC00  }
0x6d: {  	_ =	swait.ge [sflag:s6], $0x1400  }
0x6e: {  	s16 =	sshra.s32 s15, $0x2;
	[sflag:s6] =	ssyncset.done $0x0  }
0x6f: {  	s19 =	sshra.s32 @!p0 s15, $0x2;
	s14 =	sadd.s32 $0x4E20, s16;
	[sflag:s6] =	ssyncadd.s32 $0xFFFFEC00  }
0x70: {  	[spmem:s3] =	stream.indirect.scatter.add.f32 [tilespmem:s29], [sflag:$0x7], $0x40, s14, s28, $0xb8;
	[tilespmem:$0x1F6D0] =	vst v63  }
0x71: {  	v3 =	vld @!p0 [tilespmem:s19+$0x4E20];
	_ =	sdelay $0x6  }
0x72: {  	v2 =	vimm.f32 @!p0 $1.000000000e+00;
	s14 =	simm.s32 @!p0 $0x13380  }
0x73: {  	[tilespmem:v3+s14+$0x0] =	vst.idx.add.f32.msk @!p0 $0xffff, v2  }
0x74: {  	v3 =	vld @!p0 [tilespmem:s19+$0x4E30];
	_ =	sdelay $0x7  }
0x75: {  	[tilespmem:v3+s14+$0x0] =	vst.idx.add.f32.msk @!p0 $0xffff, v2  }
0x76: {  	v3 =	vld @!p0 [tilespmem:s19+$0x4E40];
	_ =	sdelay $0x7  }
0x77: {  	[tilespmem:v3+s14+$0x0] =	vst.idx.add.f32.msk @!p0 $0xffff, v2  }
0x78: {  	v3 =	vld @!p0 [tilespmem:s19+$0x4E50];
	_ =	sdelay $0x7  }
0x79: {  	[tilespmem:v3+s14+$0x0] =	vst.idx.add.f32.msk @!p0 $0xffff, v2  }
0x7a: {  	v3 =	vld @!p0 [tilespmem:s19+$0x4E60];
	_ =	sdelay $0x7  }
0x7b: {  	s18 =	sadd.s32 $0x140, s16;
	s17 =	rddreg [dreg:$0x5];
	[tilespmem:v3+s14+$0x0] =	vst.idx.add.f32.msk @!p0 $0xffff, v2  }
0x7c: {  	[tilespmem:s17], [sflag:$0x5] =	stream.indirect.gather [hbm4b:s1+s28], $0x40, s18, s28, $0xb8;
	[tilespmem:$0x1F6D0] =	vst v63  }
0x7d: {  	_ =	swait.ge [sflag:s7], $0x1400  }
0x7e: {  	[sflag:s7] =	ssyncset.done $0x0  }
0x7f: {  	[sflag:s7] =	ssyncadd.s32 $0xFFFFEC00  }
0x80: {  	_ =	swait.ge [sflag:s8], $0x1400  }
0x81: {  	[sflag:s8] =	ssyncset.done $0x0  }
0x82: {  	s23 =	sadd.s32 $0x4E70, s16;
	[sflag:s8] =	ssyncadd.s32 $0xFFFFEC00  }
0x83: {  	[spmem:s3] =	stream.indirect.scatter.add.f32 [tilespmem:s30], [sflag:$0x8], $0x40, s23, s28, $0xb8;
	[tilespmem:$0x1F6D0] =	vst v63  }
0x84: {  	v3 =	vld @!p0 [tilespmem:s16+$0x4E70];
	_ =	sdelay $0x7  }
0x85: {  	[tilespmem:v3+s14+$0x0] =	vst.idx.add.f32.msk @!p0 $0xffff, v2  }
0x86: {  	v3 =	vld @!p0 [tilespmem:s19+$0x4E80];
	_ =	sdelay $0x7  }
0x87: {  	[tilespmem:v3+s14+$0x0] =	vst.idx.add.f32.msk @!p0 $0xffff, v2  }
0x88: {  	v3 =	vld @!p0 [tilespmem:s19+$0x4E90];
	_ =	sdelay $0x7  }
0x89: {  	[tilespmem:v3+s14+$0x0] =	vst.idx.add.f32.msk @!p0 $0xffff, v2  }
0x8a: {  	v3 =	vld @!p0 [tilespmem:s19+$0x4EA0];
	_ =	sdelay $0x7  }
0x8b: {  	[tilespmem:v3+s14+$0x0] =	vst.idx.add.f32.msk @!p0 $0xffff, v2  }
0x8c: {  	v3 =	vld @!p0 [tilespmem:s19+$0x4EB0];
	_ =	sdelay $0x7  }
0x8d: {  	s18 =	sadd.s32 $0x190, s16;
	[tilespmem:v3+s14+$0x0] =	vst.idx.add.f32.msk @!p0 $0xffff, v2  }
0x8e: {  	[tilespmem:s9], [sflag:$0x6] =	stream.indirect.gather [hbm4b:s1+s28], $0x40, s18, s28, $0xb8;
	[tilespmem:$0x1F6D0] =	vst v63  }
0x8f: {  	_ =	swait.ge [sflag:s10], $0x1400  }
0x90: {  	[sflag:s10] =	ssyncset.done $0x0  }
0x91: {  	[sflag:s10] =	ssyncadd.s32 $0xFFFFEC00  }
0x92: {  	_ =	swait.ge [sflag:s6], $0x1400  }
0x93: {  	[sflag:s6] =	ssyncset.done $0x0  }
0x94: {  	s20 =	sadd.s32 $0x4EC0, s16;
	[sflag:s6] =	ssyncadd.s32 $0xFFFFEC00  }
0x95: {  	[spmem:s3] =	stream.indirect.scatter.add.f32 [tilespmem:s0], [sflag:$0x7], $0x40, s20, s28, $0xb8;
	[tilespmem:$0x1F6D0] =	vst v63  }
0x96: {  	v3 =	vld @!p0 [tilespmem:s16+$0x4EC0];
	_ =	sdelay $0x7  }
0x97: {  	[tilespmem:v3+s14+$0x0] =	vst.idx.add.f32.msk @!p0 $0xffff, v2  }
0x98: {  	v3 =	vld @!p0 [tilespmem:s19+$0x4ED0];
	_ =	sdelay $0x7  }
0x99: {  	[tilespmem:v3+s14+$0x0] =	vst.idx.add.f32.msk @!p0 $0xffff, v2  }
0x9a: {  	v3 =	vld @!p0 [tilespmem:s19+$0x4EE0];
	_ =	sdelay $0x7  }
0x9b: {  	[tilespmem:v3+s14+$0x0] =	vst.idx.add.f32.msk @!p0 $0xffff, v2  }
0x9c: {  	v3 =	vld @!p0 [tilespmem:s19+$0x4EF0];
	_ =	sdelay $0x7  }
0x9d: {  	[tilespmem:v3+s14+$0x0] =	vst.idx.add.f32.msk @!p0 $0xffff, v2  }
0x9e: {  	v3 =	vld @!p0 [tilespmem:s19+$0x4F00];
	_ =	sdelay $0x7  }
0x9f: {  	s21 =	sadd.s32 $0x1E0, s16;
	[tilespmem:v3+s14+$0x0] =	vst.idx.add.f32.msk @!p0 $0xffff, v2  }
0xa0: {  	[tilespmem:s29], [sflag:$0x1] =	stream.indirect.gather [hbm4b:s1+s28], $0x40, s21, s28, $0xb8;
	[tilespmem:$0x1F6D0] =	vst v63  }
0xa1: {  	_ =	swait.ge [sflag:s11], $0x1400  }
0xa2: {  	[sflag:s11] =	ssyncset.done $0x0  }
0xa3: {  	[sflag:s11] =	ssyncadd.s32 $0xFFFFEC00  }
0xa4: {  	_ =	swait.ge [sflag:s8], $0x1400  }
0xa5: {  	[sflag:s8] =	ssyncset.done $0x0  }
0xa6: {  	s22 =	sadd.s32 $0x4F10, s16;
	s18 =	sshra.s32 @p0 s15, $0x2;
	[sflag:s8] =	ssyncadd.s32 $0xFFFFEC00  }
0xa7: {  	[spmem:s3] =	stream.indirect.scatter.add.f32 [tilespmem:s31], [sflag:$0x8], $0x40, s22, s28, $0xb8;
	[tilespmem:$0x1F6D0] =	vst v63  }
0xa8: {  	s17 =	simm.s32 @p0 $0x50;
	s20 =	simm.s32 @p0 $0xB040;
	s21 =	sadd.s32 @p0 $0x230, s18  }
0xa9: {  	[tilespmem:s20], [sflag:$0x2] =	stream.indirect.gather @p0 [hbm4b:s1+s17], $0x40, s21, s17, $0xb8;
	[tilespmem:$0x1F6D0] =	vst v63  }
0xaa: {  	s21 =	simm.s32 @p0 $0x5  }
0xab: {  	_ =	swait.ge @p0 [sflag:s21], $0x1400  }
0xac: {  	[sflag:s21] =	ssyncset.done @p0 $0x0  }
0xad: {  	[sflag:s21] =	ssyncadd.s32 @p0 $0xFFFFEC00;
	s21 =	simm.s32 @p0 $0x7  }
0xae: {  	_ =	swait.ge @p0 [sflag:s21], $0x1400  }
0xaf: {  	[sflag:s21] =	ssyncset.done @p0 $0x0  }
0xb0: {  	s18 =	sadd.s32 @p0 $0x4F60, s18;
	[sflag:s21] =	ssyncadd.s32 @p0 $0xFFFFEC00;
	s21 =	simm.s32 @p0 $0xEC40  }
0xb1: {  	[spmem:s3] =	stream.indirect.scatter.add.f32 @p0 [tilespmem:s21], [sflag:$0x7], $0x40, s18, s17, $0xb8;
	[tilespmem:$0x1F6D0] =	vst v63  }
0xb2: {  	v3 =	vld @!p0 [tilespmem:s16+$0x4F10];
	_ =	sdelay $0x7  }
0xb3: {  	[tilespmem:v3+s14+$0x0] =	vst.idx.add.f32.msk @!p0 $0xffff, v2  }
0xb4: {  	v3 =	vld @!p0 [tilespmem:s19+$0x4F20];
	_ =	sdelay $0x7  }
0xb5: {  	[tilespmem:v3+s14+$0x0] =	vst.idx.add.f32.msk @!p0 $0xffff, v2  }
0xb6: {  	v3 =	vld @!p0 [tilespmem:s19+$0x4F30];
	_ =	sdelay $0x7  }
0xb7: {  	[tilespmem:v3+s14+$0x0] =	vst.idx.add.f32.msk @!p0 $0xffff, v2  }
0xb8: {  	v3 =	vld @!p0 [tilespmem:s19+$0x4F40];
	_ =	sdelay $0x7  }
0xb9: {  	[tilespmem:v3+s14+$0x0] =	vst.idx.add.f32.msk @!p0 $0xffff, v2  }
0xba: {  	v3 =	vld @!p0 [tilespmem:s19+$0x4F50];
	_ =	sdelay $0x7  }
0xbb: {  	s22 =	sadd.s32 @!p0 $0x230, s19;
	s18 =	simm.s32 @!p0 $0x50;
	s21 =	simm.s32 @!p0 $0xB040;
	[tilespmem:v3+s14+$0x0] =	vst.idx.add.f32.msk @!p0 $0xffff, v2  }
0xbc: {  	[tilespmem:s21], [sflag:$0x2] =	stream.indirect.gather @!p0 [hbm4b:s1+s18], $0x40, s22, s18, $0xb8;
	[tilespmem:$0x1F6D0] =	vst v63  }
0xbd: {  	s22 =	simm.s32 @!p0 $0x5  }
0xbe: {  	_ =	swait.ge @!p0 [sflag:s22], $0x1400  }
0xbf: {  	[sflag:s22] =	ssyncset.done @!p0 $0x0  }
0xc0: {  	[sflag:s22] =	ssyncadd.s32 @!p0 $0xFFFFEC00;
	s22 =	simm.s32 @!p0 $0x7  }
0xc1: {  	_ =	swait.ge @!p0 [sflag:s22], $0x1400  }
0xc2: {  	[sflag:s22] =	ssyncset.done @!p0 $0x0  }
0xc3: {  	s23 =	simm.s32 @!p0 $0xEC40;
	[sflag:s22] =	ssyncadd.s32 @!p0 $0xFFFFEC00;
	s22 =	sadd.s32 @!p0 $0x4F60, s19  }
0xc4: {  	[spmem:s3] =	stream.indirect.scatter.add.f32 @!p0 [tilespmem:s23], [sflag:$0x7], $0x40, s22, s18, $0xb8;
	[tilespmem:$0x1F6D0] =	vst v63  }
0xc5: {  	v3 =	vld @!p0 [tilespmem:s19+$0x4F60];
	_ =	sdelay $0x7  }
0xc6: {  	[tilespmem:v3+s14+$0x0] =	vst.idx.add.f32.msk @!p0 $0xffff, v2  }
0xc7: {  	v3 =	vld @!p0 [tilespmem:s19+$0x4F70];
	_ =	sdelay $0x7  }
0xc8: {  	[tilespmem:v3+s14+$0x0] =	vst.idx.add.f32.msk @!p0 $0xffff, v2  }
0xc9: {  	v3 =	vld @!p0 [tilespmem:s19+$0x4F80];
	_ =	sdelay $0x7  }
0xca: {  	[tilespmem:v3+s14+$0x0] =	vst.idx.add.f32.msk @!p0 $0xffff, v2  }
0xcb: {  	v3 =	vld @!p0 [tilespmem:s19+$0x4F90];
	_ =	sdelay $0x7  }
0xcc: {  	[tilespmem:v3+s14+$0x0] =	vst.idx.add.f32.msk @!p0 $0xffff, v2  }
0xcd: {  	v3 =	vld @!p0 [tilespmem:s19+$0x4FA0];
	_ =	sdelay $0x7  }
0xce: {  	s23 =	sadd.s32 $0x280, s16;
	[tilespmem:v3+s14+$0x0] =	vst.idx.add.f32.msk @!p0 $0xffff, v2  }
0xcf: {  	[tilespmem:s0], [sflag:$0x3] =	stream.indirect.gather [hbm4b:s1+s28], $0x40, s23, s28, $0xb8;
	[tilespmem:$0x1F6D0] =	vst v63  }
0xd0: {  	_ =	swait.ge [sflag:s12], $0x1400  }
0xd1: {  	[sflag:s12] =	ssyncset.done $0x0  }
0xd2: {  	[sflag:s12] =	ssyncadd.s32 $0xFFFFEC00  }
0xd3: {  	_ =	swait.ge [sflag:s8], $0x1400  }
0xd4: {  	[sflag:s8] =	ssyncset.done $0x0  }
0xd5: {  	s23 =	sadd.s32 $0x4FB0, s16;
	[sflag:s8] =	ssyncadd.s32 $0xFFFFEC00  }
0xd6: {  	[spmem:s3] =	stream.indirect.scatter.add.f32 [tilespmem:s9], [sflag:$0x8], $0x40, s23, s28, $0xb8;
	[tilespmem:$0x1F6D0] =	vst v63  }
0xd7: {  	v3 =	vld @!p0 [tilespmem:s16+$0x4FB0];
	_ =	sdelay $0x7  }
0xd8: {  	[tilespmem:v3+s14+$0x0] =	vst.idx.add.f32.msk @!p0 $0xffff, v2  }
0xd9: {  	v3 =	vld @!p0 [tilespmem:s19+$0x4FC0];
	_ =	sdelay $0x7  }
0xda: {  	[tilespmem:v3+s14+$0x0] =	vst.idx.add.f32.msk @!p0 $0xffff, v2  }
0xdb: {  	v3 =	vld @!p0 [tilespmem:s19+$0x4FD0];
	_ =	sdelay $0x7  }
0xdc: {  	[tilespmem:v3+s14+$0x0] =	vst.idx.add.f32.msk @!p0 $0xffff, v2  }
0xdd: {  	v3 =	vld @!p0 [tilespmem:s19+$0x4FE0];
	_ =	sdelay $0x7  }
0xde: {  	[tilespmem:v3+s14+$0x0] =	vst.idx.add.f32.msk @!p0 $0xffff, v2  }
0xdf: {  	v3 =	vld @!p0 [tilespmem:s19+$0x4FF0];
	_ =	sdelay $0x2  }
0xe0: {  	s15 =	sadd.s32 $0x780, s15  }
0xe1: {  	p1 =	sne.s32 s15, $0x13380  }
.Ltmp3:
0xe2: {  	_ = 	snop;
	(pc) =	sbr.rel @p1 .LBB2_8-.Ltmp3, $3  }
0xe3: {  	_ =	sdelay $0x1  }
0xe4: {  	s16 =	sadd.s32 $0x2D0, s16;
	[tilespmem:v3+s14+$0x0] =	vst.idx.add.f32.msk @!p0 $0xffff, v2  }
0xe5: {  	[tilespmem:s31], [sflag:$0x4] =	stream.indirect.gather [hbm4b:s1+s28], $0x40, s16, s28, $0xb8;
	[tilespmem:$0x1F6D0] =	vst v63  }
0xe6: {  	_ =	swait.ge [sflag:s2], $0x1400  }
0xe7: {  	[sflag:s2] =	ssyncset.done $0x0  }
0xe8: {  	[sflag:s2] =	ssyncadd.s32 $0xFFFFEC00  }
0xe9: {  	_ =	swait.ge [sflag:s6], $0x1400  }
0xea: {  	[sflag:s6] =	ssyncset.done $0x0  }
0xeb: {  	s15 =	simm.s32 $0x9B00;
	[sflag:s6] =	ssyncadd.s32 $0xFFFFEC00  }
0xec: {  	[spmem:s3] =	stream.indirect.scatter.add.f32 [tilespmem:s29], [sflag:$0x7], $0x40, s15, s28, $0xb8;
	[tilespmem:$0x1F6D0] =	vst v63  }
0xed: {  	s15 =	simm.s32 @p0 $0x2  }
0xee: {  	_ =	swait.ge @p0 [sflag:s15], $0x1400  }
0xef: {  	[sflag:s15] =	ssyncset.done @p0 $0x0  }
0xf0: {  	[sflag:s15] =	ssyncadd.s32 @p0 $0xFFFFEC00;
	s15 =	simm.s32 @p0 $0x8  }
0xf1: {  	_ =	swait.ge @p0 [sflag:s15], $0x1400  }
0xf2: {  	[sflag:s15] =	ssyncset.done @p0 $0x0  }
0xf3: {  	s16 =	simm.s32 @p0 $0x9B50;
	[sflag:s15] =	ssyncadd.s32 @p0 $0xFFFFEC00  }
0xf4: {  	[spmem:s3] =	stream.indirect.scatter.add.f32 @p0 [tilespmem:s20], [sflag:$0x8], $0x40, s16, s17, $0xb8;
	[tilespmem:$0x1F6D0] =	vst v63  }
0xf5: {  	v3 =	vld @!p0 [tilespmem:$0x9B00];
	_ =	sdelay $0x7  }
0xf6: {  	[tilespmem:v3+s14+$0x0] =	vst.idx.add.f32.msk @!p0 $0xffff, v2  }
0xf7: {  	v3 =	vld @!p0 [tilespmem:$0x9B10];
	_ =	sdelay $0x7  }
0xf8: {  	[tilespmem:v3+s14+$0x0] =	vst.idx.add.f32.msk @!p0 $0xffff, v2  }
0xf9: {  	v3 =	vld @!p0 [tilespmem:$0x9B20];
	_ =	sdelay $0x7  }
0xfa: {  	[tilespmem:v3+s14+$0x0] =	vst.idx.add.f32.msk @!p0 $0xffff, v2  }
0xfb: {  	v3 =	vld @!p0 [tilespmem:$0x9B30];
	_ =	sdelay $0x7  }
0xfc: {  	[tilespmem:v3+s14+$0x0] =	vst.idx.add.f32.msk @!p0 $0xffff, v2  }
0xfd: {  	v3 =	vld @!p0 [tilespmem:$0x9B40];
	_ =	sdelay $0x7  }
0xfe: {  	s16 =	simm.s32 @!p0 $0x2;
	[tilespmem:v3+s14+$0x0] =	vst.idx.add.f32.msk @!p0 $0xffff, v2  }
0xff: {  	_ =	swait.ge @!p0 [sflag:s16], $0x1400  }
0x100: {  	[sflag:s16] =	ssyncset.done @!p0 $0x0  }
0x101: {  	[sflag:s16] =	ssyncadd.s32 @!p0 $0xFFFFEC00;
	s16 =	simm.s32 @!p0 $0x8  }
0x102: {  	_ =	swait.ge @!p0 [sflag:s16], $0x1400  }
0x103: {  	[sflag:s16] =	ssyncset.done @!p0 $0x0  }
0x104: {  	s19 =	simm.s32 @!p0 $0x9B50;
	[sflag:s16] =	ssyncadd.s32 @!p0 $0xFFFFEC00  }
0x105: {  	[spmem:s3] =	stream.indirect.scatter.add.f32 @!p0 [tilespmem:s21], [sflag:$0x8], $0x40, s19, s18, $0xb8;
	[tilespmem:$0x1F6D0] =	vst v63  }
0x106: {  	v3 =	vld @!p0 [tilespmem:$0x9B50];
	_ =	sdelay $0x7  }
0x107: {  	[tilespmem:v3+s14+$0x0] =	vst.idx.add.f32.msk @!p0 $0xffff, v2  }
0x108: {  	v3 =	vld @!p0 [tilespmem:$0x9B60];
	_ =	sdelay $0x7  }
0x109: {  	[tilespmem:v3+s14+$0x0] =	vst.idx.add.f32.msk @!p0 $0xffff, v2  }
0x10a: {  	v3 =	vld @!p0 [tilespmem:$0x9B70];
	_ =	sdelay $0x7  }
0x10b: {  	[tilespmem:v3+s14+$0x0] =	vst.idx.add.f32.msk @!p0 $0xffff, v2  }
0x10c: {  	v3 =	vld @!p0 [tilespmem:$0x9B80];
	_ =	sdelay $0x7  }
0x10d: {  	[tilespmem:v3+s14+$0x0] =	vst.idx.add.f32.msk @!p0 $0xffff, v2  }
0x10e: {  	v3 =	vld @!p0 [tilespmem:$0x9B90];
	_ =	sdelay $0x7  }
0x10f: {  	[tilespmem:v3+s14+$0x0] =	vst.idx.add.f32.msk @!p0 $0xffff, v2  }
0x110: {  	_ =	swait.ge [sflag:s10], $0x1400  }
0x111: {  	[sflag:s10] =	ssyncset.done $0x0  }
0x112: {  	[sflag:s10] =	ssyncadd.s32 $0xFFFFEC00  }
0x113: {  	_ =	swait.ge [sflag:s6], $0x1400  }
0x114: {  	[sflag:s6] =	ssyncset.done $0x0  }
0x115: {  	s23 =	simm.s32 $0x9BA0;
	s19 =	simm.s32 @p0 $0x4;
	[sflag:s6] =	ssyncadd.s32 $0xFFFFEC00  }
0x116: {  	[spmem:s3] =	stream.indirect.scatter.add.f32 [tilespmem:s0], [sflag:$0x7], $0x40, s23, s28, $0xb8;
	[tilespmem:$0x1F6D0] =	vst v63  }
0x117: {  	_ =	swait.ge @p0 [sflag:s19], $0x1400  }
0x118: {  	[sflag:s19] =	ssyncset.done @p0 $0x0  }
0x119: {  	[sflag:s19] =	ssyncadd.s32 @p0 $0xFFFFEC00  }
0x11a: {  	_ =	swait.ge @p0 [sflag:s15], $0x1400  }
0x11b: {  	[sflag:s15] =	ssyncset.done @p0 $0x0  }
0x11c: {  	s19 =	simm.s32 @p0 $0xD840;
	[sflag:s15] =	ssyncadd.s32 @p0 $0xFFFFEC00;
	s15 =	simm.s32 @p0 $0x9BF0  }
0x11d: {  	[spmem:s3] =	stream.indirect.scatter.add.f32 @p0 [tilespmem:s19], [sflag:$0x8], $0x40, s15, s17, $0xb8;
	[tilespmem:$0x1F6D0] =	vst v63  }
0x11e: {  	v3 =	vld @!p0 [tilespmem:$0x9BA0];
	_ =	sdelay $0x7  }
0x11f: {  	[tilespmem:v3+s14+$0x0] =	vst.idx.add.f32.msk @!p0 $0xffff, v2  }
0x120: {  	v3 =	vld @!p0 [tilespmem:$0x9BB0];
	_ =	sdelay $0x7  }
0x121: {  	[tilespmem:v3+s14+$0x0] =	vst.idx.add.f32.msk @!p0 $0xffff, v2  }
0x122: {  	v3 =	vld @!p0 [tilespmem:$0x9BC0];
	_ =	sdelay $0x7  }
0x123: {  	[tilespmem:v3+s14+$0x0] =	vst.idx.add.f32.msk @!p0 $0xffff, v2  }
0x124: {  	v3 =	vld @!p0 [tilespmem:$0x9BD0];
	_ =	sdelay $0x7  }
0x125: {  	[tilespmem:v3+s14+$0x0] =	vst.idx.add.f32.msk @!p0 $0xffff, v2  }
0x126: {  	v3 =	vld @!p0 [tilespmem:$0x9BE0];
	_ =	sdelay $0x7  }
0x127: {  	s15 =	simm.s32 @!p0 $0x4;
	[tilespmem:v3+s14+$0x0] =	vst.idx.add.f32.msk @!p0 $0xffff, v2  }
0x128: {  	_ =	swait.ge @!p0 [sflag:s15], $0x1400  }
0x129: {  	[sflag:s15] =	ssyncset.done @!p0 $0x0  }
0x12a: {  	[sflag:s15] =	ssyncadd.s32 @!p0 $0xFFFFEC00  }
0x12b: {  	_ =	swait.ge @!p0 [sflag:s16], $0x1400  }
0x12c: {  	[sflag:s16] =	ssyncset.done @!p0 $0x0  }
0x12d: {  	s15 =	simm.s32 @!p0 $0x9BF0;
	[sflag:s16] =	ssyncadd.s32 @!p0 $0xFFFFEC00;
	s16 =	simm.s32 @!p0 $0xD840  }
0x12e: {  	[spmem:s3] =	stream.indirect.scatter.add.f32 @!p0 [tilespmem:s16], [sflag:$0x8], $0x40, s15, s18, $0xb8;
	[tilespmem:$0x1F6D0] =	vst v63  }
0x12f: {  	v3 =	vld @!p0 [tilespmem:$0x9BF0];
	_ =	sdelay $0x7  }
0x130: {  	[tilespmem:v3+s14+$0x0] =	vst.idx.add.f32.msk @!p0 $0xffff, v2  }
0x131: {  	v3 =	vld @!p0 [tilespmem:$0x9C00];
	_ =	sdelay $0x7  }
0x132: {  	[tilespmem:v3+s14+$0x0] =	vst.idx.add.f32.msk @!p0 $0xffff, v2  }
0x133: {  	v3 =	vld @!p0 [tilespmem:$0x9C10];
	_ =	sdelay $0x7  }
0x134: {  	[tilespmem:v3+s14+$0x0] =	vst.idx.add.f32.msk @!p0 $0xffff, v2  }
0x135: {  	v3 =	vld @!p0 [tilespmem:$0x9C20];
	_ =	sdelay $0x7  }
0x136: {  	[tilespmem:v3+s14+$0x0] =	vst.idx.add.f32.msk @!p0 $0xffff, v2  }
0x137: {  	v3 =	vld @!p0 [tilespmem:$0x9C30];
	_ =	sdelay $0x7  }
0x138: {  	[tilespmem:v3+s14+$0x0] =	vst.idx.add.f32.msk @!p0 $0xffff, v2  }
0x139: {  	_ =	swait.ge [sflag:s6], $0x1400  }
0x13a: {  	[sflag:s6] =	ssyncset.done $0x0  }
0x13b: {  	[sflag:s6] =	ssyncadd.s32 $0xFFFFEC00  }
0x13c: {  	_ =	swait.ge [sflag:s8], $0x1400  }
0x13d: {  	[sflag:s8] =	ssyncset.done $0x0  }
0x13e: {  	s20 =	stileid.u32;
	[sflag:s8] =	ssyncadd.s32 $0xFFFFEC00  }
0x13f: {  	s15 =	sshll.u32 s20, $0x6;
	[bflag:$0x0] =	sbarrier.arrive $0xFFFF  }
0x140: {  	s21 =	sshrl.u32 s5, $0x3;
	s15 =	sor.u32 $0x1C09, s15;
	s22 =	rddreg [dreg:$0xc]  }
0x141: {  	[hbm:s22], [sflag:s15] =	dma.local [spmem:s21], $0x1388  }
0x142: {  	_ =	swait.ge [sflag:s25], $0x1388  }
0x143: {  	[sflag:s25] =	ssyncset.done $0x0  }
0x144: {  	s15 =	simm.s32 @!p0 $0x0;
	[sflag:s25] =	ssyncadd.s32 $0xFFFFEC78  }
0x145: {  	[hbm4b:s13+s15] =	stream.linear.scatter @!p0 [tilespmem:s14], [sflag:$0x9], $0x3E8, $0x38;
	[tilespmem:$0x1F6D0] =	vst v63  }
0x146: {  	s14 =	simm.s32 @!p0 $0x9  }
0x147: {  	_ =	swait.ge @!p0 [sflag:s14], $0x3E8  }
0x148: {  	[sflag:s14] =	ssyncset.done @!p0 $0x0  }
0x149: {  	s16 =	simm.s32 @!p0 $0x13768;
	s17 =	rddreg [dreg:$0xd];
	[sflag:s14] =	ssyncadd.s32 @!p0 $0xFFFFFC18  }
0x14a: {  	[hbm4b:s17+s15] =	stream.linear.scatter @!p0 [tilespmem:s16], [sflag:$0x9], $0x3E8, $0x38;
	[tilespmem:$0x1F6D0] =	vst v63  }
0x14b: {  	_ =	swait.ge @!p0 [sflag:s14], $0x3E8  }
0x14c: {  	[sflag:s14] =	ssyncset.done @!p0 $0x0  }
0x14d: {  	s16 =	simm.s32 @!p0 $0x13B50;
	s17 =	rddreg [dreg:$0xe];
	[sflag:s14] =	ssyncadd.s32 @!p0 $0xFFFFFC18  }
0x14e: {  	[hbm4b:s17+s15] =	stream.linear.scatter @!p0 [tilespmem:s16], [sflag:$0x9], $0x3E8, $0x38;
	[tilespmem:$0x1F6D0] =	vst v63  }
0x14f: {  	_ =	swait.ge @!p0 [sflag:s14], $0x3E8  }
0x150: {  	[sflag:s14] =	ssyncset.done @!p0 $0x0  }
0x151: {  	s16 =	simm.s32 @!p0 $0x13F38;
	s17 =	rddreg [dreg:$0xf];
	[sflag:s14] =	ssyncadd.s32 @!p0 $0xFFFFFC18  }
0x152: {  	[hbm4b:s17+s15] =	stream.linear.scatter @!p0 [tilespmem:s16], [sflag:$0x9], $0x3E8, $0x38;
	[tilespmem:$0x1F6D0] =	vst v63  }
0x153: {  	_ =	swait.ge @!p0 [sflag:s14], $0x3E8  }
0x154: {  	[sflag:s14] =	ssyncset.done @!p0 $0x0  }
0x155: {  	s16 =	simm.s32 @!p0 $0x14320;
	s17 =	rddreg [dreg:$0x10];
	[sflag:s14] =	ssyncadd.s32 @!p0 $0xFFFFFC18  }
0x156: {  	[hbm4b:s17+s15] =	stream.linear.scatter @!p0 [tilespmem:s16], [sflag:$0x9], $0x3E8, $0x38;
	[tilespmem:$0x1F6D0] =	vst v63  }
0x157: {  	_ =	swait.ge @!p0 [sflag:s14], $0x3E8  }
0x158: {  	[sflag:s14] =	ssyncset.done @!p0 $0x0  }
0x159: {  	s16 =	simm.s32 @!p0 $0x14708;
	s17 =	rddreg [dreg:$0x11];
	[sflag:s14] =	ssyncadd.s32 @!p0 $0xFFFFFC18  }
0x15a: {  	[hbm4b:s17+s15] =	stream.linear.scatter @!p0 [tilespmem:s16], [sflag:$0x9], $0x3E8, $0x38;
	[tilespmem:$0x1F6D0] =	vst v63  }
0x15b: {  	_ =	swait.ge @!p0 [sflag:s14], $0x3E8  }
0x15c: {  	[sflag:s14] =	ssyncset.done @!p0 $0x0  }
0x15d: {  	s16 =	simm.s32 @!p0 $0x14AF0;
	s17 =	rddreg [dreg:$0x12];
	[sflag:s14] =	ssyncadd.s32 @!p0 $0xFFFFFC18  }
0x15e: {  	[hbm4b:s17+s15] =	stream.linear.scatter @!p0 [tilespmem:s16], [sflag:$0x9], $0x3E8, $0x38;
	[tilespmem:$0x1F6D0] =	vst v63  }
0x15f: {  	_ =	swait.ge @!p0 [sflag:s14], $0x3E8  }
0x160: {  	[sflag:s14] =	ssyncset.done @!p0 $0x0  }
0x161: {  	s16 =	simm.s32 @!p0 $0x14ED8;
	s17 =	rddreg [dreg:$0x13];
	[sflag:s14] =	ssyncadd.s32 @!p0 $0xFFFFFC18  }
0x162: {  	[hbm4b:s17+s15] =	stream.linear.scatter @!p0 [tilespmem:s16], [sflag:$0x9], $0x3E8, $0x38;
	[tilespmem:$0x1F6D0] =	vst v63  }
0x163: {  	_ =	swait.ge @!p0 [sflag:s14], $0x3E8  }
0x164: {  	[sflag:s14] =	ssyncset.done @!p0 $0x0  }
0x165: {  	s16 =	simm.s32 @!p0 $0x152C0;
	s17 =	rddreg [dreg:$0x14];
	[sflag:s14] =	ssyncadd.s32 @!p0 $0xFFFFFC18  }
0x166: {  	[hbm4b:s17+s15] =	stream.linear.scatter @!p0 [tilespmem:s16], [sflag:$0x9], $0x3E8, $0x38;
	[tilespmem:$0x1F6D0] =	vst v63  }
0x167: {  	_ =	swait.ge @!p0 [sflag:s14], $0x3E8  }
0x168: {  	[sflag:s14] =	ssyncset.done @!p0 $0x0  }
0x169: {  	s16 =	simm.s32 @!p0 $0x156A8;
	s17 =	rddreg [dreg:$0x15];
	[sflag:s14] =	ssyncadd.s32 @!p0 $0xFFFFFC18  }
0x16a: {  	[hbm4b:s17+s15] =	stream.linear.scatter @!p0 [tilespmem:s16], [sflag:$0x9], $0x3E8, $0x38;
	[tilespmem:$0x1F6D0] =	vst v63  }
0x16b: {  	_ =	swait.ge @!p0 [sflag:s14], $0x3E8  }
0x16c: {  	s4 =	sadd.s32 $0x1, s4;
	s23 =	rddreg [dreg:$0x16]  }
0x16d: {  	p1 =	sne.s32 s4, s23  }
.Ltmp4:
0x16e: {  	_ = 	snop;
	(pc) =	sbr.rel @p1 .LBB2_1-.Ltmp4, $3  }
0x16f: {  	_ =	sdelay $0x1  }
0x170: {  	[sflag:s14] =	ssyncset.done @!p0 $0x0  }
0x171: {  	[sflag:s14] =	ssyncadd.s32 @!p0 $0xFFFFFC18  }
0x172: {  	_ =	sfence.sel $0x180000  }
0x173: {  	[bflag:$0x0] =	sbarrier.arrive $0xFFFF  }
0x174: {  	_ =	strace $0x90000047  }
0x175: {  	s0 =	stileid.u32;
	[bflag:$0x2] =	sbarrier.arrive $0xFFFF  }
0x176: {  	p0 =	sne.s32 s0, $0x0;
	s0 =	rddreg [dreg:$0x4]  }
0x177: {  	s0 =	sadd.s32 @!p0 $0x100000, s0  }
0x178: {  	[sflag:s0] =	ssyncadd.tile.s32 @!p0 $0x1;
	_ =	shalt  }
.Lfunc_end2:
_tile_overlayer_lowered:
.L_overlay_start_2:
0x179: {  	(tag) =	ssettag $0x2  }
0x17a: {  	s0 =	rddreg [dreg:$0x0];
	s2 =	stileid.u32  }
0x17b: {  	s1 =	rddreg [dreg:$0x1];
	p0 =	sne.s32 s2, $0x0  }
0x17c: {  	s3 =	rddreg [dreg:$0x2];
	[bflag:$0x3] =	sbarrier.arrive $0xFFFF;
	s2 =	simm.s32 @!p0 $0x1C09  }
0x17d: {  	[timem:s3], [sflag:s2] =	dma.local @!p0 [hbm:s0], s1  }
0x17e: {  	s0 =	simm.s32 @!p0 $0x9  }
0x17f: {  	_ =	swait.ge @!p0 [sflag:s0], s1  }
0x180: {  	s1 =	ssub.s32 @!p0 $0x0, s1;
	[sflag:s0] =	ssyncset.done @!p0 $0x0  }
0x181: {  	[sflag:s0] =	ssyncadd.s32 @!p0 s1  }
0x182: {  	[bflag:$0x3] =	sbarrier.arrive $0xFFFF  }
0x183: {  	_ =	shalt  }

// kernel: kernel.9.cloned.1.call-start
scs
__scs_entry_jumppad:
0x0: {  	(pc) =	sbr.rel $0x88, $3  }
0x1: {  	(tag) =	ssettag $0x0;
	lr =	simm.s32 $0x1  }
0x2: {  	[smem:$0x3F99] =	sst lr;
	_ =	strace $0xD0000000  }
0x3: {  	_ = 	snop  }
0x4: {  	_ = 	snop  }
0x5: {  	_ = 	snop  }
0x6: {  	_ = 	snop  }
0x7: {  	_ = 	snop  }
__scs_overlays_trampoline_lowered:
0x8: {  	[smem:$0x3FA8] =	sst s0  }
0x9: {  	[smem:$0x3FA9] =	sst s1  }
0xa: {  	[smem:$0x3FAA] =	sst s2  }
0xb: {  	[smem:$0x3FAB] =	sst s3  }
0xc: {  	[smem:$0x3FAC] =	sst s4  }
0xd: {  	[smem:$0x3FAD] =	sst s5  }
0xe: {  	[smem:$0x3FAE] =	sst s6  }
0xf: {  	[smem:$0x3FAF] =	sst s7  }
0x10: {  	[smem:$0x3FB0] =	sst s8  }
0x11: {  	[smem:$0x3FB1] =	sst s9;
	s0 =	simm.s32 @!p0 $0x0  }
0x12: {  	s1 =	sld [smem:$0x3F97];
	s0 =	simm.s32 @p0 $0x1  }
0x13: {  	[smem:$0x3FB2] =	sst s0;
	s0 =	simm.s32 @!p1 $0x0  }
0x14: {  	s2 =	sld [smem:$0x3F96];
	s0 =	simm.s32 @p1 $0x1  }
0x15: {  	[smem:$0x3FB3] =	sst s0;
	s0 =	simm.s32 @!p2 $0x0  }
0x16: {  	s3 =	sld [smem:$0x3FDB];
	s0 =	simm.s32 @p2 $0x1  }
0x17: {  	s4 =	simm.s32 $0x1BF5;
	[smem:$0x3FB5] =	sst s0  }
0x18: {  	s0 =	sld [smem:$0x3F98];
	_ =	swait.ge [sflag:s4], $0x0  }
0x19: {  	s7 =	sld [smem:$0x3F99]  }
0x1a: {  	s8 =	sadd.s32 $0xFFFFE003, lr  }
0x1b: {  	s9 =	sadd.s32 $0xFFFFFEF7, lr;
	s5 =	simm.s32 $0xFFFFFFFF;
	p2 =	slt.u32 s8, $0xFFFFF086  }
0x1c: {  	p1 =	slt.u32 s9, $0xF7A;
	s5 =	simm.s32 @!p2 $0x0  }
0x1d: {  	s5 =	simm.s32 @p1 $0x1;
	p0 =	seq.s32 s7, s2  }
0x1e: {  	s7 =	smul.u32 @!p0 $0xF7A, s2;
	p2 =	seq.s32 @!p0 s5, $0x0  }
0x1f: {  	s9 =	smul.u32 $0xF7A, s1;
	s8 =	simm.s32 @!p0 $0x1BF5;
	p2 =	por !p2, p0  }
0x20: {  	[sflag:s8] =	ssyncset.s32 @!p0 $0xFFFFF086;
	s6 =	sadd.s32 @!p0 s3, s7;
	s7 =	simm.s32 @!p0 $0x108  }
0x21: {  	s3 =	sadd.s32 s3, s9;
	s6 =	sadd.s32 @!p0 $0x88, s6;
	s7 =	simm.s32 @p2 $0x1082  }
0x22: {  	[simem:s7], [sflag:s8] =	dma.local @!p0 [hbm:s6], $0xF7A  }
0x23: {  	s9 =	sor.u32 $0xD0000000, s2;
	s6 =	simm.s32 $0x108;
	_ =	swait.ge @!p0 [sflag:s8], $0x0  }
0x24: {  	s3 =	sadd.s32 $0x88, s3;
	s6 =	simm.s32 @!p1 $0x1082;
	[sflag:s4] =	ssyncset.s32 $0xFFFFF086  }
0x25: {  	[simem:s6], [sflag:s4] =	dma.local [hbm:s3], $0xF7A  }
0x26: {  	[smem:$0x3F99] =	sst s1;
	(tag) =	ssettag s2;
	_ =	strace s9  }
0x27: {  	s1 =	sld [smem:$0x3FA9]  }
0x28: {  	s2 =	sld [smem:$0x3FAA]  }
0x29: {  	s4 =	sld [smem:$0x3FAC]  }
0x2a: {  	p0 =	seq.s32 s5, $0x0;
	s5 =	sld [smem:$0x3FAD]  }
0x2b: {  	s6 =	sld [smem:$0x3FAE]  }
0x2c: {  	s7 =	sld [smem:$0x3FAF]  }
0x2d: {  	s3 =	simm.s32 $0x108;
	s8 =	sld [smem:$0x3FB0]  }
0x2e: {  	s3 =	simm.s32 @!p0 $0x1082;
	s9 =	sld [smem:$0x3FB1]  }
0x2f: {  	lr =	sadd.s32 s0, s3;
	s0 =	sld [smem:$0x3FA8]  }
0x30: {  	s3 =	sld [smem:$0x3FAB]  }
0x31: {  	[smem:$0x3FB4] =	sst s10  }
0x32: {  	s10 =	sld [smem:$0x3FB2];
	_ =	sdelay $0x3  }
0x33: {  	p0 =	seq.s32 s10, $0x1;
	s10 =	sld [smem:$0x3FB4];
	_ =	sdelay $0x3  }
0x34: {  	[smem:$0x3FB4] =	sst s10  }
0x35: {  	s10 =	sld [smem:$0x3FB3];
	_ =	sdelay $0x3  }
0x36: {  	p1 =	seq.s32 s10, $0x1;
	s10 =	sld [smem:$0x3FB4];
	_ =	sdelay $0x3  }
0x37: {  	[smem:$0x3FB4] =	sst s10  }
0x38: {  	s10 =	sld [smem:$0x3FB5]  }
0x39: {  	_ = 	snop;
	(pc) =	sbr.ind lr, $3  }
0x3a: {  	_ = 	snop  }
0x3b: {  	_ = 	snop  }
0x3c: {  	p2 =	seq.s32 s10, $0x1;
	s10 =	sld [smem:$0x3FB4]  }
0x3d: {  	_ =	shalt  }
0x3e: {  	_ =	shalt  }
0x3f: {  	_ =	shalt  }
0x40: {  	_ =	shalt  }
0x41: {  	_ =	shalt  }
0x42: {  	_ =	shalt  }
0x43: {  	_ =	shalt  }
0x44: {  	_ =	shalt  }
0x45: {  	_ =	shalt  }
0x46: {  	_ =	shalt  }
0x47: {  	_ =	shalt  }
0x48: {  	_ =	shalt  }
0x49: {  	_ =	shalt  }
0x4a: {  	_ =	shalt  }
0x4b: {  	_ =	shalt  }
0x4c: {  	_ =	shalt  }
0x4d: {  	_ =	shalt  }
0x4e: {  	_ =	shalt  }
0x4f: {  	_ =	shalt  }
0x50: {  	_ =	shalt  }
0x51: {  	_ =	shalt  }
0x52: {  	_ =	shalt  }
0x53: {  	_ =	shalt  }
0x54: {  	_ =	shalt  }
0x55: {  	_ =	shalt  }
0x56: {  	_ =	shalt  }
0x57: {  	_ =	shalt  }
0x58: {  	_ =	shalt  }
0x59: {  	_ =	shalt  }
0x5a: {  	_ =	shalt  }
0x5b: {  	_ =	shalt  }
0x5c: {  	_ =	shalt  }
0x5d: {  	_ =	shalt  }
0x5e: {  	_ =	shalt  }
0x5f: {  	_ =	shalt  }
0x60: {  	_ =	shalt  }
0x61: {  	_ =	shalt  }
0x62: {  	_ =	shalt  }
0x63: {  	_ =	shalt  }
0x64: {  	_ =	shalt  }
0x65: {  	_ =	shalt  }
0x66: {  	_ =	shalt  }
0x67: {  	_ =	shalt  }
0x68: {  	_ =	shalt  }
0x69: {  	_ =	shalt  }
0x6a: {  	_ =	shalt  }
0x6b: {  	_ =	shalt  }
0x6c: {  	_ =	shalt  }
0x6d: {  	_ =	shalt  }
0x6e: {  	_ =	shalt  }
0x6f: {  	_ =	shalt  }
0x70: {  	_ =	shalt  }
0x71: {  	_ =	shalt  }
0x72: {  	_ =	shalt  }
0x73: {  	_ =	shalt  }
0x74: {  	_ =	shalt  }
0x75: {  	_ =	shalt  }
0x76: {  	_ =	shalt  }
0x77: {  	_ =	shalt  }
0x78: {  	_ =	shalt  }
0x79: {  	_ =	shalt  }
0x7a: {  	_ =	shalt  }
0x7b: {  	_ =	shalt  }
0x7c: {  	_ =	shalt  }
0x7d: {  	_ =	shalt  }
0x7e: {  	_ =	shalt  }
0x7f: {  	_ =	shalt  }
0x80: {  	_ =	shalt  }
0x81: {  	_ =	shalt  }
0x82: {  	_ =	shalt  }
0x83: {  	_ =	shalt  }
0x84: {  	_ =	shalt  }
0x85: {  	_ =	shalt  }
0x86: {  	_ =	shalt  }
0x87: {  	_ =	shalt  }
.Lfunc_end0:
.L_simem_size_0:
called_computation.1_lowered:
.L_overlay_start_0:
0x88: {  	s2 =	sld [smem:$0x3FD9]  }
0x89: {  	s3 =	sld [smem:$0x3FFE];
	_ =	sdelay $0x1  }
0x8a: {  	s1 =	srdreg.scid  }
0x8b: {  	s0 =	sand.u32 $0x1, s1  }
0x8c: {  	s16 =	sshll.u32 s0, $0xA;
	s2 =	sadd.s32 s3, s2  }
0x8d: {  	s2 =	sadd.s32 s2, s16  }
0x8e: {  	[smem:$0x3FC0] =	sst s2  }
0x8f: {  	_ = 	snop  }
0x90: {  	(tm) =	ssettm $0x1  }
0x91: {  	s17 =	sld [smem:$0x3FFB];
	_ =	sdelay $0x3  }
0x92: {  	_ =	strace s17  }
0x93: {  	s2 =	sld [smem:$0x3FFC];
	_ =	sdelay $0x3  }
0x94: {  	_ =	strace s2  }
0x95: {  	s2 =	sld [smem:$0x3FFD];
	_ =	sdelay $0x3  }
0x96: {  	_ =	strace s2  }
0x97: {  	_ =	strace $0x8FFFFFFF  }
0x98: {  	s18 =	sld [smem:$0x3FDB];
	_ =	sdelay $0x1  }
0x99: {  	s19 =	simm.s32 $_scs_section_size  }
0x9a: {  	s4 =	simm.s32 $_size__tile_overlayer_lowered;
	s5 =	simm.s32 $_tile_overlayer_lowered  }
0x9b: {  	s22 =	simm.s32 $0x1BFF;
	s21 =	sshll.u32 s5, $0x1;
	s2 =	sadd.s32 s19, s18  }
0x9c: {  	s6 =	simm.s32 $0x0;
	s20 =	sshll.u32 s4, $0x1;
	s4 =	sadd.s32 s21, s2  }
0x9d: {  	[timem:s6], [sflag:s22] =	dma.local [hbm:s4], s20  }
0x9e: {  	_ =	swait.ge [sflag:s22], s20  }
0x9f: {  	s3 =	ssub.s32 $0x0, s20;
	[sflag:s22] =	ssyncset.done $0x0  }
0xa0: {  	[sflag:s22] =	ssyncadd.s32 s3;
	_ =	sdelay $0x1  }
0xa1: {  	s23 =	simm.s32 $0x1B8B  }
0xa2: {  	_ =	swait.ge [sflag:s23], $0x1  }
0xa3: {  	[sflag:s23] =	ssyncset.done $0x0  }
0xa4: {  	s25 =	simm.s32 $0x1B8E;
	s24 =	sld [smem:$0x3FFE];
	[sflag:s23] =	ssyncadd.s32 $0xFFFFFFFF  }
0xa5: {  	s26 =	simm.s32 $execute0_lowered;
	[smem:$0x3FD2] =	sst s25  }
0xa6: {  	s4 =	sshll.u32 s26, $0x1;
	_ =	strace $0x80000049;
	[dreg:$0x1] =	wrdreg $0xFFFFFFFF  }
0xa7: {  	s28 =	simm.s32 $_size_execute0_lowered;
	s2 =	sadd.s32 s2, s4;
	[dreg:$0x0] =	wrdreg $0x0  }
0xa8: {  	s4 =	sshll.u32 s28, $0x1;
	[dreg:$0x2] =	wrdreg s2  }
0xa9: {  	[dreg:$0x3] =	wrdreg s4  }
0xaa: {  	[dreg:$0x4] =	wrdreg $0xC0  }
0xab: {  	_ =	task [dreg:s6], $0x5FFFF  }
0xac: {  	[dreg:$0x1] =	wrdreg $0xFFFFFFFF  }
0xad: {  	[dreg:$0x0] =	wrdreg $0x60  }
0xae: {  	[dreg:$0x2] =	wrdreg s24  }
0xaf: {  	[dreg:$0x3] =	wrdreg $0x133800  }
0xb0: {  	[dreg:$0x4] =	wrdreg $0x9  }
0xb1: {  	_ =	task.clear_ibuf [dreg:s6], $0x5FFFF;
	_ =	strace $0x90000049  }
0xb2: {  	s29 =	simm.s32 $0x9;
	_ =	strace $0x8000004B  }
0xb3: {  	_ =	swait.ge [sflag:s29], $0x1  }
0xb4: {  	[sflag:s29] =	ssyncadd.s32 $0xFFFFFFFF  }
0xb5: {  	_ =	strace $0x9000004B  }
0xb6: {  	_ =	sfence  }
0xb7: {  	s30 =	sld [smem:$0x0];
	_ =	sdelay $0x2  }
0xb8: {  	s31 =	sshll.u32 s1, $0xD;
	s1 =	sshrl.u32 s1, $0x2  }
0xb9: {  	s3 =	sand.u32 $0x4000, s31;
	s1 =	sadd.s32 s1, s30  }
0xba: {  	s0 =	sor.u32 s3, s0;
	s1 =	sshll.u32 s1, $0x11  }
0xbb: {  	s0 =	sor.u32 s1, s0  }
0xbc: {  	s0 =	sadd.s32 $0x8F2B, s0  }
0xbd: {  	[sflag:s0] =	ssyncadd.remote.s32 $0x1  }
0xbe: {  	_ =	sfence.sel $0xFFFF  }
0xbf: {  	[dreg:$0x0] =	wrdreg $0xFFFFFFFF;
	(pc) =	sbr.abs _section_cstart, $3  }
0xc0: {  	[dreg:$0x1] =	wrdreg $0xFFFFFFFF  }
0xc1: {  	_ =	task.clear_ibuf [dreg:s6], $0x2FFFF;
	_ =	strace $0x9FFFFFFF  }
0xc2: {  	(tm) =	ssettm $0x7FFFFFFF  }
0xc3: {  	_ =	shalt  }
tec
execute0_lowered:
.L_overlay_start_1:
0x0: {  	(tag) =	ssettag $0x1  }
0x1: {  	s0 =	rddreg [dreg:$0x0];
	s4 =	stileid.u32  }
0x2: {  	s3 =	srdreg.scid;
	s2 =	rddreg [dreg:$0x1];
	s14 =	simm.s32 $0x11440  }
0x3: {  	s15 =	simm.s32 $0x9;
	s16 =	simm.s32 $0x4E20;
	s17 =	simm.s32 $0x50  }
0x4: {  	s18 =	simm.s32 $0x9C40;
	s19 =	simm.s32 $0xB040;
	s21 =	simm.s32 $0xC440  }
0x5: {  	s28 =	simm.s32 $0x2;
	s29 =	simm.s32 $0x8;
	s1 =	smul.u32 $0x4E20, s4  }
0x6: {  	s30 =	simm.s32 $0x10040;
	s31 =	simm.s32 $0x3;
	s5 =	smul.u32 $0x1388, s4  }
0x7: {  	s20 =	simm.s32 $0x5;
	s6 =	sand.u32 $0x1, s3;
	s8 =	smul.u32 $0x27100, s4  }
0x8: {  	s3 =	simm.s32 $0x0;
	s4 =	sadd.s32 $0x15E00, s0;
	s7 =	smul.u32 $0x13880, s6  }
0x9: {  	[smem:$0x7FF] =	sst s3;
	s22 =	ssub.s32 $0x2, s6;
	s1 =	sshrl.u32 s1, $0x3  }
0xa: {  	_ =	strace $0x8000004A;
	s8 =	sshrl.u32 s8, $0x2;
	s9 =	sshrl.u32 s22, $0x1  }
0xb: {  	s1 =	sadd.s32 s1, s0;
	s5 =	sadd.s32 s5, s7;
	s7 =	ssub.s32 s22, s9  }
0xc: {  	s0 =	sadd.s32 s5, s0;
	s5 =	sadd.s32 s8, s2;
	s26 =	sadd.s32 $0x2400, s1  }
0xd: {  	s22 =	simm.s32 $0x6;
	s8 =	sadd.s32 $0x1F40, s5;
	[dreg:$0x7] =	wrdreg s26  }
0xe: {  	s11 =	sadd.s32 $0xC040, s1;
	s23 =	sadd.s32 $0x3E80, s5;
	[dreg:$0x3] =	wrdreg s8  }
0xf: {  	s13 =	smax.u32 s7, $0x1;
	s24 =	sadd.s32 $0x5DC0, s5;
	[dreg:$0x4] =	wrdreg s23  }
0x10: {  	s1 =	simm.s32 $0x4;
	s25 =	sadd.s32 $0x7D00, s5;
	[dreg:$0x5] =	wrdreg s24  }
0x11: {  	s12 =	sadd.s32 $0x3D000, s0;
	s26 =	simm.s32 $0xEC40;
	[dreg:$0x6] =	wrdreg s25  }
0x12: {  	v1 =	vimm.f32 $0.0e+00;
	v0 =	vmov s6;
	s23 =	simm.s32 $0xD840;
	s24 =	simm.s32 $0x1;
	s25 =	simm.s32 $0x7  }
.LBB2_1:
0x13: {  	s6 =	simm.s32 $0x100;
	s0 =	simm.s32 $0x0  }
.LBB2_2:
0x14: {  	p0 =	sne.s32 s6, $0x7C00;
	[tilespmem:s0+$0x11470] =	vst v1;
	s7 =	smov.u32 s6;
	s6 =	sadd.s32 $0x100, s6  }
.Ltmp0:
0x15: {  	[tilespmem:s0+$0x11460] =	vst v1;
	(pc) =	sbr.rel @p0 .LBB2_2-.Ltmp0, $3  }
0x16: {  	[tilespmem:s0+$0x11440] =	vst v1  }
0x17: {  	[tilespmem:s0+$0x11450] =	vst v1;
	_ =	sdelay $0x1  }
0x18: {  	s0 =	sshra.s32 s7, $0x2  }
0x19: {  	[tilespmem:s0+$0x11470] =	vst v1  }
0x1a: {  	[tilespmem:s0+$0x11460] =	vst v1  }
0x1b: {  	[tilespmem:s0+$0x11440] =	vst v1  }
0x1c: {  	[tilespmem:s0+$0x11450] =	vst v1  }
0x1d: {  	[spmem:s5] =	stream.linear.scatter [tilespmem:s14], [sflag:$0x9], $0x1F40, $0x38;
	[tilespmem:$0x1CFC0] =	vst v63  }
0x1e: {  	_ =	swait.ge [sflag:s15], $0x1F40  }
0x1f: {  	[sflag:s15] =	ssyncset.done $0x0  }
0x20: {  	s9 =	rddreg [dreg:$0x3];
	[sflag:s15] =	ssyncadd.s32 $0xFFFFE0C0  }
0x21: {  	[spmem:s9] =	stream.linear.scatter [tilespmem:s14], [sflag:$0x9], $0x1F40, $0x38;
	[tilespmem:$0x1CFC0] =	vst v63  }
0x22: {  	_ =	swait.ge [sflag:s15], $0x1F40  }
0x23: {  	[sflag:s15] =	ssyncset.done $0x0  }
0x24: {  	s10 =	rddreg [dreg:$0x4];
	[sflag:s15] =	ssyncadd.s32 $0xFFFFE0C0  }
0x25: {  	[spmem:s10] =	stream.linear.scatter [tilespmem:s14], [sflag:$0x9], $0x1F40, $0x38;
	[tilespmem:$0x1CFC0] =	vst v63  }
0x26: {  	_ =	swait.ge [sflag:s15], $0x1F40  }
0x27: {  	[sflag:s15] =	ssyncset.done $0x0  }
0x28: {  	s6 =	rddreg [dreg:$0x5];
	[sflag:s15] =	ssyncadd.s32 $0xFFFFE0C0  }
0x29: {  	[spmem:s6] =	stream.linear.scatter [tilespmem:s14], [sflag:$0x9], $0x1F40, $0x38;
	[tilespmem:$0x1CFC0] =	vst v63  }
0x2a: {  	_ =	swait.ge [sflag:s15], $0x1F40  }
0x2b: {  	s8 =	simm.s32 $0x0;
	[sflag:s15] =	ssyncset.done $0x0  }
0x2c: {  	s9 =	smul.u32 $0xCCCD, s8;
	s7 =	rddreg [dreg:$0x6];
	[sflag:s15] =	ssyncadd.s32 $0xFFFFE0C0  }
0x2d: {  	[spmem:s7] =	stream.linear.scatter [tilespmem:s14], [sflag:$0x9], $0x1F40, $0x38;
	[tilespmem:$0x1CFC0] =	vst v63  }
0x2e: {  	_ =	swait.ge [sflag:s15], $0x1F40  }
0x2f: {  	s10 =	sshrl.u32 s9, $0x12;
	[sflag:s15] =	ssyncset.done $0x0  }
0x30: {  	s0 =	smul.u32 $0x140, s10;
	s6 =	rddreg [dreg:$0x7];
	[sflag:s15] =	ssyncadd.s32 $0xFFFFE0C0  }
0x31: {  	[tilespmem:s8], [sflag:$0x9] =	stream.linear.gather [hbm4b:s6+s8], $0x4E20, $0x38;
	[tilespmem:$0x1CFC0] =	vst v63  }
0x32: {  	s6 =	smul.u32 $0x5, s10;
	_ =	swait.ge [sflag:s15], $0x4E20  }
0x33: {  	[sflag:s15] =	ssyncset.done $0x0  }
0x34: {  	s0 =	sshrl.u32 s0, $0x2;
	s6 =	ssub.s32 $0x0, s6;
	[sflag:s15] =	ssyncadd.s32 $0xFFFFB1E0  }
0x35: {  	[tilespmem:s16], [sflag:$0x9] =	stream.linear.gather [hbm4b:s11+s8], $0x4E20, $0x38;
	[tilespmem:$0x1CFC0] =	vst v63  }
0x36: {  	s7 =	sand.u32 $0xFFFF, s6;
	s6 =	simm.s32 $0x1;
	_ =	swait.ge [sflag:s15], $0x4E20  }
0x37: {  	s9 =	sshll.u32 s7, $0x4;
	s8 =	smul.u32 $0xCCCD, s6;
	[sflag:s15] =	ssyncset.done $0x0  }
0x38: {  	s7 =	simm.s32 $0x2;
	s0 =	sadd.s32 s9, s0;
	[sflag:s15] =	ssyncadd.s32 $0xFFFFB1E0  }
.LBB2_4:
0x39: {  	p0 =	sne.s32 s7, $0x4E1;
	v2 =	vld [tilespmem:s0+$0x0]  }
0x3a: {  	s8 =	sshrl.u32 s8, $0x12  }
0x3b: {  	s9 =	smul.u32 $0x5, s8  }
.Ltmp1:
0x3c: {  	(pc) =	sbr.rel @p0 .LBB2_4-.Ltmp1, $4  }
0x3d: {  	s8 =	smul.u32 $0x140, s8;
	s9 =	ssub.s32 s6, s9;
	s6 =	smov.u32 s7  }
0x3e: {  	s9 =	sand.u32 $0xFFFF, s9;
	v2 =	vshll.u32 v2, $0x1  }
0x3f: {  	s10 =	sshrl.u32 s8, $0x2;
	s9 =	sshll.u32 s9, $0x4;
	v2 =	vor.u32 v0, v2  }
0x40: {  	s7 =	sadd.s32 $0x1, s7;
	s8 =	smul.u32 $0xCCCD, s6;
	[tilespmem:s0+$0x0] =	vst v2;
	s0 =	sadd.s32 s9, s10  }
0x41: {  	v2 =	vld [tilespmem:s0+$0x0]  }
0x42: {  	s7 =	sshrl.u32 s8, $0x12  }
0x43: {  	s8 =	smul.u32 $0x5, s7;
	_ =	sdelay $0x1  }
0x44: {  	s7 =	smul.u32 $0x140, s7;
	s6 =	ssub.s32 s6, s8  }
0x45: {  	s6 =	sand.u32 $0xFFFF, s6;
	v2 =	vshll.u32 v2, $0x1  }
0x46: {  	s7 =	sshrl.u32 s7, $0x2;
	s6 =	sshll.u32 s6, $0x4;
	v2 =	vor.u32 v0, v2  }
0x47: {  	s6 =	sadd.s32 s6, s7;
	[tilespmem:s0+$0x0] =	vst v2  }
0x48: {  	v2 =	vld [tilespmem:s6+$0x0];
	_ =	sdelay $0x4  }
0x49: {  	v2 =	vshll.u32 v2, $0x1  }
0x4a: {  	v2 =	vor.u32 v0, v2  }
0x4b: {  	[tilespmem:s6+$0x0] =	vst v2  }
0x4c: {  	s7 =	simm.s32 $0x0;
	[bflag:$0x0] =	sbarrier.arrive $0xFFFF  }
0x4d: {  	[tilespmem:s18], [sflag:$0x1] =	stream.indirect.gather [hbm4b:s4+s17], $0x40, s7, s17, $0xb8;
	[tilespmem:$0x1CFC0] =	vst v63  }
0x4e: {  	_ = 	snop  }
0x4f: {  	[tilespmem:s19], [sflag:$0x2] =	stream.indirect.gather [hbm4b:s4+s17], $0x40, s17, s17, $0xb8;
	[tilespmem:$0x1CFC0] =	vst v63  }
0x50: {  	s8 =	simm.s32 $0xA0  }
0x51: {  	[tilespmem:s21], [sflag:$0x3] =	stream.indirect.gather [hbm4b:s4+s17], $0x40, s8, s17, $0xb8;
	[tilespmem:$0x1CFC0] =	vst v63  }
0x52: {  	s9 =	simm.s32 $0xF0  }
0x53: {  	[tilespmem:s23], [sflag:$0x4] =	stream.indirect.gather [hbm4b:s4+s17], $0x40, s9, s17, $0xb8;
	[tilespmem:$0x1CFC0] =	vst v63  }
0x54: {  	_ = 	snop  }
0x55: {  	[spmem:s2] =	stream.indirect.scatter.add.f32 [tilespmem:s14], [sflag:$0x7], $0x40, s16, s17, $0xb8;
	[tilespmem:$0x1CFC0] =	vst v63  }
0x56: {  	_ = 	snop  }
0x57: {  	[spmem:s2] =	stream.indirect.scatter.add.f32 [tilespmem:s14], [sflag:$0x8], $0x40, s16, s17, $0xb8;
	[tilespmem:$0x1CFC0] =	vst v63  }
0x58: {  	_ =	swait.ge [sflag:s24], $0x1400  }
0x59: {  	[sflag:s24] =	ssyncset.done $0x0  }
0x5a: {  	[sflag:s24] =	ssyncadd.s32 $0xFFFFEC00  }
0x5b: {  	_ =	swait.ge [sflag:s25], $0x1400  }
0x5c: {  	[sflag:s25] =	ssyncset.done $0x0  }
0x5d: {  	s10 =	simm.s32 $0x4E20;
	[sflag:s25] =	ssyncadd.s32 $0xFFFFEC00  }
0x5e: {  	[spmem:s2] =	stream.indirect.scatter.add.f32 [tilespmem:s18], [sflag:$0x7], $0x40, s10, s17, $0xb8;
	[tilespmem:$0x1CFC0] =	vst v63  }
0x5f: {  	s6 =	simm.s32 $0x140  }
0x60: {  	[tilespmem:s26], [sflag:$0x5] =	stream.indirect.gather [hbm4b:s4+s17], $0x40, s6, s17, $0xb8;
	[tilespmem:$0x1CFC0] =	vst v63  }
0x61: {  	_ =	swait.ge [sflag:s28], $0x1400  }
0x62: {  	[sflag:s28] =	ssyncset.done $0x0  }
0x63: {  	[sflag:s28] =	ssyncadd.s32 $0xFFFFEC00  }
0x64: {  	_ =	swait.ge [sflag:s29], $0x1400  }
0x65: {  	[sflag:s29] =	ssyncset.done $0x0  }
0x66: {  	s7 =	simm.s32 $0x4E70;
	[sflag:s29] =	ssyncadd.s32 $0xFFFFEC00  }
0x67: {  	[spmem:s2] =	stream.indirect.scatter.add.f32 [tilespmem:s19], [sflag:$0x8], $0x40, s7, s17, $0xb8;
	[tilespmem:$0x1CFC0] =	vst v63  }
0x68: {  	s8 =	simm.s32 $0x190  }
0x69: {  	[tilespmem:s30], [sflag:$0x6] =	stream.indirect.gather [hbm4b:s4+s17], $0x40, s8, s17, $0xb8;
	[tilespmem:$0x1CFC0] =	vst v63  }
0x6a: {  	_ =	swait.ge [sflag:s31], $0x1400  }
0x6b: {  	[sflag:s31] =	ssyncset.done $0x0  }
0x6c: {  	[sflag:s31] =	ssyncadd.s32 $0xFFFFEC00  }
0x6d: {  	_ =	swait.ge [sflag:s25], $0x1400  }
0x6e: {  	[sflag:s25] =	ssyncset.done $0x0  }
0x6f: {  	s9 =	simm.s32 $0x4EC0;
	[sflag:s25] =	ssyncadd.s32 $0xFFFFEC00  }
0x70: {  	[spmem:s2] =	stream.indirect.scatter.add.f32 [tilespmem:s21], [sflag:$0x7], $0x40, s9, s17, $0xb8;
	[tilespmem:$0x1CFC0] =	vst v63  }
0x71: {  	s10 =	simm.s32 $0x1E0  }
0x72: {  	[tilespmem:s18], [sflag:$0x1] =	stream.indirect.gather [hbm4b:s4+s17], $0x40, s10, s17, $0xb8;
	[tilespmem:$0x1CFC0] =	vst v63  }
0x73: {  	_ =	swait.ge [sflag:s1], $0x1400  }
0x74: {  	[sflag:s1] =	ssyncset.done $0x0  }
0x75: {  	[sflag:s1] =	ssyncadd.s32 $0xFFFFEC00  }
0x76: {  	_ =	swait.ge [sflag:s29], $0x1400  }
0x77: {  	[sflag:s29] =	ssyncset.done $0x0  }
0x78: {  	s6 =	simm.s32 $0x4F10;
	[sflag:s29] =	ssyncadd.s32 $0xFFFFEC00  }
0x79: {  	[spmem:s2] =	stream.indirect.scatter.add.f32 [tilespmem:s23], [sflag:$0x8], $0x40, s6, s17, $0xb8;
	[tilespmem:$0x1CFC0] =	vst v63  }
0x7a: {  	s7 =	simm.s32 $0x230  }
0x7b: {  	[tilespmem:s19], [sflag:$0x2] =	stream.indirect.gather [hbm4b:s4+s17], $0x40, s7, s17, $0xb8;
	[tilespmem:$0x1CFC0] =	vst v63  }
0x7c: {  	_ =	swait.ge [sflag:s20], $0x1400  }
0x7d: {  	[sflag:s20] =	ssyncset.done $0x0  }
0x7e: {  	[sflag:s20] =	ssyncadd.s32 $0xFFFFEC00  }
0x7f: {  	_ =	swait.ge [sflag:s25], $0x1400  }
0x80: {  	[sflag:s25] =	ssyncset.done $0x0  }
0x81: {  	s8 =	simm.s32 $0x4F60;
	[sflag:s25] =	ssyncadd.s32 $0xFFFFEC00  }
0x82: {  	[spmem:s2] =	stream.indirect.scatter.add.f32 [tilespmem:s26], [sflag:$0x7], $0x40, s8, s17, $0xb8;
	[tilespmem:$0x1CFC0] =	vst v63  }
0x83: {  	s9 =	simm.s32 $0x280  }
0x84: {  	[tilespmem:s21], [sflag:$0x3] =	stream.indirect.gather [hbm4b:s4+s17], $0x40, s9, s17, $0xb8;
	[tilespmem:$0x1CFC0] =	vst v63  }
0x85: {  	_ =	swait.ge [sflag:s22], $0x1400  }
0x86: {  	[sflag:s22] =	ssyncset.done $0x0  }
0x87: {  	[sflag:s22] =	ssyncadd.s32 $0xFFFFEC00  }
0x88: {  	_ =	swait.ge [sflag:s29], $0x1400  }
0x89: {  	s0 =	simm.s32 $0x780;
	[sflag:s29] =	ssyncset.done $0x0  }
0x8a: {  	s10 =	simm.s32 $0x4FB0;
	s6 =	simm.s32 $0x2D0;
	[sflag:s29] =	ssyncadd.s32 $0xFFFFEC00  }
0x8b: {  	[spmem:s2] =	stream.indirect.scatter.add.f32 [tilespmem:s30], [sflag:$0x8], $0x40, s10, s17, $0xb8;
	[tilespmem:$0x1CFC0] =	vst v63  }
.LBB2_6:
0x8c: {  	[tilespmem:s23], [sflag:$0x4] =	stream.indirect.gather [hbm4b:s4+s17], $0x40, s6, s17, $0xb8;
	[tilespmem:$0x1CFC0] =	vst v63  }
0x8d: {  	s6 =	smov.u32 s0  }
0x8e: {  	p0 =	sne.s32 s0, $0x12C00;
	s0 =	sadd.s32 $0x780, s0;
	_ =	swait.ge [sflag:s24], $0x1400  }
0x8f: {  	[sflag:s24] =	ssyncset.done $0x0  }
0x90: {  	[sflag:s24] =	ssyncadd.s32 $0xFFFFEC00  }
0x91: {  	_ =	swait.ge [sflag:s25], $0x1400  }
0x92: {  	s6 =	sshra.s32 s6, $0x2;
	[sflag:s25] =	ssyncset.done $0x0  }
0x93: {  	s7 =	sadd.s32 $0x4E20, s6;
	[sflag:s25] =	ssyncadd.s32 $0xFFFFEC00  }
0x94: {  	[spmem:s2] =	stream.indirect.scatter.add.f32 [tilespmem:s18], [sflag:$0x7], $0x40, s7, s17, $0xb8;
	[tilespmem:$0x1CFC0] =	vst v63  }
0x95: {  	s7 =	sadd.s32 $0x140, s6  }
0x96: {  	[tilespmem:s26], [sflag:$0x5] =	stream.indirect.gather [hbm4b:s4+s17], $0x40, s7, s17, $0xb8;
	[tilespmem:$0x1CFC0] =	vst v63  }
0x97: {  	_ =	swait.ge [sflag:s28], $0x1400  }
0x98: {  	[sflag:s28] =	ssyncset.done $0x0  }
0x99: {  	[sflag:s28] =	ssyncadd.s32 $0xFFFFEC00  }
0x9a: {  	_ =	swait.ge [sflag:s29], $0x1400  }
0x9b: {  	[sflag:s29] =	ssyncset.done $0x0  }
0x9c: {  	s7 =	sadd.s32 $0x4E70, s6;
	[sflag:s29] =	ssyncadd.s32 $0xFFFFEC00  }
0x9d: {  	[spmem:s2] =	stream.indirect.scatter.add.f32 [tilespmem:s19], [sflag:$0x8], $0x40, s7, s17, $0xb8;
	[tilespmem:$0x1CFC0] =	vst v63  }
0x9e: {  	s7 =	sadd.s32 $0x190, s6  }
0x9f: {  	[tilespmem:s30], [sflag:$0x6] =	stream.indirect.gather [hbm4b:s4+s17], $0x40, s7, s17, $0xb8;
	[tilespmem:$0x1CFC0] =	vst v63  }
0xa0: {  	_ =	swait.ge [sflag:s31], $0x1400  }
0xa1: {  	[sflag:s31] =	ssyncset.done $0x0  }
0xa2: {  	[sflag:s31] =	ssyncadd.s32 $0xFFFFEC00  }
0xa3: {  	_ =	swait.ge [sflag:s25], $0x1400  }
0xa4: {  	[sflag:s25] =	ssyncset.done $0x0  }
0xa5: {  	s7 =	sadd.s32 $0x4EC0, s6;
	[sflag:s25] =	ssyncadd.s32 $0xFFFFEC00  }
0xa6: {  	[spmem:s2] =	stream.indirect.scatter.add.f32 [tilespmem:s21], [sflag:$0x7], $0x40, s7, s17, $0xb8;
	[tilespmem:$0x1CFC0] =	vst v63  }
0xa7: {  	s7 =	sadd.s32 $0x1E0, s6  }
0xa8: {  	[tilespmem:s18], [sflag:$0x1] =	stream.indirect.gather [hbm4b:s4+s17], $0x40, s7, s17, $0xb8;
	[tilespmem:$0x1CFC0] =	vst v63  }
0xa9: {  	_ =	swait.ge [sflag:s1], $0x1400  }
0xaa: {  	[sflag:s1] =	ssyncset.done $0x0  }
0xab: {  	[sflag:s1] =	ssyncadd.s32 $0xFFFFEC00  }
0xac: {  	_ =	swait.ge [sflag:s29], $0x1400  }
0xad: {  	[sflag:s29] =	ssyncset.done $0x0  }
0xae: {  	s7 =	sadd.s32 $0x4F10, s6;
	[sflag:s29] =	ssyncadd.s32 $0xFFFFEC00  }
0xaf: {  	[spmem:s2] =	stream.indirect.scatter.add.f32 [tilespmem:s23], [sflag:$0x8], $0x40, s7, s17, $0xb8;
	[tilespmem:$0x1CFC0] =	vst v63  }
0xb0: {  	s7 =	sadd.s32 $0x230, s6  }
0xb1: {  	[tilespmem:s19], [sflag:$0x2] =	stream.indirect.gather [hbm4b:s4+s17], $0x40, s7, s17, $0xb8;
	[tilespmem:$0x1CFC0] =	vst v63  }
0xb2: {  	_ =	swait.ge [sflag:s20], $0x1400  }
0xb3: {  	[sflag:s20] =	ssyncset.done $0x0  }
0xb4: {  	[sflag:s20] =	ssyncadd.s32 $0xFFFFEC00  }
0xb5: {  	_ =	swait.ge [sflag:s25], $0x1400  }
0xb6: {  	[sflag:s25] =	ssyncset.done $0x0  }
0xb7: {  	s7 =	sadd.s32 $0x4F60, s6;
	[sflag:s25] =	ssyncadd.s32 $0xFFFFEC00  }
0xb8: {  	[spmem:s2] =	stream.indirect.scatter.add.f32 [tilespmem:s26], [sflag:$0x7], $0x40, s7, s17, $0xb8;
	[tilespmem:$0x1CFC0] =	vst v63  }
0xb9: {  	s7 =	sadd.s32 $0x280, s6  }
0xba: {  	[tilespmem:s21], [sflag:$0x3] =	stream.indirect.gather [hbm4b:s4+s17], $0x40, s7, s17, $0xb8;
	[tilespmem:$0x1CFC0] =	vst v63  }
0xbb: {  	_ =	swait.ge [sflag:s22], $0x1400  }
0xbc: {  	[sflag:s22] =	ssyncset.done $0x0  }
0xbd: {  	[sflag:s22] =	ssyncadd.s32 $0xFFFFEC00  }
.Ltmp2:
0xbe: {  	_ =	swait.ge [sflag:s29], $0x1400;
	(pc) =	sbr.rel @p0 .LBB2_6-.Ltmp2, $4  }
0xbf: {  	[sflag:s29] =	ssyncset.done $0x0  }
0xc0: {  	s7 =	sadd.s32 $0x4FB0, s6;
	[sflag:s29] =	ssyncadd.s32 $0xFFFFEC00  }
0xc1: {  	[spmem:s2] =	stream.indirect.scatter.add.f32 [tilespmem:s30], [sflag:$0x8], $0x40, s7, s17, $0xb8;
	[tilespmem:$0x1CFC0] =	vst v63  }
0xc2: {  	s6 =	sadd.s32 $0x2D0, s6  }
0xc3: {  	[tilespmem:s23], [sflag:$0x4] =	stream.indirect.gather [hbm4b:s4+s17], $0x40, s6, s17, $0xb8;
	[tilespmem:$0x1CFC0] =	vst v63  }
0xc4: {  	_ =	swait.ge [sflag:s24], $0x1400  }
0xc5: {  	[sflag:s24] =	ssyncset.done $0x0  }
0xc6: {  	[sflag:s24] =	ssyncadd.s32 $0xFFFFEC00  }
0xc7: {  	_ =	swait.ge [sflag:s25], $0x1400  }
0xc8: {  	[sflag:s25] =	ssyncset.done $0x0  }
0xc9: {  	s0 =	simm.s32 $0x9B00;
	[sflag:s25] =	ssyncadd.s32 $0xFFFFEC00  }
0xca: {  	[spmem:s2] =	stream.indirect.scatter.add.f32 [tilespmem:s18], [sflag:$0x7], $0x40, s0, s17, $0xb8;
	[tilespmem:$0x1CFC0] =	vst v63  }
0xcb: {  	_ =	swait.ge [sflag:s28], $0x1400  }
0xcc: {  	[sflag:s28] =	ssyncset.done $0x0  }
0xcd: {  	[sflag:s28] =	ssyncadd.s32 $0xFFFFEC00  }
0xce: {  	_ =	swait.ge [sflag:s29], $0x1400  }
0xcf: {  	[sflag:s29] =	ssyncset.done $0x0  }
0xd0: {  	s6 =	simm.s32 $0x9B50;
	[sflag:s29] =	ssyncadd.s32 $0xFFFFEC00  }
0xd1: {  	[spmem:s2] =	stream.indirect.scatter.add.f32 [tilespmem:s19], [sflag:$0x8], $0x40, s6, s17, $0xb8;
	[tilespmem:$0x1CFC0] =	vst v63  }
0xd2: {  	_ =	swait.ge [sflag:s31], $0x1400  }
0xd3: {  	[sflag:s31] =	ssyncset.done $0x0  }
0xd4: {  	[sflag:s31] =	ssyncadd.s32 $0xFFFFEC00  }
0xd5: {  	_ =	swait.ge [sflag:s25], $0x1400  }
0xd6: {  	[sflag:s25] =	ssyncset.done $0x0  }
0xd7: {  	s7 =	simm.s32 $0x9BA0;
	[sflag:s25] =	ssyncadd.s32 $0xFFFFEC00  }
0xd8: {  	[spmem:s2] =	stream.indirect.scatter.add.f32 [tilespmem:s21], [sflag:$0x7], $0x40, s7, s17, $0xb8;
	[tilespmem:$0x1CFC0] =	vst v63  }
0xd9: {  	_ =	swait.ge [sflag:s1], $0x1400  }
0xda: {  	[sflag:s1] =	ssyncset.done $0x0  }
0xdb: {  	[sflag:s1] =	ssyncadd.s32 $0xFFFFEC00  }
0xdc: {  	_ =	swait.ge [sflag:s29], $0x1400  }
0xdd: {  	[sflag:s29] =	ssyncset.done $0x0  }
0xde: {  	s8 =	simm.s32 $0x9BF0;
	[sflag:s29] =	ssyncadd.s32 $0xFFFFEC00  }
0xdf: {  	[spmem:s2] =	stream.indirect.scatter.add.f32 [tilespmem:s23], [sflag:$0x8], $0x40, s8, s17, $0xb8;
	[tilespmem:$0x1CFC0] =	vst v63  }
0xe0: {  	_ =	swait.ge [sflag:s25], $0x1400  }
0xe1: {  	[sflag:s25] =	ssyncset.done $0x0  }
0xe2: {  	[sflag:s25] =	ssyncadd.s32 $0xFFFFEC00  }
0xe3: {  	s9 =	stileid.u32;
	_ =	swait.ge [sflag:s29], $0x1400  }
0xe4: {  	s10 =	sshrl.u32 s5, $0x3;
	s3 =	sadd.s32 $0x1, s3;
	[sflag:s29] =	ssyncset.done $0x0  }
0xe5: {  	p0 =	sne.s32 s3, s13;
	s0 =	sshll.u32 s9, $0x6;
	[sflag:s29] =	ssyncadd.s32 $0xFFFFEC00  }
.Ltmp3:
0xe6: {  	s0 =	sor.u32 $0x1C09, s0;
	[bflag:$0x0] =	sbarrier.arrive $0xFFFF;
	(pc) =	sbr.rel @p0 .LBB2_1-.Ltmp3, $4  }
0xe7: {  	[hbm:s12], [sflag:s0] =	dma.local [spmem:s10], $0x1388  }
0xe8: {  	_ =	swait.ge [sflag:s15], $0x1388  }
0xe9: {  	[sflag:s15] =	ssyncset.done $0x0  }
0xea: {  	[sflag:s15] =	ssyncadd.s32 $0xFFFFEC78  }
0xeb: {  	_ =	sfence.sel $0x180000  }
0xec: {  	[bflag:$0x0] =	sbarrier.arrive $0xFFFF  }
0xed: {  	_ =	strace $0x9000004A  }
0xee: {  	s0 =	stileid.u32;
	[bflag:$0x2] =	sbarrier.arrive $0xFFFF  }
0xef: {  	p0 =	sne.s32 s0, $0x0;
	s0 =	rddreg [dreg:$0x2]  }
0xf0: {  	s0 =	sadd.s32 @!p0 $0x100000, s0  }
0xf1: {  	[sflag:s0] =	ssyncadd.tile.s32 @!p0 $0x1;
	_ =	shalt  }
.Lfunc_end2:
_tile_overlayer_lowered:
.L_overlay_start_2:
0xf2: {  	(tag) =	ssettag $0x2  }
0xf3: {  	s0 =	rddreg [dreg:$0x0];
	s2 =	stileid.u32  }
0xf4: {  	s1 =	rddreg [dreg:$0x1];
	p0 =	sne.s32 s2, $0x0  }
0xf5: {  	s3 =	rddreg [dreg:$0x2];
	[bflag:$0x3] =	sbarrier.arrive $0xFFFF;
	s2 =	simm.s32 @!p0 $0x1C09  }
0xf6: {  	[timem:s3], [sflag:s2] =	dma.local @!p0 [hbm:s0], s1  }
0xf7: {  	s0 =	simm.s32 @!p0 $0x9  }
0xf8: {  	_ =	swait.ge @!p0 [sflag:s0], s1  }
0xf9: {  	s1 =	ssub.s32 @!p0 $0x0, s1;
	[sflag:s0] =	ssyncset.done @!p0 $0x0  }
0xfa: {  	[sflag:s0] =	ssyncadd.s32 @!p0 s1  }
0xfb: {  	[bflag:$0x3] =	sbarrier.arrive $0xFFFF  }
0xfc: {  	_ =	shalt  }

</sc_bundles>
